<compile_context>
chip_gen: v7x
topology: tpu7x:2x2x1
jax: 0.10.2.dev20260603
libtpu: 0.0.44.dev20260713+nightly
codegen_flags: <defaults>
</compile_context>

<pallas_src>
import functools

import numpy as np

import jax
import jax.numpy as jnp
from jax import lax
from jax.experimental import pallas as pl
from jax.experimental.pallas import tpu as pltpu
from jax.experimental.pallas import tpu_sc as plsc

N_NODES = 10000
N_EDGES = 320000
IN_DIM = 128
HID = 64
OUT = 3
NLAYERS = 3
NGRAPHS = 128
BN_EPS = 1e-5

_NC = 2
_NS = 16
_NW = _NC * _NS
_CH = 128
_NCHUNKS = N_EDGES // _CH
_CHUNKS_PER_W = _NCHUNKS // _NW
_CHUNK_REM = _NCHUNKS - _CHUNKS_PER_W * _NW
_RPT = 624
_RTAIL = N_NODES - _RPT * _NS


_NBUF = 8


def _segsum_sc(h, ei3, zeros):
    mesh = plsc.VectorSubcoreMesh(core_axis_name="c", subcore_axis_name="s")

    @functools.partial(
        pl.kernel,
        mesh=mesh,
        compiler_params=pltpu.CompilerParams(use_tc_tiling_on_sc=False),
        out_type=jax.ShapeDtypeStruct((_NC, N_NODES, HID), jnp.float32),
        scratch_types=[
            pltpu.VMEM((_CHUNKS_PER_W + 1, _CH), jnp.int32),
            pltpu.VMEM((_CHUNKS_PER_W + 1, _CH), jnp.int32),
            pltpu.VMEM((_NBUF, _CH, HID), jnp.float32),
            pltpu.VMEM_SHARED((N_NODES, HID), jnp.float32),
            pltpu.SemaphoreType.DMA((_NBUF,)),
            pltpu.SemaphoreType.DMA((_NBUF,)),
        ],
    )
    def k(h_hbm, ei_hbm, z_hbm, out_hbm, src_v, dst_v, rows_v, acc_sh,
          gsem, ssem):
        c = lax.axis_index("c")
        s = lax.axis_index("s")
        wid = s * _NC + c
        pltpu.sync_copy(z_hbm, acc_sh.at[pl.ds(s * _RPT, _RPT)])

        @pl.when(s == 0)
        def _():
            pltpu.sync_copy(z_hbm.at[pl.ds(0, _RTAIL)],
                            acc_sh.at[pl.ds(_RPT * _NS, _RTAIL)])

        first = wid * _CHUNKS_PER_W + jnp.minimum(wid, _CHUNK_REM)

        pltpu.sync_copy(ei_hbm.at[0, pl.ds(first, _CHUNKS_PER_W)],
                        src_v.at[pl.ds(0, _CHUNKS_PER_W)])
        pltpu.sync_copy(ei_hbm.at[1, pl.ds(first, _CHUNKS_PER_W)],
                        dst_v.at[pl.ds(0, _CHUNKS_PER_W)])

        @pl.when(wid < _CHUNK_REM)
        def _():
            pltpu.sync_copy(ei_hbm.at[0, pl.ds(first + _CHUNKS_PER_W, 1)],
                            src_v.at[pl.ds(_CHUNKS_PER_W, 1)])
            pltpu.sync_copy(ei_hbm.at[1, pl.ds(first + _CHUNKS_PER_W, 1)],
                            dst_v.at[pl.ds(_CHUNKS_PER_W, 1)])

        plsc.subcore_barrier()

        for b in range(_NBUF):
            pltpu.async_copy(h_hbm.at[src_v.at[b]], rows_v.at[b],
                             gsem.at[b])

        n_outer = -(-_CHUNKS_PER_W // _NBUF)

        def body(j, carry):
            i0 = j * _NBUF
            for b in range(_NBUF):
                @pl.when(i0 + b < _CHUNKS_PER_W)
                def _(b=b):
                    pltpu.make_async_copy(h_hbm.at[src_v.at[i0 + b]],
                                          rows_v.at[b], gsem.at[b]).wait()
                    pltpu.async_copy(rows_v.at[b],
                                     acc_sh.at[dst_v.at[i0 + b]],
                                     ssem.at[b], add=True)

            for b in range(_NBUF):
                @pl.when(i0 + _NBUF + b < _CHUNKS_PER_W)
                def _(b=b):
                    pltpu.make_async_copy(rows_v.at[b],
                                          acc_sh.at[dst_v.at[0]],
                                          ssem.at[b]).wait()
                    pltpu.async_copy(h_hbm.at[src_v.at[i0 + _NBUF + b]],
                                     rows_v.at[b], gsem.at[b])

            return carry

        lax.fori_loop(0, n_outer, body, 0)
        for b in range(_NBUF):
            pltpu.make_async_copy(rows_v.at[b], acc_sh.at[dst_v.at[0]],
                                  ssem.at[b]).wait()

        @pl.when(wid < _CHUNK_REM)
        def _():
            i = _CHUNKS_PER_W
            pltpu.async_copy(h_hbm.at[src_v.at[i]], rows_v.at[0],
                             gsem.at[0]).wait()
            pltpu.sync_copy(rows_v.at[0], acc_sh.at[dst_v.at[i]], add=True)

        plsc.subcore_barrier()
        pltpu.sync_copy(acc_sh.at[pl.ds(s * _RPT, _RPT)],
                        out_hbm.at[c, pl.ds(s * _RPT, _RPT)])

        @pl.when(s == 0)
        def _():
            pltpu.sync_copy(acc_sh.at[pl.ds(_RPT * _NS, _RTAIL)],
                            out_hbm.at[c, pl.ds(_RPT * _NS, _RTAIL)])

    return k(h, ei3, zeros)


_NP = N_NODES // 2


def _blockdiag(w):
    i, o = w.shape
    z = jnp.zeros((i, o), jnp.float32)
    return jnp.concatenate(
        [jnp.concatenate([w, z], axis=1), jnp.concatenate([z, w], axis=1)],
        axis=0)


def _tile2(b):
    return jnp.concatenate([b, b]).reshape(1, -1)


def _tc_feat(x2, w2, b2):
    def body(x_ref, w_ref, b_ref, o_ref):
        o_ref[...] = jnp.maximum(
            jnp.dot(x_ref[...], w_ref[...], preferred_element_type=jnp.float32)
            + b_ref[...], 0.0)

    return pl.pallas_call(
        body,
        out_shape=jax.ShapeDtypeStruct((_NP, 2 * HID), jnp.float32),
    )(x2, w2, b2)


def _tc_mlp(h2, agg2, w1d, b1d, w2d, b2d, s3d, b3d, epsp):
    def body(h_ref, a_ref, w1_ref, b1_ref, w2_ref, b2_ref, s3_ref, b3_ref,
             e_ref, o_ref):
        z = h_ref[...] * e_ref[0, 0] + a_ref[0] + a_ref[1]
        z = jnp.maximum(
            jnp.dot(z, w1_ref[...], preferred_element_type=jnp.float32)
            + b1_ref[...], 0.0)
        z = jnp.maximum(
            jnp.dot(z, w2_ref[...], preferred_element_type=jnp.float32)
            + b2_ref[...], 0.0)
        o_ref[...] = jnp.maximum(z * s3_ref[...] + b3_ref[...], 0.0)

    return pl.pallas_call(
        body,
        out_shape=jax.ShapeDtypeStruct((_NP, 2 * HID), jnp.float32),
    )(h2, agg2, w1d, b1d, w2d, b2d, s3d, b3d, epsp)


def _tc_head(h2, batch2, a1wd, a1bd, a2wd, a2bd, a3wd, a3bd, tempp,
             c1w, c1b, c2w, c2b):
    hp = lax.Precision.HIGHEST

    def body(h_ref, b_ref, a1wd_ref, a1bd_ref, a2wd_ref, a2bd_ref,
             a3wd_ref, a3bd_ref, t_ref, c1w_ref, c1b_ref, c2w_ref, c2b_ref,
             lo_ref, sc_ref):
        h_ = h_ref[...]
        a = jnp.dot(h_, a1wd_ref[...], preferred_element_type=jnp.float32) \
            + a1bd_ref[...]
        a = jnp.where(a > 0, a, 0.2 * a)
        a = jnp.dot(a, a2wd_ref[...], preferred_element_type=jnp.float32) \
            + a2bd_ref[...]
        a = jnp.where(a > 0, a, 0.2 * a)
        lg = jnp.dot(a, a3wd_ref[...], preferred_element_type=jnp.float32) \
            + a3bd_ref[...]
        lg = jnp.clip(lg, -10.0, 10.0)
        s = jax.nn.sigmoid(lg * t_ref[0, 0])
        sc_ref[...] = s
        se = jnp.broadcast_to(s[:, 0:1], (_NP, HID))
        so = jnp.broadcast_to(s[:, 1:2], (_NP, HID))
        hs = h_ * jnp.concatenate([se, so], axis=1)
        iota = lax.broadcasted_iota(jnp.int32, (_NP, NGRAPHS), 1)
        oh_e = (b_ref[:, 0:1] == iota).astype(jnp.float32)
        oh_o = (b_ref[:, 1:2] == iota).astype(jnp.float32)
        ge = lax.dot_general(oh_e, hs[:, :HID], (((0,), (0,)), ((), ())),
                             preferred_element_type=jnp.float32, precision=hp)
        ge = ge + lax.dot_general(oh_o, hs[:, HID:], (((0,), (0,)), ((), ())),
                                  preferred_element_type=jnp.float32,
                                  precision=hp)
        c1 = jnp.maximum(
            jnp.dot(ge, c1w_ref[...], preferred_element_type=jnp.float32,
                    precision=hp) + c1b_ref[...], 0.0)
        lo_ref[...] = jnp.dot(c1, c2w_ref[...],
                              preferred_element_type=jnp.float32,
                              precision=hp) + c2b_ref[...]

    return pl.pallas_call(
        body,
        out_shape=(
            jax.ShapeDtypeStruct((NGRAPHS, OUT), jnp.float32),
            jax.ShapeDtypeStruct((_NP, 2), jnp.float32),
        ),
    )(h2, batch2, a1wd, a1bd, a2wd, a2bd, a3wd, a3bd, tempp,
      c1w, c1b, c2w, c2b)


def kernel(x, edge_index, batch, params):
    ei = edge_index.astype(jnp.int32).reshape(2, _NCHUNKS, _CH)
    bn_s = 1.0 / jnp.sqrt(1.0 + BN_EPS)

    x2 = x.reshape(_NP, 2 * IN_DIM)
    h2 = _tc_feat(x2, _blockdiag(params["feat"]["w"]),
                  _tile2(params["feat"]["b"]))

    zeros = jnp.zeros((_RPT, HID), jnp.float32)
    for c in params["convs"]:
        g1 = c["bn1g"] * bn_s
        w1 = c["lin1"]["w"] * g1[None, :]
        b1 = c["lin1"]["b"] * g1 + c["bn1b"]
        g2 = c["bn2g"] * bn_s
        w2 = c["lin2"]["w"] * g2[None, :]
        b2 = c["lin2"]["b"] * g2 + c["bn2b"]
        s3 = _tile2(c["bng"] * bn_s)
        b3 = _tile2(c["bnb"])
        epsp = (1.0 + c["eps"]).reshape(1, 1)

        agg = _segsum_sc(h2.reshape(N_NODES, HID), ei, zeros)
        h2 = _tc_mlp(h2, agg.reshape(_NC, _NP, 2 * HID),
                     _blockdiag(w1), _tile2(b1),
                     _blockdiag(w2), _tile2(b2), s3, b3, epsp)

    a3w = params["attn3"]["w"]
    logits, scores2 = _tc_head(
        h2,
        batch.reshape(_NP, 2),
        _blockdiag(params["attn1"]["w"]), _tile2(params["attn1"]["b"]),
        _blockdiag(params["attn2"]["w"]), _tile2(params["attn2"]["b"]),
        _blockdiag(a3w), _tile2(params["attn3"]["b"]),
        params["temp"].reshape(1, 1),
        params["cls1"]["w"], params["cls1"]["b"].reshape(1, HID // 2),
        params["cls2"]["w"], params["cls2"]["b"].reshape(1, OUT),
    )
    return logits, scores2.reshape(N_NODES, 1)

# --- scband reference (transcript-rebuilt; emitter-appended) ---
"""Pipeline reference for scband-ginwith-causal-attention-75514114998660 (READ-ONLY COPY).

The authoritative reference and input builder live on the scoring server;
editing this copy changes nothing except your own understanding.
"""

import jax, jax.numpy as jnp
import numpy as np

N_NODES = 10000
N_EDGES = 320000
IN_DIM = 128
HID = 64
OUT = 3
NLAYERS = 3
NGRAPHS = 128
BN_EPS = 1e-5
GIN_EPS = 0.0


def _lin(k, i, o):
    w = jax.random.normal(k, (i, o), jnp.float32) * (1.0 / np.sqrt(i))
    return {"w": w, "b": jnp.zeros((o,), jnp.float32)}


def _init_params(key):
    ks = jax.random.split(key, 16)
    p = {}
    p["feat"] = _lin(ks[0], IN_DIM, HID)
    convs = []
    ki = 1
    for _ in range(NLAYERS):
        c = {
            "lin1": _lin(ks[ki], HID, HID),
            "lin2": _lin(ks[ki + 1], HID, HID),
            "bn1g": jnp.ones((HID,), jnp.float32), "bn1b": jnp.zeros((HID,), jnp.float32),
            "bn2g": jnp.ones((HID,), jnp.float32), "bn2b": jnp.zeros((HID,), jnp.float32),
            "bng": jnp.ones((HID,), jnp.float32), "bnb": jnp.zeros((HID,), jnp.float32),
            "eps": jnp.array(GIN_EPS, jnp.float32),
        }
        ki += 2
        convs.append(c)
    p["convs"] = convs
    p["attn1"] = _lin(ks[ki], HID, HID // 2)
    p["attn2"] = _lin(ks[ki + 1], HID // 2, HID // 4)
    # final attention layer: zero weights, bias = 2.0 (per nn.init in reference)
    p["attn3"] = {"w": jnp.zeros((HID // 4, 1), jnp.float32), "b": jnp.full((1,), 2.0, jnp.float32)}
    p["temp"] = jnp.array(1.0, jnp.float32)
    p["cls1"] = _lin(ks[ki + 2], HID, HID // 2)
    p["cls2"] = _lin(ks[ki + 3], HID // 2, OUT)
    return p


def _bn_eval(h, g, b):
    # eval-mode BatchNorm1d with running_mean=0, running_var=1
    return (h - 0.0) / jnp.sqrt(1.0 + BN_EPS) * g + b


def _forward(x, params, edge_index, batch):
    h = x @ params["feat"]["w"] + params["feat"]["b"]
    h = jax.nn.relu(h)
    src = edge_index[0]
    dst = edge_index[1]
    for c in params["convs"]:
        agg = jax.ops.segment_sum(h[src], dst, num_segments=N_NODES)
        z = (1.0 + c["eps"]) * h + agg
        z = z @ c["lin1"]["w"] + c["lin1"]["b"]
        z = jax.nn.relu(_bn_eval(z, c["bn1g"], c["bn1b"]))
        z = z @ c["lin2"]["w"] + c["lin2"]["b"]
        z = jax.nn.relu(_bn_eval(z, c["bn2g"], c["bn2b"]))
        z = _bn_eval(z, c["bng"], c["bnb"])
        h = jax.nn.relu(z)
    a = jax.nn.leaky_relu(h @ params["attn1"]["w"] + params["attn1"]["b"], 0.2)
    a = jax.nn.leaky_relu(a @ params["attn2"]["w"] + params["attn2"]["b"], 0.2)
    attn_logits = jnp.clip(a @ params["attn3"]["w"] + params["attn3"]["b"], -10.0, 10.0)
    scores = jax.nn.sigmoid(attn_logits * params["temp"])
    graph_embed = jax.ops.segment_sum(h * scores, batch, num_segments=NGRAPHS)
    c1 = jax.nn.relu(graph_embed @ params["cls1"]["w"] + params["cls1"]["b"])
    logits = c1 @ params["cls2"]["w"] + params["cls2"]["b"]
    return logits, scores


def setup_inputs(seed: int = 0) -> dict:
    key = jax.random.key(seed)
    k1, k2, k3, k4 = jax.random.split(key, 4)
    x = jax.random.normal(k1, (N_NODES, IN_DIM), jnp.float32)
    edge_index = jax.random.randint(k2, (2, N_EDGES), 0, N_NODES, dtype=jnp.int64) if jax.config.jax_enable_x64 else jax.random.randint(k2, (2, N_EDGES), 0, N_NODES, dtype=jnp.int32)
    batch = jnp.sort(jax.random.randint(k3, (N_NODES,), 0, NGRAPHS, dtype=jnp.int32))
    params = _init_params(k4)
    return {"x": x, "edge_index": edge_index, "batch": batch, "params": params}


def reference(x, edge_index, batch, params):
    return _forward(x, params, edge_index, batch)

if __name__ == "__main__":
    import jax
    _d = setup_inputs()
    print(jax.jit(kernel)(*tuple(_d.values())))

</pallas_src>

<mosaic_0001>
#map = affine_map<(d0, d1) -> (0, 0)>
#map1 = affine_map<(d0, d1) -> (0, 0, 0)>
module attributes {stable_mosaic.version = 14 : i64} {
  func.func @k(%arg0: i32, %arg1: i32, %arg2: memref<10000x64xf32, #tpu.memory_space<hbm>>, %arg3: memref<2x2500x128xi32, #tpu.memory_space<hbm>>, %arg4: memref<624x64xf32, #tpu.memory_space<hbm>>, %arg5: memref<2x10000x64xf32, #tpu.memory_space<hbm>>, %arg6: memref<79x128xi32, #tpu.memory_space<vmem>>, %arg7: memref<79x128xi32, #tpu.memory_space<vmem>>, %arg8: memref<8x128x64xf32, #tpu.memory_space<vmem>>, %arg9: memref<10000x64xf32, #tpu.memory_space<vmem_shared>>, %arg10: memref<8x!tpu.dma_semaphore, #tpu.memory_space<semaphore_mem>>, %arg11: memref<8x!tpu.dma_semaphore, #tpu.memory_space<semaphore_mem>>) attributes {dimension_semantics = [#tpu.dimension_semantics<core_parallel>, #tpu.dimension_semantics<subcore_parallel>], iteration_bounds = array<i64: 2, 16>, scalar_prefetch = 0 : i64, scratch_operands = 6 : i64, tpu.core_type = #tpu.core_type<sc_vector_subcore>, window_params = [{transform_indices = #map}, {transform_indices = #map1}, {transform_indices = #map}, {transform_indices = #map1}]} {
    %mul3A = arith.constant 2 : i32
    %mul3A_0 = arith.muli %arg1, %mul3A : i32
    %add3A = arith.addi %mul3A_0, %arg0 : i32
    %mul3A_1 = arith.constant 624 : i32
    %mul3A_2 = arith.muli %arg1, %mul3A_1 : i32
    "tpu.region"() ({
      %run_scoped3A_272 = tpu.sem_alloc : memref<!tpu.dma_semaphore, #tpu.memory_space<semaphore_mem>>
      %dma_start3A_273 = arith.constant 0 : i32
      %dma_start3A_274 = tpu.memref_slice %arg9[%mul3A_2, %dma_start3A_273] : memref<10000x64xf32, #tpu.memory_space<vmem_shared>> -> memref<624x64xf32, #tpu.memory_space<vmem_shared>>
      tpu.enqueue_dma source(%arg4 : memref<624x64xf32, #tpu.memory_space<hbm>>) target(%dma_start3A_274 : memref<624x64xf32, #tpu.memory_space<vmem_shared>>) target_semaphore(%run_scoped3A_272 : memref<!tpu.dma_semaphore, #tpu.memory_space<semaphore_mem>>)
      %dma_wait3A_275 = arith.constant 0 : i32
      %dma_wait3A_276 = tpu.memref_slice %arg9[%mul3A_2, %dma_wait3A_275] : memref<10000x64xf32, #tpu.memory_space<vmem_shared>> -> memref<624x64xf32, #tpu.memory_space<vmem_shared>>
      tpu.wait_dma2 semaphore(%run_scoped3A_272 : memref<!tpu.dma_semaphore, #tpu.memory_space<semaphore_mem>>) src(%arg4 : memref<624x64xf32, #tpu.memory_space<hbm>>) dst(%dma_wait3A_276 : memref<624x64xf32, #tpu.memory_space<vmem_shared>>)
      tpu.yield
    }) : () -> ()
    %eq3A = arith.constant 0 : i32
    %eq3A_3 = arith.cmpi eq, %arg1, %eq3A : i32
    %convert_element_type3A = arith.extui %eq3A_3 : i1 to i32
    %cond3A = arith.constant 0 : i32
    %cond3A_4 = arith.cmpi ne, %convert_element_type3A, %cond3A : i32
    scf.if %cond3A_4 {
      "tpu.region"() ({
        %run_scoped3A_272 = tpu.sem_alloc : memref<!tpu.dma_semaphore, #tpu.memory_space<semaphore_mem>>
        %dma_start3A_273 = arith.constant 9984 : i32
        %dma_start3A_274 = arith.constant 0 : i32
        %dma_start3A_275 = tpu.memref_slice %arg9[%dma_start3A_273, %dma_start3A_274] : memref<10000x64xf32, #tpu.memory_space<vmem_shared>> -> memref<16x64xf32, #tpu.memory_space<vmem_shared>>
        %dma_start3A_276 = arith.constant 0 : i32
        %dma_start3A_277 = arith.constant 0 : i32
        %dma_start3A_278 = tpu.memref_slice %arg4[%dma_start3A_276, %dma_start3A_277] : memref<624x64xf32, #tpu.memory_space<hbm>> -> memref<16x64xf32, #tpu.memory_space<hbm>>
        tpu.enqueue_dma source(%dma_start3A_278 : memref<16x64xf32, #tpu.memory_space<hbm>>) target(%dma_start3A_275 : memref<16x64xf32, #tpu.memory_space<vmem_shared>>) target_semaphore(%run_scoped3A_272 : memref<!tpu.dma_semaphore, #tpu.memory_space<semaphore_mem>>)
        %dma_wait3A_279 = arith.constant 9984 : i32
        %dma_wait3A_280 = arith.constant 0 : i32
        %dma_wait3A_281 = tpu.memref_slice %arg9[%dma_wait3A_279, %dma_wait3A_280] : memref<10000x64xf32, #tpu.memory_space<vmem_shared>> -> memref<16x64xf32, #tpu.memory_space<vmem_shared>>
        %dma_wait3A_282 = arith.constant 0 : i32
        %dma_wait3A_283 = arith.constant 0 : i32
        %dma_wait3A_284 = tpu.memref_slice %arg4[%dma_wait3A_282, %dma_wait3A_283] : memref<624x64xf32, #tpu.memory_space<hbm>> -> memref<16x64xf32, #tpu.memory_space<hbm>>
        tpu.wait_dma2 semaphore(%run_scoped3A_272 : memref<!tpu.dma_semaphore, #tpu.memory_space<semaphore_mem>>) src(%dma_wait3A_284 : memref<16x64xf32, #tpu.memory_space<hbm>>) dst(%dma_wait3A_281 : memref<16x64xf32, #tpu.memory_space<vmem_shared>>)
        tpu.yield
      }) : () -> ()
    } else {
    }
    %mul3A_5 = arith.constant 78 : i32
    %mul3A_6 = arith.muli %add3A, %mul3A_5 : i32
    %min3A = arith.constant 4 : i32
    %min3A_7 = arith.minsi %add3A, %min3A : i32
    %add3A_8 = arith.addi %mul3A_6, %min3A_7 : i32
    %run_scoped3A = arith.constant 0 : i32
    "tpu.region"() ({
      %run_scoped3A_272 = tpu.sem_alloc : memref<!tpu.dma_semaphore, #tpu.memory_space<semaphore_mem>>
      %dma_start3A_273 = arith.constant 0 : i32
      %dma_start3A_274 = arith.constant 0 : i32
      %dma_start3A_275 = tpu.memref_slice %arg6[%dma_start3A_273, %dma_start3A_274] : memref<79x128xi32, #tpu.memory_space<vmem>> -> memref<78x128xi32, #tpu.memory_space<vmem>>
      %dma_start3A_276 = arith.constant 0 : i32
      %dma_start3A_277 = tpu.memref_slice %arg3[%run_scoped3A, %add3A_8, %dma_start3A_276] : memref<2x2500x128xi32, #tpu.memory_space<hbm>> -> memref<1x78x128xi32, #tpu.memory_space<hbm>>
      %dma_start3A_278 = tpu.memref_squeeze %dma_start3A_277 : memref<1x78x128xi32, #tpu.memory_space<hbm>> -> memref<78x128xi32, #tpu.memory_space<hbm>>
      %dma_start3A_279 = arith.constant 0 : i32
      %dma_start3A_280 = arith.constant 0 : i32
      %dma_start3A_281 = tpu.memref_slice %arg6[%dma_start3A_279, %dma_start3A_280] : memref<79x128xi32, #tpu.memory_space<vmem>> -> memref<78x128xi32, #tpu.memory_space<vmem>>
      %dma_start3A_282 = arith.constant 0 : i32
      %dma_start3A_283 = tpu.memref_slice %arg3[%run_scoped3A, %add3A_8, %dma_start3A_282] : memref<2x2500x128xi32, #tpu.memory_space<hbm>> -> memref<1x78x128xi32, #tpu.memory_space<hbm>>
      %dma_start3A_284 = tpu.memref_squeeze %dma_start3A_283 : memref<1x78x128xi32, #tpu.memory_space<hbm>> -> memref<78x128xi32, #tpu.memory_space<hbm>>
      tpu.enqueue_dma source(%dma_start3A_284 : memref<78x128xi32, #tpu.memory_space<hbm>>) target(%dma_start3A_281 : memref<78x128xi32, #tpu.memory_space<vmem>>) target_semaphore(%run_scoped3A_272 : memref<!tpu.dma_semaphore, #tpu.memory_space<semaphore_mem>>)
      %dma_wait3A_285 = arith.constant 0 : i32
      %dma_wait3A_286 = arith.constant 0 : i32
      %dma_wait3A_287 = tpu.memref_slice %arg6[%dma_wait3A_285, %dma_wait3A_286] : memref<79x128xi32, #tpu.memory_space<vmem>> -> memref<78x128xi32, #tpu.memory_space<vmem>>
      %dma_wait3A_288 = arith.constant 0 : i32
      %dma_wait3A_289 = tpu.memref_slice %arg3[%run_scoped3A, %add3A_8, %dma_wait3A_288] : memref<2x2500x128xi32, #tpu.memory_space<hbm>> -> memref<1x78x128xi32, #tpu.memory_space<hbm>>
      %dma_wait3A_290 = tpu.memref_squeeze %dma_wait3A_289 : memref<1x78x128xi32, #tpu.memory_space<hbm>> -> memref<78x128xi32, #tpu.memory_space<hbm>>
      %dma_wait3A_291 = arith.constant 0 : i32
      %dma_wait3A_292 = arith.constant 0 : i32
      %dma_wait3A_293 = tpu.memref_slice %arg6[%dma_wait3A_291, %dma_wait3A_292] : memref<79x128xi32, #tpu.memory_space<vmem>> -> memref<78x128xi32, #tpu.memory_space<vmem>>
      %dma_wait3A_294 = arith.constant 0 : i32
      %dma_wait3A_295 = tpu.memref_slice %arg3[%run_scoped3A, %add3A_8, %dma_wait3A_294] : memref<2x2500x128xi32, #tpu.memory_space<hbm>> -> memref<1x78x128xi32, #tpu.memory_space<hbm>>
      %dma_wait3A_296 = tpu.memref_squeeze %dma_wait3A_295 : memref<1x78x128xi32, #tpu.memory_space<hbm>> -> memref<78x128xi32, #tpu.memory_space<hbm>>
      tpu.wait_dma2 semaphore(%run_scoped3A_272 : memref<!tpu.dma_semaphore, #tpu.memory_space<semaphore_mem>>) src(%dma_wait3A_296 : memref<78x128xi32, #tpu.memory_space<hbm>>) dst(%dma_wait3A_293 : memref<78x128xi32, #tpu.memory_space<vmem>>)
      tpu.yield
    }) : () -> ()
    %run_scoped3A_9 = arith.constant 1 : i32
    "tpu.region"() ({
      %run_scoped3A_272 = tpu.sem_alloc : memref<!tpu.dma_semaphore, #tpu.memory_space<semaphore_mem>>
      %dma_start3A_273 = arith.constant 0 : i32
      %dma_start3A_274 = arith.constant 0 : i32
      %dma_start3A_275 = tpu.memref_slice %arg7[%dma_start3A_273, %dma_start3A_274] : memref<79x128xi32, #tpu.memory_space<vmem>> -> memref<78x128xi32, #tpu.memory_space<vmem>>
      %dma_start3A_276 = arith.constant 0 : i32
      %dma_start3A_277 = tpu.memref_slice %arg3[%run_scoped3A_9, %add3A_8, %dma_start3A_276] : memref<2x2500x128xi32, #tpu.memory_space<hbm>> -> memref<1x78x128xi32, #tpu.memory_space<hbm>>
      %dma_start3A_278 = tpu.memref_squeeze %dma_start3A_277 : memref<1x78x128xi32, #tpu.memory_space<hbm>> -> memref<78x128xi32, #tpu.memory_space<hbm>>
      %dma_start3A_279 = arith.constant 0 : i32
      %dma_start3A_280 = arith.constant 0 : i32
      %dma_start3A_281 = tpu.memref_slice %arg7[%dma_start3A_279, %dma_start3A_280] : memref<79x128xi32, #tpu.memory_space<vmem>> -> memref<78x128xi32, #tpu.memory_space<vmem>>
      %dma_start3A_282 = arith.constant 0 : i32
      %dma_start3A_283 = tpu.memref_slice %arg3[%run_scoped3A_9, %add3A_8, %dma_start3A_282] : memref<2x2500x128xi32, #tpu.memory_space<hbm>> -> memref<1x78x128xi32, #tpu.memory_space<hbm>>
      %dma_start3A_284 = tpu.memref_squeeze %dma_start3A_283 : memref<1x78x128xi32, #tpu.memory_space<hbm>> -> memref<78x128xi32, #tpu.memory_space<hbm>>
      tpu.enqueue_dma source(%dma_start3A_284 : memref<78x128xi32, #tpu.memory_space<hbm>>) target(%dma_start3A_281 : memref<78x128xi32, #tpu.memory_space<vmem>>) target_semaphore(%run_scoped3A_272 : memref<!tpu.dma_semaphore, #tpu.memory_space<semaphore_mem>>)
      %dma_wait3A_285 = arith.constant 0 : i32
      %dma_wait3A_286 = arith.constant 0 : i32
      %dma_wait3A_287 = tpu.memref_slice %arg7[%dma_wait3A_285, %dma_wait3A_286] : memref<79x128xi32, #tpu.memory_space<vmem>> -> memref<78x128xi32, #tpu.memory_space<vmem>>
      %dma_wait3A_288 = arith.constant 0 : i32
      %dma_wait3A_289 = tpu.memref_slice %arg3[%run_scoped3A_9, %add3A_8, %dma_wait3A_288] : memref<2x2500x128xi32, #tpu.memory_space<hbm>> -> memref<1x78x128xi32, #tpu.memory_space<hbm>>
      %dma_wait3A_290 = tpu.memref_squeeze %dma_wait3A_289 : memref<1x78x128xi32, #tpu.memory_space<hbm>> -> memref<78x128xi32, #tpu.memory_space<hbm>>
      %dma_wait3A_291 = arith.constant 0 : i32
      %dma_wait3A_292 = arith.constant 0 : i32
      %dma_wait3A_293 = tpu.memref_slice %arg7[%dma_wait3A_291, %dma_wait3A_292] : memref<79x128xi32, #tpu.memory_space<vmem>> -> memref<78x128xi32, #tpu.memory_space<vmem>>
      %dma_wait3A_294 = arith.constant 0 : i32
      %dma_wait3A_295 = tpu.memref_slice %arg3[%run_scoped3A_9, %add3A_8, %dma_wait3A_294] : memref<2x2500x128xi32, #tpu.memory_space<hbm>> -> memref<1x78x128xi32, #tpu.memory_space<hbm>>
      %dma_wait3A_296 = tpu.memref_squeeze %dma_wait3A_295 : memref<1x78x128xi32, #tpu.memory_space<hbm>> -> memref<78x128xi32, #tpu.memory_space<hbm>>
      tpu.wait_dma2 semaphore(%run_scoped3A_272 : memref<!tpu.dma_semaphore, #tpu.memory_space<semaphore_mem>>) src(%dma_wait3A_296 : memref<78x128xi32, #tpu.memory_space<hbm>>) dst(%dma_wait3A_293 : memref<78x128xi32, #tpu.memory_space<vmem>>)
      tpu.yield
    }) : () -> ()
    %lt3A = arith.constant 4 : i32
    %lt3A_10 = arith.cmpi slt, %add3A, %lt3A : i32
    %convert_element_type3A_11 = arith.extui %lt3A_10 : i1 to i32
    %cond3A_12 = arith.constant 0 : i32
    %cond3A_13 = arith.cmpi ne, %convert_element_type3A_11, %cond3A_12 : i32
    scf.if %cond3A_13 {
      %add3A_272 = arith.constant 78 : i32
      %add3A_273 = arith.addi %add3A_8, %add3A_272 : i32
      %run_scoped3A_274 = arith.constant 0 : i32
      "tpu.region"() ({
        %run_scoped3A_278 = tpu.sem_alloc : memref<!tpu.dma_semaphore, #tpu.memory_space<semaphore_mem>>
        %dma_start3A_279 = arith.constant 78 : i32
        %dma_start3A_280 = arith.constant 0 : i32
        %dma_start3A_281 = tpu.memref_slice %arg6[%dma_start3A_279, %dma_start3A_280] : memref<79x128xi32, #tpu.memory_space<vmem>> -> memref<1x128xi32, #tpu.memory_space<vmem>>
        %dma_start3A_282 = arith.constant 0 : i32
        %dma_start3A_283 = tpu.memref_slice %arg3[%run_scoped3A_274, %add3A_273, %dma_start3A_282] : memref<2x2500x128xi32, #tpu.memory_space<hbm>> -> memref<1x1x128xi32, #tpu.memory_space<hbm>>
        %dma_start3A_284 = tpu.memref_squeeze %dma_start3A_283 : memref<1x1x128xi32, #tpu.memory_space<hbm>> -> memref<1x128xi32, #tpu.memory_space<hbm>>
        %dma_start3A_285 = arith.constant 78 : i32
        %dma_start3A_286 = arith.constant 0 : i32
        %dma_start3A_287 = tpu.memref_slice %arg6[%dma_start3A_285, %dma_start3A_286] : memref<79x128xi32, #tpu.memory_space<vmem>> -> memref<1x128xi32, #tpu.memory_space<vmem>>
        %dma_start3A_288 = arith.constant 0 : i32
        %dma_start3A_289 = tpu.memref_slice %arg3[%run_scoped3A_274, %add3A_273, %dma_start3A_288] : memref<2x2500x128xi32, #tpu.memory_space<hbm>> -> memref<1x1x128xi32, #tpu.memory_space<hbm>>
        %dma_start3A_290 = tpu.memref_squeeze %dma_start3A_289 : memref<1x1x128xi32, #tpu.memory_space<hbm>> -> memref<1x128xi32, #tpu.memory_space<hbm>>
        tpu.enqueue_dma source(%dma_start3A_290 : memref<1x128xi32, #tpu.memory_space<hbm>>) target(%dma_start3A_287 : memref<1x128xi32, #tpu.memory_space<vmem>>) target_semaphore(%run_scoped3A_278 : memref<!tpu.dma_semaphore, #tpu.memory_space<semaphore_mem>>)
        %dma_wait3A_291 = arith.constant 78 : i32
        %dma_wait3A_292 = arith.constant 0 : i32
        %dma_wait3A_293 = tpu.memref_slice %arg6[%dma_wait3A_291, %dma_wait3A_292] : memref<79x128xi32, #tpu.memory_space<vmem>> -> memref<1x128xi32, #tpu.memory_space<vmem>>
        %dma_wait3A_294 = arith.constant 0 : i32
        %dma_wait3A_295 = tpu.memref_slice %arg3[%run_scoped3A_274, %add3A_273, %dma_wait3A_294] : memref<2x2500x128xi32, #tpu.memory_space<hbm>> -> memref<1x1x128xi32, #tpu.memory_space<hbm>>
        %dma_wait3A_296 = tpu.memref_squeeze %dma_wait3A_295 : memref<1x1x128xi32, #tpu.memory_space<hbm>> -> memref<1x128xi32, #tpu.memory_space<hbm>>
        %dma_wait3A_297 = arith.constant 78 : i32
        %dma_wait3A_298 = arith.constant 0 : i32
        %dma_wait3A_299 = tpu.memref_slice %arg6[%dma_wait3A_297, %dma_wait3A_298] : memref<79x128xi32, #tpu.memory_space<vmem>> -> memref<1x128xi32, #tpu.memory_space<vmem>>
        %dma_wait3A_300 = arith.constant 0 : i32
        %dma_wait3A_301 = tpu.memref_slice %arg3[%run_scoped3A_274, %add3A_273, %dma_wait3A_300] : memref<2x2500x128xi32, #tpu.memory_space<hbm>> -> memref<1x1x128xi32, #tpu.memory_space<hbm>>
        %dma_wait3A_302 = tpu.memref_squeeze %dma_wait3A_301 : memref<1x1x128xi32, #tpu.memory_space<hbm>> -> memref<1x128xi32, #tpu.memory_space<hbm>>
        tpu.wait_dma2 semaphore(%run_scoped3A_278 : memref<!tpu.dma_semaphore, #tpu.memory_space<semaphore_mem>>) src(%dma_wait3A_302 : memref<1x128xi32, #tpu.memory_space<hbm>>) dst(%dma_wait3A_299 : memref<1x128xi32, #tpu.memory_space<vmem>>)
        tpu.yield
      }) : () -> ()
      %add3A_275 = arith.constant 78 : i32
      %add3A_276 = arith.addi %add3A_8, %add3A_275 : i32
      %run_scoped3A_277 = arith.constant 1 : i32
      "tpu.region"() ({
        %run_scoped3A_278 = tpu.sem_alloc : memref<!tpu.dma_semaphore, #tpu.memory_space<semaphore_mem>>
        %dma_start3A_279 = arith.constant 78 : i32
        %dma_start3A_280 = arith.constant 0 : i32
        %dma_start3A_281 = tpu.memref_slice %arg7[%dma_start3A_279, %dma_start3A_280] : memref<79x128xi32, #tpu.memory_space<vmem>> -> memref<1x128xi32, #tpu.memory_space<vmem>>
        %dma_start3A_282 = arith.constant 0 : i32
        %dma_start3A_283 = tpu.memref_slice %arg3[%run_scoped3A_277, %add3A_276, %dma_start3A_282] : memref<2x2500x128xi32, #tpu.memory_space<hbm>> -> memref<1x1x128xi32, #tpu.memory_space<hbm>>
        %dma_start3A_284 = tpu.memref_squeeze %dma_start3A_283 : memref<1x1x128xi32, #tpu.memory_space<hbm>> -> memref<1x128xi32, #tpu.memory_space<hbm>>
        %dma_start3A_285 = arith.constant 78 : i32
        %dma_start3A_286 = arith.constant 0 : i32
        %dma_start3A_287 = tpu.memref_slice %arg7[%dma_start3A_285, %dma_start3A_286] : memref<79x128xi32, #tpu.memory_space<vmem>> -> memref<1x128xi32, #tpu.memory_space<vmem>>
        %dma_start3A_288 = arith.constant 0 : i32
        %dma_start3A_289 = tpu.memref_slice %arg3[%run_scoped3A_277, %add3A_276, %dma_start3A_288] : memref<2x2500x128xi32, #tpu.memory_space<hbm>> -> memref<1x1x128xi32, #tpu.memory_space<hbm>>
        %dma_start3A_290 = tpu.memref_squeeze %dma_start3A_289 : memref<1x1x128xi32, #tpu.memory_space<hbm>> -> memref<1x128xi32, #tpu.memory_space<hbm>>
        tpu.enqueue_dma source(%dma_start3A_290 : memref<1x128xi32, #tpu.memory_space<hbm>>) target(%dma_start3A_287 : memref<1x128xi32, #tpu.memory_space<vmem>>) target_semaphore(%run_scoped3A_278 : memref<!tpu.dma_semaphore, #tpu.memory_space<semaphore_mem>>)
        %dma_wait3A_291 = arith.constant 78 : i32
        %dma_wait3A_292 = arith.constant 0 : i32
        %dma_wait3A_293 = tpu.memref_slice %arg7[%dma_wait3A_291, %dma_wait3A_292] : memref<79x128xi32, #tpu.memory_space<vmem>> -> memref<1x128xi32, #tpu.memory_space<vmem>>
        %dma_wait3A_294 = arith.constant 0 : i32
        %dma_wait3A_295 = tpu.memref_slice %arg3[%run_scoped3A_277, %add3A_276, %dma_wait3A_294] : memref<2x2500x128xi32, #tpu.memory_space<hbm>> -> memref<1x1x128xi32, #tpu.memory_space<hbm>>
        %dma_wait3A_296 = tpu.memref_squeeze %dma_wait3A_295 : memref<1x1x128xi32, #tpu.memory_space<hbm>> -> memref<1x128xi32, #tpu.memory_space<hbm>>
        %dma_wait3A_297 = arith.constant 78 : i32
        %dma_wait3A_298 = arith.constant 0 : i32
        %dma_wait3A_299 = tpu.memref_slice %arg7[%dma_wait3A_297, %dma_wait3A_298] : memref<79x128xi32, #tpu.memory_space<vmem>> -> memref<1x128xi32, #tpu.memory_space<vmem>>
        %dma_wait3A_300 = arith.constant 0 : i32
        %dma_wait3A_301 = tpu.memref_slice %arg3[%run_scoped3A_277, %add3A_276, %dma_wait3A_300] : memref<2x2500x128xi32, #tpu.memory_space<hbm>> -> memref<1x1x128xi32, #tpu.memory_space<hbm>>
        %dma_wait3A_302 = tpu.memref_squeeze %dma_wait3A_301 : memref<1x1x128xi32, #tpu.memory_space<hbm>> -> memref<1x128xi32, #tpu.memory_space<hbm>>
        tpu.wait_dma2 semaphore(%run_scoped3A_278 : memref<!tpu.dma_semaphore, #tpu.memory_space<semaphore_mem>>) src(%dma_wait3A_302 : memref<1x128xi32, #tpu.memory_space<hbm>>) dst(%dma_wait3A_299 : memref<1x128xi32, #tpu.memory_space<vmem>>)
        tpu.yield
      }) : () -> ()
    } else {
    }
    %barrier3A = arith.constant 0 : index
    tpu.barrier barrier_id(%barrier3A)
    %dma_start3A = arith.constant 0 : i32
    %dma_start3A_14 = arith.constant 0 : i32
    %dma_start3A_15 = arith.constant 0 : i32
    %dma_start3A_16 = arith.constant 0 : i32
    %dma_start3A_17 = arith.constant 0 : i32
    %dma_start3A_18 = tpu.memref_slice %arg8[%dma_start3A_14, %dma_start3A_16, %dma_start3A_17] : memref<8x128x64xf32, #tpu.memory_space<vmem>> -> memref<1x128x64xf32, #tpu.memory_space<vmem>>
    %dma_start3A_19 = tpu.memref_squeeze %dma_start3A_18 : memref<1x128x64xf32, #tpu.memory_space<vmem>> -> memref<128x64xf32, #tpu.memory_space<vmem>>
    %dma_start3A_20 = arith.constant 0 : i32
    %dma_start3A_21 = tpu.memref_slice %arg6[%dma_start3A, %dma_start3A_20] : memref<79x128xi32, #tpu.memory_space<vmem>> -> memref<1x128xi32, #tpu.memory_space<vmem>>
    %dma_start3A_22 = tpu.memref_squeeze %dma_start3A_21 : memref<1x128xi32, #tpu.memory_space<vmem>> -> memref<128xi32, #tpu.memory_space<vmem>>
    %dma_start3A_23 = arith.constant 0 : i32
    %dma_start3A_24 = arith.constant 0 : i32
    %dma_start3A_25 = tpu.memref_slice %arg2[%dma_start3A_23, %dma_start3A_24] : memref<10000x64xf32, #tpu.memory_space<hbm>> -> memref<10000x64xf32, #tpu.memory_space<hbm>>
    %dma_start3A_26 = tpu.memref_slice %arg10[%dma_start3A_15] : memref<8x!tpu.dma_semaphore, #tpu.memory_space<semaphore_mem>> -> memref<1x!tpu.dma_semaphore, #tpu.memory_space<semaphore_mem>>
    %dma_start3A_27 = tpu.memref_squeeze %dma_start3A_26 : memref<1x!tpu.dma_semaphore, #tpu.memory_space<semaphore_mem>> -> memref<!tpu.dma_semaphore, #tpu.memory_space<semaphore_mem>>
    tpu.enqueue_indirect_dma source(%dma_start3A_25 : memref<10000x64xf32, #tpu.memory_space<hbm>>) target(%dma_start3A_19 : memref<128x64xf32, #tpu.memory_space<vmem>>) offsets(%dma_start3A_22 : memref<128xi32, #tpu.memory_space<vmem>>) semaphore(%dma_start3A_27 : memref<!tpu.dma_semaphore, #tpu.memory_space<semaphore_mem>>)
    %dma_start3A_28 = arith.constant 1 : i32
    %dma_start3A_29 = arith.constant 1 : i32
    %dma_start3A_30 = arith.constant 1 : i32
    %dma_start3A_31 = arith.constant 0 : i32
    %dma_start3A_32 = arith.constant 0 : i32
    %dma_start3A_33 = tpu.memref_slice %arg8[%dma_start3A_29, %dma_start3A_31, %dma_start3A_32] : memref<8x128x64xf32, #tpu.memory_space<vmem>> -> memref<1x128x64xf32, #tpu.memory_space<vmem>>
    %dma_start3A_34 = tpu.memref_squeeze %dma_start3A_33 : memref<1x128x64xf32, #tpu.memory_space<vmem>> -> memref<128x64xf32, #tpu.memory_space<vmem>>
    %dma_start3A_35 = arith.constant 0 : i32
    %dma_start3A_36 = tpu.memref_slice %arg6[%dma_start3A_28, %dma_start3A_35] : memref<79x128xi32, #tpu.memory_space<vmem>> -> memref<1x128xi32, #tpu.memory_space<vmem>>
    %dma_start3A_37 = tpu.memref_squeeze %dma_start3A_36 : memref<1x128xi32, #tpu.memory_space<vmem>> -> memref<128xi32, #tpu.memory_space<vmem>>
    %dma_start3A_38 = arith.constant 0 : i32
    %dma_start3A_39 = arith.constant 0 : i32
    %dma_start3A_40 = tpu.memref_slice %arg2[%dma_start3A_38, %dma_start3A_39] : memref<10000x64xf32, #tpu.memory_space<hbm>> -> memref<10000x64xf32, #tpu.memory_space<hbm>>
    %dma_start3A_41 = tpu.memref_slice %arg10[%dma_start3A_30] : memref<8x!tpu.dma_semaphore, #tpu.memory_space<semaphore_mem>> -> memref<1x!tpu.dma_semaphore, #tpu.memory_space<semaphore_mem>>
    %dma_start3A_42 = tpu.memref_squeeze %dma_start3A_41 : memref<1x!tpu.dma_semaphore, #tpu.memory_space<semaphore_mem>> -> memref<!tpu.dma_semaphore, #tpu.memory_space<semaphore_mem>>
    tpu.enqueue_indirect_dma source(%dma_start3A_40 : memref<10000x64xf32, #tpu.memory_space<hbm>>) target(%dma_start3A_34 : memref<128x64xf32, #tpu.memory_space<vmem>>) offsets(%dma_start3A_37 : memref<128xi32, #tpu.memory_space<vmem>>) semaphore(%dma_start3A_42 : memref<!tpu.dma_semaphore, #tpu.memory_space<semaphore_mem>>)
    %dma_start3A_43 = arith.constant 2 : i32
    %dma_start3A_44 = arith.constant 2 : i32
    %dma_start3A_45 = arith.constant 2 : i32
    %dma_start3A_46 = arith.constant 0 : i32
    %dma_start3A_47 = arith.constant 0 : i32
    %dma_start3A_48 = tpu.memref_slice %arg8[%dma_start3A_44, %dma_start3A_46, %dma_start3A_47] : memref<8x128x64xf32, #tpu.memory_space<vmem>> -> memref<1x128x64xf32, #tpu.memory_space<vmem>>
    %dma_start3A_49 = tpu.memref_squeeze %dma_start3A_48 : memref<1x128x64xf32, #tpu.memory_space<vmem>> -> memref<128x64xf32, #tpu.memory_space<vmem>>
    %dma_start3A_50 = arith.constant 0 : i32
    %dma_start3A_51 = tpu.memref_slice %arg6[%dma_start3A_43, %dma_start3A_50] : memref<79x128xi32, #tpu.memory_space<vmem>> -> memref<1x128xi32, #tpu.memory_space<vmem>>
    %dma_start3A_52 = tpu.memref_squeeze %dma_start3A_51 : memref<1x128xi32, #tpu.memory_space<vmem>> -> memref<128xi32, #tpu.memory_space<vmem>>
    %dma_start3A_53 = arith.constant 0 : i32
    %dma_start3A_54 = arith.constant 0 : i32
    %dma_start3A_55 = tpu.memref_slice %arg2[%dma_start3A_53, %dma_start3A_54] : memref<10000x64xf32, #tpu.memory_space<hbm>> -> memref<10000x64xf32, #tpu.memory_space<hbm>>
    %dma_start3A_56 = tpu.memref_slice %arg10[%dma_start3A_45] : memref<8x!tpu.dma_semaphore, #tpu.memory_space<semaphore_mem>> -> memref<1x!tpu.dma_semaphore, #tpu.memory_space<semaphore_mem>>
    %dma_start3A_57 = tpu.memref_squeeze %dma_start3A_56 : memref<1x!tpu.dma_semaphore, #tpu.memory_space<semaphore_mem>> -> memref<!tpu.dma_semaphore, #tpu.memory_space<semaphore_mem>>
    tpu.enqueue_indirect_dma source(%dma_start3A_55 : memref<10000x64xf32, #tpu.memory_space<hbm>>) target(%dma_start3A_49 : memref<128x64xf32, #tpu.memory_space<vmem>>) offsets(%dma_start3A_52 : memref<128xi32, #tpu.memory_space<vmem>>) semaphore(%dma_start3A_57 : memref<!tpu.dma_semaphore, #tpu.memory_space<semaphore_mem>>)
    %dma_start3A_58 = arith.constant 3 : i32
    %dma_start3A_59 = arith.constant 3 : i32
    %dma_start3A_60 = arith.constant 3 : i32
    %dma_start3A_61 = arith.constant 0 : i32
    %dma_start3A_62 = arith.constant 0 : i32
    %dma_start3A_63 = tpu.memref_slice %arg8[%dma_start3A_59, %dma_start3A_61, %dma_start3A_62] : memref<8x128x64xf32, #tpu.memory_space<vmem>> -> memref<1x128x64xf32, #tpu.memory_space<vmem>>
    %dma_start3A_64 = tpu.memref_squeeze %dma_start3A_63 : memref<1x128x64xf32, #tpu.memory_space<vmem>> -> memref<128x64xf32, #tpu.memory_space<vmem>>
    %dma_start3A_65 = arith.constant 0 : i32
    %dma_start3A_66 = tpu.memref_slice %arg6[%dma_start3A_58, %dma_start3A_65] : memref<79x128xi32, #tpu.memory_space<vmem>> -> memref<1x128xi32, #tpu.memory_space<vmem>>
    %dma_start3A_67 = tpu.memref_squeeze %dma_start3A_66 : memref<1x128xi32, #tpu.memory_space<vmem>> -> memref<128xi32, #tpu.memory_space<vmem>>
    %dma_start3A_68 = arith.constant 0 : i32
    %dma_start3A_69 = arith.constant 0 : i32
    %dma_start3A_70 = tpu.memref_slice %arg2[%dma_start3A_68, %dma_start3A_69] : memref<10000x64xf32, #tpu.memory_space<hbm>> -> memref<10000x64xf32, #tpu.memory_space<hbm>>
    %dma_start3A_71 = tpu.memref_slice %arg10[%dma_start3A_60] : memref<8x!tpu.dma_semaphore, #tpu.memory_space<semaphore_mem>> -> memref<1x!tpu.dma_semaphore, #tpu.memory_space<semaphore_mem>>
    %dma_start3A_72 = tpu.memref_squeeze %dma_start3A_71 : memref<1x!tpu.dma_semaphore, #tpu.memory_space<semaphore_mem>> -> memref<!tpu.dma_semaphore, #tpu.memory_space<semaphore_mem>>
    tpu.enqueue_indirect_dma source(%dma_start3A_70 : memref<10000x64xf32, #tpu.memory_space<hbm>>) target(%dma_start3A_64 : memref<128x64xf32, #tpu.memory_space<vmem>>) offsets(%dma_start3A_67 : memref<128xi32, #tpu.memory_space<vmem>>) semaphore(%dma_start3A_72 : memref<!tpu.dma_semaphore, #tpu.memory_space<semaphore_mem>>)
    %dma_start3A_73 = arith.constant 4 : i32
    %dma_start3A_74 = arith.constant 4 : i32
    %dma_start3A_75 = arith.constant 4 : i32
    %dma_start3A_76 = arith.constant 0 : i32
    %dma_start3A_77 = arith.constant 0 : i32
    %dma_start3A_78 = tpu.memref_slice %arg8[%dma_start3A_74, %dma_start3A_76, %dma_start3A_77] : memref<8x128x64xf32, #tpu.memory_space<vmem>> -> memref<1x128x64xf32, #tpu.memory_space<vmem>>
    %dma_start3A_79 = tpu.memref_squeeze %dma_start3A_78 : memref<1x128x64xf32, #tpu.memory_space<vmem>> -> memref<128x64xf32, #tpu.memory_space<vmem>>
    %dma_start3A_80 = arith.constant 0 : i32
    %dma_start3A_81 = tpu.memref_slice %arg6[%dma_start3A_73, %dma_start3A_80] : memref<79x128xi32, #tpu.memory_space<vmem>> -> memref<1x128xi32, #tpu.memory_space<vmem>>
    %dma_start3A_82 = tpu.memref_squeeze %dma_start3A_81 : memref<1x128xi32, #tpu.memory_space<vmem>> -> memref<128xi32, #tpu.memory_space<vmem>>
    %dma_start3A_83 = arith.constant 0 : i32
    %dma_start3A_84 = arith.constant 0 : i32
    %dma_start3A_85 = tpu.memref_slice %arg2[%dma_start3A_83, %dma_start3A_84] : memref<10000x64xf32, #tpu.memory_space<hbm>> -> memref<10000x64xf32, #tpu.memory_space<hbm>>
    %dma_start3A_86 = tpu.memref_slice %arg10[%dma_start3A_75] : memref<8x!tpu.dma_semaphore, #tpu.memory_space<semaphore_mem>> -> memref<1x!tpu.dma_semaphore, #tpu.memory_space<semaphore_mem>>
    %dma_start3A_87 = tpu.memref_squeeze %dma_start3A_86 : memref<1x!tpu.dma_semaphore, #tpu.memory_space<semaphore_mem>> -> memref<!tpu.dma_semaphore, #tpu.memory_space<semaphore_mem>>
    tpu.enqueue_indirect_dma source(%dma_start3A_85 : memref<10000x64xf32, #tpu.memory_space<hbm>>) target(%dma_start3A_79 : memref<128x64xf32, #tpu.memory_space<vmem>>) offsets(%dma_start3A_82 : memref<128xi32, #tpu.memory_space<vmem>>) semaphore(%dma_start3A_87 : memref<!tpu.dma_semaphore, #tpu.memory_space<semaphore_mem>>)
    %dma_start3A_88 = arith.constant 5 : i32
    %dma_start3A_89 = arith.constant 5 : i32
    %dma_start3A_90 = arith.constant 5 : i32
    %dma_start3A_91 = arith.constant 0 : i32
    %dma_start3A_92 = arith.constant 0 : i32
    %dma_start3A_93 = tpu.memref_slice %arg8[%dma_start3A_89, %dma_start3A_91, %dma_start3A_92] : memref<8x128x64xf32, #tpu.memory_space<vmem>> -> memref<1x128x64xf32, #tpu.memory_space<vmem>>
    %dma_start3A_94 = tpu.memref_squeeze %dma_start3A_93 : memref<1x128x64xf32, #tpu.memory_space<vmem>> -> memref<128x64xf32, #tpu.memory_space<vmem>>
    %dma_start3A_95 = arith.constant 0 : i32
    %dma_start3A_96 = tpu.memref_slice %arg6[%dma_start3A_88, %dma_start3A_95] : memref<79x128xi32, #tpu.memory_space<vmem>> -> memref<1x128xi32, #tpu.memory_space<vmem>>
    %dma_start3A_97 = tpu.memref_squeeze %dma_start3A_96 : memref<1x128xi32, #tpu.memory_space<vmem>> -> memref<128xi32, #tpu.memory_space<vmem>>
    %dma_start3A_98 = arith.constant 0 : i32
    %dma_start3A_99 = arith.constant 0 : i32
    %dma_start3A_100 = tpu.memref_slice %arg2[%dma_start3A_98, %dma_start3A_99] : memref<10000x64xf32, #tpu.memory_space<hbm>> -> memref<10000x64xf32, #tpu.memory_space<hbm>>
    %dma_start3A_101 = tpu.memref_slice %arg10[%dma_start3A_90] : memref<8x!tpu.dma_semaphore, #tpu.memory_space<semaphore_mem>> -> memref<1x!tpu.dma_semaphore, #tpu.memory_space<semaphore_mem>>
    %dma_start3A_102 = tpu.memref_squeeze %dma_start3A_101 : memref<1x!tpu.dma_semaphore, #tpu.memory_space<semaphore_mem>> -> memref<!tpu.dma_semaphore, #tpu.memory_space<semaphore_mem>>
    tpu.enqueue_indirect_dma source(%dma_start3A_100 : memref<10000x64xf32, #tpu.memory_space<hbm>>) target(%dma_start3A_94 : memref<128x64xf32, #tpu.memory_space<vmem>>) offsets(%dma_start3A_97 : memref<128xi32, #tpu.memory_space<vmem>>) semaphore(%dma_start3A_102 : memref<!tpu.dma_semaphore, #tpu.memory_space<semaphore_mem>>)
    %dma_start3A_103 = arith.constant 6 : i32
    %dma_start3A_104 = arith.constant 6 : i32
    %dma_start3A_105 = arith.constant 6 : i32
    %dma_start3A_106 = arith.constant 0 : i32
    %dma_start3A_107 = arith.constant 0 : i32
    %dma_start3A_108 = tpu.memref_slice %arg8[%dma_start3A_104, %dma_start3A_106, %dma_start3A_107] : memref<8x128x64xf32, #tpu.memory_space<vmem>> -> memref<1x128x64xf32, #tpu.memory_space<vmem>>
    %dma_start3A_109 = tpu.memref_squeeze %dma_start3A_108 : memref<1x128x64xf32, #tpu.memory_space<vmem>> -> memref<128x64xf32, #tpu.memory_space<vmem>>
    %dma_start3A_110 = arith.constant 0 : i32
    %dma_start3A_111 = tpu.memref_slice %arg6[%dma_start3A_103, %dma_start3A_110] : memref<79x128xi32, #tpu.memory_space<vmem>> -> memref<1x128xi32, #tpu.memory_space<vmem>>
    %dma_start3A_112 = tpu.memref_squeeze %dma_start3A_111 : memref<1x128xi32, #tpu.memory_space<vmem>> -> memref<128xi32, #tpu.memory_space<vmem>>
    %dma_start3A_113 = arith.constant 0 : i32
    %dma_start3A_114 = arith.constant 0 : i32
    %dma_start3A_115 = tpu.memref_slice %arg2[%dma_start3A_113, %dma_start3A_114] : memref<10000x64xf32, #tpu.memory_space<hbm>> -> memref<10000x64xf32, #tpu.memory_space<hbm>>
    %dma_start3A_116 = tpu.memref_slice %arg10[%dma_start3A_105] : memref<8x!tpu.dma_semaphore, #tpu.memory_space<semaphore_mem>> -> memref<1x!tpu.dma_semaphore, #tpu.memory_space<semaphore_mem>>
    %dma_start3A_117 = tpu.memref_squeeze %dma_start3A_116 : memref<1x!tpu.dma_semaphore, #tpu.memory_space<semaphore_mem>> -> memref<!tpu.dma_semaphore, #tpu.memory_space<semaphore_mem>>
    tpu.enqueue_indirect_dma source(%dma_start3A_115 : memref<10000x64xf32, #tpu.memory_space<hbm>>) target(%dma_start3A_109 : memref<128x64xf32, #tpu.memory_space<vmem>>) offsets(%dma_start3A_112 : memref<128xi32, #tpu.memory_space<vmem>>) semaphore(%dma_start3A_117 : memref<!tpu.dma_semaphore, #tpu.memory_space<semaphore_mem>>)
    %dma_start3A_118 = arith.constant 7 : i32
    %dma_start3A_119 = arith.constant 7 : i32
    %dma_start3A_120 = arith.constant 7 : i32
    %dma_start3A_121 = arith.constant 0 : i32
    %dma_start3A_122 = arith.constant 0 : i32
    %dma_start3A_123 = tpu.memref_slice %arg8[%dma_start3A_119, %dma_start3A_121, %dma_start3A_122] : memref<8x128x64xf32, #tpu.memory_space<vmem>> -> memref<1x128x64xf32, #tpu.memory_space<vmem>>
    %dma_start3A_124 = tpu.memref_squeeze %dma_start3A_123 : memref<1x128x64xf32, #tpu.memory_space<vmem>> -> memref<128x64xf32, #tpu.memory_space<vmem>>
    %dma_start3A_125 = arith.constant 0 : i32
    %dma_start3A_126 = tpu.memref_slice %arg6[%dma_start3A_118, %dma_start3A_125] : memref<79x128xi32, #tpu.memory_space<vmem>> -> memref<1x128xi32, #tpu.memory_space<vmem>>
    %dma_start3A_127 = tpu.memref_squeeze %dma_start3A_126 : memref<1x128xi32, #tpu.memory_space<vmem>> -> memref<128xi32, #tpu.memory_space<vmem>>
    %dma_start3A_128 = arith.constant 0 : i32
    %dma_start3A_129 = arith.constant 0 : i32
    %dma_start3A_130 = tpu.memref_slice %arg2[%dma_start3A_128, %dma_start3A_129] : memref<10000x64xf32, #tpu.memory_space<hbm>> -> memref<10000x64xf32, #tpu.memory_space<hbm>>
    %dma_start3A_131 = tpu.memref_slice %arg10[%dma_start3A_120] : memref<8x!tpu.dma_semaphore, #tpu.memory_space<semaphore_mem>> -> memref<1x!tpu.dma_semaphore, #tpu.memory_space<semaphore_mem>>
    %dma_start3A_132 = tpu.memref_squeeze %dma_start3A_131 : memref<1x!tpu.dma_semaphore, #tpu.memory_space<semaphore_mem>> -> memref<!tpu.dma_semaphore, #tpu.memory_space<semaphore_mem>>
    tpu.enqueue_indirect_dma source(%dma_start3A_130 : memref<10000x64xf32, #tpu.memory_space<hbm>>) target(%dma_start3A_124 : memref<128x64xf32, #tpu.memory_space<vmem>>) offsets(%dma_start3A_127 : memref<128xi32, #tpu.memory_space<vmem>>) semaphore(%dma_start3A_132 : memref<!tpu.dma_semaphore, #tpu.memory_space<semaphore_mem>>)
    %scan3A = arith.constant 0 : i32
    %scan3A_133 = arith.constant 0 : i32
    %scan3A_134 = arith.constant 10 : i32
    %scan3A_135 = arith.addi %scan3A_133, %scan3A_134 : i32
    %scan3A_136 = arith.constant 1 : i32
    scf.for %scan3A_272 = %scan3A_133 to %scan3A_135 step %scan3A_136  : i32 {
      %mul3A_273 = arith.constant 8 : i32
      %mul3A_274 = arith.muli %scan3A_272, %mul3A_273 : i32
      %add3A_275 = arith.constant 0 : i32
      %add3A_276 = arith.addi %mul3A_274, %add3A_275 : i32
      %lt3A_277 = arith.constant 78 : i32
      %lt3A_278 = arith.cmpi slt, %add3A_276, %lt3A_277 : i32
      %convert_element_type3A_279 = arith.extui %lt3A_278 : i1 to i32
      %cond3A_280 = arith.constant 0 : i32
      %cond3A_281 = arith.cmpi ne, %convert_element_type3A_279, %cond3A_280 : i32
      scf.if %cond3A_281 {
        %add3A_403 = arith.constant 0 : i32
        %add3A_404 = arith.addi %mul3A_274, %add3A_403 : i32
        %dma_wait3A_405 = arith.constant 0 : i32
        %dma_wait3A_406 = arith.constant 0 : i32
        %dma_wait3A_407 = arith.constant 0 : i32
        %dma_wait3A_408 = arith.constant 0 : i32
        %dma_wait3A_409 = tpu.memref_slice %arg8[%dma_wait3A_405, %dma_wait3A_407, %dma_wait3A_408] : memref<8x128x64xf32, #tpu.memory_space<vmem>> -> memref<1x128x64xf32, #tpu.memory_space<vmem>>
        %dma_wait3A_410 = tpu.memref_squeeze %dma_wait3A_409 : memref<1x128x64xf32, #tpu.memory_space<vmem>> -> memref<128x64xf32, #tpu.memory_space<vmem>>
        %dma_wait3A_411 = arith.constant 0 : i32
        %dma_wait3A_412 = tpu.memref_slice %arg6[%add3A_404, %dma_wait3A_411] : memref<79x128xi32, #tpu.memory_space<vmem>> -> memref<1x128xi32, #tpu.memory_space<vmem>>
        %dma_wait3A_413 = tpu.memref_squeeze %dma_wait3A_412 : memref<1x128xi32, #tpu.memory_space<vmem>> -> memref<128xi32, #tpu.memory_space<vmem>>
        %dma_wait3A_414 = arith.constant 0 : i32
        %dma_wait3A_415 = arith.constant 0 : i32
        %dma_wait3A_416 = tpu.memref_slice %arg2[%dma_wait3A_414, %dma_wait3A_415] : memref<10000x64xf32, #tpu.memory_space<hbm>> -> memref<10000x64xf32, #tpu.memory_space<hbm>>
        %dma_wait3A_417 = tpu.memref_slice %arg10[%dma_wait3A_406] : memref<8x!tpu.dma_semaphore, #tpu.memory_space<semaphore_mem>> -> memref<1x!tpu.dma_semaphore, #tpu.memory_space<semaphore_mem>>
        %dma_wait3A_418 = tpu.memref_squeeze %dma_wait3A_417 : memref<1x!tpu.dma_semaphore, #tpu.memory_space<semaphore_mem>> -> memref<!tpu.dma_semaphore, #tpu.memory_space<semaphore_mem>>
        tpu.wait_indirect_dma semaphore(%dma_wait3A_418 : memref<!tpu.dma_semaphore, #tpu.memory_space<semaphore_mem>>) src(%dma_wait3A_416 : memref<10000x64xf32, #tpu.memory_space<hbm>>) dst(%dma_wait3A_410 : memref<128x64xf32, #tpu.memory_space<vmem>>)
        %add3A_419 = arith.constant 0 : i32
        %add3A_420 = arith.addi %mul3A_274, %add3A_419 : i32
        %dma_start3A_421 = arith.constant 0 : i32
        %dma_start3A_422 = arith.constant 0 : i32
        %dma_start3A_423 = arith.constant 0 : i32
        %dma_start3A_424 = arith.constant 0 : i32
        %dma_start3A_425 = tpu.memref_slice %arg8[%dma_start3A_421, %dma_start3A_423, %dma_start3A_424] : memref<8x128x64xf32, #tpu.memory_space<vmem>> -> memref<1x128x64xf32, #tpu.memory_space<vmem>>
        %dma_start3A_426 = tpu.memref_squeeze %dma_start3A_425 : memref<1x128x64xf32, #tpu.memory_space<vmem>> -> memref<128x64xf32, #tpu.memory_space<vmem>>
        %dma_start3A_427 = arith.constant 0 : i32
        %dma_start3A_428 = tpu.memref_slice %arg7[%add3A_420, %dma_start3A_427] : memref<79x128xi32, #tpu.memory_space<vmem>> -> memref<1x128xi32, #tpu.memory_space<vmem>>
        %dma_start3A_429 = tpu.memref_squeeze %dma_start3A_428 : memref<1x128xi32, #tpu.memory_space<vmem>> -> memref<128xi32, #tpu.memory_space<vmem>>
        %dma_start3A_430 = arith.constant 0 : i32
        %dma_start3A_431 = arith.constant 0 : i32
        %dma_start3A_432 = tpu.memref_slice %arg9[%dma_start3A_430, %dma_start3A_431] : memref<10000x64xf32, #tpu.memory_space<vmem_shared>> -> memref<10000x64xf32, #tpu.memory_space<vmem_shared>>
        %dma_start3A_433 = tpu.memref_slice %arg11[%dma_start3A_422] : memref<8x!tpu.dma_semaphore, #tpu.memory_space<semaphore_mem>> -> memref<1x!tpu.dma_semaphore, #tpu.memory_space<semaphore_mem>>
        %dma_start3A_434 = tpu.memref_squeeze %dma_start3A_433 : memref<1x!tpu.dma_semaphore, #tpu.memory_space<semaphore_mem>> -> memref<!tpu.dma_semaphore, #tpu.memory_space<semaphore_mem>>
        tpu.enqueue_indirect_dma source(%dma_start3A_426 : memref<128x64xf32, #tpu.memory_space<vmem>>) target(%dma_start3A_432 : memref<10000x64xf32, #tpu.memory_space<vmem_shared>>) offsets(%dma_start3A_429 : memref<128xi32, #tpu.memory_space<vmem>>) semaphore(%dma_start3A_434 : memref<!tpu.dma_semaphore, #tpu.memory_space<semaphore_mem>>) {add = true}
      } else {
      }
      %add3A_282 = arith.constant 1 : i32
      %add3A_283 = arith.addi %mul3A_274, %add3A_282 : i32
      %lt3A_284 = arith.constant 78 : i32
      %lt3A_285 = arith.cmpi slt, %add3A_283, %lt3A_284 : i32
      %convert_element_type3A_286 = arith.extui %lt3A_285 : i1 to i32
      %cond3A_287 = arith.constant 0 : i32
      %cond3A_288 = arith.cmpi ne, %convert_element_type3A_286, %cond3A_287 : i32
      scf.if %cond3A_288 {
        %add3A_403 = arith.constant 1 : i32
        %add3A_404 = arith.addi %mul3A_274, %add3A_403 : i32
        %dma_wait3A_405 = arith.constant 1 : i32
        %dma_wait3A_406 = arith.constant 1 : i32
        %dma_wait3A_407 = arith.constant 0 : i32
        %dma_wait3A_408 = arith.constant 0 : i32
        %dma_wait3A_409 = tpu.memref_slice %arg8[%dma_wait3A_405, %dma_wait3A_407, %dma_wait3A_408] : memref<8x128x64xf32, #tpu.memory_space<vmem>> -> memref<1x128x64xf32, #tpu.memory_space<vmem>>
        %dma_wait3A_410 = tpu.memref_squeeze %dma_wait3A_409 : memref<1x128x64xf32, #tpu.memory_space<vmem>> -> memref<128x64xf32, #tpu.memory_space<vmem>>
        %dma_wait3A_411 = arith.constant 0 : i32
        %dma_wait3A_412 = tpu.memref_slice %arg6[%add3A_404, %dma_wait3A_411] : memref<79x128xi32, #tpu.memory_space<vmem>> -> memref<1x128xi32, #tpu.memory_space<vmem>>
        %dma_wait3A_413 = tpu.memref_squeeze %dma_wait3A_412 : memref<1x128xi32, #tpu.memory_space<vmem>> -> memref<128xi32, #tpu.memory_space<vmem>>
        %dma_wait3A_414 = arith.constant 0 : i32
        %dma_wait3A_415 = arith.constant 0 : i32
        %dma_wait3A_416 = tpu.memref_slice %arg2[%dma_wait3A_414, %dma_wait3A_415] : memref<10000x64xf32, #tpu.memory_space<hbm>> -> memref<10000x64xf32, #tpu.memory_space<hbm>>
        %dma_wait3A_417 = tpu.memref_slice %arg10[%dma_wait3A_406] : memref<8x!tpu.dma_semaphore, #tpu.memory_space<semaphore_mem>> -> memref<1x!tpu.dma_semaphore, #tpu.memory_space<semaphore_mem>>
        %dma_wait3A_418 = tpu.memref_squeeze %dma_wait3A_417 : memref<1x!tpu.dma_semaphore, #tpu.memory_space<semaphore_mem>> -> memref<!tpu.dma_semaphore, #tpu.memory_space<semaphore_mem>>
        tpu.wait_indirect_dma semaphore(%dma_wait3A_418 : memref<!tpu.dma_semaphore, #tpu.memory_space<semaphore_mem>>) src(%dma_wait3A_416 : memref<10000x64xf32, #tpu.memory_space<hbm>>) dst(%dma_wait3A_410 : memref<128x64xf32, #tpu.memory_space<vmem>>)
        %add3A_419 = arith.constant 1 : i32
        %add3A_420 = arith.addi %mul3A_274, %add3A_419 : i32
        %dma_start3A_421 = arith.constant 1 : i32
        %dma_start3A_422 = arith.constant 1 : i32
        %dma_start3A_423 = arith.constant 0 : i32
        %dma_start3A_424 = arith.constant 0 : i32
        %dma_start3A_425 = tpu.memref_slice %arg8[%dma_start3A_421, %dma_start3A_423, %dma_start3A_424] : memref<8x128x64xf32, #tpu.memory_space<vmem>> -> memref<1x128x64xf32, #tpu.memory_space<vmem>>
        %dma_start3A_426 = tpu.memref_squeeze %dma_start3A_425 : memref<1x128x64xf32, #tpu.memory_space<vmem>> -> memref<128x64xf32, #tpu.memory_space<vmem>>
        %dma_start3A_427 = arith.constant 0 : i32
        %dma_start3A_428 = tpu.memref_slice %arg7[%add3A_420, %dma_start3A_427] : memref<79x128xi32, #tpu.memory_space<vmem>> -> memref<1x128xi32, #tpu.memory_space<vmem>>
        %dma_start3A_429 = tpu.memref_squeeze %dma_start3A_428 : memref<1x128xi32, #tpu.memory_space<vmem>> -> memref<128xi32, #tpu.memory_space<vmem>>
        %dma_start3A_430 = arith.constant 0 : i32
        %dma_start3A_431 = arith.constant 0 : i32
        %dma_start3A_432 = tpu.memref_slice %arg9[%dma_start3A_430, %dma_start3A_431] : memref<10000x64xf32, #tpu.memory_space<vmem_shared>> -> memref<10000x64xf32, #tpu.memory_space<vmem_shared>>
        %dma_start3A_433 = tpu.memref_slice %arg11[%dma_start3A_422] : memref<8x!tpu.dma_semaphore, #tpu.memory_space<semaphore_mem>> -> memref<1x!tpu.dma_semaphore, #tpu.memory_space<semaphore_mem>>
        %dma_start3A_434 = tpu.memref_squeeze %dma_start3A_433 : memref<1x!tpu.dma_semaphore, #tpu.memory_space<semaphore_mem>> -> memref<!tpu.dma_semaphore, #tpu.memory_space<semaphore_mem>>
        tpu.enqueue_indirect_dma source(%dma_start3A_426 : memref<128x64xf32, #tpu.memory_space<vmem>>) target(%dma_start3A_432 : memref<10000x64xf32, #tpu.memory_space<vmem_shared>>) offsets(%dma_start3A_429 : memref<128xi32, #tpu.memory_space<vmem>>) semaphore(%dma_start3A_434 : memref<!tpu.dma_semaphore, #tpu.memory_space<semaphore_mem>>) {add = true}
      } else {
      }
      %add3A_289 = arith.constant 2 : i32
      %add3A_290 = arith.addi %mul3A_274, %add3A_289 : i32
      %lt3A_291 = arith.constant 78 : i32
      %lt3A_292 = arith.cmpi slt, %add3A_290, %lt3A_291 : i32
      %convert_element_type3A_293 = arith.extui %lt3A_292 : i1 to i32
      %cond3A_294 = arith.constant 0 : i32
      %cond3A_295 = arith.cmpi ne, %convert_element_type3A_293, %cond3A_294 : i32
      scf.if %cond3A_295 {
        %add3A_403 = arith.constant 2 : i32
        %add3A_404 = arith.addi %mul3A_274, %add3A_403 : i32
        %dma_wait3A_405 = arith.constant 2 : i32
        %dma_wait3A_406 = arith.constant 2 : i32
        %dma_wait3A_407 = arith.constant 0 : i32
        %dma_wait3A_408 = arith.constant 0 : i32
        %dma_wait3A_409 = tpu.memref_slice %arg8[%dma_wait3A_405, %dma_wait3A_407, %dma_wait3A_408] : memref<8x128x64xf32, #tpu.memory_space<vmem>> -> memref<1x128x64xf32, #tpu.memory_space<vmem>>
        %dma_wait3A_410 = tpu.memref_squeeze %dma_wait3A_409 : memref<1x128x64xf32, #tpu.memory_space<vmem>> -> memref<128x64xf32, #tpu.memory_space<vmem>>
        %dma_wait3A_411 = arith.constant 0 : i32
        %dma_wait3A_412 = tpu.memref_slice %arg6[%add3A_404, %dma_wait3A_411] : memref<79x128xi32, #tpu.memory_space<vmem>> -> memref<1x128xi32, #tpu.memory_space<vmem>>
        %dma_wait3A_413 = tpu.memref_squeeze %dma_wait3A_412 : memref<1x128xi32, #tpu.memory_space<vmem>> -> memref<128xi32, #tpu.memory_space<vmem>>
        %dma_wait3A_414 = arith.constant 0 : i32
        %dma_wait3A_415 = arith.constant 0 : i32
        %dma_wait3A_416 = tpu.memref_slice %arg2[%dma_wait3A_414, %dma_wait3A_415] : memref<10000x64xf32, #tpu.memory_space<hbm>> -> memref<10000x64xf32, #tpu.memory_space<hbm>>
        %dma_wait3A_417 = tpu.memref_slice %arg10[%dma_wait3A_406] : memref<8x!tpu.dma_semaphore, #tpu.memory_space<semaphore_mem>> -> memref<1x!tpu.dma_semaphore, #tpu.memory_space<semaphore_mem>>
        %dma_wait3A_418 = tpu.memref_squeeze %dma_wait3A_417 : memref<1x!tpu.dma_semaphore, #tpu.memory_space<semaphore_mem>> -> memref<!tpu.dma_semaphore, #tpu.memory_space<semaphore_mem>>
        tpu.wait_indirect_dma semaphore(%dma_wait3A_418 : memref<!tpu.dma_semaphore, #tpu.memory_space<semaphore_mem>>) src(%dma_wait3A_416 : memref<10000x64xf32, #tpu.memory_space<hbm>>) dst(%dma_wait3A_410 : memref<128x64xf32, #tpu.memory_space<vmem>>)
        %add3A_419 = arith.constant 2 : i32
        %add3A_420 = arith.addi %mul3A_274, %add3A_419 : i32
        %dma_start3A_421 = arith.constant 2 : i32
        %dma_start3A_422 = arith.constant 2 : i32
        %dma_start3A_423 = arith.constant 0 : i32
        %dma_start3A_424 = arith.constant 0 : i32
        %dma_start3A_425 = tpu.memref_slice %arg8[%dma_start3A_421, %dma_start3A_423, %dma_start3A_424] : memref<8x128x64xf32, #tpu.memory_space<vmem>> -> memref<1x128x64xf32, #tpu.memory_space<vmem>>
        %dma_start3A_426 = tpu.memref_squeeze %dma_start3A_425 : memref<1x128x64xf32, #tpu.memory_space<vmem>> -> memref<128x64xf32, #tpu.memory_space<vmem>>
        %dma_start3A_427 = arith.constant 0 : i32
        %dma_start3A_428 = tpu.memref_slice %arg7[%add3A_420, %dma_start3A_427] : memref<79x128xi32, #tpu.memory_space<vmem>> -> memref<1x128xi32, #tpu.memory_space<vmem>>
        %dma_start3A_429 = tpu.memref_squeeze %dma_start3A_428 : memref<1x128xi32, #tpu.memory_space<vmem>> -> memref<128xi32, #tpu.memory_space<vmem>>
        %dma_start3A_430 = arith.constant 0 : i32
        %dma_start3A_431 = arith.constant 0 : i32
        %dma_start3A_432 = tpu.memref_slice %arg9[%dma_start3A_430, %dma_start3A_431] : memref<10000x64xf32, #tpu.memory_space<vmem_shared>> -> memref<10000x64xf32, #tpu.memory_space<vmem_shared>>
        %dma_start3A_433 = tpu.memref_slice %arg11[%dma_start3A_422] : memref<8x!tpu.dma_semaphore, #tpu.memory_space<semaphore_mem>> -> memref<1x!tpu.dma_semaphore, #tpu.memory_space<semaphore_mem>>
        %dma_start3A_434 = tpu.memref_squeeze %dma_start3A_433 : memref<1x!tpu.dma_semaphore, #tpu.memory_space<semaphore_mem>> -> memref<!tpu.dma_semaphore, #tpu.memory_space<semaphore_mem>>
        tpu.enqueue_indirect_dma source(%dma_start3A_426 : memref<128x64xf32, #tpu.memory_space<vmem>>) target(%dma_start3A_432 : memref<10000x64xf32, #tpu.memory_space<vmem_shared>>) offsets(%dma_start3A_429 : memref<128xi32, #tpu.memory_space<vmem>>) semaphore(%dma_start3A_434 : memref<!tpu.dma_semaphore, #tpu.memory_space<semaphore_mem>>) {add = true}
      } else {
      }
      %add3A_296 = arith.constant 3 : i32
      %add3A_297 = arith.addi %mul3A_274, %add3A_296 : i32
      %lt3A_298 = arith.constant 78 : i32
      %lt3A_299 = arith.cmpi slt, %add3A_297, %lt3A_298 : i32
      %convert_element_type3A_300 = arith.extui %lt3A_299 : i1 to i32
      %cond3A_301 = arith.constant 0 : i32
      %cond3A_302 = arith.cmpi ne, %convert_element_type3A_300, %cond3A_301 : i32
      scf.if %cond3A_302 {
        %add3A_403 = arith.constant 3 : i32
        %add3A_404 = arith.addi %mul3A_274, %add3A_403 : i32
        %dma_wait3A_405 = arith.constant 3 : i32
        %dma_wait3A_406 = arith.constant 3 : i32
        %dma_wait3A_407 = arith.constant 0 : i32
        %dma_wait3A_408 = arith.constant 0 : i32
        %dma_wait3A_409 = tpu.memref_slice %arg8[%dma_wait3A_405, %dma_wait3A_407, %dma_wait3A_408] : memref<8x128x64xf32, #tpu.memory_space<vmem>> -> memref<1x128x64xf32, #tpu.memory_space<vmem>>
        %dma_wait3A_410 = tpu.memref_squeeze %dma_wait3A_409 : memref<1x128x64xf32, #tpu.memory_space<vmem>> -> memref<128x64xf32, #tpu.memory_space<vmem>>
        %dma_wait3A_411 = arith.constant 0 : i32
        %dma_wait3A_412 = tpu.memref_slice %arg6[%add3A_404, %dma_wait3A_411] : memref<79x128xi32, #tpu.memory_space<vmem>> -> memref<1x128xi32, #tpu.memory_space<vmem>>
        %dma_wait3A_413 = tpu.memref_squeeze %dma_wait3A_412 : memref<1x128xi32, #tpu.memory_space<vmem>> -> memref<128xi32, #tpu.memory_space<vmem>>
        %dma_wait3A_414 = arith.constant 0 : i32
        %dma_wait3A_415 = arith.constant 0 : i32
        %dma_wait3A_416 = tpu.memref_slice %arg2[%dma_wait3A_414, %dma_wait3A_415] : memref<10000x64xf32, #tpu.memory_space<hbm>> -> memref<10000x64xf32, #tpu.memory_space<hbm>>
        %dma_wait3A_417 = tpu.memref_slice %arg10[%dma_wait3A_406] : memref<8x!tpu.dma_semaphore, #tpu.memory_space<semaphore_mem>> -> memref<1x!tpu.dma_semaphore, #tpu.memory_space<semaphore_mem>>
        %dma_wait3A_418 = tpu.memref_squeeze %dma_wait3A_417 : memref<1x!tpu.dma_semaphore, #tpu.memory_space<semaphore_mem>> -> memref<!tpu.dma_semaphore, #tpu.memory_space<semaphore_mem>>
        tpu.wait_indirect_dma semaphore(%dma_wait3A_418 : memref<!tpu.dma_semaphore, #tpu.memory_space<semaphore_mem>>) src(%dma_wait3A_416 : memref<10000x64xf32, #tpu.memory_space<hbm>>) dst(%dma_wait3A_410 : memref<128x64xf32, #tpu.memory_space<vmem>>)
        %add3A_419 = arith.constant 3 : i32
        %add3A_420 = arith.addi %mul3A_274, %add3A_419 : i32
        %dma_start3A_421 = arith.constant 3 : i32
        %dma_start3A_422 = arith.constant 3 : i32
        %dma_start3A_423 = arith.constant 0 : i32
        %dma_start3A_424 = arith.constant 0 : i32
        %dma_start3A_425 = tpu.memref_slice %arg8[%dma_start3A_421, %dma_start3A_423, %dma_start3A_424] : memref<8x128x64xf32, #tpu.memory_space<vmem>> -> memref<1x128x64xf32, #tpu.memory_space<vmem>>
        %dma_start3A_426 = tpu.memref_squeeze %dma_start3A_425 : memref<1x128x64xf32, #tpu.memory_space<vmem>> -> memref<128x64xf32, #tpu.memory_space<vmem>>
        %dma_start3A_427 = arith.constant 0 : i32
        %dma_start3A_428 = tpu.memref_slice %arg7[%add3A_420, %dma_start3A_427] : memref<79x128xi32, #tpu.memory_space<vmem>> -> memref<1x128xi32, #tpu.memory_space<vmem>>
        %dma_start3A_429 = tpu.memref_squeeze %dma_start3A_428 : memref<1x128xi32, #tpu.memory_space<vmem>> -> memref<128xi32, #tpu.memory_space<vmem>>
        %dma_start3A_430 = arith.constant 0 : i32
        %dma_start3A_431 = arith.constant 0 : i32
        %dma_start3A_432 = tpu.memref_slice %arg9[%dma_start3A_430, %dma_start3A_431] : memref<10000x64xf32, #tpu.memory_space<vmem_shared>> -> memref<10000x64xf32, #tpu.memory_space<vmem_shared>>
        %dma_start3A_433 = tpu.memref_slice %arg11[%dma_start3A_422] : memref<8x!tpu.dma_semaphore, #tpu.memory_space<semaphore_mem>> -> memref<1x!tpu.dma_semaphore, #tpu.memory_space<semaphore_mem>>
        %dma_start3A_434 = tpu.memref_squeeze %dma_start3A_433 : memref<1x!tpu.dma_semaphore, #tpu.memory_space<semaphore_mem>> -> memref<!tpu.dma_semaphore, #tpu.memory_space<semaphore_mem>>
        tpu.enqueue_indirect_dma source(%dma_start3A_426 : memref<128x64xf32, #tpu.memory_space<vmem>>) target(%dma_start3A_432 : memref<10000x64xf32, #tpu.memory_space<vmem_shared>>) offsets(%dma_start3A_429 : memref<128xi32, #tpu.memory_space<vmem>>) semaphore(%dma_start3A_434 : memref<!tpu.dma_semaphore, #tpu.memory_space<semaphore_mem>>) {add = true}
      } else {
      }
      %add3A_303 = arith.constant 4 : i32
      %add3A_304 = arith.addi %mul3A_274, %add3A_303 : i32
      %lt3A_305 = arith.constant 78 : i32
      %lt3A_306 = arith.cmpi slt, %add3A_304, %lt3A_305 : i32
      %convert_element_type3A_307 = arith.extui %lt3A_306 : i1 to i32
      %cond3A_308 = arith.constant 0 : i32
      %cond3A_309 = arith.cmpi ne, %convert_element_type3A_307, %cond3A_308 : i32
      scf.if %cond3A_309 {
        %add3A_403 = arith.constant 4 : i32
        %add3A_404 = arith.addi %mul3A_274, %add3A_403 : i32
        %dma_wait3A_405 = arith.constant 4 : i32
        %dma_wait3A_406 = arith.constant 4 : i32
        %dma_wait3A_407 = arith.constant 0 : i32
        %dma_wait3A_408 = arith.constant 0 : i32
        %dma_wait3A_409 = tpu.memref_slice %arg8[%dma_wait3A_405, %dma_wait3A_407, %dma_wait3A_408] : memref<8x128x64xf32, #tpu.memory_space<vmem>> -> memref<1x128x64xf32, #tpu.memory_space<vmem>>
        %dma_wait3A_410 = tpu.memref_squeeze %dma_wait3A_409 : memref<1x128x64xf32, #tpu.memory_space<vmem>> -> memref<128x64xf32, #tpu.memory_space<vmem>>
        %dma_wait3A_411 = arith.constant 0 : i32
        %dma_wait3A_412 = tpu.memref_slice %arg6[%add3A_404, %dma_wait3A_411] : memref<79x128xi32, #tpu.memory_space<vmem>> -> memref<1x128xi32, #tpu.memory_space<vmem>>
        %dma_wait3A_413 = tpu.memref_squeeze %dma_wait3A_412 : memref<1x128xi32, #tpu.memory_space<vmem>> -> memref<128xi32, #tpu.memory_space<vmem>>
        %dma_wait3A_414 = arith.constant 0 : i32
        %dma_wait3A_415 = arith.constant 0 : i32
        %dma_wait3A_416 = tpu.memref_slice %arg2[%dma_wait3A_414, %dma_wait3A_415] : memref<10000x64xf32, #tpu.memory_space<hbm>> -> memref<10000x64xf32, #tpu.memory_space<hbm>>
        %dma_wait3A_417 = tpu.memref_slice %arg10[%dma_wait3A_406] : memref<8x!tpu.dma_semaphore, #tpu.memory_space<semaphore_mem>> -> memref<1x!tpu.dma_semaphore, #tpu.memory_space<semaphore_mem>>
        %dma_wait3A_418 = tpu.memref_squeeze %dma_wait3A_417 : memref<1x!tpu.dma_semaphore, #tpu.memory_space<semaphore_mem>> -> memref<!tpu.dma_semaphore, #tpu.memory_space<semaphore_mem>>
        tpu.wait_indirect_dma semaphore(%dma_wait3A_418 : memref<!tpu.dma_semaphore, #tpu.memory_space<semaphore_mem>>) src(%dma_wait3A_416 : memref<10000x64xf32, #tpu.memory_space<hbm>>) dst(%dma_wait3A_410 : memref<128x64xf32, #tpu.memory_space<vmem>>)
        %add3A_419 = arith.constant 4 : i32
        %add3A_420 = arith.addi %mul3A_274, %add3A_419 : i32
        %dma_start3A_421 = arith.constant 4 : i32
        %dma_start3A_422 = arith.constant 4 : i32
        %dma_start3A_423 = arith.constant 0 : i32
        %dma_start3A_424 = arith.constant 0 : i32
        %dma_start3A_425 = tpu.memref_slice %arg8[%dma_start3A_421, %dma_start3A_423, %dma_start3A_424] : memref<8x128x64xf32, #tpu.memory_space<vmem>> -> memref<1x128x64xf32, #tpu.memory_space<vmem>>
        %dma_start3A_426 = tpu.memref_squeeze %dma_start3A_425 : memref<1x128x64xf32, #tpu.memory_space<vmem>> -> memref<128x64xf32, #tpu.memory_space<vmem>>
        %dma_start3A_427 = arith.constant 0 : i32
        %dma_start3A_428 = tpu.memref_slice %arg7[%add3A_420, %dma_start3A_427] : memref<79x128xi32, #tpu.memory_space<vmem>> -> memref<1x128xi32, #tpu.memory_space<vmem>>
        %dma_start3A_429 = tpu.memref_squeeze %dma_start3A_428 : memref<1x128xi32, #tpu.memory_space<vmem>> -> memref<128xi32, #tpu.memory_space<vmem>>
        %dma_start3A_430 = arith.constant 0 : i32
        %dma_start3A_431 = arith.constant 0 : i32
        %dma_start3A_432 = tpu.memref_slice %arg9[%dma_start3A_430, %dma_start3A_431] : memref<10000x64xf32, #tpu.memory_space<vmem_shared>> -> memref<10000x64xf32, #tpu.memory_space<vmem_shared>>
        %dma_start3A_433 = tpu.memref_slice %arg11[%dma_start3A_422] : memref<8x!tpu.dma_semaphore, #tpu.memory_space<semaphore_mem>> -> memref<1x!tpu.dma_semaphore, #tpu.memory_space<semaphore_mem>>
        %dma_start3A_434 = tpu.memref_squeeze %dma_start3A_433 : memref<1x!tpu.dma_semaphore, #tpu.memory_space<semaphore_mem>> -> memref<!tpu.dma_semaphore, #tpu.memory_space<semaphore_mem>>
        tpu.enqueue_indirect_dma source(%dma_start3A_426 : memref<128x64xf32, #tpu.memory_space<vmem>>) target(%dma_start3A_432 : memref<10000x64xf32, #tpu.memory_space<vmem_shared>>) offsets(%dma_start3A_429 : memref<128xi32, #tpu.memory_space<vmem>>) semaphore(%dma_start3A_434 : memref<!tpu.dma_semaphore, #tpu.memory_space<semaphore_mem>>) {add = true}
      } else {
      }
      %add3A_310 = arith.constant 5 : i32
      %add3A_311 = arith.addi %mul3A_274, %add3A_310 : i32
      %lt3A_312 = arith.constant 78 : i32
      %lt3A_313 = arith.cmpi slt, %add3A_311, %lt3A_312 : i32
      %convert_element_type3A_314 = arith.extui %lt3A_313 : i1 to i32
      %cond3A_315 = arith.constant 0 : i32
      %cond3A_316 = arith.cmpi ne, %convert_element_type3A_314, %cond3A_315 : i32
      scf.if %cond3A_316 {
        %add3A_403 = arith.constant 5 : i32
        %add3A_404 = arith.addi %mul3A_274, %add3A_403 : i32
        %dma_wait3A_405 = arith.constant 5 : i32
        %dma_wait3A_406 = arith.constant 5 : i32
        %dma_wait3A_407 = arith.constant 0 : i32
        %dma_wait3A_408 = arith.constant 0 : i32
        %dma_wait3A_409 = tpu.memref_slice %arg8[%dma_wait3A_405, %dma_wait3A_407, %dma_wait3A_408] : memref<8x128x64xf32, #tpu.memory_space<vmem>> -> memref<1x128x64xf32, #tpu.memory_space<vmem>>
        %dma_wait3A_410 = tpu.memref_squeeze %dma_wait3A_409 : memref<1x128x64xf32, #tpu.memory_space<vmem>> -> memref<128x64xf32, #tpu.memory_space<vmem>>
        %dma_wait3A_411 = arith.constant 0 : i32
        %dma_wait3A_412 = tpu.memref_slice %arg6[%add3A_404, %dma_wait3A_411] : memref<79x128xi32, #tpu.memory_space<vmem>> -> memref<1x128xi32, #tpu.memory_space<vmem>>
        %dma_wait3A_413 = tpu.memref_squeeze %dma_wait3A_412 : memref<1x128xi32, #tpu.memory_space<vmem>> -> memref<128xi32, #tpu.memory_space<vmem>>
        %dma_wait3A_414 = arith.constant 0 : i32
        %dma_wait3A_415 = arith.constant 0 : i32
        %dma_wait3A_416 = tpu.memref_slice %arg2[%dma_wait3A_414, %dma_wait3A_415] : memref<10000x64xf32, #tpu.memory_space<hbm>> -> memref<10000x64xf32, #tpu.memory_space<hbm>>
        %dma_wait3A_417 = tpu.memref_slice %arg10[%dma_wait3A_406] : memref<8x!tpu.dma_semaphore, #tpu.memory_space<semaphore_mem>> -> memref<1x!tpu.dma_semaphore, #tpu.memory_space<semaphore_mem>>
        %dma_wait3A_418 = tpu.memref_squeeze %dma_wait3A_417 : memref<1x!tpu.dma_semaphore, #tpu.memory_space<semaphore_mem>> -> memref<!tpu.dma_semaphore, #tpu.memory_space<semaphore_mem>>
        tpu.wait_indirect_dma semaphore(%dma_wait3A_418 : memref<!tpu.dma_semaphore, #tpu.memory_space<semaphore_mem>>) src(%dma_wait3A_416 : memref<10000x64xf32, #tpu.memory_space<hbm>>) dst(%dma_wait3A_410 : memref<128x64xf32, #tpu.memory_space<vmem>>)
        %add3A_419 = arith.constant 5 : i32
        %add3A_420 = arith.addi %mul3A_274, %add3A_419 : i32
        %dma_start3A_421 = arith.constant 5 : i32
        %dma_start3A_422 = arith.constant 5 : i32
        %dma_start3A_423 = arith.constant 0 : i32
        %dma_start3A_424 = arith.constant 0 : i32
        %dma_start3A_425 = tpu.memref_slice %arg8[%dma_start3A_421, %dma_start3A_423, %dma_start3A_424] : memref<8x128x64xf32, #tpu.memory_space<vmem>> -> memref<1x128x64xf32, #tpu.memory_space<vmem>>
        %dma_start3A_426 = tpu.memref_squeeze %dma_start3A_425 : memref<1x128x64xf32, #tpu.memory_space<vmem>> -> memref<128x64xf32, #tpu.memory_space<vmem>>
        %dma_start3A_427 = arith.constant 0 : i32
        %dma_start3A_428 = tpu.memref_slice %arg7[%add3A_420, %dma_start3A_427] : memref<79x128xi32, #tpu.memory_space<vmem>> -> memref<1x128xi32, #tpu.memory_space<vmem>>
        %dma_start3A_429 = tpu.memref_squeeze %dma_start3A_428 : memref<1x128xi32, #tpu.memory_space<vmem>> -> memref<128xi32, #tpu.memory_space<vmem>>
        %dma_start3A_430 = arith.constant 0 : i32
        %dma_start3A_431 = arith.constant 0 : i32
        %dma_start3A_432 = tpu.memref_slice %arg9[%dma_start3A_430, %dma_start3A_431] : memref<10000x64xf32, #tpu.memory_space<vmem_shared>> -> memref<10000x64xf32, #tpu.memory_space<vmem_shared>>
        %dma_start3A_433 = tpu.memref_slice %arg11[%dma_start3A_422] : memref<8x!tpu.dma_semaphore, #tpu.memory_space<semaphore_mem>> -> memref<1x!tpu.dma_semaphore, #tpu.memory_space<semaphore_mem>>
        %dma_start3A_434 = tpu.memref_squeeze %dma_start3A_433 : memref<1x!tpu.dma_semaphore, #tpu.memory_space<semaphore_mem>> -> memref<!tpu.dma_semaphore, #tpu.memory_space<semaphore_mem>>
        tpu.enqueue_indirect_dma source(%dma_start3A_426 : memref<128x64xf32, #tpu.memory_space<vmem>>) target(%dma_start3A_432 : memref<10000x64xf32, #tpu.memory_space<vmem_shared>>) offsets(%dma_start3A_429 : memref<128xi32, #tpu.memory_space<vmem>>) semaphore(%dma_start3A_434 : memref<!tpu.dma_semaphore, #tpu.memory_space<semaphore_mem>>) {add = true}
      } else {
      }
      %add3A_317 = arith.constant 6 : i32
      %add3A_318 = arith.addi %mul3A_274, %add3A_317 : i32
      %lt3A_319 = arith.constant 78 : i32
      %lt3A_320 = arith.cmpi slt, %add3A_318, %lt3A_319 : i32
      %convert_element_type3A_321 = arith.extui %lt3A_320 : i1 to i32
      %cond3A_322 = arith.constant 0 : i32
      %cond3A_323 = arith.cmpi ne, %convert_element_type3A_321, %cond3A_322 : i32
      scf.if %cond3A_323 {
        %add3A_403 = arith.constant 6 : i32
        %add3A_404 = arith.addi %mul3A_274, %add3A_403 : i32
        %dma_wait3A_405 = arith.constant 6 : i32
        %dma_wait3A_406 = arith.constant 6 : i32
        %dma_wait3A_407 = arith.constant 0 : i32
        %dma_wait3A_408 = arith.constant 0 : i32
        %dma_wait3A_409 = tpu.memref_slice %arg8[%dma_wait3A_405, %dma_wait3A_407, %dma_wait3A_408] : memref<8x128x64xf32, #tpu.memory_space<vmem>> -> memref<1x128x64xf32, #tpu.memory_space<vmem>>
        %dma_wait3A_410 = tpu.memref_squeeze %dma_wait3A_409 : memref<1x128x64xf32, #tpu.memory_space<vmem>> -> memref<128x64xf32, #tpu.memory_space<vmem>>
        %dma_wait3A_411 = arith.constant 0 : i32
        %dma_wait3A_412 = tpu.memref_slice %arg6[%add3A_404, %dma_wait3A_411] : memref<79x128xi32, #tpu.memory_space<vmem>> -> memref<1x128xi32, #tpu.memory_space<vmem>>
        %dma_wait3A_413 = tpu.memref_squeeze %dma_wait3A_412 : memref<1x128xi32, #tpu.memory_space<vmem>> -> memref<128xi32, #tpu.memory_space<vmem>>
        %dma_wait3A_414 = arith.constant 0 : i32
        %dma_wait3A_415 = arith.constant 0 : i32
        %dma_wait3A_416 = tpu.memref_slice %arg2[%dma_wait3A_414, %dma_wait3A_415] : memref<10000x64xf32, #tpu.memory_space<hbm>> -> memref<10000x64xf32, #tpu.memory_space<hbm>>
        %dma_wait3A_417 = tpu.memref_slice %arg10[%dma_wait3A_406] : memref<8x!tpu.dma_semaphore, #tpu.memory_space<semaphore_mem>> -> memref<1x!tpu.dma_semaphore, #tpu.memory_space<semaphore_mem>>
        %dma_wait3A_418 = tpu.memref_squeeze %dma_wait3A_417 : memref<1x!tpu.dma_semaphore, #tpu.memory_space<semaphore_mem>> -> memref<!tpu.dma_semaphore, #tpu.memory_space<semaphore_mem>>
        tpu.wait_indirect_dma semaphore(%dma_wait3A_418 : memref<!tpu.dma_semaphore, #tpu.memory_space<semaphore_mem>>) src(%dma_wait3A_416 : memref<10000x64xf32, #tpu.memory_space<hbm>>) dst(%dma_wait3A_410 : memref<128x64xf32, #tpu.memory_space<vmem>>)
        %add3A_419 = arith.constant 6 : i32
        %add3A_420 = arith.addi %mul3A_274, %add3A_419 : i32
        %dma_start3A_421 = arith.constant 6 : i32
        %dma_start3A_422 = arith.constant 6 : i32
        %dma_start3A_423 = arith.constant 0 : i32
        %dma_start3A_424 = arith.constant 0 : i32
        %dma_start3A_425 = tpu.memref_slice %arg8[%dma_start3A_421, %dma_start3A_423, %dma_start3A_424] : memref<8x128x64xf32, #tpu.memory_space<vmem>> -> memref<1x128x64xf32, #tpu.memory_space<vmem>>
        %dma_start3A_426 = tpu.memref_squeeze %dma_start3A_425 : memref<1x128x64xf32, #tpu.memory_space<vmem>> -> memref<128x64xf32, #tpu.memory_space<vmem>>
        %dma_start3A_427 = arith.constant 0 : i32
        %dma_start3A_428 = tpu.memref_slice %arg7[%add3A_420, %dma_start3A_427] : memref<79x128xi32, #tpu.memory_space<vmem>> -> memref<1x128xi32, #tpu.memory_space<vmem>>
        %dma_start3A_429 = tpu.memref_squeeze %dma_start3A_428 : memref<1x128xi32, #tpu.memory_space<vmem>> -> memref<128xi32, #tpu.memory_space<vmem>>
        %dma_start3A_430 = arith.constant 0 : i32
        %dma_start3A_431 = arith.constant 0 : i32
        %dma_start3A_432 = tpu.memref_slice %arg9[%dma_start3A_430, %dma_start3A_431] : memref<10000x64xf32, #tpu.memory_space<vmem_shared>> -> memref<10000x64xf32, #tpu.memory_space<vmem_shared>>
        %dma_start3A_433 = tpu.memref_slice %arg11[%dma_start3A_422] : memref<8x!tpu.dma_semaphore, #tpu.memory_space<semaphore_mem>> -> memref<1x!tpu.dma_semaphore, #tpu.memory_space<semaphore_mem>>
        %dma_start3A_434 = tpu.memref_squeeze %dma_start3A_433 : memref<1x!tpu.dma_semaphore, #tpu.memory_space<semaphore_mem>> -> memref<!tpu.dma_semaphore, #tpu.memory_space<semaphore_mem>>
        tpu.enqueue_indirect_dma source(%dma_start3A_426 : memref<128x64xf32, #tpu.memory_space<vmem>>) target(%dma_start3A_432 : memref<10000x64xf32, #tpu.memory_space<vmem_shared>>) offsets(%dma_start3A_429 : memref<128xi32, #tpu.memory_space<vmem>>) semaphore(%dma_start3A_434 : memref<!tpu.dma_semaphore, #tpu.memory_space<semaphore_mem>>) {add = true}
      } else {
      }
      %add3A_324 = arith.constant 7 : i32
      %add3A_325 = arith.addi %mul3A_274, %add3A_324 : i32
      %lt3A_326 = arith.constant 78 : i32
      %lt3A_327 = arith.cmpi slt, %add3A_325, %lt3A_326 : i32
      %convert_element_type3A_328 = arith.extui %lt3A_327 : i1 to i32
      %cond3A_329 = arith.constant 0 : i32
      %cond3A_330 = arith.cmpi ne, %convert_element_type3A_328, %cond3A_329 : i32
      scf.if %cond3A_330 {
        %add3A_403 = arith.constant 7 : i32
        %add3A_404 = arith.addi %mul3A_274, %add3A_403 : i32
        %dma_wait3A_405 = arith.constant 7 : i32
        %dma_wait3A_406 = arith.constant 7 : i32
        %dma_wait3A_407 = arith.constant 0 : i32
        %dma_wait3A_408 = arith.constant 0 : i32
        %dma_wait3A_409 = tpu.memref_slice %arg8[%dma_wait3A_405, %dma_wait3A_407, %dma_wait3A_408] : memref<8x128x64xf32, #tpu.memory_space<vmem>> -> memref<1x128x64xf32, #tpu.memory_space<vmem>>
        %dma_wait3A_410 = tpu.memref_squeeze %dma_wait3A_409 : memref<1x128x64xf32, #tpu.memory_space<vmem>> -> memref<128x64xf32, #tpu.memory_space<vmem>>
        %dma_wait3A_411 = arith.constant 0 : i32
        %dma_wait3A_412 = tpu.memref_slice %arg6[%add3A_404, %dma_wait3A_411] : memref<79x128xi32, #tpu.memory_space<vmem>> -> memref<1x128xi32, #tpu.memory_space<vmem>>
        %dma_wait3A_413 = tpu.memref_squeeze %dma_wait3A_412 : memref<1x128xi32, #tpu.memory_space<vmem>> -> memref<128xi32, #tpu.memory_space<vmem>>
        %dma_wait3A_414 = arith.constant 0 : i32
        %dma_wait3A_415 = arith.constant 0 : i32
        %dma_wait3A_416 = tpu.memref_slice %arg2[%dma_wait3A_414, %dma_wait3A_415] : memref<10000x64xf32, #tpu.memory_space<hbm>> -> memref<10000x64xf32, #tpu.memory_space<hbm>>
        %dma_wait3A_417 = tpu.memref_slice %arg10[%dma_wait3A_406] : memref<8x!tpu.dma_semaphore, #tpu.memory_space<semaphore_mem>> -> memref<1x!tpu.dma_semaphore, #tpu.memory_space<semaphore_mem>>
        %dma_wait3A_418 = tpu.memref_squeeze %dma_wait3A_417 : memref<1x!tpu.dma_semaphore, #tpu.memory_space<semaphore_mem>> -> memref<!tpu.dma_semaphore, #tpu.memory_space<semaphore_mem>>
        tpu.wait_indirect_dma semaphore(%dma_wait3A_418 : memref<!tpu.dma_semaphore, #tpu.memory_space<semaphore_mem>>) src(%dma_wait3A_416 : memref<10000x64xf32, #tpu.memory_space<hbm>>) dst(%dma_wait3A_410 : memref<128x64xf32, #tpu.memory_space<vmem>>)
        %add3A_419 = arith.constant 7 : i32
        %add3A_420 = arith.addi %mul3A_274, %add3A_419 : i32
        %dma_start3A_421 = arith.constant 7 : i32
        %dma_start3A_422 = arith.constant 7 : i32
        %dma_start3A_423 = arith.constant 0 : i32
        %dma_start3A_424 = arith.constant 0 : i32
        %dma_start3A_425 = tpu.memref_slice %arg8[%dma_start3A_421, %dma_start3A_423, %dma_start3A_424] : memref<8x128x64xf32, #tpu.memory_space<vmem>> -> memref<1x128x64xf32, #tpu.memory_space<vmem>>
        %dma_start3A_426 = tpu.memref_squeeze %dma_start3A_425 : memref<1x128x64xf32, #tpu.memory_space<vmem>> -> memref<128x64xf32, #tpu.memory_space<vmem>>
        %dma_start3A_427 = arith.constant 0 : i32
        %dma_start3A_428 = tpu.memref_slice %arg7[%add3A_420, %dma_start3A_427] : memref<79x128xi32, #tpu.memory_space<vmem>> -> memref<1x128xi32, #tpu.memory_space<vmem>>
        %dma_start3A_429 = tpu.memref_squeeze %dma_start3A_428 : memref<1x128xi32, #tpu.memory_space<vmem>> -> memref<128xi32, #tpu.memory_space<vmem>>
        %dma_start3A_430 = arith.constant 0 : i32
        %dma_start3A_431 = arith.constant 0 : i32
        %dma_start3A_432 = tpu.memref_slice %arg9[%dma_start3A_430, %dma_start3A_431] : memref<10000x64xf32, #tpu.memory_space<vmem_shared>> -> memref<10000x64xf32, #tpu.memory_space<vmem_shared>>
        %dma_start3A_433 = tpu.memref_slice %arg11[%dma_start3A_422] : memref<8x!tpu.dma_semaphore, #tpu.memory_space<semaphore_mem>> -> memref<1x!tpu.dma_semaphore, #tpu.memory_space<semaphore_mem>>
        %dma_start3A_434 = tpu.memref_squeeze %dma_start3A_433 : memref<1x!tpu.dma_semaphore, #tpu.memory_space<semaphore_mem>> -> memref<!tpu.dma_semaphore, #tpu.memory_space<semaphore_mem>>
        tpu.enqueue_indirect_dma source(%dma_start3A_426 : memref<128x64xf32, #tpu.memory_space<vmem>>) target(%dma_start3A_432 : memref<10000x64xf32, #tpu.memory_space<vmem_shared>>) offsets(%dma_start3A_429 : memref<128xi32, #tpu.memory_space<vmem>>) semaphore(%dma_start3A_434 : memref<!tpu.dma_semaphore, #tpu.memory_space<semaphore_mem>>) {add = true}
      } else {
      }
      %add3A_331 = arith.constant 8 : i32
      %add3A_332 = arith.addi %mul3A_274, %add3A_331 : i32
      %add3A_333 = arith.constant 0 : i32
      %add3A_334 = arith.addi %add3A_332, %add3A_333 : i32
      %lt3A_335 = arith.constant 78 : i32
      %lt3A_336 = arith.cmpi slt, %add3A_334, %lt3A_335 : i32
      %convert_element_type3A_337 = arith.extui %lt3A_336 : i1 to i32
      %cond3A_338 = arith.constant 0 : i32
      %cond3A_339 = arith.cmpi ne, %convert_element_type3A_337, %cond3A_338 : i32
      scf.if %cond3A_339 {
        %dma_wait3A_403 = arith.constant 0 : i32
        %dma_wait3A_404 = arith.constant 0 : i32
        %dma_wait3A_405 = arith.constant 0 : i32
        %dma_wait3A_406 = arith.constant 0 : i32
        %dma_wait3A_407 = arith.constant 0 : i32
        %dma_wait3A_408 = tpu.memref_slice %arg8[%dma_wait3A_403, %dma_wait3A_406, %dma_wait3A_407] : memref<8x128x64xf32, #tpu.memory_space<vmem>> -> memref<1x128x64xf32, #tpu.memory_space<vmem>>
        %dma_wait3A_409 = tpu.memref_squeeze %dma_wait3A_408 : memref<1x128x64xf32, #tpu.memory_space<vmem>> -> memref<128x64xf32, #tpu.memory_space<vmem>>
        %dma_wait3A_410 = arith.constant 0 : i32
        %dma_wait3A_411 = tpu.memref_slice %arg7[%dma_wait3A_404, %dma_wait3A_410] : memref<79x128xi32, #tpu.memory_space<vmem>> -> memref<1x128xi32, #tpu.memory_space<vmem>>
        %dma_wait3A_412 = tpu.memref_squeeze %dma_wait3A_411 : memref<1x128xi32, #tpu.memory_space<vmem>> -> memref<128xi32, #tpu.memory_space<vmem>>
        %dma_wait3A_413 = arith.constant 0 : i32
        %dma_wait3A_414 = arith.constant 0 : i32
        %dma_wait3A_415 = tpu.memref_slice %arg9[%dma_wait3A_413, %dma_wait3A_414] : memref<10000x64xf32, #tpu.memory_space<vmem_shared>> -> memref<10000x64xf32, #tpu.memory_space<vmem_shared>>
        %dma_wait3A_416 = tpu.memref_slice %arg11[%dma_wait3A_405] : memref<8x!tpu.dma_semaphore, #tpu.memory_space<semaphore_mem>> -> memref<1x!tpu.dma_semaphore, #tpu.memory_space<semaphore_mem>>
        %dma_wait3A_417 = tpu.memref_squeeze %dma_wait3A_416 : memref<1x!tpu.dma_semaphore, #tpu.memory_space<semaphore_mem>> -> memref<!tpu.dma_semaphore, #tpu.memory_space<semaphore_mem>>
        tpu.wait_indirect_dma semaphore(%dma_wait3A_417 : memref<!tpu.dma_semaphore, #tpu.memory_space<semaphore_mem>>) src(%dma_wait3A_409 : memref<128x64xf32, #tpu.memory_space<vmem>>) dst(%dma_wait3A_415 : memref<10000x64xf32, #tpu.memory_space<vmem_shared>>)
        %add3A_418 = arith.constant 8 : i32
        %add3A_419 = arith.addi %mul3A_274, %add3A_418 : i32
        %add3A_420 = arith.constant 0 : i32
        %add3A_421 = arith.addi %add3A_419, %add3A_420 : i32
        %dma_start3A_422 = arith.constant 0 : i32
        %dma_start3A_423 = arith.constant 0 : i32
        %dma_start3A_424 = arith.constant 0 : i32
        %dma_start3A_425 = arith.constant 0 : i32
        %dma_start3A_426 = tpu.memref_slice %arg8[%dma_start3A_422, %dma_start3A_424, %dma_start3A_425] : memref<8x128x64xf32, #tpu.memory_space<vmem>> -> memref<1x128x64xf32, #tpu.memory_space<vmem>>
        %dma_start3A_427 = tpu.memref_squeeze %dma_start3A_426 : memref<1x128x64xf32, #tpu.memory_space<vmem>> -> memref<128x64xf32, #tpu.memory_space<vmem>>
        %dma_start3A_428 = arith.constant 0 : i32
        %dma_start3A_429 = tpu.memref_slice %arg6[%add3A_421, %dma_start3A_428] : memref<79x128xi32, #tpu.memory_space<vmem>> -> memref<1x128xi32, #tpu.memory_space<vmem>>
        %dma_start3A_430 = tpu.memref_squeeze %dma_start3A_429 : memref<1x128xi32, #tpu.memory_space<vmem>> -> memref<128xi32, #tpu.memory_space<vmem>>
        %dma_start3A_431 = arith.constant 0 : i32
        %dma_start3A_432 = arith.constant 0 : i32
        %dma_start3A_433 = tpu.memref_slice %arg2[%dma_start3A_431, %dma_start3A_432] : memref<10000x64xf32, #tpu.memory_space<hbm>> -> memref<10000x64xf32, #tpu.memory_space<hbm>>
        %dma_start3A_434 = tpu.memref_slice %arg10[%dma_start3A_423] : memref<8x!tpu.dma_semaphore, #tpu.memory_space<semaphore_mem>> -> memref<1x!tpu.dma_semaphore, #tpu.memory_space<semaphore_mem>>
        %dma_start3A_435 = tpu.memref_squeeze %dma_start3A_434 : memref<1x!tpu.dma_semaphore, #tpu.memory_space<semaphore_mem>> -> memref<!tpu.dma_semaphore, #tpu.memory_space<semaphore_mem>>
        tpu.enqueue_indirect_dma source(%dma_start3A_433 : memref<10000x64xf32, #tpu.memory_space<hbm>>) target(%dma_start3A_427 : memref<128x64xf32, #tpu.memory_space<vmem>>) offsets(%dma_start3A_430 : memref<128xi32, #tpu.memory_space<vmem>>) semaphore(%dma_start3A_435 : memref<!tpu.dma_semaphore, #tpu.memory_space<semaphore_mem>>)
      } else {
      }
      %add3A_340 = arith.constant 8 : i32
      %add3A_341 = arith.addi %mul3A_274, %add3A_340 : i32
      %add3A_342 = arith.constant 1 : i32
      %add3A_343 = arith.addi %add3A_341, %add3A_342 : i32
      %lt3A_344 = arith.constant 78 : i32
      %lt3A_345 = arith.cmpi slt, %add3A_343, %lt3A_344 : i32
      %convert_element_type3A_346 = arith.extui %lt3A_345 : i1 to i32
      %cond3A_347 = arith.constant 0 : i32
      %cond3A_348 = arith.cmpi ne, %convert_element_type3A_346, %cond3A_347 : i32
      scf.if %cond3A_348 {
        %dma_wait3A_403 = arith.constant 1 : i32
        %dma_wait3A_404 = arith.constant 0 : i32
        %dma_wait3A_405 = arith.constant 1 : i32
        %dma_wait3A_406 = arith.constant 0 : i32
        %dma_wait3A_407 = arith.constant 0 : i32
        %dma_wait3A_408 = tpu.memref_slice %arg8[%dma_wait3A_403, %dma_wait3A_406, %dma_wait3A_407] : memref<8x128x64xf32, #tpu.memory_space<vmem>> -> memref<1x128x64xf32, #tpu.memory_space<vmem>>
        %dma_wait3A_409 = tpu.memref_squeeze %dma_wait3A_408 : memref<1x128x64xf32, #tpu.memory_space<vmem>> -> memref<128x64xf32, #tpu.memory_space<vmem>>
        %dma_wait3A_410 = arith.constant 0 : i32
        %dma_wait3A_411 = tpu.memref_slice %arg7[%dma_wait3A_404, %dma_wait3A_410] : memref<79x128xi32, #tpu.memory_space<vmem>> -> memref<1x128xi32, #tpu.memory_space<vmem>>
        %dma_wait3A_412 = tpu.memref_squeeze %dma_wait3A_411 : memref<1x128xi32, #tpu.memory_space<vmem>> -> memref<128xi32, #tpu.memory_space<vmem>>
        %dma_wait3A_413 = arith.constant 0 : i32
        %dma_wait3A_414 = arith.constant 0 : i32
        %dma_wait3A_415 = tpu.memref_slice %arg9[%dma_wait3A_413, %dma_wait3A_414] : memref<10000x64xf32, #tpu.memory_space<vmem_shared>> -> memref<10000x64xf32, #tpu.memory_space<vmem_shared>>
        %dma_wait3A_416 = tpu.memref_slice %arg11[%dma_wait3A_405] : memref<8x!tpu.dma_semaphore, #tpu.memory_space<semaphore_mem>> -> memref<1x!tpu.dma_semaphore, #tpu.memory_space<semaphore_mem>>
        %dma_wait3A_417 = tpu.memref_squeeze %dma_wait3A_416 : memref<1x!tpu.dma_semaphore, #tpu.memory_space<semaphore_mem>> -> memref<!tpu.dma_semaphore, #tpu.memory_space<semaphore_mem>>
        tpu.wait_indirect_dma semaphore(%dma_wait3A_417 : memref<!tpu.dma_semaphore, #tpu.memory_space<semaphore_mem>>) src(%dma_wait3A_409 : memref<128x64xf32, #tpu.memory_space<vmem>>) dst(%dma_wait3A_415 : memref<10000x64xf32, #tpu.memory_space<vmem_shared>>)
        %add3A_418 = arith.constant 8 : i32
        %add3A_419 = arith.addi %mul3A_274, %add3A_418 : i32
        %add3A_420 = arith.constant 1 : i32
        %add3A_421 = arith.addi %add3A_419, %add3A_420 : i32
        %dma_start3A_422 = arith.constant 1 : i32
        %dma_start3A_423 = arith.constant 1 : i32
        %dma_start3A_424 = arith.constant 0 : i32
        %dma_start3A_425 = arith.constant 0 : i32
        %dma_start3A_426 = tpu.memref_slice %arg8[%dma_start3A_422, %dma_start3A_424, %dma_start3A_425] : memref<8x128x64xf32, #tpu.memory_space<vmem>> -> memref<1x128x64xf32, #tpu.memory_space<vmem>>
        %dma_start3A_427 = tpu.memref_squeeze %dma_start3A_426 : memref<1x128x64xf32, #tpu.memory_space<vmem>> -> memref<128x64xf32, #tpu.memory_space<vmem>>
        %dma_start3A_428 = arith.constant 0 : i32
        %dma_start3A_429 = tpu.memref_slice %arg6[%add3A_421, %dma_start3A_428] : memref<79x128xi32, #tpu.memory_space<vmem>> -> memref<1x128xi32, #tpu.memory_space<vmem>>
        %dma_start3A_430 = tpu.memref_squeeze %dma_start3A_429 : memref<1x128xi32, #tpu.memory_space<vmem>> -> memref<128xi32, #tpu.memory_space<vmem>>
        %dma_start3A_431 = arith.constant 0 : i32
        %dma_start3A_432 = arith.constant 0 : i32
        %dma_start3A_433 = tpu.memref_slice %arg2[%dma_start3A_431, %dma_start3A_432] : memref<10000x64xf32, #tpu.memory_space<hbm>> -> memref<10000x64xf32, #tpu.memory_space<hbm>>
        %dma_start3A_434 = tpu.memref_slice %arg10[%dma_start3A_423] : memref<8x!tpu.dma_semaphore, #tpu.memory_space<semaphore_mem>> -> memref<1x!tpu.dma_semaphore, #tpu.memory_space<semaphore_mem>>
        %dma_start3A_435 = tpu.memref_squeeze %dma_start3A_434 : memref<1x!tpu.dma_semaphore, #tpu.memory_space<semaphore_mem>> -> memref<!tpu.dma_semaphore, #tpu.memory_space<semaphore_mem>>
        tpu.enqueue_indirect_dma source(%dma_start3A_433 : memref<10000x64xf32, #tpu.memory_space<hbm>>) target(%dma_start3A_427 : memref<128x64xf32, #tpu.memory_space<vmem>>) offsets(%dma_start3A_430 : memref<128xi32, #tpu.memory_space<vmem>>) semaphore(%dma_start3A_435 : memref<!tpu.dma_semaphore, #tpu.memory_space<semaphore_mem>>)
      } else {
      }
      %add3A_349 = arith.constant 8 : i32
      %add3A_350 = arith.addi %mul3A_274, %add3A_349 : i32
      %add3A_351 = arith.constant 2 : i32
      %add3A_352 = arith.addi %add3A_350, %add3A_351 : i32
      %lt3A_353 = arith.constant 78 : i32
      %lt3A_354 = arith.cmpi slt, %add3A_352, %lt3A_353 : i32
      %convert_element_type3A_355 = arith.extui %lt3A_354 : i1 to i32
      %cond3A_356 = arith.constant 0 : i32
      %cond3A_357 = arith.cmpi ne, %convert_element_type3A_355, %cond3A_356 : i32
      scf.if %cond3A_357 {
        %dma_wait3A_403 = arith.constant 2 : i32
        %dma_wait3A_404 = arith.constant 0 : i32
        %dma_wait3A_405 = arith.constant 2 : i32
        %dma_wait3A_406 = arith.constant 0 : i32
        %dma_wait3A_407 = arith.constant 0 : i32
        %dma_wait3A_408 = tpu.memref_slice %arg8[%dma_wait3A_403, %dma_wait3A_406, %dma_wait3A_407] : memref<8x128x64xf32, #tpu.memory_space<vmem>> -> memref<1x128x64xf32, #tpu.memory_space<vmem>>
        %dma_wait3A_409 = tpu.memref_squeeze %dma_wait3A_408 : memref<1x128x64xf32, #tpu.memory_space<vmem>> -> memref<128x64xf32, #tpu.memory_space<vmem>>
        %dma_wait3A_410 = arith.constant 0 : i32
        %dma_wait3A_411 = tpu.memref_slice %arg7[%dma_wait3A_404, %dma_wait3A_410] : memref<79x128xi32, #tpu.memory_space<vmem>> -> memref<1x128xi32, #tpu.memory_space<vmem>>
        %dma_wait3A_412 = tpu.memref_squeeze %dma_wait3A_411 : memref<1x128xi32, #tpu.memory_space<vmem>> -> memref<128xi32, #tpu.memory_space<vmem>>
        %dma_wait3A_413 = arith.constant 0 : i32
        %dma_wait3A_414 = arith.constant 0 : i32
        %dma_wait3A_415 = tpu.memref_slice %arg9[%dma_wait3A_413, %dma_wait3A_414] : memref<10000x64xf32, #tpu.memory_space<vmem_shared>> -> memref<10000x64xf32, #tpu.memory_space<vmem_shared>>
        %dma_wait3A_416 = tpu.memref_slice %arg11[%dma_wait3A_405] : memref<8x!tpu.dma_semaphore, #tpu.memory_space<semaphore_mem>> -> memref<1x!tpu.dma_semaphore, #tpu.memory_space<semaphore_mem>>
        %dma_wait3A_417 = tpu.memref_squeeze %dma_wait3A_416 : memref<1x!tpu.dma_semaphore, #tpu.memory_space<semaphore_mem>> -> memref<!tpu.dma_semaphore, #tpu.memory_space<semaphore_mem>>
        tpu.wait_indirect_dma semaphore(%dma_wait3A_417 : memref<!tpu.dma_semaphore, #tpu.memory_space<semaphore_mem>>) src(%dma_wait3A_409 : memref<128x64xf32, #tpu.memory_space<vmem>>) dst(%dma_wait3A_415 : memref<10000x64xf32, #tpu.memory_space<vmem_shared>>)
        %add3A_418 = arith.constant 8 : i32
        %add3A_419 = arith.addi %mul3A_274, %add3A_418 : i32
        %add3A_420 = arith.constant 2 : i32
        %add3A_421 = arith.addi %add3A_419, %add3A_420 : i32
        %dma_start3A_422 = arith.constant 2 : i32
        %dma_start3A_423 = arith.constant 2 : i32
        %dma_start3A_424 = arith.constant 0 : i32
        %dma_start3A_425 = arith.constant 0 : i32
        %dma_start3A_426 = tpu.memref_slice %arg8[%dma_start3A_422, %dma_start3A_424, %dma_start3A_425] : memref<8x128x64xf32, #tpu.memory_space<vmem>> -> memref<1x128x64xf32, #tpu.memory_space<vmem>>
        %dma_start3A_427 = tpu.memref_squeeze %dma_start3A_426 : memref<1x128x64xf32, #tpu.memory_space<vmem>> -> memref<128x64xf32, #tpu.memory_space<vmem>>
        %dma_start3A_428 = arith.constant 0 : i32
        %dma_start3A_429 = tpu.memref_slice %arg6[%add3A_421, %dma_start3A_428] : memref<79x128xi32, #tpu.memory_space<vmem>> -> memref<1x128xi32, #tpu.memory_space<vmem>>
        %dma_start3A_430 = tpu.memref_squeeze %dma_start3A_429 : memref<1x128xi32, #tpu.memory_space<vmem>> -> memref<128xi32, #tpu.memory_space<vmem>>
        %dma_start3A_431 = arith.constant 0 : i32
        %dma_start3A_432 = arith.constant 0 : i32
        %dma_start3A_433 = tpu.memref_slice %arg2[%dma_start3A_431, %dma_start3A_432] : memref<10000x64xf32, #tpu.memory_space<hbm>> -> memref<10000x64xf32, #tpu.memory_space<hbm>>
        %dma_start3A_434 = tpu.memref_slice %arg10[%dma_start3A_423] : memref<8x!tpu.dma_semaphore, #tpu.memory_space<semaphore_mem>> -> memref<1x!tpu.dma_semaphore, #tpu.memory_space<semaphore_mem>>
        %dma_start3A_435 = tpu.memref_squeeze %dma_start3A_434 : memref<1x!tpu.dma_semaphore, #tpu.memory_space<semaphore_mem>> -> memref<!tpu.dma_semaphore, #tpu.memory_space<semaphore_mem>>
        tpu.enqueue_indirect_dma source(%dma_start3A_433 : memref<10000x64xf32, #tpu.memory_space<hbm>>) target(%dma_start3A_427 : memref<128x64xf32, #tpu.memory_space<vmem>>) offsets(%dma_start3A_430 : memref<128xi32, #tpu.memory_space<vmem>>) semaphore(%dma_start3A_435 : memref<!tpu.dma_semaphore, #tpu.memory_space<semaphore_mem>>)
      } else {
      }
      %add3A_358 = arith.constant 8 : i32
      %add3A_359 = arith.addi %mul3A_274, %add3A_358 : i32
      %add3A_360 = arith.constant 3 : i32
      %add3A_361 = arith.addi %add3A_359, %add3A_360 : i32
      %lt3A_362 = arith.constant 78 : i32
      %lt3A_363 = arith.cmpi slt, %add3A_361, %lt3A_362 : i32
      %convert_element_type3A_364 = arith.extui %lt3A_363 : i1 to i32
      %cond3A_365 = arith.constant 0 : i32
      %cond3A_366 = arith.cmpi ne, %convert_element_type3A_364, %cond3A_365 : i32
      scf.if %cond3A_366 {
        %dma_wait3A_403 = arith.constant 3 : i32
        %dma_wait3A_404 = arith.constant 0 : i32
        %dma_wait3A_405 = arith.constant 3 : i32
        %dma_wait3A_406 = arith.constant 0 : i32
        %dma_wait3A_407 = arith.constant 0 : i32
        %dma_wait3A_408 = tpu.memref_slice %arg8[%dma_wait3A_403, %dma_wait3A_406, %dma_wait3A_407] : memref<8x128x64xf32, #tpu.memory_space<vmem>> -> memref<1x128x64xf32, #tpu.memory_space<vmem>>
        %dma_wait3A_409 = tpu.memref_squeeze %dma_wait3A_408 : memref<1x128x64xf32, #tpu.memory_space<vmem>> -> memref<128x64xf32, #tpu.memory_space<vmem>>
        %dma_wait3A_410 = arith.constant 0 : i32
        %dma_wait3A_411 = tpu.memref_slice %arg7[%dma_wait3A_404, %dma_wait3A_410] : memref<79x128xi32, #tpu.memory_space<vmem>> -> memref<1x128xi32, #tpu.memory_space<vmem>>
        %dma_wait3A_412 = tpu.memref_squeeze %dma_wait3A_411 : memref<1x128xi32, #tpu.memory_space<vmem>> -> memref<128xi32, #tpu.memory_space<vmem>>
        %dma_wait3A_413 = arith.constant 0 : i32
        %dma_wait3A_414 = arith.constant 0 : i32
        %dma_wait3A_415 = tpu.memref_slice %arg9[%dma_wait3A_413, %dma_wait3A_414] : memref<10000x64xf32, #tpu.memory_space<vmem_shared>> -> memref<10000x64xf32, #tpu.memory_space<vmem_shared>>
        %dma_wait3A_416 = tpu.memref_slice %arg11[%dma_wait3A_405] : memref<8x!tpu.dma_semaphore, #tpu.memory_space<semaphore_mem>> -> memref<1x!tpu.dma_semaphore, #tpu.memory_space<semaphore_mem>>
        %dma_wait3A_417 = tpu.memref_squeeze %dma_wait3A_416 : memref<1x!tpu.dma_semaphore, #tpu.memory_space<semaphore_mem>> -> memref<!tpu.dma_semaphore, #tpu.memory_space<semaphore_mem>>
        tpu.wait_indirect_dma semaphore(%dma_wait3A_417 : memref<!tpu.dma_semaphore, #tpu.memory_space<semaphore_mem>>) src(%dma_wait3A_409 : memref<128x64xf32, #tpu.memory_space<vmem>>) dst(%dma_wait3A_415 : memref<10000x64xf32, #tpu.memory_space<vmem_shared>>)
        %add3A_418 = arith.constant 8 : i32
        %add3A_419 = arith.addi %mul3A_274, %add3A_418 : i32
        %add3A_420 = arith.constant 3 : i32
        %add3A_421 = arith.addi %add3A_419, %add3A_420 : i32
        %dma_start3A_422 = arith.constant 3 : i32
        %dma_start3A_423 = arith.constant 3 : i32
        %dma_start3A_424 = arith.constant 0 : i32
        %dma_start3A_425 = arith.constant 0 : i32
        %dma_start3A_426 = tpu.memref_slice %arg8[%dma_start3A_422, %dma_start3A_424, %dma_start3A_425] : memref<8x128x64xf32, #tpu.memory_space<vmem>> -> memref<1x128x64xf32, #tpu.memory_space<vmem>>
        %dma_start3A_427 = tpu.memref_squeeze %dma_start3A_426 : memref<1x128x64xf32, #tpu.memory_space<vmem>> -> memref<128x64xf32, #tpu.memory_space<vmem>>
        %dma_start3A_428 = arith.constant 0 : i32
        %dma_start3A_429 = tpu.memref_slice %arg6[%add3A_421, %dma_start3A_428] : memref<79x128xi32, #tpu.memory_space<vmem>> -> memref<1x128xi32, #tpu.memory_space<vmem>>
        %dma_start3A_430 = tpu.memref_squeeze %dma_start3A_429 : memref<1x128xi32, #tpu.memory_space<vmem>> -> memref<128xi32, #tpu.memory_space<vmem>>
        %dma_start3A_431 = arith.constant 0 : i32
        %dma_start3A_432 = arith.constant 0 : i32
        %dma_start3A_433 = tpu.memref_slice %arg2[%dma_start3A_431, %dma_start3A_432] : memref<10000x64xf32, #tpu.memory_space<hbm>> -> memref<10000x64xf32, #tpu.memory_space<hbm>>
        %dma_start3A_434 = tpu.memref_slice %arg10[%dma_start3A_423] : memref<8x!tpu.dma_semaphore, #tpu.memory_space<semaphore_mem>> -> memref<1x!tpu.dma_semaphore, #tpu.memory_space<semaphore_mem>>
        %dma_start3A_435 = tpu.memref_squeeze %dma_start3A_434 : memref<1x!tpu.dma_semaphore, #tpu.memory_space<semaphore_mem>> -> memref<!tpu.dma_semaphore, #tpu.memory_space<semaphore_mem>>
        tpu.enqueue_indirect_dma source(%dma_start3A_433 : memref<10000x64xf32, #tpu.memory_space<hbm>>) target(%dma_start3A_427 : memref<128x64xf32, #tpu.memory_space<vmem>>) offsets(%dma_start3A_430 : memref<128xi32, #tpu.memory_space<vmem>>) semaphore(%dma_start3A_435 : memref<!tpu.dma_semaphore, #tpu.memory_space<semaphore_mem>>)
      } else {
      }
      %add3A_367 = arith.constant 8 : i32
      %add3A_368 = arith.addi %mul3A_274, %add3A_367 : i32
      %add3A_369 = arith.constant 4 : i32
      %add3A_370 = arith.addi %add3A_368, %add3A_369 : i32
      %lt3A_371 = arith.constant 78 : i32
      %lt3A_372 = arith.cmpi slt, %add3A_370, %lt3A_371 : i32
      %convert_element_type3A_373 = arith.extui %lt3A_372 : i1 to i32
      %cond3A_374 = arith.constant 0 : i32
      %cond3A_375 = arith.cmpi ne, %convert_element_type3A_373, %cond3A_374 : i32
      scf.if %cond3A_375 {
        %dma_wait3A_403 = arith.constant 4 : i32
        %dma_wait3A_404 = arith.constant 0 : i32
        %dma_wait3A_405 = arith.constant 4 : i32
        %dma_wait3A_406 = arith.constant 0 : i32
        %dma_wait3A_407 = arith.constant 0 : i32
        %dma_wait3A_408 = tpu.memref_slice %arg8[%dma_wait3A_403, %dma_wait3A_406, %dma_wait3A_407] : memref<8x128x64xf32, #tpu.memory_space<vmem>> -> memref<1x128x64xf32, #tpu.memory_space<vmem>>
        %dma_wait3A_409 = tpu.memref_squeeze %dma_wait3A_408 : memref<1x128x64xf32, #tpu.memory_space<vmem>> -> memref<128x64xf32, #tpu.memory_space<vmem>>
        %dma_wait3A_410 = arith.constant 0 : i32
        %dma_wait3A_411 = tpu.memref_slice %arg7[%dma_wait3A_404, %dma_wait3A_410] : memref<79x128xi32, #tpu.memory_space<vmem>> -> memref<1x128xi32, #tpu.memory_space<vmem>>
        %dma_wait3A_412 = tpu.memref_squeeze %dma_wait3A_411 : memref<1x128xi32, #tpu.memory_space<vmem>> -> memref<128xi32, #tpu.memory_space<vmem>>
        %dma_wait3A_413 = arith.constant 0 : i32
        %dma_wait3A_414 = arith.constant 0 : i32
        %dma_wait3A_415 = tpu.memref_slice %arg9[%dma_wait3A_413, %dma_wait3A_414] : memref<10000x64xf32, #tpu.memory_space<vmem_shared>> -> memref<10000x64xf32, #tpu.memory_space<vmem_shared>>
        %dma_wait3A_416 = tpu.memref_slice %arg11[%dma_wait3A_405] : memref<8x!tpu.dma_semaphore, #tpu.memory_space<semaphore_mem>> -> memref<1x!tpu.dma_semaphore, #tpu.memory_space<semaphore_mem>>
        %dma_wait3A_417 = tpu.memref_squeeze %dma_wait3A_416 : memref<1x!tpu.dma_semaphore, #tpu.memory_space<semaphore_mem>> -> memref<!tpu.dma_semaphore, #tpu.memory_space<semaphore_mem>>
        tpu.wait_indirect_dma semaphore(%dma_wait3A_417 : memref<!tpu.dma_semaphore, #tpu.memory_space<semaphore_mem>>) src(%dma_wait3A_409 : memref<128x64xf32, #tpu.memory_space<vmem>>) dst(%dma_wait3A_415 : memref<10000x64xf32, #tpu.memory_space<vmem_shared>>)
        %add3A_418 = arith.constant 8 : i32
        %add3A_419 = arith.addi %mul3A_274, %add3A_418 : i32
        %add3A_420 = arith.constant 4 : i32
        %add3A_421 = arith.addi %add3A_419, %add3A_420 : i32
        %dma_start3A_422 = arith.constant 4 : i32
        %dma_start3A_423 = arith.constant 4 : i32
        %dma_start3A_424 = arith.constant 0 : i32
        %dma_start3A_425 = arith.constant 0 : i32
        %dma_start3A_426 = tpu.memref_slice %arg8[%dma_start3A_422, %dma_start3A_424, %dma_start3A_425] : memref<8x128x64xf32, #tpu.memory_space<vmem>> -> memref<1x128x64xf32, #tpu.memory_space<vmem>>
        %dma_start3A_427 = tpu.memref_squeeze %dma_start3A_426 : memref<1x128x64xf32, #tpu.memory_space<vmem>> -> memref<128x64xf32, #tpu.memory_space<vmem>>
        %dma_start3A_428 = arith.constant 0 : i32
        %dma_start3A_429 = tpu.memref_slice %arg6[%add3A_421, %dma_start3A_428] : memref<79x128xi32, #tpu.memory_space<vmem>> -> memref<1x128xi32, #tpu.memory_space<vmem>>
        %dma_start3A_430 = tpu.memref_squeeze %dma_start3A_429 : memref<1x128xi32, #tpu.memory_space<vmem>> -> memref<128xi32, #tpu.memory_space<vmem>>
        %dma_start3A_431 = arith.constant 0 : i32
        %dma_start3A_432 = arith.constant 0 : i32
        %dma_start3A_433 = tpu.memref_slice %arg2[%dma_start3A_431, %dma_start3A_432] : memref<10000x64xf32, #tpu.memory_space<hbm>> -> memref<10000x64xf32, #tpu.memory_space<hbm>>
        %dma_start3A_434 = tpu.memref_slice %arg10[%dma_start3A_423] : memref<8x!tpu.dma_semaphore, #tpu.memory_space<semaphore_mem>> -> memref<1x!tpu.dma_semaphore, #tpu.memory_space<semaphore_mem>>
        %dma_start3A_435 = tpu.memref_squeeze %dma_start3A_434 : memref<1x!tpu.dma_semaphore, #tpu.memory_space<semaphore_mem>> -> memref<!tpu.dma_semaphore, #tpu.memory_space<semaphore_mem>>
        tpu.enqueue_indirect_dma source(%dma_start3A_433 : memref<10000x64xf32, #tpu.memory_space<hbm>>) target(%dma_start3A_427 : memref<128x64xf32, #tpu.memory_space<vmem>>) offsets(%dma_start3A_430 : memref<128xi32, #tpu.memory_space<vmem>>) semaphore(%dma_start3A_435 : memref<!tpu.dma_semaphore, #tpu.memory_space<semaphore_mem>>)
      } else {
      }
      %add3A_376 = arith.constant 8 : i32
      %add3A_377 = arith.addi %mul3A_274, %add3A_376 : i32
      %add3A_378 = arith.constant 5 : i32
      %add3A_379 = arith.addi %add3A_377, %add3A_378 : i32
      %lt3A_380 = arith.constant 78 : i32
      %lt3A_381 = arith.cmpi slt, %add3A_379, %lt3A_380 : i32
      %convert_element_type3A_382 = arith.extui %lt3A_381 : i1 to i32
      %cond3A_383 = arith.constant 0 : i32
      %cond3A_384 = arith.cmpi ne, %convert_element_type3A_382, %cond3A_383 : i32
      scf.if %cond3A_384 {
        %dma_wait3A_403 = arith.constant 5 : i32
        %dma_wait3A_404 = arith.constant 0 : i32
        %dma_wait3A_405 = arith.constant 5 : i32
        %dma_wait3A_406 = arith.constant 0 : i32
        %dma_wait3A_407 = arith.constant 0 : i32
        %dma_wait3A_408 = tpu.memref_slice %arg8[%dma_wait3A_403, %dma_wait3A_406, %dma_wait3A_407] : memref<8x128x64xf32, #tpu.memory_space<vmem>> -> memref<1x128x64xf32, #tpu.memory_space<vmem>>
        %dma_wait3A_409 = tpu.memref_squeeze %dma_wait3A_408 : memref<1x128x64xf32, #tpu.memory_space<vmem>> -> memref<128x64xf32, #tpu.memory_space<vmem>>
        %dma_wait3A_410 = arith.constant 0 : i32
        %dma_wait3A_411 = tpu.memref_slice %arg7[%dma_wait3A_404, %dma_wait3A_410] : memref<79x128xi32, #tpu.memory_space<vmem>> -> memref<1x128xi32, #tpu.memory_space<vmem>>
        %dma_wait3A_412 = tpu.memref_squeeze %dma_wait3A_411 : memref<1x128xi32, #tpu.memory_space<vmem>> -> memref<128xi32, #tpu.memory_space<vmem>>
        %dma_wait3A_413 = arith.constant 0 : i32
        %dma_wait3A_414 = arith.constant 0 : i32
        %dma_wait3A_415 = tpu.memref_slice %arg9[%dma_wait3A_413, %dma_wait3A_414] : memref<10000x64xf32, #tpu.memory_space<vmem_shared>> -> memref<10000x64xf32, #tpu.memory_space<vmem_shared>>
        %dma_wait3A_416 = tpu.memref_slice %arg11[%dma_wait3A_405] : memref<8x!tpu.dma_semaphore, #tpu.memory_space<semaphore_mem>> -> memref<1x!tpu.dma_semaphore, #tpu.memory_space<semaphore_mem>>
        %dma_wait3A_417 = tpu.memref_squeeze %dma_wait3A_416 : memref<1x!tpu.dma_semaphore, #tpu.memory_space<semaphore_mem>> -> memref<!tpu.dma_semaphore, #tpu.memory_space<semaphore_mem>>
        tpu.wait_indirect_dma semaphore(%dma_wait3A_417 : memref<!tpu.dma_semaphore, #tpu.memory_space<semaphore_mem>>) src(%dma_wait3A_409 : memref<128x64xf32, #tpu.memory_space<vmem>>) dst(%dma_wait3A_415 : memref<10000x64xf32, #tpu.memory_space<vmem_shared>>)
        %add3A_418 = arith.constant 8 : i32
        %add3A_419 = arith.addi %mul3A_274, %add3A_418 : i32
        %add3A_420 = arith.constant 5 : i32
        %add3A_421 = arith.addi %add3A_419, %add3A_420 : i32
        %dma_start3A_422 = arith.constant 5 : i32
        %dma_start3A_423 = arith.constant 5 : i32
        %dma_start3A_424 = arith.constant 0 : i32
        %dma_start3A_425 = arith.constant 0 : i32
        %dma_start3A_426 = tpu.memref_slice %arg8[%dma_start3A_422, %dma_start3A_424, %dma_start3A_425] : memref<8x128x64xf32, #tpu.memory_space<vmem>> -> memref<1x128x64xf32, #tpu.memory_space<vmem>>
        %dma_start3A_427 = tpu.memref_squeeze %dma_start3A_426 : memref<1x128x64xf32, #tpu.memory_space<vmem>> -> memref<128x64xf32, #tpu.memory_space<vmem>>
        %dma_start3A_428 = arith.constant 0 : i32
        %dma_start3A_429 = tpu.memref_slice %arg6[%add3A_421, %dma_start3A_428] : memref<79x128xi32, #tpu.memory_space<vmem>> -> memref<1x128xi32, #tpu.memory_space<vmem>>
        %dma_start3A_430 = tpu.memref_squeeze %dma_start3A_429 : memref<1x128xi32, #tpu.memory_space<vmem>> -> memref<128xi32, #tpu.memory_space<vmem>>
        %dma_start3A_431 = arith.constant 0 : i32
        %dma_start3A_432 = arith.constant 0 : i32
        %dma_start3A_433 = tpu.memref_slice %arg2[%dma_start3A_431, %dma_start3A_432] : memref<10000x64xf32, #tpu.memory_space<hbm>> -> memref<10000x64xf32, #tpu.memory_space<hbm>>
        %dma_start3A_434 = tpu.memref_slice %arg10[%dma_start3A_423] : memref<8x!tpu.dma_semaphore, #tpu.memory_space<semaphore_mem>> -> memref<1x!tpu.dma_semaphore, #tpu.memory_space<semaphore_mem>>
        %dma_start3A_435 = tpu.memref_squeeze %dma_start3A_434 : memref<1x!tpu.dma_semaphore, #tpu.memory_space<semaphore_mem>> -> memref<!tpu.dma_semaphore, #tpu.memory_space<semaphore_mem>>
        tpu.enqueue_indirect_dma source(%dma_start3A_433 : memref<10000x64xf32, #tpu.memory_space<hbm>>) target(%dma_start3A_427 : memref<128x64xf32, #tpu.memory_space<vmem>>) offsets(%dma_start3A_430 : memref<128xi32, #tpu.memory_space<vmem>>) semaphore(%dma_start3A_435 : memref<!tpu.dma_semaphore, #tpu.memory_space<semaphore_mem>>)
      } else {
      }
      %add3A_385 = arith.constant 8 : i32
      %add3A_386 = arith.addi %mul3A_274, %add3A_385 : i32
      %add3A_387 = arith.constant 6 : i32
      %add3A_388 = arith.addi %add3A_386, %add3A_387 : i32
      %lt3A_389 = arith.constant 78 : i32
      %lt3A_390 = arith.cmpi slt, %add3A_388, %lt3A_389 : i32
      %convert_element_type3A_391 = arith.extui %lt3A_390 : i1 to i32
      %cond3A_392 = arith.constant 0 : i32
      %cond3A_393 = arith.cmpi ne, %convert_element_type3A_391, %cond3A_392 : i32
      scf.if %cond3A_393 {
        %dma_wait3A_403 = arith.constant 6 : i32
        %dma_wait3A_404 = arith.constant 0 : i32
        %dma_wait3A_405 = arith.constant 6 : i32
        %dma_wait3A_406 = arith.constant 0 : i32
        %dma_wait3A_407 = arith.constant 0 : i32
        %dma_wait3A_408 = tpu.memref_slice %arg8[%dma_wait3A_403, %dma_wait3A_406, %dma_wait3A_407] : memref<8x128x64xf32, #tpu.memory_space<vmem>> -> memref<1x128x64xf32, #tpu.memory_space<vmem>>
        %dma_wait3A_409 = tpu.memref_squeeze %dma_wait3A_408 : memref<1x128x64xf32, #tpu.memory_space<vmem>> -> memref<128x64xf32, #tpu.memory_space<vmem>>
        %dma_wait3A_410 = arith.constant 0 : i32
        %dma_wait3A_411 = tpu.memref_slice %arg7[%dma_wait3A_404, %dma_wait3A_410] : memref<79x128xi32, #tpu.memory_space<vmem>> -> memref<1x128xi32, #tpu.memory_space<vmem>>
        %dma_wait3A_412 = tpu.memref_squeeze %dma_wait3A_411 : memref<1x128xi32, #tpu.memory_space<vmem>> -> memref<128xi32, #tpu.memory_space<vmem>>
        %dma_wait3A_413 = arith.constant 0 : i32
        %dma_wait3A_414 = arith.constant 0 : i32
        %dma_wait3A_415 = tpu.memref_slice %arg9[%dma_wait3A_413, %dma_wait3A_414] : memref<10000x64xf32, #tpu.memory_space<vmem_shared>> -> memref<10000x64xf32, #tpu.memory_space<vmem_shared>>
        %dma_wait3A_416 = tpu.memref_slice %arg11[%dma_wait3A_405] : memref<8x!tpu.dma_semaphore, #tpu.memory_space<semaphore_mem>> -> memref<1x!tpu.dma_semaphore, #tpu.memory_space<semaphore_mem>>
        %dma_wait3A_417 = tpu.memref_squeeze %dma_wait3A_416 : memref<1x!tpu.dma_semaphore, #tpu.memory_space<semaphore_mem>> -> memref<!tpu.dma_semaphore, #tpu.memory_space<semaphore_mem>>
        tpu.wait_indirect_dma semaphore(%dma_wait3A_417 : memref<!tpu.dma_semaphore, #tpu.memory_space<semaphore_mem>>) src(%dma_wait3A_409 : memref<128x64xf32, #tpu.memory_space<vmem>>) dst(%dma_wait3A_415 : memref<10000x64xf32, #tpu.memory_space<vmem_shared>>)
        %add3A_418 = arith.constant 8 : i32
        %add3A_419 = arith.addi %mul3A_274, %add3A_418 : i32
        %add3A_420 = arith.constant 6 : i32
        %add3A_421 = arith.addi %add3A_419, %add3A_420 : i32
        %dma_start3A_422 = arith.constant 6 : i32
        %dma_start3A_423 = arith.constant 6 : i32
        %dma_start3A_424 = arith.constant 0 : i32
        %dma_start3A_425 = arith.constant 0 : i32
        %dma_start3A_426 = tpu.memref_slice %arg8[%dma_start3A_422, %dma_start3A_424, %dma_start3A_425] : memref<8x128x64xf32, #tpu.memory_space<vmem>> -> memref<1x128x64xf32, #tpu.memory_space<vmem>>
        %dma_start3A_427 = tpu.memref_squeeze %dma_start3A_426 : memref<1x128x64xf32, #tpu.memory_space<vmem>> -> memref<128x64xf32, #tpu.memory_space<vmem>>
        %dma_start3A_428 = arith.constant 0 : i32
        %dma_start3A_429 = tpu.memref_slice %arg6[%add3A_421, %dma_start3A_428] : memref<79x128xi32, #tpu.memory_space<vmem>> -> memref<1x128xi32, #tpu.memory_space<vmem>>
        %dma_start3A_430 = tpu.memref_squeeze %dma_start3A_429 : memref<1x128xi32, #tpu.memory_space<vmem>> -> memref<128xi32, #tpu.memory_space<vmem>>
        %dma_start3A_431 = arith.constant 0 : i32
        %dma_start3A_432 = arith.constant 0 : i32
        %dma_start3A_433 = tpu.memref_slice %arg2[%dma_start3A_431, %dma_start3A_432] : memref<10000x64xf32, #tpu.memory_space<hbm>> -> memref<10000x64xf32, #tpu.memory_space<hbm>>
        %dma_start3A_434 = tpu.memref_slice %arg10[%dma_start3A_423] : memref<8x!tpu.dma_semaphore, #tpu.memory_space<semaphore_mem>> -> memref<1x!tpu.dma_semaphore, #tpu.memory_space<semaphore_mem>>
        %dma_start3A_435 = tpu.memref_squeeze %dma_start3A_434 : memref<1x!tpu.dma_semaphore, #tpu.memory_space<semaphore_mem>> -> memref<!tpu.dma_semaphore, #tpu.memory_space<semaphore_mem>>
        tpu.enqueue_indirect_dma source(%dma_start3A_433 : memref<10000x64xf32, #tpu.memory_space<hbm>>) target(%dma_start3A_427 : memref<128x64xf32, #tpu.memory_space<vmem>>) offsets(%dma_start3A_430 : memref<128xi32, #tpu.memory_space<vmem>>) semaphore(%dma_start3A_435 : memref<!tpu.dma_semaphore, #tpu.memory_space<semaphore_mem>>)
      } else {
      }
      %add3A_394 = arith.constant 8 : i32
      %add3A_395 = arith.addi %mul3A_274, %add3A_394 : i32
      %add3A_396 = arith.constant 7 : i32
      %add3A_397 = arith.addi %add3A_395, %add3A_396 : i32
      %lt3A_398 = arith.constant 78 : i32
      %lt3A_399 = arith.cmpi slt, %add3A_397, %lt3A_398 : i32
      %convert_element_type3A_400 = arith.extui %lt3A_399 : i1 to i32
      %cond3A_401 = arith.constant 0 : i32
      %cond3A_402 = arith.cmpi ne, %convert_element_type3A_400, %cond3A_401 : i32
      scf.if %cond3A_402 {
        %dma_wait3A_403 = arith.constant 7 : i32
        %dma_wait3A_404 = arith.constant 0 : i32
        %dma_wait3A_405 = arith.constant 7 : i32
        %dma_wait3A_406 = arith.constant 0 : i32
        %dma_wait3A_407 = arith.constant 0 : i32
        %dma_wait3A_408 = tpu.memref_slice %arg8[%dma_wait3A_403, %dma_wait3A_406, %dma_wait3A_407] : memref<8x128x64xf32, #tpu.memory_space<vmem>> -> memref<1x128x64xf32, #tpu.memory_space<vmem>>
        %dma_wait3A_409 = tpu.memref_squeeze %dma_wait3A_408 : memref<1x128x64xf32, #tpu.memory_space<vmem>> -> memref<128x64xf32, #tpu.memory_space<vmem>>
        %dma_wait3A_410 = arith.constant 0 : i32
        %dma_wait3A_411 = tpu.memref_slice %arg7[%dma_wait3A_404, %dma_wait3A_410] : memref<79x128xi32, #tpu.memory_space<vmem>> -> memref<1x128xi32, #tpu.memory_space<vmem>>
        %dma_wait3A_412 = tpu.memref_squeeze %dma_wait3A_411 : memref<1x128xi32, #tpu.memory_space<vmem>> -> memref<128xi32, #tpu.memory_space<vmem>>
        %dma_wait3A_413 = arith.constant 0 : i32
        %dma_wait3A_414 = arith.constant 0 : i32
        %dma_wait3A_415 = tpu.memref_slice %arg9[%dma_wait3A_413, %dma_wait3A_414] : memref<10000x64xf32, #tpu.memory_space<vmem_shared>> -> memref<10000x64xf32, #tpu.memory_space<vmem_shared>>
        %dma_wait3A_416 = tpu.memref_slice %arg11[%dma_wait3A_405] : memref<8x!tpu.dma_semaphore, #tpu.memory_space<semaphore_mem>> -> memref<1x!tpu.dma_semaphore, #tpu.memory_space<semaphore_mem>>
        %dma_wait3A_417 = tpu.memref_squeeze %dma_wait3A_416 : memref<1x!tpu.dma_semaphore, #tpu.memory_space<semaphore_mem>> -> memref<!tpu.dma_semaphore, #tpu.memory_space<semaphore_mem>>
        tpu.wait_indirect_dma semaphore(%dma_wait3A_417 : memref<!tpu.dma_semaphore, #tpu.memory_space<semaphore_mem>>) src(%dma_wait3A_409 : memref<128x64xf32, #tpu.memory_space<vmem>>) dst(%dma_wait3A_415 : memref<10000x64xf32, #tpu.memory_space<vmem_shared>>)
        %add3A_418 = arith.constant 8 : i32
        %add3A_419 = arith.addi %mul3A_274, %add3A_418 : i32
        %add3A_420 = arith.constant 7 : i32
        %add3A_421 = arith.addi %add3A_419, %add3A_420 : i32
        %dma_start3A_422 = arith.constant 7 : i32
        %dma_start3A_423 = arith.constant 7 : i32
        %dma_start3A_424 = arith.constant 0 : i32
        %dma_start3A_425 = arith.constant 0 : i32
        %dma_start3A_426 = tpu.memref_slice %arg8[%dma_start3A_422, %dma_start3A_424, %dma_start3A_425] : memref<8x128x64xf32, #tpu.memory_space<vmem>> -> memref<1x128x64xf32, #tpu.memory_space<vmem>>
        %dma_start3A_427 = tpu.memref_squeeze %dma_start3A_426 : memref<1x128x64xf32, #tpu.memory_space<vmem>> -> memref<128x64xf32, #tpu.memory_space<vmem>>
        %dma_start3A_428 = arith.constant 0 : i32
        %dma_start3A_429 = tpu.memref_slice %arg6[%add3A_421, %dma_start3A_428] : memref<79x128xi32, #tpu.memory_space<vmem>> -> memref<1x128xi32, #tpu.memory_space<vmem>>
        %dma_start3A_430 = tpu.memref_squeeze %dma_start3A_429 : memref<1x128xi32, #tpu.memory_space<vmem>> -> memref<128xi32, #tpu.memory_space<vmem>>
        %dma_start3A_431 = arith.constant 0 : i32
        %dma_start3A_432 = arith.constant 0 : i32
        %dma_start3A_433 = tpu.memref_slice %arg2[%dma_start3A_431, %dma_start3A_432] : memref<10000x64xf32, #tpu.memory_space<hbm>> -> memref<10000x64xf32, #tpu.memory_space<hbm>>
        %dma_start3A_434 = tpu.memref_slice %arg10[%dma_start3A_423] : memref<8x!tpu.dma_semaphore, #tpu.memory_space<semaphore_mem>> -> memref<1x!tpu.dma_semaphore, #tpu.memory_space<semaphore_mem>>
        %dma_start3A_435 = tpu.memref_squeeze %dma_start3A_434 : memref<1x!tpu.dma_semaphore, #tpu.memory_space<semaphore_mem>> -> memref<!tpu.dma_semaphore, #tpu.memory_space<semaphore_mem>>
        tpu.enqueue_indirect_dma source(%dma_start3A_433 : memref<10000x64xf32, #tpu.memory_space<hbm>>) target(%dma_start3A_427 : memref<128x64xf32, #tpu.memory_space<vmem>>) offsets(%dma_start3A_430 : memref<128xi32, #tpu.memory_space<vmem>>) semaphore(%dma_start3A_435 : memref<!tpu.dma_semaphore, #tpu.memory_space<semaphore_mem>>)
      } else {
      }
    }
    %scan3A_137 = arith.constant 10 : i32
    %dma_wait3A = arith.constant 0 : i32
    %dma_wait3A_138 = arith.constant 0 : i32
    %dma_wait3A_139 = arith.constant 0 : i32
    %dma_wait3A_140 = arith.constant 0 : i32
    %dma_wait3A_141 = arith.constant 0 : i32
    %dma_wait3A_142 = tpu.memref_slice %arg8[%dma_wait3A, %dma_wait3A_140, %dma_wait3A_141] : memref<8x128x64xf32, #tpu.memory_space<vmem>> -> memref<1x128x64xf32, #tpu.memory_space<vmem>>
    %dma_wait3A_143 = tpu.memref_squeeze %dma_wait3A_142 : memref<1x128x64xf32, #tpu.memory_space<vmem>> -> memref<128x64xf32, #tpu.memory_space<vmem>>
    %dma_wait3A_144 = arith.constant 0 : i32
    %dma_wait3A_145 = tpu.memref_slice %arg7[%dma_wait3A_138, %dma_wait3A_144] : memref<79x128xi32, #tpu.memory_space<vmem>> -> memref<1x128xi32, #tpu.memory_space<vmem>>
    %dma_wait3A_146 = tpu.memref_squeeze %dma_wait3A_145 : memref<1x128xi32, #tpu.memory_space<vmem>> -> memref<128xi32, #tpu.memory_space<vmem>>
    %dma_wait3A_147 = arith.constant 0 : i32
    %dma_wait3A_148 = arith.constant 0 : i32
    %dma_wait3A_149 = tpu.memref_slice %arg9[%dma_wait3A_147, %dma_wait3A_148] : memref<10000x64xf32, #tpu.memory_space<vmem_shared>> -> memref<10000x64xf32, #tpu.memory_space<vmem_shared>>
    %dma_wait3A_150 = tpu.memref_slice %arg11[%dma_wait3A_139] : memref<8x!tpu.dma_semaphore, #tpu.memory_space<semaphore_mem>> -> memref<1x!tpu.dma_semaphore, #tpu.memory_space<semaphore_mem>>
    %dma_wait3A_151 = tpu.memref_squeeze %dma_wait3A_150 : memref<1x!tpu.dma_semaphore, #tpu.memory_space<semaphore_mem>> -> memref<!tpu.dma_semaphore, #tpu.memory_space<semaphore_mem>>
    tpu.wait_indirect_dma semaphore(%dma_wait3A_151 : memref<!tpu.dma_semaphore, #tpu.memory_space<semaphore_mem>>) src(%dma_wait3A_143 : memref<128x64xf32, #tpu.memory_space<vmem>>) dst(%dma_wait3A_149 : memref<10000x64xf32, #tpu.memory_space<vmem_shared>>)
    %dma_wait3A_152 = arith.constant 1 : i32
    %dma_wait3A_153 = arith.constant 0 : i32
    %dma_wait3A_154 = arith.constant 1 : i32
    %dma_wait3A_155 = arith.constant 0 : i32
    %dma_wait3A_156 = arith.constant 0 : i32
    %dma_wait3A_157 = tpu.memref_slice %arg8[%dma_wait3A_152, %dma_wait3A_155, %dma_wait3A_156] : memref<8x128x64xf32, #tpu.memory_space<vmem>> -> memref<1x128x64xf32, #tpu.memory_space<vmem>>
    %dma_wait3A_158 = tpu.memref_squeeze %dma_wait3A_157 : memref<1x128x64xf32, #tpu.memory_space<vmem>> -> memref<128x64xf32, #tpu.memory_space<vmem>>
    %dma_wait3A_159 = arith.constant 0 : i32
    %dma_wait3A_160 = tpu.memref_slice %arg7[%dma_wait3A_153, %dma_wait3A_159] : memref<79x128xi32, #tpu.memory_space<vmem>> -> memref<1x128xi32, #tpu.memory_space<vmem>>
    %dma_wait3A_161 = tpu.memref_squeeze %dma_wait3A_160 : memref<1x128xi32, #tpu.memory_space<vmem>> -> memref<128xi32, #tpu.memory_space<vmem>>
    %dma_wait3A_162 = arith.constant 0 : i32
    %dma_wait3A_163 = arith.constant 0 : i32
    %dma_wait3A_164 = tpu.memref_slice %arg9[%dma_wait3A_162, %dma_wait3A_163] : memref<10000x64xf32, #tpu.memory_space<vmem_shared>> -> memref<10000x64xf32, #tpu.memory_space<vmem_shared>>
    %dma_wait3A_165 = tpu.memref_slice %arg11[%dma_wait3A_154] : memref<8x!tpu.dma_semaphore, #tpu.memory_space<semaphore_mem>> -> memref<1x!tpu.dma_semaphore, #tpu.memory_space<semaphore_mem>>
    %dma_wait3A_166 = tpu.memref_squeeze %dma_wait3A_165 : memref<1x!tpu.dma_semaphore, #tpu.memory_space<semaphore_mem>> -> memref<!tpu.dma_semaphore, #tpu.memory_space<semaphore_mem>>
    tpu.wait_indirect_dma semaphore(%dma_wait3A_166 : memref<!tpu.dma_semaphore, #tpu.memory_space<semaphore_mem>>) src(%dma_wait3A_158 : memref<128x64xf32, #tpu.memory_space<vmem>>) dst(%dma_wait3A_164 : memref<10000x64xf32, #tpu.memory_space<vmem_shared>>)
    %dma_wait3A_167 = arith.constant 2 : i32
    %dma_wait3A_168 = arith.constant 0 : i32
    %dma_wait3A_169 = arith.constant 2 : i32
    %dma_wait3A_170 = arith.constant 0 : i32
    %dma_wait3A_171 = arith.constant 0 : i32
    %dma_wait3A_172 = tpu.memref_slice %arg8[%dma_wait3A_167, %dma_wait3A_170, %dma_wait3A_171] : memref<8x128x64xf32, #tpu.memory_space<vmem>> -> memref<1x128x64xf32, #tpu.memory_space<vmem>>
    %dma_wait3A_173 = tpu.memref_squeeze %dma_wait3A_172 : memref<1x128x64xf32, #tpu.memory_space<vmem>> -> memref<128x64xf32, #tpu.memory_space<vmem>>
    %dma_wait3A_174 = arith.constant 0 : i32
    %dma_wait3A_175 = tpu.memref_slice %arg7[%dma_wait3A_168, %dma_wait3A_174] : memref<79x128xi32, #tpu.memory_space<vmem>> -> memref<1x128xi32, #tpu.memory_space<vmem>>
    %dma_wait3A_176 = tpu.memref_squeeze %dma_wait3A_175 : memref<1x128xi32, #tpu.memory_space<vmem>> -> memref<128xi32, #tpu.memory_space<vmem>>
    %dma_wait3A_177 = arith.constant 0 : i32
    %dma_wait3A_178 = arith.constant 0 : i32
    %dma_wait3A_179 = tpu.memref_slice %arg9[%dma_wait3A_177, %dma_wait3A_178] : memref<10000x64xf32, #tpu.memory_space<vmem_shared>> -> memref<10000x64xf32, #tpu.memory_space<vmem_shared>>
    %dma_wait3A_180 = tpu.memref_slice %arg11[%dma_wait3A_169] : memref<8x!tpu.dma_semaphore, #tpu.memory_space<semaphore_mem>> -> memref<1x!tpu.dma_semaphore, #tpu.memory_space<semaphore_mem>>
    %dma_wait3A_181 = tpu.memref_squeeze %dma_wait3A_180 : memref<1x!tpu.dma_semaphore, #tpu.memory_space<semaphore_mem>> -> memref<!tpu.dma_semaphore, #tpu.memory_space<semaphore_mem>>
    tpu.wait_indirect_dma semaphore(%dma_wait3A_181 : memref<!tpu.dma_semaphore, #tpu.memory_space<semaphore_mem>>) src(%dma_wait3A_173 : memref<128x64xf32, #tpu.memory_space<vmem>>) dst(%dma_wait3A_179 : memref<10000x64xf32, #tpu.memory_space<vmem_shared>>)
    %dma_wait3A_182 = arith.constant 3 : i32
    %dma_wait3A_183 = arith.constant 0 : i32
    %dma_wait3A_184 = arith.constant 3 : i32
    %dma_wait3A_185 = arith.constant 0 : i32
    %dma_wait3A_186 = arith.constant 0 : i32
    %dma_wait3A_187 = tpu.memref_slice %arg8[%dma_wait3A_182, %dma_wait3A_185, %dma_wait3A_186] : memref<8x128x64xf32, #tpu.memory_space<vmem>> -> memref<1x128x64xf32, #tpu.memory_space<vmem>>
    %dma_wait3A_188 = tpu.memref_squeeze %dma_wait3A_187 : memref<1x128x64xf32, #tpu.memory_space<vmem>> -> memref<128x64xf32, #tpu.memory_space<vmem>>
    %dma_wait3A_189 = arith.constant 0 : i32
    %dma_wait3A_190 = tpu.memref_slice %arg7[%dma_wait3A_183, %dma_wait3A_189] : memref<79x128xi32, #tpu.memory_space<vmem>> -> memref<1x128xi32, #tpu.memory_space<vmem>>
    %dma_wait3A_191 = tpu.memref_squeeze %dma_wait3A_190 : memref<1x128xi32, #tpu.memory_space<vmem>> -> memref<128xi32, #tpu.memory_space<vmem>>
    %dma_wait3A_192 = arith.constant 0 : i32
    %dma_wait3A_193 = arith.constant 0 : i32
    %dma_wait3A_194 = tpu.memref_slice %arg9[%dma_wait3A_192, %dma_wait3A_193] : memref<10000x64xf32, #tpu.memory_space<vmem_shared>> -> memref<10000x64xf32, #tpu.memory_space<vmem_shared>>
    %dma_wait3A_195 = tpu.memref_slice %arg11[%dma_wait3A_184] : memref<8x!tpu.dma_semaphore, #tpu.memory_space<semaphore_mem>> -> memref<1x!tpu.dma_semaphore, #tpu.memory_space<semaphore_mem>>
    %dma_wait3A_196 = tpu.memref_squeeze %dma_wait3A_195 : memref<1x!tpu.dma_semaphore, #tpu.memory_space<semaphore_mem>> -> memref<!tpu.dma_semaphore, #tpu.memory_space<semaphore_mem>>
    tpu.wait_indirect_dma semaphore(%dma_wait3A_196 : memref<!tpu.dma_semaphore, #tpu.memory_space<semaphore_mem>>) src(%dma_wait3A_188 : memref<128x64xf32, #tpu.memory_space<vmem>>) dst(%dma_wait3A_194 : memref<10000x64xf32, #tpu.memory_space<vmem_shared>>)
    %dma_wait3A_197 = arith.constant 4 : i32
    %dma_wait3A_198 = arith.constant 0 : i32
    %dma_wait3A_199 = arith.constant 4 : i32
    %dma_wait3A_200 = arith.constant 0 : i32
    %dma_wait3A_201 = arith.constant 0 : i32
    %dma_wait3A_202 = tpu.memref_slice %arg8[%dma_wait3A_197, %dma_wait3A_200, %dma_wait3A_201] : memref<8x128x64xf32, #tpu.memory_space<vmem>> -> memref<1x128x64xf32, #tpu.memory_space<vmem>>
    %dma_wait3A_203 = tpu.memref_squeeze %dma_wait3A_202 : memref<1x128x64xf32, #tpu.memory_space<vmem>> -> memref<128x64xf32, #tpu.memory_space<vmem>>
    %dma_wait3A_204 = arith.constant 0 : i32
    %dma_wait3A_205 = tpu.memref_slice %arg7[%dma_wait3A_198, %dma_wait3A_204] : memref<79x128xi32, #tpu.memory_space<vmem>> -> memref<1x128xi32, #tpu.memory_space<vmem>>
    %dma_wait3A_206 = tpu.memref_squeeze %dma_wait3A_205 : memref<1x128xi32, #tpu.memory_space<vmem>> -> memref<128xi32, #tpu.memory_space<vmem>>
    %dma_wait3A_207 = arith.constant 0 : i32
    %dma_wait3A_208 = arith.constant 0 : i32
    %dma_wait3A_209 = tpu.memref_slice %arg9[%dma_wait3A_207, %dma_wait3A_208] : memref<10000x64xf32, #tpu.memory_space<vmem_shared>> -> memref<10000x64xf32, #tpu.memory_space<vmem_shared>>
    %dma_wait3A_210 = tpu.memref_slice %arg11[%dma_wait3A_199] : memref<8x!tpu.dma_semaphore, #tpu.memory_space<semaphore_mem>> -> memref<1x!tpu.dma_semaphore, #tpu.memory_space<semaphore_mem>>
    %dma_wait3A_211 = tpu.memref_squeeze %dma_wait3A_210 : memref<1x!tpu.dma_semaphore, #tpu.memory_space<semaphore_mem>> -> memref<!tpu.dma_semaphore, #tpu.memory_space<semaphore_mem>>
    tpu.wait_indirect_dma semaphore(%dma_wait3A_211 : memref<!tpu.dma_semaphore, #tpu.memory_space<semaphore_mem>>) src(%dma_wait3A_203 : memref<128x64xf32, #tpu.memory_space<vmem>>) dst(%dma_wait3A_209 : memref<10000x64xf32, #tpu.memory_space<vmem_shared>>)
    %dma_wait3A_212 = arith.constant 5 : i32
    %dma_wait3A_213 = arith.constant 0 : i32
    %dma_wait3A_214 = arith.constant 5 : i32
    %dma_wait3A_215 = arith.constant 0 : i32
    %dma_wait3A_216 = arith.constant 0 : i32
    %dma_wait3A_217 = tpu.memref_slice %arg8[%dma_wait3A_212, %dma_wait3A_215, %dma_wait3A_216] : memref<8x128x64xf32, #tpu.memory_space<vmem>> -> memref<1x128x64xf32, #tpu.memory_space<vmem>>
    %dma_wait3A_218 = tpu.memref_squeeze %dma_wait3A_217 : memref<1x128x64xf32, #tpu.memory_space<vmem>> -> memref<128x64xf32, #tpu.memory_space<vmem>>
    %dma_wait3A_219 = arith.constant 0 : i32
    %dma_wait3A_220 = tpu.memref_slice %arg7[%dma_wait3A_213, %dma_wait3A_219] : memref<79x128xi32, #tpu.memory_space<vmem>> -> memref<1x128xi32, #tpu.memory_space<vmem>>
    %dma_wait3A_221 = tpu.memref_squeeze %dma_wait3A_220 : memref<1x128xi32, #tpu.memory_space<vmem>> -> memref<128xi32, #tpu.memory_space<vmem>>
    %dma_wait3A_222 = arith.constant 0 : i32
    %dma_wait3A_223 = arith.constant 0 : i32
    %dma_wait3A_224 = tpu.memref_slice %arg9[%dma_wait3A_222, %dma_wait3A_223] : memref<10000x64xf32, #tpu.memory_space<vmem_shared>> -> memref<10000x64xf32, #tpu.memory_space<vmem_shared>>
    %dma_wait3A_225 = tpu.memref_slice %arg11[%dma_wait3A_214] : memref<8x!tpu.dma_semaphore, #tpu.memory_space<semaphore_mem>> -> memref<1x!tpu.dma_semaphore, #tpu.memory_space<semaphore_mem>>
    %dma_wait3A_226 = tpu.memref_squeeze %dma_wait3A_225 : memref<1x!tpu.dma_semaphore, #tpu.memory_space<semaphore_mem>> -> memref<!tpu.dma_semaphore, #tpu.memory_space<semaphore_mem>>
    tpu.wait_indirect_dma semaphore(%dma_wait3A_226 : memref<!tpu.dma_semaphore, #tpu.memory_space<semaphore_mem>>) src(%dma_wait3A_218 : memref<128x64xf32, #tpu.memory_space<vmem>>) dst(%dma_wait3A_224 : memref<10000x64xf32, #tpu.memory_space<vmem_shared>>)
    %dma_wait3A_227 = arith.constant 6 : i32
    %dma_wait3A_228 = arith.constant 0 : i32
    %dma_wait3A_229 = arith.constant 6 : i32
    %dma_wait3A_230 = arith.constant 0 : i32
    %dma_wait3A_231 = arith.constant 0 : i32
    %dma_wait3A_232 = tpu.memref_slice %arg8[%dma_wait3A_227, %dma_wait3A_230, %dma_wait3A_231] : memref<8x128x64xf32, #tpu.memory_space<vmem>> -> memref<1x128x64xf32, #tpu.memory_space<vmem>>
    %dma_wait3A_233 = tpu.memref_squeeze %dma_wait3A_232 : memref<1x128x64xf32, #tpu.memory_space<vmem>> -> memref<128x64xf32, #tpu.memory_space<vmem>>
    %dma_wait3A_234 = arith.constant 0 : i32
    %dma_wait3A_235 = tpu.memref_slice %arg7[%dma_wait3A_228, %dma_wait3A_234] : memref<79x128xi32, #tpu.memory_space<vmem>> -> memref<1x128xi32, #tpu.memory_space<vmem>>
    %dma_wait3A_236 = tpu.memref_squeeze %dma_wait3A_235 : memref<1x128xi32, #tpu.memory_space<vmem>> -> memref<128xi32, #tpu.memory_space<vmem>>
    %dma_wait3A_237 = arith.constant 0 : i32
    %dma_wait3A_238 = arith.constant 0 : i32
    %dma_wait3A_239 = tpu.memref_slice %arg9[%dma_wait3A_237, %dma_wait3A_238] : memref<10000x64xf32, #tpu.memory_space<vmem_shared>> -> memref<10000x64xf32, #tpu.memory_space<vmem_shared>>
    %dma_wait3A_240 = tpu.memref_slice %arg11[%dma_wait3A_229] : memref<8x!tpu.dma_semaphore, #tpu.memory_space<semaphore_mem>> -> memref<1x!tpu.dma_semaphore, #tpu.memory_space<semaphore_mem>>
    %dma_wait3A_241 = tpu.memref_squeeze %dma_wait3A_240 : memref<1x!tpu.dma_semaphore, #tpu.memory_space<semaphore_mem>> -> memref<!tpu.dma_semaphore, #tpu.memory_space<semaphore_mem>>
    tpu.wait_indirect_dma semaphore(%dma_wait3A_241 : memref<!tpu.dma_semaphore, #tpu.memory_space<semaphore_mem>>) src(%dma_wait3A_233 : memref<128x64xf32, #tpu.memory_space<vmem>>) dst(%dma_wait3A_239 : memref<10000x64xf32, #tpu.memory_space<vmem_shared>>)
    %dma_wait3A_242 = arith.constant 7 : i32
    %dma_wait3A_243 = arith.constant 0 : i32
    %dma_wait3A_244 = arith.constant 7 : i32
    %dma_wait3A_245 = arith.constant 0 : i32
    %dma_wait3A_246 = arith.constant 0 : i32
    %dma_wait3A_247 = tpu.memref_slice %arg8[%dma_wait3A_242, %dma_wait3A_245, %dma_wait3A_246] : memref<8x128x64xf32, #tpu.memory_space<vmem>> -> memref<1x128x64xf32, #tpu.memory_space<vmem>>
    %dma_wait3A_248 = tpu.memref_squeeze %dma_wait3A_247 : memref<1x128x64xf32, #tpu.memory_space<vmem>> -> memref<128x64xf32, #tpu.memory_space<vmem>>
    %dma_wait3A_249 = arith.constant 0 : i32
    %dma_wait3A_250 = tpu.memref_slice %arg7[%dma_wait3A_243, %dma_wait3A_249] : memref<79x128xi32, #tpu.memory_space<vmem>> -> memref<1x128xi32, #tpu.memory_space<vmem>>
    %dma_wait3A_251 = tpu.memref_squeeze %dma_wait3A_250 : memref<1x128xi32, #tpu.memory_space<vmem>> -> memref<128xi32, #tpu.memory_space<vmem>>
    %dma_wait3A_252 = arith.constant 0 : i32
    %dma_wait3A_253 = arith.constant 0 : i32
    %dma_wait3A_254 = tpu.memref_slice %arg9[%dma_wait3A_252, %dma_wait3A_253] : memref<10000x64xf32, #tpu.memory_space<vmem_shared>> -> memref<10000x64xf32, #tpu.memory_space<vmem_shared>>
    %dma_wait3A_255 = tpu.memref_slice %arg11[%dma_wait3A_244] : memref<8x!tpu.dma_semaphore, #tpu.memory_space<semaphore_mem>> -> memref<1x!tpu.dma_semaphore, #tpu.memory_space<semaphore_mem>>
    %dma_wait3A_256 = tpu.memref_squeeze %dma_wait3A_255 : memref<1x!tpu.dma_semaphore, #tpu.memory_space<semaphore_mem>> -> memref<!tpu.dma_semaphore, #tpu.memory_space<semaphore_mem>>
    tpu.wait_indirect_dma semaphore(%dma_wait3A_256 : memref<!tpu.dma_semaphore, #tpu.memory_space<semaphore_mem>>) src(%dma_wait3A_248 : memref<128x64xf32, #tpu.memory_space<vmem>>) dst(%dma_wait3A_254 : memref<10000x64xf32, #tpu.memory_space<vmem_shared>>)
    %lt3A_257 = arith.constant 4 : i32
    %lt3A_258 = arith.cmpi slt, %add3A, %lt3A_257 : i32
    %convert_element_type3A_259 = arith.extui %lt3A_258 : i1 to i32
    %cond3A_260 = arith.constant 0 : i32
    %cond3A_261 = arith.cmpi ne, %convert_element_type3A_259, %cond3A_260 : i32
    scf.if %cond3A_261 {
      %dma_start3A_272 = arith.constant 78 : i32
      %dma_start3A_273 = arith.constant 0 : i32
      %dma_start3A_274 = arith.constant 0 : i32
      %dma_start3A_275 = arith.constant 0 : i32
      %dma_start3A_276 = arith.constant 0 : i32
      %dma_start3A_277 = tpu.memref_slice %arg8[%dma_start3A_273, %dma_start3A_275, %dma_start3A_276] : memref<8x128x64xf32, #tpu.memory_space<vmem>> -> memref<1x128x64xf32, #tpu.memory_space<vmem>>
      %dma_start3A_278 = tpu.memref_squeeze %dma_start3A_277 : memref<1x128x64xf32, #tpu.memory_space<vmem>> -> memref<128x64xf32, #tpu.memory_space<vmem>>
      %dma_start3A_279 = arith.constant 0 : i32
      %dma_start3A_280 = tpu.memref_slice %arg6[%dma_start3A_272, %dma_start3A_279] : memref<79x128xi32, #tpu.memory_space<vmem>> -> memref<1x128xi32, #tpu.memory_space<vmem>>
      %dma_start3A_281 = tpu.memref_squeeze %dma_start3A_280 : memref<1x128xi32, #tpu.memory_space<vmem>> -> memref<128xi32, #tpu.memory_space<vmem>>
      %dma_start3A_282 = arith.constant 0 : i32
      %dma_start3A_283 = arith.constant 0 : i32
      %dma_start3A_284 = tpu.memref_slice %arg2[%dma_start3A_282, %dma_start3A_283] : memref<10000x64xf32, #tpu.memory_space<hbm>> -> memref<10000x64xf32, #tpu.memory_space<hbm>>
      %dma_start3A_285 = tpu.memref_slice %arg10[%dma_start3A_274] : memref<8x!tpu.dma_semaphore, #tpu.memory_space<semaphore_mem>> -> memref<1x!tpu.dma_semaphore, #tpu.memory_space<semaphore_mem>>
      %dma_start3A_286 = tpu.memref_squeeze %dma_start3A_285 : memref<1x!tpu.dma_semaphore, #tpu.memory_space<semaphore_mem>> -> memref<!tpu.dma_semaphore, #tpu.memory_space<semaphore_mem>>
      tpu.enqueue_indirect_dma source(%dma_start3A_284 : memref<10000x64xf32, #tpu.memory_space<hbm>>) target(%dma_start3A_278 : memref<128x64xf32, #tpu.memory_space<vmem>>) offsets(%dma_start3A_281 : memref<128xi32, #tpu.memory_space<vmem>>) semaphore(%dma_start3A_286 : memref<!tpu.dma_semaphore, #tpu.memory_space<semaphore_mem>>)
      %dma_wait3A_287 = arith.constant 78 : i32
      %dma_wait3A_288 = arith.constant 0 : i32
      %dma_wait3A_289 = arith.constant 0 : i32
      %dma_wait3A_290 = arith.constant 0 : i32
      %dma_wait3A_291 = arith.constant 0 : i32
      %dma_wait3A_292 = tpu.memref_slice %arg8[%dma_wait3A_288, %dma_wait3A_290, %dma_wait3A_291] : memref<8x128x64xf32, #tpu.memory_space<vmem>> -> memref<1x128x64xf32, #tpu.memory_space<vmem>>
      %dma_wait3A_293 = tpu.memref_squeeze %dma_wait3A_292 : memref<1x128x64xf32, #tpu.memory_space<vmem>> -> memref<128x64xf32, #tpu.memory_space<vmem>>
      %dma_wait3A_294 = arith.constant 0 : i32
      %dma_wait3A_295 = tpu.memref_slice %arg6[%dma_wait3A_287, %dma_wait3A_294] : memref<79x128xi32, #tpu.memory_space<vmem>> -> memref<1x128xi32, #tpu.memory_space<vmem>>
      %dma_wait3A_296 = tpu.memref_squeeze %dma_wait3A_295 : memref<1x128xi32, #tpu.memory_space<vmem>> -> memref<128xi32, #tpu.memory_space<vmem>>
      %dma_wait3A_297 = arith.constant 0 : i32
      %dma_wait3A_298 = arith.constant 0 : i32
      %dma_wait3A_299 = tpu.memref_slice %arg2[%dma_wait3A_297, %dma_wait3A_298] : memref<10000x64xf32, #tpu.memory_space<hbm>> -> memref<10000x64xf32, #tpu.memory_space<hbm>>
      %dma_wait3A_300 = tpu.memref_slice %arg10[%dma_wait3A_289] : memref<8x!tpu.dma_semaphore, #tpu.memory_space<semaphore_mem>> -> memref<1x!tpu.dma_semaphore, #tpu.memory_space<semaphore_mem>>
      %dma_wait3A_301 = tpu.memref_squeeze %dma_wait3A_300 : memref<1x!tpu.dma_semaphore, #tpu.memory_space<semaphore_mem>> -> memref<!tpu.dma_semaphore, #tpu.memory_space<semaphore_mem>>
      tpu.wait_indirect_dma semaphore(%dma_wait3A_301 : memref<!tpu.dma_semaphore, #tpu.memory_space<semaphore_mem>>) src(%dma_wait3A_299 : memref<10000x64xf32, #tpu.memory_space<hbm>>) dst(%dma_wait3A_293 : memref<128x64xf32, #tpu.memory_space<vmem>>)
      %run_scoped3A_302 = arith.constant 0 : i32
      %run_scoped3A_303 = arith.constant 78 : i32
      "tpu.region"() ({
        %run_scoped3A_304 = tpu.sem_alloc : memref<!tpu.dma_semaphore, #tpu.memory_space<semaphore_mem>>
        %dma_start3A_305 = arith.constant 0 : i32
        %dma_start3A_306 = arith.constant 0 : i32
        %dma_start3A_307 = tpu.memref_slice %arg8[%run_scoped3A_302, %dma_start3A_305, %dma_start3A_306] : memref<8x128x64xf32, #tpu.memory_space<vmem>> -> memref<1x128x64xf32, #tpu.memory_space<vmem>>
        %dma_start3A_308 = tpu.memref_squeeze %dma_start3A_307 : memref<1x128x64xf32, #tpu.memory_space<vmem>> -> memref<128x64xf32, #tpu.memory_space<vmem>>
        %dma_start3A_309 = arith.constant 0 : i32
        %dma_start3A_310 = tpu.memref_slice %arg7[%run_scoped3A_303, %dma_start3A_309] : memref<79x128xi32, #tpu.memory_space<vmem>> -> memref<1x128xi32, #tpu.memory_space<vmem>>
        %dma_start3A_311 = tpu.memref_squeeze %dma_start3A_310 : memref<1x128xi32, #tpu.memory_space<vmem>> -> memref<128xi32, #tpu.memory_space<vmem>>
        %dma_start3A_312 = arith.constant 0 : i32
        %dma_start3A_313 = arith.constant 0 : i32
        %dma_start3A_314 = tpu.memref_slice %arg9[%dma_start3A_312, %dma_start3A_313] : memref<10000x64xf32, #tpu.memory_space<vmem_shared>> -> memref<10000x64xf32, #tpu.memory_space<vmem_shared>>
        tpu.enqueue_indirect_dma source(%dma_start3A_308 : memref<128x64xf32, #tpu.memory_space<vmem>>) target(%dma_start3A_314 : memref<10000x64xf32, #tpu.memory_space<vmem_shared>>) offsets(%dma_start3A_311 : memref<128xi32, #tpu.memory_space<vmem>>) semaphore(%run_scoped3A_304 : memref<!tpu.dma_semaphore, #tpu.memory_space<semaphore_mem>>) {add = true}
        %dma_wait3A_315 = arith.constant 0 : i32
        %dma_wait3A_316 = arith.constant 0 : i32
        %dma_wait3A_317 = tpu.memref_slice %arg8[%run_scoped3A_302, %dma_wait3A_315, %dma_wait3A_316] : memref<8x128x64xf32, #tpu.memory_space<vmem>> -> memref<1x128x64xf32, #tpu.memory_space<vmem>>
        %dma_wait3A_318 = tpu.memref_squeeze %dma_wait3A_317 : memref<1x128x64xf32, #tpu.memory_space<vmem>> -> memref<128x64xf32, #tpu.memory_space<vmem>>
        %dma_wait3A_319 = arith.constant 0 : i32
        %dma_wait3A_320 = tpu.memref_slice %arg7[%run_scoped3A_303, %dma_wait3A_319] : memref<79x128xi32, #tpu.memory_space<vmem>> -> memref<1x128xi32, #tpu.memory_space<vmem>>
        %dma_wait3A_321 = tpu.memref_squeeze %dma_wait3A_320 : memref<1x128xi32, #tpu.memory_space<vmem>> -> memref<128xi32, #tpu.memory_space<vmem>>
        %dma_wait3A_322 = arith.constant 0 : i32
        %dma_wait3A_323 = arith.constant 0 : i32
        %dma_wait3A_324 = tpu.memref_slice %arg9[%dma_wait3A_322, %dma_wait3A_323] : memref<10000x64xf32, #tpu.memory_space<vmem_shared>> -> memref<10000x64xf32, #tpu.memory_space<vmem_shared>>
        tpu.wait_indirect_dma semaphore(%run_scoped3A_304 : memref<!tpu.dma_semaphore, #tpu.memory_space<semaphore_mem>>) src(%dma_wait3A_318 : memref<128x64xf32, #tpu.memory_space<vmem>>) dst(%dma_wait3A_324 : memref<10000x64xf32, #tpu.memory_space<vmem_shared>>)
        tpu.yield
      }) : () -> ()
    } else {
    }
    %barrier3A_262 = arith.constant 0 : index
    tpu.barrier barrier_id(%barrier3A_262)
    %mul3A_263 = arith.constant 624 : i32
    %mul3A_264 = arith.muli %arg1, %mul3A_263 : i32
    %mul3A_265 = arith.constant 624 : i32
    %mul3A_266 = arith.muli %arg1, %mul3A_265 : i32
    "tpu.region"() ({
      %run_scoped3A_272 = tpu.sem_alloc : memref<!tpu.dma_semaphore, #tpu.memory_space<semaphore_mem>>
      %dma_start3A_273 = arith.constant 0 : i32
      %dma_start3A_274 = tpu.memref_slice %arg5[%arg0, %mul3A_266, %dma_start3A_273] : memref<2x10000x64xf32, #tpu.memory_space<hbm>> -> memref<1x624x64xf32, #tpu.memory_space<hbm>>
      %dma_start3A_275 = tpu.memref_squeeze %dma_start3A_274 : memref<1x624x64xf32, #tpu.memory_space<hbm>> -> memref<624x64xf32, #tpu.memory_space<hbm>>
      %dma_start3A_276 = arith.constant 0 : i32
      %dma_start3A_277 = tpu.memref_slice %arg9[%mul3A_264, %dma_start3A_276] : memref<10000x64xf32, #tpu.memory_space<vmem_shared>> -> memref<624x64xf32, #tpu.memory_space<vmem_shared>>
      tpu.enqueue_dma source(%dma_start3A_277 : memref<624x64xf32, #tpu.memory_space<vmem_shared>>) target(%dma_start3A_275 : memref<624x64xf32, #tpu.memory_space<hbm>>) target_semaphore(%run_scoped3A_272 : memref<!tpu.dma_semaphore, #tpu.memory_space<semaphore_mem>>)
      %dma_wait3A_278 = arith.constant 0 : i32
      %dma_wait3A_279 = tpu.memref_slice %arg5[%arg0, %mul3A_266, %dma_wait3A_278] : memref<2x10000x64xf32, #tpu.memory_space<hbm>> -> memref<1x624x64xf32, #tpu.memory_space<hbm>>
      %dma_wait3A_280 = tpu.memref_squeeze %dma_wait3A_279 : memref<1x624x64xf32, #tpu.memory_space<hbm>> -> memref<624x64xf32, #tpu.memory_space<hbm>>
      %dma_wait3A_281 = arith.constant 0 : i32
      %dma_wait3A_282 = tpu.memref_slice %arg9[%mul3A_264, %dma_wait3A_281] : memref<10000x64xf32, #tpu.memory_space<vmem_shared>> -> memref<624x64xf32, #tpu.memory_space<vmem_shared>>
      tpu.wait_dma2 semaphore(%run_scoped3A_272 : memref<!tpu.dma_semaphore, #tpu.memory_space<semaphore_mem>>) src(%dma_wait3A_282 : memref<624x64xf32, #tpu.memory_space<vmem_shared>>) dst(%dma_wait3A_280 : memref<624x64xf32, #tpu.memory_space<hbm>>)
      tpu.yield
    }) : () -> ()
    %eq3A_267 = arith.constant 0 : i32
    %eq3A_268 = arith.cmpi eq, %arg1, %eq3A_267 : i32
    %convert_element_type3A_269 = arith.extui %eq3A_268 : i1 to i32
    %cond3A_270 = arith.constant 0 : i32
    %cond3A_271 = arith.cmpi ne, %convert_element_type3A_269, %cond3A_270 : i32
    scf.if %cond3A_271 {
      "tpu.region"() ({
        %run_scoped3A_272 = tpu.sem_alloc : memref<!tpu.dma_semaphore, #tpu.memory_space<semaphore_mem>>
        %dma_start3A_273 = arith.constant 9984 : i32
        %dma_start3A_274 = arith.constant 0 : i32
        %dma_start3A_275 = tpu.memref_slice %arg5[%arg0, %dma_start3A_273, %dma_start3A_274] : memref<2x10000x64xf32, #tpu.memory_space<hbm>> -> memref<1x16x64xf32, #tpu.memory_space<hbm>>
        %dma_start3A_276 = tpu.memref_squeeze %dma_start3A_275 : memref<1x16x64xf32, #tpu.memory_space<hbm>> -> memref<16x64xf32, #tpu.memory_space<hbm>>
        %dma_start3A_277 = arith.constant 9984 : i32
        %dma_start3A_278 = arith.constant 0 : i32
        %dma_start3A_279 = tpu.memref_slice %arg9[%dma_start3A_277, %dma_start3A_278] : memref<10000x64xf32, #tpu.memory_space<vmem_shared>> -> memref<16x64xf32, #tpu.memory_space<vmem_shared>>
        tpu.enqueue_dma source(%dma_start3A_279 : memref<16x64xf32, #tpu.memory_space<vmem_shared>>) target(%dma_start3A_276 : memref<16x64xf32, #tpu.memory_space<hbm>>) target_semaphore(%run_scoped3A_272 : memref<!tpu.dma_semaphore, #tpu.memory_space<semaphore_mem>>)
        %dma_wait3A_280 = arith.constant 9984 : i32
        %dma_wait3A_281 = arith.constant 0 : i32
        %dma_wait3A_282 = tpu.memref_slice %arg5[%arg0, %dma_wait3A_280, %dma_wait3A_281] : memref<2x10000x64xf32, #tpu.memory_space<hbm>> -> memref<1x16x64xf32, #tpu.memory_space<hbm>>
        %dma_wait3A_283 = tpu.memref_squeeze %dma_wait3A_282 : memref<1x16x64xf32, #tpu.memory_space<hbm>> -> memref<16x64xf32, #tpu.memory_space<hbm>>
        %dma_wait3A_284 = arith.constant 9984 : i32
        %dma_wait3A_285 = arith.constant 0 : i32
        %dma_wait3A_286 = tpu.memref_slice %arg9[%dma_wait3A_284, %dma_wait3A_285] : memref<10000x64xf32, #tpu.memory_space<vmem_shared>> -> memref<16x64xf32, #tpu.memory_space<vmem_shared>>
        tpu.wait_dma2 semaphore(%run_scoped3A_272 : memref<!tpu.dma_semaphore, #tpu.memory_space<semaphore_mem>>) src(%dma_wait3A_286 : memref<16x64xf32, #tpu.memory_space<vmem_shared>>) dst(%dma_wait3A_283 : memref<16x64xf32, #tpu.memory_space<hbm>>)
        tpu.yield
      }) : () -> ()
    } else {
    }
    return
  }
}

#map = affine_map<(d0, d1) -> (0, 0)>
#map1 = affine_map<(d0, d1) -> (0, 0, 0)>
module attributes {stable_mosaic.version = 14 : i64} {
  func.func @k(%arg0: i32, %arg1: i32, %arg2: memref<10000x64xf32, #tpu.memory_space<hbm>>, %arg3: memref<2x2500x128xi32, #tpu.memory_space<hbm>>, %arg4: memref<624x64xf32, #tpu.memory_space<hbm>>, %arg5: memref<2x10000x64xf32, #tpu.memory_space<hbm>>, %arg6: memref<79x128xi32, #tpu.memory_space<vmem>>, %arg7: memref<79x128xi32, #tpu.memory_space<vmem>>, %arg8: memref<8x128x64xf32, #tpu.memory_space<vmem>>, %arg9: memref<10000x64xf32, #tpu.memory_space<vmem_shared>>, %arg10: memref<8x!tpu.dma_semaphore, #tpu.memory_space<semaphore_mem>>, %arg11: memref<8x!tpu.dma_semaphore, #tpu.memory_space<semaphore_mem>>) attributes {dimension_semantics = [#tpu.dimension_semantics<core_parallel>, #tpu.dimension_semantics<subcore_parallel>], iteration_bounds = array<i64: 2, 16>, scalar_prefetch = 0 : i64, scratch_operands = 6 : i64, tpu.core_type = #tpu.core_type<sc_vector_subcore>, window_params = [{transform_indices = #map}, {transform_indices = #map1}, {transform_indices = #map}, {transform_indices = #map1}]} {
    %mul3A = arith.constant 2 : i32
    %mul3A_0 = arith.muli %arg1, %mul3A : i32
    %add3A = arith.addi %mul3A_0, %arg0 : i32
    %mul3A_1 = arith.constant 624 : i32
    %mul3A_2 = arith.muli %arg1, %mul3A_1 : i32
    "tpu.region"() ({
      %run_scoped3A_272 = tpu.sem_alloc : memref<!tpu.dma_semaphore, #tpu.memory_space<semaphore_mem>>
      %dma_start3A_273 = arith.constant 0 : i32
      %dma_start3A_274 = tpu.memref_slice %arg9[%mul3A_2, %dma_start3A_273] : memref<10000x64xf32, #tpu.memory_space<vmem_shared>> -> memref<624x64xf32, #tpu.memory_space<vmem_shared>>
      tpu.enqueue_dma source(%arg4 : memref<624x64xf32, #tpu.memory_space<hbm>>) target(%dma_start3A_274 : memref<624x64xf32, #tpu.memory_space<vmem_shared>>) target_semaphore(%run_scoped3A_272 : memref<!tpu.dma_semaphore, #tpu.memory_space<semaphore_mem>>)
      %dma_wait3A_275 = arith.constant 0 : i32
      %dma_wait3A_276 = tpu.memref_slice %arg9[%mul3A_2, %dma_wait3A_275] : memref<10000x64xf32, #tpu.memory_space<vmem_shared>> -> memref<624x64xf32, #tpu.memory_space<vmem_shared>>
      tpu.wait_dma2 semaphore(%run_scoped3A_272 : memref<!tpu.dma_semaphore, #tpu.memory_space<semaphore_mem>>) src(%arg4 : memref<624x64xf32, #tpu.memory_space<hbm>>) dst(%dma_wait3A_276 : memref<624x64xf32, #tpu.memory_space<vmem_shared>>)
      tpu.yield
    }) : () -> ()
    %eq3A = arith.constant 0 : i32
    %eq3A_3 = arith.cmpi eq, %arg1, %eq3A : i32
    %convert_element_type3A = arith.extui %eq3A_3 : i1 to i32
    %cond3A = arith.constant 0 : i32
    %cond3A_4 = arith.cmpi ne, %convert_element_type3A, %cond3A : i32
    scf.if %cond3A_4 {
      "tpu.region"() ({
        %run_scoped3A_272 = tpu.sem_alloc : memref<!tpu.dma_semaphore, #tpu.memory_space<semaphore_mem>>
        %dma_start3A_273 = arith.constant 9984 : i32
        %dma_start3A_274 = arith.constant 0 : i32
        %dma_start3A_275 = tpu.memref_slice %arg9[%dma_start3A_273, %dma_start3A_274] : memref<10000x64xf32, #tpu.memory_space<vmem_shared>> -> memref<16x64xf32, #tpu.memory_space<vmem_shared>>
        %dma_start3A_276 = arith.constant 0 : i32
        %dma_start3A_277 = arith.constant 0 : i32
        %dma_start3A_278 = tpu.memref_slice %arg4[%dma_start3A_276, %dma_start3A_277] : memref<624x64xf32, #tpu.memory_space<hbm>> -> memref<16x64xf32, #tpu.memory_space<hbm>>
        tpu.enqueue_dma source(%dma_start3A_278 : memref<16x64xf32, #tpu.memory_space<hbm>>) target(%dma_start3A_275 : memref<16x64xf32, #tpu.memory_space<vmem_shared>>) target_semaphore(%run_scoped3A_272 : memref<!tpu.dma_semaphore, #tpu.memory_space<semaphore_mem>>)
        %dma_wait3A_279 = arith.constant 9984 : i32
        %dma_wait3A_280 = arith.constant 0 : i32
        %dma_wait3A_281 = tpu.memref_slice %arg9[%dma_wait3A_279, %dma_wait3A_280] : memref<10000x64xf32, #tpu.memory_space<vmem_shared>> -> memref<16x64xf32, #tpu.memory_space<vmem_shared>>
        %dma_wait3A_282 = arith.constant 0 : i32
        %dma_wait3A_283 = arith.constant 0 : i32
        %dma_wait3A_284 = tpu.memref_slice %arg4[%dma_wait3A_282, %dma_wait3A_283] : memref<624x64xf32, #tpu.memory_space<hbm>> -> memref<16x64xf32, #tpu.memory_space<hbm>>
        tpu.wait_dma2 semaphore(%run_scoped3A_272 : memref<!tpu.dma_semaphore, #tpu.memory_space<semaphore_mem>>) src(%dma_wait3A_284 : memref<16x64xf32, #tpu.memory_space<hbm>>) dst(%dma_wait3A_281 : memref<16x64xf32, #tpu.memory_space<vmem_shared>>)
        tpu.yield
      }) : () -> ()
    } else {
    }
    %mul3A_5 = arith.constant 78 : i32
    %mul3A_6 = arith.muli %add3A, %mul3A_5 : i32
    %min3A = arith.constant 4 : i32
    %min3A_7 = arith.minsi %add3A, %min3A : i32
    %add3A_8 = arith.addi %mul3A_6, %min3A_7 : i32
    %run_scoped3A = arith.constant 0 : i32
    "tpu.region"() ({
      %run_scoped3A_272 = tpu.sem_alloc : memref<!tpu.dma_semaphore, #tpu.memory_space<semaphore_mem>>
      %dma_start3A_273 = arith.constant 0 : i32
      %dma_start3A_274 = arith.constant 0 : i32
      %dma_start3A_275 = tpu.memref_slice %arg6[%dma_start3A_273, %dma_start3A_274] : memref<79x128xi32, #tpu.memory_space<vmem>> -> memref<78x128xi32, #tpu.memory_space<vmem>>
      %dma_start3A_276 = arith.constant 0 : i32
      %dma_start3A_277 = tpu.memref_slice %arg3[%run_scoped3A, %add3A_8, %dma_start3A_276] : memref<2x2500x128xi32, #tpu.memory_space<hbm>> -> memref<1x78x128xi32, #tpu.memory_space<hbm>>
      %dma_start3A_278 = tpu.memref_squeeze %dma_start3A_277 : memref<1x78x128xi32, #tpu.memory_space<hbm>> -> memref<78x128xi32, #tpu.memory_space<hbm>>
      %dma_start3A_279 = arith.constant 0 : i32
      %dma_start3A_280 = arith.constant 0 : i32
      %dma_start3A_281 = tpu.memref_slice %arg6[%dma_start3A_279, %dma_start3A_280] : memref<79x128xi32, #tpu.memory_space<vmem>> -> memref<78x128xi32, #tpu.memory_space<vmem>>
      %dma_start3A_282 = arith.constant 0 : i32
      %dma_start3A_283 = tpu.memref_slice %arg3[%run_scoped3A, %add3A_8, %dma_start3A_282] : memref<2x2500x128xi32, #tpu.memory_space<hbm>> -> memref<1x78x128xi32, #tpu.memory_space<hbm>>
      %dma_start3A_284 = tpu.memref_squeeze %dma_start3A_283 : memref<1x78x128xi32, #tpu.memory_space<hbm>> -> memref<78x128xi32, #tpu.memory_space<hbm>>
      tpu.enqueue_dma source(%dma_start3A_284 : memref<78x128xi32, #tpu.memory_space<hbm>>) target(%dma_start3A_281 : memref<78x128xi32, #tpu.memory_space<vmem>>) target_semaphore(%run_scoped3A_272 : memref<!tpu.dma_semaphore, #tpu.memory_space<semaphore_mem>>)
      %dma_wait3A_285 = arith.constant 0 : i32
      %dma_wait3A_286 = arith.constant 0 : i32
      %dma_wait3A_287 = tpu.memref_slice %arg6[%dma_wait3A_285, %dma_wait3A_286] : memref<79x128xi32, #tpu.memory_space<vmem>> -> memref<78x128xi32, #tpu.memory_space<vmem>>
      %dma_wait3A_288 = arith.constant 0 : i32
      %dma_wait3A_289 = tpu.memref_slice %arg3[%run_scoped3A, %add3A_8, %dma_wait3A_288] : memref<2x2500x128xi32, #tpu.memory_space<hbm>> -> memref<1x78x128xi32, #tpu.memory_space<hbm>>
      %dma_wait3A_290 = tpu.memref_squeeze %dma_wait3A_289 : memref<1x78x128xi32, #tpu.memory_space<hbm>> -> memref<78x128xi32, #tpu.memory_space<hbm>>
      %dma_wait3A_291 = arith.constant 0 : i32
      %dma_wait3A_292 = arith.constant 0 : i32
      %dma_wait3A_293 = tpu.memref_slice %arg6[%dma_wait3A_291, %dma_wait3A_292] : memref<79x128xi32, #tpu.memory_space<vmem>> -> memref<78x128xi32, #tpu.memory_space<vmem>>
      %dma_wait3A_294 = arith.constant 0 : i32
      %dma_wait3A_295 = tpu.memref_slice %arg3[%run_scoped3A, %add3A_8, %dma_wait3A_294] : memref<2x2500x128xi32, #tpu.memory_space<hbm>> -> memref<1x78x128xi32, #tpu.memory_space<hbm>>
      %dma_wait3A_296 = tpu.memref_squeeze %dma_wait3A_295 : memref<1x78x128xi32, #tpu.memory_space<hbm>> -> memref<78x128xi32, #tpu.memory_space<hbm>>
      tpu.wait_dma2 semaphore(%run_scoped3A_272 : memref<!tpu.dma_semaphore, #tpu.memory_space<semaphore_mem>>) src(%dma_wait3A_296 : memref<78x128xi32, #tpu.memory_space<hbm>>) dst(%dma_wait3A_293 : memref<78x128xi32, #tpu.memory_space<vmem>>)
      tpu.yield
    }) : () -> ()
    %run_scoped3A_9 = arith.constant 1 : i32
    "tpu.region"() ({
      %run_scoped3A_272 = tpu.sem_alloc : memref<!tpu.dma_semaphore, #tpu.memory_space<semaphore_mem>>
      %dma_start3A_273 = arith.constant 0 : i32
      %dma_start3A_274 = arith.constant 0 : i32
      %dma_start3A_275 = tpu.memref_slice %arg7[%dma_start3A_273, %dma_start3A_274] : memref<79x128xi32, #tpu.memory_space<vmem>> -> memref<78x128xi32, #tpu.memory_space<vmem>>
      %dma_start3A_276 = arith.constant 0 : i32
      %dma_start3A_277 = tpu.memref_slice %arg3[%run_scoped3A_9, %add3A_8, %dma_start3A_276] : memref<2x2500x128xi32, #tpu.memory_space<hbm>> -> memref<1x78x128xi32, #tpu.memory_space<hbm>>
      %dma_start3A_278 = tpu.memref_squeeze %dma_start3A_277 : memref<1x78x128xi32, #tpu.memory_space<hbm>> -> memref<78x128xi32, #tpu.memory_space<hbm>>
      %dma_start3A_279 = arith.constant 0 : i32
      %dma_start3A_280 = arith.constant 0 : i32
      %dma_start3A_281 = tpu.memref_slice %arg7[%dma_start3A_279, %dma_start3A_280] : memref<79x128xi32, #tpu.memory_space<vmem>> -> memref<78x128xi32, #tpu.memory_space<vmem>>
      %dma_start3A_282 = arith.constant 0 : i32
      %dma_start3A_283 = tpu.memref_slice %arg3[%run_scoped3A_9, %add3A_8, %dma_start3A_282] : memref<2x2500x128xi32, #tpu.memory_space<hbm>> -> memref<1x78x128xi32, #tpu.memory_space<hbm>>
      %dma_start3A_284 = tpu.memref_squeeze %dma_start3A_283 : memref<1x78x128xi32, #tpu.memory_space<hbm>> -> memref<78x128xi32, #tpu.memory_space<hbm>>
      tpu.enqueue_dma source(%dma_start3A_284 : memref<78x128xi32, #tpu.memory_space<hbm>>) target(%dma_start3A_281 : memref<78x128xi32, #tpu.memory_space<vmem>>) target_semaphore(%run_scoped3A_272 : memref<!tpu.dma_semaphore, #tpu.memory_space<semaphore_mem>>)
      %dma_wait3A_285 = arith.constant 0 : i32
      %dma_wait3A_286 = arith.constant 0 : i32
      %dma_wait3A_287 = tpu.memref_slice %arg7[%dma_wait3A_285, %dma_wait3A_286] : memref<79x128xi32, #tpu.memory_space<vmem>> -> memref<78x128xi32, #tpu.memory_space<vmem>>
      %dma_wait3A_288 = arith.constant 0 : i32
      %dma_wait3A_289 = tpu.memref_slice %arg3[%run_scoped3A_9, %add3A_8, %dma_wait3A_288] : memref<2x2500x128xi32, #tpu.memory_space<hbm>> -> memref<1x78x128xi32, #tpu.memory_space<hbm>>
      %dma_wait3A_290 = tpu.memref_squeeze %dma_wait3A_289 : memref<1x78x128xi32, #tpu.memory_space<hbm>> -> memref<78x128xi32, #tpu.memory_space<hbm>>
      %dma_wait3A_291 = arith.constant 0 : i32
      %dma_wait3A_292 = arith.constant 0 : i32
      %dma_wait3A_293 = tpu.memref_slice %arg7[%dma_wait3A_291, %dma_wait3A_292] : memref<79x128xi32, #tpu.memory_space<vmem>> -> memref<78x128xi32, #tpu.memory_space<vmem>>
      %dma_wait3A_294 = arith.constant 0 : i32
      %dma_wait3A_295 = tpu.memref_slice %arg3[%run_scoped3A_9, %add3A_8, %dma_wait3A_294] : memref<2x2500x128xi32, #tpu.memory_space<hbm>> -> memref<1x78x128xi32, #tpu.memory_space<hbm>>
      %dma_wait3A_296 = tpu.memref_squeeze %dma_wait3A_295 : memref<1x78x128xi32, #tpu.memory_space<hbm>> -> memref<78x128xi32, #tpu.memory_space<hbm>>
      tpu.wait_dma2 semaphore(%run_scoped3A_272 : memref<!tpu.dma_semaphore, #tpu.memory_space<semaphore_mem>>) src(%dma_wait3A_296 : memref<78x128xi32, #tpu.memory_space<hbm>>) dst(%dma_wait3A_293 : memref<78x128xi32, #tpu.memory_space<vmem>>)
      tpu.yield
    }) : () -> ()
    %lt3A = arith.constant 4 : i32
    %lt3A_10 = arith.cmpi slt, %add3A, %lt3A : i32
    %convert_element_type3A_11 = arith.extui %lt3A_10 : i1 to i32
    %cond3A_12 = arith.constant 0 : i32
    %cond3A_13 = arith.cmpi ne, %convert_element_type3A_11, %cond3A_12 : i32
    scf.if %cond3A_13 {
      %add3A_272 = arith.constant 78 : i32
      %add3A_273 = arith.addi %add3A_8, %add3A_272 : i32
      %run_scoped3A_274 = arith.constant 0 : i32
      "tpu.region"() ({
        %run_scoped3A_278 = tpu.sem_alloc : memref<!tpu.dma_semaphore, #tpu.memory_space<semaphore_mem>>
        %dma_start3A_279 = arith.constant 78 : i32
        %dma_start3A_280 = arith.constant 0 : i32
        %dma_start3A_281 = tpu.memref_slice %arg6[%dma_start3A_279, %dma_start3A_280] : memref<79x128xi32, #tpu.memory_space<vmem>> -> memref<1x128xi32, #tpu.memory_space<vmem>>
        %dma_start3A_282 = arith.constant 0 : i32
        %dma_start3A_283 = tpu.memref_slice %arg3[%run_scoped3A_274, %add3A_273, %dma_start3A_282] : memref<2x2500x128xi32, #tpu.memory_space<hbm>> -> memref<1x1x128xi32, #tpu.memory_space<hbm>>
        %dma_start3A_284 = tpu.memref_squeeze %dma_start3A_283 : memref<1x1x128xi32, #tpu.memory_space<hbm>> -> memref<1x128xi32, #tpu.memory_space<hbm>>
        %dma_start3A_285 = arith.constant 78 : i32
        %dma_start3A_286 = arith.constant 0 : i32
        %dma_start3A_287 = tpu.memref_slice %arg6[%dma_start3A_285, %dma_start3A_286] : memref<79x128xi32, #tpu.memory_space<vmem>> -> memref<1x128xi32, #tpu.memory_space<vmem>>
        %dma_start3A_288 = arith.constant 0 : i32
        %dma_start3A_289 = tpu.memref_slice %arg3[%run_scoped3A_274, %add3A_273, %dma_start3A_288] : memref<2x2500x128xi32, #tpu.memory_space<hbm>> -> memref<1x1x128xi32, #tpu.memory_space<hbm>>
        %dma_start3A_290 = tpu.memref_squeeze %dma_start3A_289 : memref<1x1x128xi32, #tpu.memory_space<hbm>> -> memref<1x128xi32, #tpu.memory_space<hbm>>
        tpu.enqueue_dma source(%dma_start3A_290 : memref<1x128xi32, #tpu.memory_space<hbm>>) target(%dma_start3A_287 : memref<1x128xi32, #tpu.memory_space<vmem>>) target_semaphore(%run_scoped3A_278 : memref<!tpu.dma_semaphore, #tpu.memory_space<semaphore_mem>>)
        %dma_wait3A_291 = arith.constant 78 : i32
        %dma_wait3A_292 = arith.constant 0 : i32
        %dma_wait3A_293 = tpu.memref_slice %arg6[%dma_wait3A_291, %dma_wait3A_292] : memref<79x128xi32, #tpu.memory_space<vmem>> -> memref<1x128xi32, #tpu.memory_space<vmem>>
        %dma_wait3A_294 = arith.constant 0 : i32
        %dma_wait3A_295 = tpu.memref_slice %arg3[%run_scoped3A_274, %add3A_273, %dma_wait3A_294] : memref<2x2500x128xi32, #tpu.memory_space<hbm>> -> memref<1x1x128xi32, #tpu.memory_space<hbm>>
        %dma_wait3A_296 = tpu.memref_squeeze %dma_wait3A_295 : memref<1x1x128xi32, #tpu.memory_space<hbm>> -> memref<1x128xi32, #tpu.memory_space<hbm>>
        %dma_wait3A_297 = arith.constant 78 : i32
        %dma_wait3A_298 = arith.constant 0 : i32
        %dma_wait3A_299 = tpu.memref_slice %arg6[%dma_wait3A_297, %dma_wait3A_298] : memref<79x128xi32, #tpu.memory_space<vmem>> -> memref<1x128xi32, #tpu.memory_space<vmem>>
        %dma_wait3A_300 = arith.constant 0 : i32
        %dma_wait3A_301 = tpu.memref_slice %arg3[%run_scoped3A_274, %add3A_273, %dma_wait3A_300] : memref<2x2500x128xi32, #tpu.memory_space<hbm>> -> memref<1x1x128xi32, #tpu.memory_space<hbm>>
        %dma_wait3A_302 = tpu.memref_squeeze %dma_wait3A_301 : memref<1x1x128xi32, #tpu.memory_space<hbm>> -> memref<1x128xi32, #tpu.memory_space<hbm>>
        tpu.wait_dma2 semaphore(%run_scoped3A_278 : memref<!tpu.dma_semaphore, #tpu.memory_space<semaphore_mem>>) src(%dma_wait3A_302 : memref<1x128xi32, #tpu.memory_space<hbm>>) dst(%dma_wait3A_299 : memref<1x128xi32, #tpu.memory_space<vmem>>)
        tpu.yield
      }) : () -> ()
      %add3A_275 = arith.constant 78 : i32
      %add3A_276 = arith.addi %add3A_8, %add3A_275 : i32
      %run_scoped3A_277 = arith.constant 1 : i32
      "tpu.region"() ({
        %run_scoped3A_278 = tpu.sem_alloc : memref<!tpu.dma_semaphore, #tpu.memory_space<semaphore_mem>>
        %dma_start3A_279 = arith.constant 78 : i32
        %dma_start3A_280 = arith.constant 0 : i32
        %dma_start3A_281 = tpu.memref_slice %arg7[%dma_start3A_279, %dma_start3A_280] : memref<79x128xi32, #tpu.memory_space<vmem>> -> memref<1x128xi32, #tpu.memory_space<vmem>>
        %dma_start3A_282 = arith.constant 0 : i32
        %dma_start3A_283 = tpu.memref_slice %arg3[%run_scoped3A_277, %add3A_276, %dma_start3A_282] : memref<2x2500x128xi32, #tpu.memory_space<hbm>> -> memref<1x1x128xi32, #tpu.memory_space<hbm>>
        %dma_start3A_284 = tpu.memref_squeeze %dma_start3A_283 : memref<1x1x128xi32, #tpu.memory_space<hbm>> -> memref<1x128xi32, #tpu.memory_space<hbm>>
        %dma_start3A_285 = arith.constant 78 : i32
        %dma_start3A_286 = arith.constant 0 : i32
        %dma_start3A_287 = tpu.memref_slice %arg7[%dma_start3A_285, %dma_start3A_286] : memref<79x128xi32, #tpu.memory_space<vmem>> -> memref<1x128xi32, #tpu.memory_space<vmem>>
        %dma_start3A_288 = arith.constant 0 : i32
        %dma_start3A_289 = tpu.memref_slice %arg3[%run_scoped3A_277, %add3A_276, %dma_start3A_288] : memref<2x2500x128xi32, #tpu.memory_space<hbm>> -> memref<1x1x128xi32, #tpu.memory_space<hbm>>
        %dma_start3A_290 = tpu.memref_squeeze %dma_start3A_289 : memref<1x1x128xi32, #tpu.memory_space<hbm>> -> memref<1x128xi32, #tpu.memory_space<hbm>>
        tpu.enqueue_dma source(%dma_start3A_290 : memref<1x128xi32, #tpu.memory_space<hbm>>) target(%dma_start3A_287 : memref<1x128xi32, #tpu.memory_space<vmem>>) target_semaphore(%run_scoped3A_278 : memref<!tpu.dma_semaphore, #tpu.memory_space<semaphore_mem>>)
        %dma_wait3A_291 = arith.constant 78 : i32
        %dma_wait3A_292 = arith.constant 0 : i32
        %dma_wait3A_293 = tpu.memref_slice %arg7[%dma_wait3A_291, %dma_wait3A_292] : memref<79x128xi32, #tpu.memory_space<vmem>> -> memref<1x128xi32, #tpu.memory_space<vmem>>
        %dma_wait3A_294 = arith.constant 0 : i32
        %dma_wait3A_295 = tpu.memref_slice %arg3[%run_scoped3A_277, %add3A_276, %dma_wait3A_294] : memref<2x2500x128xi32, #tpu.memory_space<hbm>> -> memref<1x1x128xi32, #tpu.memory_space<hbm>>
        %dma_wait3A_296 = tpu.memref_squeeze %dma_wait3A_295 : memref<1x1x128xi32, #tpu.memory_space<hbm>> -> memref<1x128xi32, #tpu.memory_space<hbm>>
        %dma_wait3A_297 = arith.constant 78 : i32
        %dma_wait3A_298 = arith.constant 0 : i32
        %dma_wait3A_299 = tpu.memref_slice %arg7[%dma_wait3A_297, %dma_wait3A_298] : memref<79x128xi32, #tpu.memory_space<vmem>> -> memref<1x128xi32, #tpu.memory_space<vmem>>
        %dma_wait3A_300 = arith.constant 0 : i32
        %dma_wait3A_301 = tpu.memref_slice %arg3[%run_scoped3A_277, %add3A_276, %dma_wait3A_300] : memref<2x2500x128xi32, #tpu.memory_space<hbm>> -> memref<1x1x128xi32, #tpu.memory_space<hbm>>
        %dma_wait3A_302 = tpu.memref_squeeze %dma_wait3A_301 : memref<1x1x128xi32, #tpu.memory_space<hbm>> -> memref<1x128xi32, #tpu.memory_space<hbm>>
        tpu.wait_dma2 semaphore(%run_scoped3A_278 : memref<!tpu.dma_semaphore, #tpu.memory_space<semaphore_mem>>) src(%dma_wait3A_302 : memref<1x128xi32, #tpu.memory_space<hbm>>) dst(%dma_wait3A_299 : memref<1x128xi32, #tpu.memory_space<vmem>>)
        tpu.yield
      }) : () -> ()
    } else {
    }
    %barrier3A = arith.constant 0 : index
    tpu.barrier barrier_id(%barrier3A)
    %dma_start3A = arith.constant 0 : i32
    %dma_start3A_14 = arith.constant 0 : i32
    %dma_start3A_15 = arith.constant 0 : i32
    %dma_start3A_16 = arith.constant 0 : i32
    %dma_start3A_17 = arith.constant 0 : i32
    %dma_start3A_18 = tpu.memref_slice %arg8[%dma_start3A_14, %dma_start3A_16, %dma_start3A_17] : memref<8x128x64xf32, #tpu.memory_space<vmem>> -> memref<1x128x64xf32, #tpu.memory_space<vmem>>
    %dma_start3A_19 = tpu.memref_squeeze %dma_start3A_18 : memref<1x128x64xf32, #tpu.memory_space<vmem>> -> memref<128x64xf32, #tpu.memory_space<vmem>>
    %dma_start3A_20 = arith.constant 0 : i32
    %dma_start3A_21 = tpu.memref_slice %arg6[%dma_start3A, %dma_start3A_20] : memref<79x128xi32, #tpu.memory_space<vmem>> -> memref<1x128xi32, #tpu.memory_space<vmem>>
    %dma_start3A_22 = tpu.memref_squeeze %dma_start3A_21 : memref<1x128xi32, #tpu.memory_space<vmem>> -> memref<128xi32, #tpu.memory_space<vmem>>
    %dma_start3A_23 = arith.constant 0 : i32
    %dma_start3A_24 = arith.constant 0 : i32
    %dma_start3A_25 = tpu.memref_slice %arg2[%dma_start3A_23, %dma_start3A_24] : memref<10000x64xf32, #tpu.memory_space<hbm>> -> memref<10000x64xf32, #tpu.memory_space<hbm>>
    %dma_start3A_26 = tpu.memref_slice %arg10[%dma_start3A_15] : memref<8x!tpu.dma_semaphore, #tpu.memory_space<semaphore_mem>> -> memref<1x!tpu.dma_semaphore, #tpu.memory_space<semaphore_mem>>
    %dma_start3A_27 = tpu.memref_squeeze %dma_start3A_26 : memref<1x!tpu.dma_semaphore, #tpu.memory_space<semaphore_mem>> -> memref<!tpu.dma_semaphore, #tpu.memory_space<semaphore_mem>>
    tpu.enqueue_indirect_dma source(%dma_start3A_25 : memref<10000x64xf32, #tpu.memory_space<hbm>>) target(%dma_start3A_19 : memref<128x64xf32, #tpu.memory_space<vmem>>) offsets(%dma_start3A_22 : memref<128xi32, #tpu.memory_space<vmem>>) semaphore(%dma_start3A_27 : memref<!tpu.dma_semaphore, #tpu.memory_space<semaphore_mem>>)
    %dma_start3A_28 = arith.constant 1 : i32
    %dma_start3A_29 = arith.constant 1 : i32
    %dma_start3A_30 = arith.constant 1 : i32
    %dma_start3A_31 = arith.constant 0 : i32
    %dma_start3A_32 = arith.constant 0 : i32
    %dma_start3A_33 = tpu.memref_slice %arg8[%dma_start3A_29, %dma_start3A_31, %dma_start3A_32] : memref<8x128x64xf32, #tpu.memory_space<vmem>> -> memref<1x128x64xf32, #tpu.memory_space<vmem>>
    %dma_start3A_34 = tpu.memref_squeeze %dma_start3A_33 : memref<1x128x64xf32, #tpu.memory_space<vmem>> -> memref<128x64xf32, #tpu.memory_space<vmem>>
    %dma_start3A_35 = arith.constant 0 : i32
    %dma_start3A_36 = tpu.memref_slice %arg6[%dma_start3A_28, %dma_start3A_35] : memref<79x128xi32, #tpu.memory_space<vmem>> -> memref<1x128xi32, #tpu.memory_space<vmem>>
    %dma_start3A_37 = tpu.memref_squeeze %dma_start3A_36 : memref<1x128xi32, #tpu.memory_space<vmem>> -> memref<128xi32, #tpu.memory_space<vmem>>
    %dma_start3A_38 = arith.constant 0 : i32
    %dma_start3A_39 = arith.constant 0 : i32
    %dma_start3A_40 = tpu.memref_slice %arg2[%dma_start3A_38, %dma_start3A_39] : memref<10000x64xf32, #tpu.memory_space<hbm>> -> memref<10000x64xf32, #tpu.memory_space<hbm>>
    %dma_start3A_41 = tpu.memref_slice %arg10[%dma_start3A_30] : memref<8x!tpu.dma_semaphore, #tpu.memory_space<semaphore_mem>> -> memref<1x!tpu.dma_semaphore, #tpu.memory_space<semaphore_mem>>
    %dma_start3A_42 = tpu.memref_squeeze %dma_start3A_41 : memref<1x!tpu.dma_semaphore, #tpu.memory_space<semaphore_mem>> -> memref<!tpu.dma_semaphore, #tpu.memory_space<semaphore_mem>>
    tpu.enqueue_indirect_dma source(%dma_start3A_40 : memref<10000x64xf32, #tpu.memory_space<hbm>>) target(%dma_start3A_34 : memref<128x64xf32, #tpu.memory_space<vmem>>) offsets(%dma_start3A_37 : memref<128xi32, #tpu.memory_space<vmem>>) semaphore(%dma_start3A_42 : memref<!tpu.dma_semaphore, #tpu.memory_space<semaphore_mem>>)
    %dma_start3A_43 = arith.constant 2 : i32
    %dma_start3A_44 = arith.constant 2 : i32
    %dma_start3A_45 = arith.constant 2 : i32
    %dma_start3A_46 = arith.constant 0 : i32
    %dma_start3A_47 = arith.constant 0 : i32
    %dma_start3A_48 = tpu.memref_slice %arg8[%dma_start3A_44, %dma_start3A_46, %dma_start3A_47] : memref<8x128x64xf32, #tpu.memory_space<vmem>> -> memref<1x128x64xf32, #tpu.memory_space<vmem>>
    %dma_start3A_49 = tpu.memref_squeeze %dma_start3A_48 : memref<1x128x64xf32, #tpu.memory_space<vmem>> -> memref<128x64xf32, #tpu.memory_space<vmem>>
    %dma_start3A_50 = arith.constant 0 : i32
    %dma_start3A_51 = tpu.memref_slice %arg6[%dma_start3A_43, %dma_start3A_50] : memref<79x128xi32, #tpu.memory_space<vmem>> -> memref<1x128xi32, #tpu.memory_space<vmem>>
    %dma_start3A_52 = tpu.memref_squeeze %dma_start3A_51 : memref<1x128xi32, #tpu.memory_space<vmem>> -> memref<128xi32, #tpu.memory_space<vmem>>
    %dma_start3A_53 = arith.constant 0 : i32
    %dma_start3A_54 = arith.constant 0 : i32
    %dma_start3A_55 = tpu.memref_slice %arg2[%dma_start3A_53, %dma_start3A_54] : memref<10000x64xf32, #tpu.memory_space<hbm>> -> memref<10000x64xf32, #tpu.memory_space<hbm>>
    %dma_start3A_56 = tpu.memref_slice %arg10[%dma_start3A_45] : memref<8x!tpu.dma_semaphore, #tpu.memory_space<semaphore_mem>> -> memref<1x!tpu.dma_semaphore, #tpu.memory_space<semaphore_mem>>
    %dma_start3A_57 = tpu.memref_squeeze %dma_start3A_56 : memref<1x!tpu.dma_semaphore, #tpu.memory_space<semaphore_mem>> -> memref<!tpu.dma_semaphore, #tpu.memory_space<semaphore_mem>>
    tpu.enqueue_indirect_dma source(%dma_start3A_55 : memref<10000x64xf32, #tpu.memory_space<hbm>>) target(%dma_start3A_49 : memref<128x64xf32, #tpu.memory_space<vmem>>) offsets(%dma_start3A_52 : memref<128xi32, #tpu.memory_space<vmem>>) semaphore(%dma_start3A_57 : memref<!tpu.dma_semaphore, #tpu.memory_space<semaphore_mem>>)
    %dma_start3A_58 = arith.constant 3 : i32
    %dma_start3A_59 = arith.constant 3 : i32
    %dma_start3A_60 = arith.constant 3 : i32
    %dma_start3A_61 = arith.constant 0 : i32
    %dma_start3A_62 = arith.constant 0 : i32
    %dma_start3A_63 = tpu.memref_slice %arg8[%dma_start3A_59, %dma_start3A_61, %dma_start3A_62] : memref<8x128x64xf32, #tpu.memory_space<vmem>> -> memref<1x128x64xf32, #tpu.memory_space<vmem>>
    %dma_start3A_64 = tpu.memref_squeeze %dma_start3A_63 : memref<1x128x64xf32, #tpu.memory_space<vmem>> -> memref<128x64xf32, #tpu.memory_space<vmem>>
    %dma_start3A_65 = arith.constant 0 : i32
    %dma_start3A_66 = tpu.memref_slice %arg6[%dma_start3A_58, %dma_start3A_65] : memref<79x128xi32, #tpu.memory_space<vmem>> -> memref<1x128xi32, #tpu.memory_space<vmem>>
    %dma_start3A_67 = tpu.memref_squeeze %dma_start3A_66 : memref<1x128xi32, #tpu.memory_space<vmem>> -> memref<128xi32, #tpu.memory_space<vmem>>
    %dma_start3A_68 = arith.constant 0 : i32
    %dma_start3A_69 = arith.constant 0 : i32
    %dma_start3A_70 = tpu.memref_slice %arg2[%dma_start3A_68, %dma_start3A_69] : memref<10000x64xf32, #tpu.memory_space<hbm>> -> memref<10000x64xf32, #tpu.memory_space<hbm>>
    %dma_start3A_71 = tpu.memref_slice %arg10[%dma_start3A_60] : memref<8x!tpu.dma_semaphore, #tpu.memory_space<semaphore_mem>> -> memref<1x!tpu.dma_semaphore, #tpu.memory_space<semaphore_mem>>
    %dma_start3A_72 = tpu.memref_squeeze %dma_start3A_71 : memref<1x!tpu.dma_semaphore, #tpu.memory_space<semaphore_mem>> -> memref<!tpu.dma_semaphore, #tpu.memory_space<semaphore_mem>>
    tpu.enqueue_indirect_dma source(%dma_start3A_70 : memref<10000x64xf32, #tpu.memory_space<hbm>>) target(%dma_start3A_64 : memref<128x64xf32, #tpu.memory_space<vmem>>) offsets(%dma_start3A_67 : memref<128xi32, #tpu.memory_space<vmem>>) semaphore(%dma_start3A_72 : memref<!tpu.dma_semaphore, #tpu.memory_space<semaphore_mem>>)
    %dma_start3A_73 = arith.constant 4 : i32
    %dma_start3A_74 = arith.constant 4 : i32
    %dma_start3A_75 = arith.constant 4 : i32
    %dma_start3A_76 = arith.constant 0 : i32
    %dma_start3A_77 = arith.constant 0 : i32
    %dma_start3A_78 = tpu.memref_slice %arg8[%dma_start3A_74, %dma_start3A_76, %dma_start3A_77] : memref<8x128x64xf32, #tpu.memory_space<vmem>> -> memref<1x128x64xf32, #tpu.memory_space<vmem>>
    %dma_start3A_79 = tpu.memref_squeeze %dma_start3A_78 : memref<1x128x64xf32, #tpu.memory_space<vmem>> -> memref<128x64xf32, #tpu.memory_space<vmem>>
    %dma_start3A_80 = arith.constant 0 : i32
    %dma_start3A_81 = tpu.memref_slice %arg6[%dma_start3A_73, %dma_start3A_80] : memref<79x128xi32, #tpu.memory_space<vmem>> -> memref<1x128xi32, #tpu.memory_space<vmem>>
    %dma_start3A_82 = tpu.memref_squeeze %dma_start3A_81 : memref<1x128xi32, #tpu.memory_space<vmem>> -> memref<128xi32, #tpu.memory_space<vmem>>
    %dma_start3A_83 = arith.constant 0 : i32
    %dma_start3A_84 = arith.constant 0 : i32
    %dma_start3A_85 = tpu.memref_slice %arg2[%dma_start3A_83, %dma_start3A_84] : memref<10000x64xf32, #tpu.memory_space<hbm>> -> memref<10000x64xf32, #tpu.memory_space<hbm>>
    %dma_start3A_86 = tpu.memref_slice %arg10[%dma_start3A_75] : memref<8x!tpu.dma_semaphore, #tpu.memory_space<semaphore_mem>> -> memref<1x!tpu.dma_semaphore, #tpu.memory_space<semaphore_mem>>
    %dma_start3A_87 = tpu.memref_squeeze %dma_start3A_86 : memref<1x!tpu.dma_semaphore, #tpu.memory_space<semaphore_mem>> -> memref<!tpu.dma_semaphore, #tpu.memory_space<semaphore_mem>>
    tpu.enqueue_indirect_dma source(%dma_start3A_85 : memref<10000x64xf32, #tpu.memory_space<hbm>>) target(%dma_start3A_79 : memref<128x64xf32, #tpu.memory_space<vmem>>) offsets(%dma_start3A_82 : memref<128xi32, #tpu.memory_space<vmem>>) semaphore(%dma_start3A_87 : memref<!tpu.dma_semaphore, #tpu.memory_space<semaphore_mem>>)
    %dma_start3A_88 = arith.constant 5 : i32
    %dma_start3A_89 = arith.constant 5 : i32
    %dma_start3A_90 = arith.constant 5 : i32
    %dma_start3A_91 = arith.constant 0 : i32
    %dma_start3A_92 = arith.constant 0 : i32
    %dma_start3A_93 = tpu.memref_slice %arg8[%dma_start3A_89, %dma_start3A_91, %dma_start3A_92] : memref<8x128x64xf32, #tpu.memory_space<vmem>> -> memref<1x128x64xf32, #tpu.memory_space<vmem>>
    %dma_start3A_94 = tpu.memref_squeeze %dma_start3A_93 : memref<1x128x64xf32, #tpu.memory_space<vmem>> -> memref<128x64xf32, #tpu.memory_space<vmem>>
    %dma_start3A_95 = arith.constant 0 : i32
    %dma_start3A_96 = tpu.memref_slice %arg6[%dma_start3A_88, %dma_start3A_95] : memref<79x128xi32, #tpu.memory_space<vmem>> -> memref<1x128xi32, #tpu.memory_space<vmem>>
    %dma_start3A_97 = tpu.memref_squeeze %dma_start3A_96 : memref<1x128xi32, #tpu.memory_space<vmem>> -> memref<128xi32, #tpu.memory_space<vmem>>
    %dma_start3A_98 = arith.constant 0 : i32
    %dma_start3A_99 = arith.constant 0 : i32
    %dma_start3A_100 = tpu.memref_slice %arg2[%dma_start3A_98, %dma_start3A_99] : memref<10000x64xf32, #tpu.memory_space<hbm>> -> memref<10000x64xf32, #tpu.memory_space<hbm>>
    %dma_start3A_101 = tpu.memref_slice %arg10[%dma_start3A_90] : memref<8x!tpu.dma_semaphore, #tpu.memory_space<semaphore_mem>> -> memref<1x!tpu.dma_semaphore, #tpu.memory_space<semaphore_mem>>
    %dma_start3A_102 = tpu.memref_squeeze %dma_start3A_101 : memref<1x!tpu.dma_semaphore, #tpu.memory_space<semaphore_mem>> -> memref<!tpu.dma_semaphore, #tpu.memory_space<semaphore_mem>>
    tpu.enqueue_indirect_dma source(%dma_start3A_100 : memref<10000x64xf32, #tpu.memory_space<hbm>>) target(%dma_start3A_94 : memref<128x64xf32, #tpu.memory_space<vmem>>) offsets(%dma_start3A_97 : memref<128xi32, #tpu.memory_space<vmem>>) semaphore(%dma_start3A_102 : memref<!tpu.dma_semaphore, #tpu.memory_space<semaphore_mem>>)
    %dma_start3A_103 = arith.constant 6 : i32
    %dma_start3A_104 = arith.constant 6 : i32
    %dma_start3A_105 = arith.constant 6 : i32
    %dma_start3A_106 = arith.constant 0 : i32
    %dma_start3A_107 = arith.constant 0 : i32
    %dma_start3A_108 = tpu.memref_slice %arg8[%dma_start3A_104, %dma_start3A_106, %dma_start3A_107] : memref<8x128x64xf32, #tpu.memory_space<vmem>> -> memref<1x128x64xf32, #tpu.memory_space<vmem>>
    %dma_start3A_109 = tpu.memref_squeeze %dma_start3A_108 : memref<1x128x64xf32, #tpu.memory_space<vmem>> -> memref<128x64xf32, #tpu.memory_space<vmem>>
    %dma_start3A_110 = arith.constant 0 : i32
    %dma_start3A_111 = tpu.memref_slice %arg6[%dma_start3A_103, %dma_start3A_110] : memref<79x128xi32, #tpu.memory_space<vmem>> -> memref<1x128xi32, #tpu.memory_space<vmem>>
    %dma_start3A_112 = tpu.memref_squeeze %dma_start3A_111 : memref<1x128xi32, #tpu.memory_space<vmem>> -> memref<128xi32, #tpu.memory_space<vmem>>
    %dma_start3A_113 = arith.constant 0 : i32
    %dma_start3A_114 = arith.constant 0 : i32
    %dma_start3A_115 = tpu.memref_slice %arg2[%dma_start3A_113, %dma_start3A_114] : memref<10000x64xf32, #tpu.memory_space<hbm>> -> memref<10000x64xf32, #tpu.memory_space<hbm>>
    %dma_start3A_116 = tpu.memref_slice %arg10[%dma_start3A_105] : memref<8x!tpu.dma_semaphore, #tpu.memory_space<semaphore_mem>> -> memref<1x!tpu.dma_semaphore, #tpu.memory_space<semaphore_mem>>
    %dma_start3A_117 = tpu.memref_squeeze %dma_start3A_116 : memref<1x!tpu.dma_semaphore, #tpu.memory_space<semaphore_mem>> -> memref<!tpu.dma_semaphore, #tpu.memory_space<semaphore_mem>>
    tpu.enqueue_indirect_dma source(%dma_start3A_115 : memref<10000x64xf32, #tpu.memory_space<hbm>>) target(%dma_start3A_109 : memref<128x64xf32, #tpu.memory_space<vmem>>) offsets(%dma_start3A_112 : memref<128xi32, #tpu.memory_space<vmem>>) semaphore(%dma_start3A_117 : memref<!tpu.dma_semaphore, #tpu.memory_space<semaphore_mem>>)
    %dma_start3A_118 = arith.constant 7 : i32
    %dma_start3A_119 = arith.constant 7 : i32
    %dma_start3A_120 = arith.constant 7 : i32
    %dma_start3A_121 = arith.constant 0 : i32
    %dma_start3A_122 = arith.constant 0 : i32
    %dma_start3A_123 = tpu.memref_slice %arg8[%dma_start3A_119, %dma_start3A_121, %dma_start3A_122] : memref<8x128x64xf32, #tpu.memory_space<vmem>> -> memref<1x128x64xf32, #tpu.memory_space<vmem>>
    %dma_start3A_124 = tpu.memref_squeeze %dma_start3A_123 : memref<1x128x64xf32, #tpu.memory_space<vmem>> -> memref<128x64xf32, #tpu.memory_space<vmem>>
    %dma_start3A_125 = arith.constant 0 : i32
    %dma_start3A_126 = tpu.memref_slice %arg6[%dma_start3A_118, %dma_start3A_125] : memref<79x128xi32, #tpu.memory_space<vmem>> -> memref<1x128xi32, #tpu.memory_space<vmem>>
    %dma_start3A_127 = tpu.memref_squeeze %dma_start3A_126 : memref<1x128xi32, #tpu.memory_space<vmem>> -> memref<128xi32, #tpu.memory_space<vmem>>
    %dma_start3A_128 = arith.constant 0 : i32
    %dma_start3A_129 = arith.constant 0 : i32
    %dma_start3A_130 = tpu.memref_slice %arg2[%dma_start3A_128, %dma_start3A_129] : memref<10000x64xf32, #tpu.memory_space<hbm>> -> memref<10000x64xf32, #tpu.memory_space<hbm>>
    %dma_start3A_131 = tpu.memref_slice %arg10[%dma_start3A_120] : memref<8x!tpu.dma_semaphore, #tpu.memory_space<semaphore_mem>> -> memref<1x!tpu.dma_semaphore, #tpu.memory_space<semaphore_mem>>
    %dma_start3A_132 = tpu.memref_squeeze %dma_start3A_131 : memref<1x!tpu.dma_semaphore, #tpu.memory_space<semaphore_mem>> -> memref<!tpu.dma_semaphore, #tpu.memory_space<semaphore_mem>>
    tpu.enqueue_indirect_dma source(%dma_start3A_130 : memref<10000x64xf32, #tpu.memory_space<hbm>>) target(%dma_start3A_124 : memref<128x64xf32, #tpu.memory_space<vmem>>) offsets(%dma_start3A_127 : memref<128xi32, #tpu.memory_space<vmem>>) semaphore(%dma_start3A_132 : memref<!tpu.dma_semaphore, #tpu.memory_space<semaphore_mem>>)
    %scan3A = arith.constant 0 : i32
    %scan3A_133 = arith.constant 0 : i32
    %scan3A_134 = arith.constant 10 : i32
    %scan3A_135 = arith.addi %scan3A_133, %scan3A_134 : i32
    %scan3A_136 = arith.constant 1 : i32
    scf.for %scan3A_272 = %scan3A_133 to %scan3A_135 step %scan3A_136  : i32 {
      %mul3A_273 = arith.constant 8 : i32
      %mul3A_274 = arith.muli %scan3A_272, %mul3A_273 : i32
      %add3A_275 = arith.constant 0 : i32
      %add3A_276 = arith.addi %mul3A_274, %add3A_275 : i32
      %lt3A_277 = arith.constant 78 : i32
      %lt3A_278 = arith.cmpi slt, %add3A_276, %lt3A_277 : i32
      %convert_element_type3A_279 = arith.extui %lt3A_278 : i1 to i32
      %cond3A_280 = arith.constant 0 : i32
      %cond3A_281 = arith.cmpi ne, %convert_element_type3A_279, %cond3A_280 : i32
      scf.if %cond3A_281 {
        %add3A_403 = arith.constant 0 : i32
        %add3A_404 = arith.addi %mul3A_274, %add3A_403 : i32
        %dma_wait3A_405 = arith.constant 0 : i32
        %dma_wait3A_406 = arith.constant 0 : i32
        %dma_wait3A_407 = arith.constant 0 : i32
        %dma_wait3A_408 = arith.constant 0 : i32
        %dma_wait3A_409 = tpu.memref_slice %arg8[%dma_wait3A_405, %dma_wait3A_407, %dma_wait3A_408] : memref<8x128x64xf32, #tpu.memory_space<vmem>> -> memref<1x128x64xf32, #tpu.memory_space<vmem>>
        %dma_wait3A_410 = tpu.memref_squeeze %dma_wait3A_409 : memref<1x128x64xf32, #tpu.memory_space<vmem>> -> memref<128x64xf32, #tpu.memory_space<vmem>>
        %dma_wait3A_411 = arith.constant 0 : i32
        %dma_wait3A_412 = tpu.memref_slice %arg6[%add3A_404, %dma_wait3A_411] : memref<79x128xi32, #tpu.memory_space<vmem>> -> memref<1x128xi32, #tpu.memory_space<vmem>>
        %dma_wait3A_413 = tpu.memref_squeeze %dma_wait3A_412 : memref<1x128xi32, #tpu.memory_space<vmem>> -> memref<128xi32, #tpu.memory_space<vmem>>
        %dma_wait3A_414 = arith.constant 0 : i32
        %dma_wait3A_415 = arith.constant 0 : i32
        %dma_wait3A_416 = tpu.memref_slice %arg2[%dma_wait3A_414, %dma_wait3A_415] : memref<10000x64xf32, #tpu.memory_space<hbm>> -> memref<10000x64xf32, #tpu.memory_space<hbm>>
        %dma_wait3A_417 = tpu.memref_slice %arg10[%dma_wait3A_406] : memref<8x!tpu.dma_semaphore, #tpu.memory_space<semaphore_mem>> -> memref<1x!tpu.dma_semaphore, #tpu.memory_space<semaphore_mem>>
        %dma_wait3A_418 = tpu.memref_squeeze %dma_wait3A_417 : memref<1x!tpu.dma_semaphore, #tpu.memory_space<semaphore_mem>> -> memref<!tpu.dma_semaphore, #tpu.memory_space<semaphore_mem>>
        tpu.wait_indirect_dma semaphore(%dma_wait3A_418 : memref<!tpu.dma_semaphore, #tpu.memory_space<semaphore_mem>>) src(%dma_wait3A_416 : memref<10000x64xf32, #tpu.memory_space<hbm>>) dst(%dma_wait3A_410 : memref<128x64xf32, #tpu.memory_space<vmem>>)
        %add3A_419 = arith.constant 0 : i32
        %add3A_420 = arith.addi %mul3A_274, %add3A_419 : i32
        %dma_start3A_421 = arith.constant 0 : i32
        %dma_start3A_422 = arith.constant 0 : i32
        %dma_start3A_423 = arith.constant 0 : i32
        %dma_start3A_424 = arith.constant 0 : i32
        %dma_start3A_425 = tpu.memref_slice %arg8[%dma_start3A_421, %dma_start3A_423, %dma_start3A_424] : memref<8x128x64xf32, #tpu.memory_space<vmem>> -> memref<1x128x64xf32, #tpu.memory_space<vmem>>
        %dma_start3A_426 = tpu.memref_squeeze %dma_start3A_425 : memref<1x128x64xf32, #tpu.memory_space<vmem>> -> memref<128x64xf32, #tpu.memory_space<vmem>>
        %dma_start3A_427 = arith.constant 0 : i32
        %dma_start3A_428 = tpu.memref_slice %arg7[%add3A_420, %dma_start3A_427] : memref<79x128xi32, #tpu.memory_space<vmem>> -> memref<1x128xi32, #tpu.memory_space<vmem>>
        %dma_start3A_429 = tpu.memref_squeeze %dma_start3A_428 : memref<1x128xi32, #tpu.memory_space<vmem>> -> memref<128xi32, #tpu.memory_space<vmem>>
        %dma_start3A_430 = arith.constant 0 : i32
        %dma_start3A_431 = arith.constant 0 : i32
        %dma_start3A_432 = tpu.memref_slice %arg9[%dma_start3A_430, %dma_start3A_431] : memref<10000x64xf32, #tpu.memory_space<vmem_shared>> -> memref<10000x64xf32, #tpu.memory_space<vmem_shared>>
        %dma_start3A_433 = tpu.memref_slice %arg11[%dma_start3A_422] : memref<8x!tpu.dma_semaphore, #tpu.memory_space<semaphore_mem>> -> memref<1x!tpu.dma_semaphore, #tpu.memory_space<semaphore_mem>>
        %dma_start3A_434 = tpu.memref_squeeze %dma_start3A_433 : memref<1x!tpu.dma_semaphore, #tpu.memory_space<semaphore_mem>> -> memref<!tpu.dma_semaphore, #tpu.memory_space<semaphore_mem>>
        tpu.enqueue_indirect_dma source(%dma_start3A_426 : memref<128x64xf32, #tpu.memory_space<vmem>>) target(%dma_start3A_432 : memref<10000x64xf32, #tpu.memory_space<vmem_shared>>) offsets(%dma_start3A_429 : memref<128xi32, #tpu.memory_space<vmem>>) semaphore(%dma_start3A_434 : memref<!tpu.dma_semaphore, #tpu.memory_space<semaphore_mem>>) {add = true}
      } else {
      }
      %add3A_282 = arith.constant 1 : i32
      %add3A_283 = arith.addi %mul3A_274, %add3A_282 : i32
      %lt3A_284 = arith.constant 78 : i32
      %lt3A_285 = arith.cmpi slt, %add3A_283, %lt3A_284 : i32
      %convert_element_type3A_286 = arith.extui %lt3A_285 : i1 to i32
      %cond3A_287 = arith.constant 0 : i32
      %cond3A_288 = arith.cmpi ne, %convert_element_type3A_286, %cond3A_287 : i32
      scf.if %cond3A_288 {
        %add3A_403 = arith.constant 1 : i32
        %add3A_404 = arith.addi %mul3A_274, %add3A_403 : i32
        %dma_wait3A_405 = arith.constant 1 : i32
        %dma_wait3A_406 = arith.constant 1 : i32
        %dma_wait3A_407 = arith.constant 0 : i32
        %dma_wait3A_408 = arith.constant 0 : i32
        %dma_wait3A_409 = tpu.memref_slice %arg8[%dma_wait3A_405, %dma_wait3A_407, %dma_wait3A_408] : memref<8x128x64xf32, #tpu.memory_space<vmem>> -> memref<1x128x64xf32, #tpu.memory_space<vmem>>
        %dma_wait3A_410 = tpu.memref_squeeze %dma_wait3A_409 : memref<1x128x64xf32, #tpu.memory_space<vmem>> -> memref<128x64xf32, #tpu.memory_space<vmem>>
        %dma_wait3A_411 = arith.constant 0 : i32
        %dma_wait3A_412 = tpu.memref_slice %arg6[%add3A_404, %dma_wait3A_411] : memref<79x128xi32, #tpu.memory_space<vmem>> -> memref<1x128xi32, #tpu.memory_space<vmem>>
        %dma_wait3A_413 = tpu.memref_squeeze %dma_wait3A_412 : memref<1x128xi32, #tpu.memory_space<vmem>> -> memref<128xi32, #tpu.memory_space<vmem>>
        %dma_wait3A_414 = arith.constant 0 : i32
        %dma_wait3A_415 = arith.constant 0 : i32
        %dma_wait3A_416 = tpu.memref_slice %arg2[%dma_wait3A_414, %dma_wait3A_415] : memref<10000x64xf32, #tpu.memory_space<hbm>> -> memref<10000x64xf32, #tpu.memory_space<hbm>>
        %dma_wait3A_417 = tpu.memref_slice %arg10[%dma_wait3A_406] : memref<8x!tpu.dma_semaphore, #tpu.memory_space<semaphore_mem>> -> memref<1x!tpu.dma_semaphore, #tpu.memory_space<semaphore_mem>>
        %dma_wait3A_418 = tpu.memref_squeeze %dma_wait3A_417 : memref<1x!tpu.dma_semaphore, #tpu.memory_space<semaphore_mem>> -> memref<!tpu.dma_semaphore, #tpu.memory_space<semaphore_mem>>
        tpu.wait_indirect_dma semaphore(%dma_wait3A_418 : memref<!tpu.dma_semaphore, #tpu.memory_space<semaphore_mem>>) src(%dma_wait3A_416 : memref<10000x64xf32, #tpu.memory_space<hbm>>) dst(%dma_wait3A_410 : memref<128x64xf32, #tpu.memory_space<vmem>>)
        %add3A_419 = arith.constant 1 : i32
        %add3A_420 = arith.addi %mul3A_274, %add3A_419 : i32
        %dma_start3A_421 = arith.constant 1 : i32
        %dma_start3A_422 = arith.constant 1 : i32
        %dma_start3A_423 = arith.constant 0 : i32
        %dma_start3A_424 = arith.constant 0 : i32
        %dma_start3A_425 = tpu.memref_slice %arg8[%dma_start3A_421, %dma_start3A_423, %dma_start3A_424] : memref<8x128x64xf32, #tpu.memory_space<vmem>> -> memref<1x128x64xf32, #tpu.memory_space<vmem>>
        %dma_start3A_426 = tpu.memref_squeeze %dma_start3A_425 : memref<1x128x64xf32, #tpu.memory_space<vmem>> -> memref<128x64xf32, #tpu.memory_space<vmem>>
        %dma_start3A_427 = arith.constant 0 : i32
        %dma_start3A_428 = tpu.memref_slice %arg7[%add3A_420, %dma_start3A_427] : memref<79x128xi32, #tpu.memory_space<vmem>> -> memref<1x128xi32, #tpu.memory_space<vmem>>
        %dma_start3A_429 = tpu.memref_squeeze %dma_start3A_428 : memref<1x128xi32, #tpu.memory_space<vmem>> -> memref<128xi32, #tpu.memory_space<vmem>>
        %dma_start3A_430 = arith.constant 0 : i32
        %dma_start3A_431 = arith.constant 0 : i32
        %dma_start3A_432 = tpu.memref_slice %arg9[%dma_start3A_430, %dma_start3A_431] : memref<10000x64xf32, #tpu.memory_space<vmem_shared>> -> memref<10000x64xf32, #tpu.memory_space<vmem_shared>>
        %dma_start3A_433 = tpu.memref_slice %arg11[%dma_start3A_422] : memref<8x!tpu.dma_semaphore, #tpu.memory_space<semaphore_mem>> -> memref<1x!tpu.dma_semaphore, #tpu.memory_space<semaphore_mem>>
        %dma_start3A_434 = tpu.memref_squeeze %dma_start3A_433 : memref<1x!tpu.dma_semaphore, #tpu.memory_space<semaphore_mem>> -> memref<!tpu.dma_semaphore, #tpu.memory_space<semaphore_mem>>
        tpu.enqueue_indirect_dma source(%dma_start3A_426 : memref<128x64xf32, #tpu.memory_space<vmem>>) target(%dma_start3A_432 : memref<10000x64xf32, #tpu.memory_space<vmem_shared>>) offsets(%dma_start3A_429 : memref<128xi32, #tpu.memory_space<vmem>>) semaphore(%dma_start3A_434 : memref<!tpu.dma_semaphore, #tpu.memory_space<semaphore_mem>>) {add = true}
      } else {
      }
      %add3A_289 = arith.constant 2 : i32
      %add3A_290 = arith.addi %mul3A_274, %add3A_289 : i32
      %lt3A_291 = arith.constant 78 : i32
      %lt3A_292 = arith.cmpi slt, %add3A_290, %lt3A_291 : i32
      %convert_element_type3A_293 = arith.extui %lt3A_292 : i1 to i32
      %cond3A_294 = arith.constant 0 : i32
      %cond3A_295 = arith.cmpi ne, %convert_element_type3A_293, %cond3A_294 : i32
      scf.if %cond3A_295 {
        %add3A_403 = arith.constant 2 : i32
        %add3A_404 = arith.addi %mul3A_274, %add3A_403 : i32
        %dma_wait3A_405 = arith.constant 2 : i32
        %dma_wait3A_406 = arith.constant 2 : i32
        %dma_wait3A_407 = arith.constant 0 : i32
        %dma_wait3A_408 = arith.constant 0 : i32
        %dma_wait3A_409 = tpu.memref_slice %arg8[%dma_wait3A_405, %dma_wait3A_407, %dma_wait3A_408] : memref<8x128x64xf32, #tpu.memory_space<vmem>> -> memref<1x128x64xf32, #tpu.memory_space<vmem>>
        %dma_wait3A_410 = tpu.memref_squeeze %dma_wait3A_409 : memref<1x128x64xf32, #tpu.memory_space<vmem>> -> memref<128x64xf32, #tpu.memory_space<vmem>>
        %dma_wait3A_411 = arith.constant 0 : i32
        %dma_wait3A_412 = tpu.memref_slice %arg6[%add3A_404, %dma_wait3A_411] : memref<79x128xi32, #tpu.memory_space<vmem>> -> memref<1x128xi32, #tpu.memory_space<vmem>>
        %dma_wait3A_413 = tpu.memref_squeeze %dma_wait3A_412 : memref<1x128xi32, #tpu.memory_space<vmem>> -> memref<128xi32, #tpu.memory_space<vmem>>
        %dma_wait3A_414 = arith.constant 0 : i32
        %dma_wait3A_415 = arith.constant 0 : i32
        %dma_wait3A_416 = tpu.memref_slice %arg2[%dma_wait3A_414, %dma_wait3A_415] : memref<10000x64xf32, #tpu.memory_space<hbm>> -> memref<10000x64xf32, #tpu.memory_space<hbm>>
        %dma_wait3A_417 = tpu.memref_slice %arg10[%dma_wait3A_406] : memref<8x!tpu.dma_semaphore, #tpu.memory_space<semaphore_mem>> -> memref<1x!tpu.dma_semaphore, #tpu.memory_space<semaphore_mem>>
        %dma_wait3A_418 = tpu.memref_squeeze %dma_wait3A_417 : memref<1x!tpu.dma_semaphore, #tpu.memory_space<semaphore_mem>> -> memref<!tpu.dma_semaphore, #tpu.memory_space<semaphore_mem>>
        tpu.wait_indirect_dma semaphore(%dma_wait3A_418 : memref<!tpu.dma_semaphore, #tpu.memory_space<semaphore_mem>>) src(%dma_wait3A_416 : memref<10000x64xf32, #tpu.memory_space<hbm>>) dst(%dma_wait3A_410 : memref<128x64xf32, #tpu.memory_space<vmem>>)
        %add3A_419 = arith.constant 2 : i32
        %add3A_420 = arith.addi %mul3A_274, %add3A_419 : i32
        %dma_start3A_421 = arith.constant 2 : i32
        %dma_start3A_422 = arith.constant 2 : i32
        %dma_start3A_423 = arith.constant 0 : i32
        %dma_start3A_424 = arith.constant 0 : i32
        %dma_start3A_425 = tpu.memref_slice %arg8[%dma_start3A_421, %dma_start3A_423, %dma_start3A_424] : memref<8x128x64xf32, #tpu.memory_space<vmem>> -> memref<1x128x64xf32, #tpu.memory_space<vmem>>
        %dma_start3A_426 = tpu.memref_squeeze %dma_start3A_425 : memref<1x128x64xf32, #tpu.memory_space<vmem>> -> memref<128x64xf32, #tpu.memory_space<vmem>>
        %dma_start3A_427 = arith.constant 0 : i32
        %dma_start3A_428 = tpu.memref_slice %arg7[%add3A_420, %dma_start3A_427] : memref<79x128xi32, #tpu.memory_space<vmem>> -> memref<1x128xi32, #tpu.memory_space<vmem>>
        %dma_start3A_429 = tpu.memref_squeeze %dma_start3A_428 : memref<1x128xi32, #tpu.memory_space<vmem>> -> memref<128xi32, #tpu.memory_space<vmem>>
        %dma_start3A_430 = arith.constant 0 : i32
        %dma_start3A_431 = arith.constant 0 : i32
        %dma_start3A_432 = tpu.memref_slice %arg9[%dma_start3A_430, %dma_start3A_431] : memref<10000x64xf32, #tpu.memory_space<vmem_shared>> -> memref<10000x64xf32, #tpu.memory_space<vmem_shared>>
        %dma_start3A_433 = tpu.memref_slice %arg11[%dma_start3A_422] : memref<8x!tpu.dma_semaphore, #tpu.memory_space<semaphore_mem>> -> memref<1x!tpu.dma_semaphore, #tpu.memory_space<semaphore_mem>>
        %dma_start3A_434 = tpu.memref_squeeze %dma_start3A_433 : memref<1x!tpu.dma_semaphore, #tpu.memory_space<semaphore_mem>> -> memref<!tpu.dma_semaphore, #tpu.memory_space<semaphore_mem>>
        tpu.enqueue_indirect_dma source(%dma_start3A_426 : memref<128x64xf32, #tpu.memory_space<vmem>>) target(%dma_start3A_432 : memref<10000x64xf32, #tpu.memory_space<vmem_shared>>) offsets(%dma_start3A_429 : memref<128xi32, #tpu.memory_space<vmem>>) semaphore(%dma_start3A_434 : memref<!tpu.dma_semaphore, #tpu.memory_space<semaphore_mem>>) {add = true}
      } else {
      }
      %add3A_296 = arith.constant 3 : i32
      %add3A_297 = arith.addi %mul3A_274, %add3A_296 : i32
      %lt3A_298 = arith.constant 78 : i32
      %lt3A_299 = arith.cmpi slt, %add3A_297, %lt3A_298 : i32
      %convert_element_type3A_300 = arith.extui %lt3A_299 : i1 to i32
      %cond3A_301 = arith.constant 0 : i32
      %cond3A_302 = arith.cmpi ne, %convert_element_type3A_300, %cond3A_301 : i32
      scf.if %cond3A_302 {
        %add3A_403 = arith.constant 3 : i32
        %add3A_404 = arith.addi %mul3A_274, %add3A_403 : i32
        %dma_wait3A_405 = arith.constant 3 : i32
        %dma_wait3A_406 = arith.constant 3 : i32
        %dma_wait3A_407 = arith.constant 0 : i32
        %dma_wait3A_408 = arith.constant 0 : i32
        %dma_wait3A_409 = tpu.memref_slice %arg8[%dma_wait3A_405, %dma_wait3A_407, %dma_wait3A_408] : memref<8x128x64xf32, #tpu.memory_space<vmem>> -> memref<1x128x64xf32, #tpu.memory_space<vmem>>
        %dma_wait3A_410 = tpu.memref_squeeze %dma_wait3A_409 : memref<1x128x64xf32, #tpu.memory_space<vmem>> -> memref<128x64xf32, #tpu.memory_space<vmem>>
        %dma_wait3A_411 = arith.constant 0 : i32
        %dma_wait3A_412 = tpu.memref_slice %arg6[%add3A_404, %dma_wait3A_411] : memref<79x128xi32, #tpu.memory_space<vmem>> -> memref<1x128xi32, #tpu.memory_space<vmem>>
        %dma_wait3A_413 = tpu.memref_squeeze %dma_wait3A_412 : memref<1x128xi32, #tpu.memory_space<vmem>> -> memref<128xi32, #tpu.memory_space<vmem>>
        %dma_wait3A_414 = arith.constant 0 : i32
        %dma_wait3A_415 = arith.constant 0 : i32
        %dma_wait3A_416 = tpu.memref_slice %arg2[%dma_wait3A_414, %dma_wait3A_415] : memref<10000x64xf32, #tpu.memory_space<hbm>> -> memref<10000x64xf32, #tpu.memory_space<hbm>>
        %dma_wait3A_417 = tpu.memref_slice %arg10[%dma_wait3A_406] : memref<8x!tpu.dma_semaphore, #tpu.memory_space<semaphore_mem>> -> memref<1x!tpu.dma_semaphore, #tpu.memory_space<semaphore_mem>>
        %dma_wait3A_418 = tpu.memref_squeeze %dma_wait3A_417 : memref<1x!tpu.dma_semaphore, #tpu.memory_space<semaphore_mem>> -> memref<!tpu.dma_semaphore, #tpu.memory_space<semaphore_mem>>
        tpu.wait_indirect_dma semaphore(%dma_wait3A_418 : memref<!tpu.dma_semaphore, #tpu.memory_space<semaphore_mem>>) src(%dma_wait3A_416 : memref<10000x64xf32, #tpu.memory_space<hbm>>) dst(%dma_wait3A_410 : memref<128x64xf32, #tpu.memory_space<vmem>>)
        %add3A_419 = arith.constant 3 : i32
        %add3A_420 = arith.addi %mul3A_274, %add3A_419 : i32
        %dma_start3A_421 = arith.constant 3 : i32
        %dma_start3A_422 = arith.constant 3 : i32
        %dma_start3A_423 = arith.constant 0 : i32
        %dma_start3A_424 = arith.constant 0 : i32
        %dma_start3A_425 = tpu.memref_slice %arg8[%dma_start3A_421, %dma_start3A_423, %dma_start3A_424] : memref<8x128x64xf32, #tpu.memory_space<vmem>> -> memref<1x128x64xf32, #tpu.memory_space<vmem>>
        %dma_start3A_426 = tpu.memref_squeeze %dma_start3A_425 : memref<1x128x64xf32, #tpu.memory_space<vmem>> -> memref<128x64xf32, #tpu.memory_space<vmem>>
        %dma_start3A_427 = arith.constant 0 : i32
        %dma_start3A_428 = tpu.memref_slice %arg7[%add3A_420, %dma_start3A_427] : memref<79x128xi32, #tpu.memory_space<vmem>> -> memref<1x128xi32, #tpu.memory_space<vmem>>
        %dma_start3A_429 = tpu.memref_squeeze %dma_start3A_428 : memref<1x128xi32, #tpu.memory_space<vmem>> -> memref<128xi32, #tpu.memory_space<vmem>>
        %dma_start3A_430 = arith.constant 0 : i32
        %dma_start3A_431 = arith.constant 0 : i32
        %dma_start3A_432 = tpu.memref_slice %arg9[%dma_start3A_430, %dma_start3A_431] : memref<10000x64xf32, #tpu.memory_space<vmem_shared>> -> memref<10000x64xf32, #tpu.memory_space<vmem_shared>>
        %dma_start3A_433 = tpu.memref_slice %arg11[%dma_start3A_422] : memref<8x!tpu.dma_semaphore, #tpu.memory_space<semaphore_mem>> -> memref<1x!tpu.dma_semaphore, #tpu.memory_space<semaphore_mem>>
        %dma_start3A_434 = tpu.memref_squeeze %dma_start3A_433 : memref<1x!tpu.dma_semaphore, #tpu.memory_space<semaphore_mem>> -> memref<!tpu.dma_semaphore, #tpu.memory_space<semaphore_mem>>
        tpu.enqueue_indirect_dma source(%dma_start3A_426 : memref<128x64xf32, #tpu.memory_space<vmem>>) target(%dma_start3A_432 : memref<10000x64xf32, #tpu.memory_space<vmem_shared>>) offsets(%dma_start3A_429 : memref<128xi32, #tpu.memory_space<vmem>>) semaphore(%dma_start3A_434 : memref<!tpu.dma_semaphore, #tpu.memory_space<semaphore_mem>>) {add = true}
      } else {
      }
      %add3A_303 = arith.constant 4 : i32
      %add3A_304 = arith.addi %mul3A_274, %add3A_303 : i32
      %lt3A_305 = arith.constant 78 : i32
      %lt3A_306 = arith.cmpi slt, %add3A_304, %lt3A_305 : i32
      %convert_element_type3A_307 = arith.extui %lt3A_306 : i1 to i32
      %cond3A_308 = arith.constant 0 : i32
      %cond3A_309 = arith.cmpi ne, %convert_element_type3A_307, %cond3A_308 : i32
      scf.if %cond3A_309 {
        %add3A_403 = arith.constant 4 : i32
        %add3A_404 = arith.addi %mul3A_274, %add3A_403 : i32
        %dma_wait3A_405 = arith.constant 4 : i32
        %dma_wait3A_406 = arith.constant 4 : i32
        %dma_wait3A_407 = arith.constant 0 : i32
        %dma_wait3A_408 = arith.constant 0 : i32
        %dma_wait3A_409 = tpu.memref_slice %arg8[%dma_wait3A_405, %dma_wait3A_407, %dma_wait3A_408] : memref<8x128x64xf32, #tpu.memory_space<vmem>> -> memref<1x128x64xf32, #tpu.memory_space<vmem>>
        %dma_wait3A_410 = tpu.memref_squeeze %dma_wait3A_409 : memref<1x128x64xf32, #tpu.memory_space<vmem>> -> memref<128x64xf32, #tpu.memory_space<vmem>>
        %dma_wait3A_411 = arith.constant 0 : i32
        %dma_wait3A_412 = tpu.memref_slice %arg6[%add3A_404, %dma_wait3A_411] : memref<79x128xi32, #tpu.memory_space<vmem>> -> memref<1x128xi32, #tpu.memory_space<vmem>>
        %dma_wait3A_413 = tpu.memref_squeeze %dma_wait3A_412 : memref<1x128xi32, #tpu.memory_space<vmem>> -> memref<128xi32, #tpu.memory_space<vmem>>
        %dma_wait3A_414 = arith.constant 0 : i32
        %dma_wait3A_415 = arith.constant 0 : i32
        %dma_wait3A_416 = tpu.memref_slice %arg2[%dma_wait3A_414, %dma_wait3A_415] : memref<10000x64xf32, #tpu.memory_space<hbm>> -> memref<10000x64xf32, #tpu.memory_space<hbm>>
        %dma_wait3A_417 = tpu.memref_slice %arg10[%dma_wait3A_406] : memref<8x!tpu.dma_semaphore, #tpu.memory_space<semaphore_mem>> -> memref<1x!tpu.dma_semaphore, #tpu.memory_space<semaphore_mem>>
        %dma_wait3A_418 = tpu.memref_squeeze %dma_wait3A_417 : memref<1x!tpu.dma_semaphore, #tpu.memory_space<semaphore_mem>> -> memref<!tpu.dma_semaphore, #tpu.memory_space<semaphore_mem>>
        tpu.wait_indirect_dma semaphore(%dma_wait3A_418 : memref<!tpu.dma_semaphore, #tpu.memory_space<semaphore_mem>>) src(%dma_wait3A_416 : memref<10000x64xf32, #tpu.memory_space<hbm>>) dst(%dma_wait3A_410 : memref<128x64xf32, #tpu.memory_space<vmem>>)
        %add3A_419 = arith.constant 4 : i32
        %add3A_420 = arith.addi %mul3A_274, %add3A_419 : i32
        %dma_start3A_421 = arith.constant 4 : i32
        %dma_start3A_422 = arith.constant 4 : i32
        %dma_start3A_423 = arith.constant 0 : i32
        %dma_start3A_424 = arith.constant 0 : i32
        %dma_start3A_425 = tpu.memref_slice %arg8[%dma_start3A_421, %dma_start3A_423, %dma_start3A_424] : memref<8x128x64xf32, #tpu.memory_space<vmem>> -> memref<1x128x64xf32, #tpu.memory_space<vmem>>
        %dma_start3A_426 = tpu.memref_squeeze %dma_start3A_425 : memref<1x128x64xf32, #tpu.memory_space<vmem>> -> memref<128x64xf32, #tpu.memory_space<vmem>>
        %dma_start3A_427 = arith.constant 0 : i32
        %dma_start3A_428 = tpu.memref_slice %arg7[%add3A_420, %dma_start3A_427] : memref<79x128xi32, #tpu.memory_space<vmem>> -> memref<1x128xi32, #tpu.memory_space<vmem>>
        %dma_start3A_429 = tpu.memref_squeeze %dma_start3A_428 : memref<1x128xi32, #tpu.memory_space<vmem>> -> memref<128xi32, #tpu.memory_space<vmem>>
        %dma_start3A_430 = arith.constant 0 : i32
        %dma_start3A_431 = arith.constant 0 : i32
        %dma_start3A_432 = tpu.memref_slice %arg9[%dma_start3A_430, %dma_start3A_431] : memref<10000x64xf32, #tpu.memory_space<vmem_shared>> -> memref<10000x64xf32, #tpu.memory_space<vmem_shared>>
        %dma_start3A_433 = tpu.memref_slice %arg11[%dma_start3A_422] : memref<8x!tpu.dma_semaphore, #tpu.memory_space<semaphore_mem>> -> memref<1x!tpu.dma_semaphore, #tpu.memory_space<semaphore_mem>>
        %dma_start3A_434 = tpu.memref_squeeze %dma_start3A_433 : memref<1x!tpu.dma_semaphore, #tpu.memory_space<semaphore_mem>> -> memref<!tpu.dma_semaphore, #tpu.memory_space<semaphore_mem>>
        tpu.enqueue_indirect_dma source(%dma_start3A_426 : memref<128x64xf32, #tpu.memory_space<vmem>>) target(%dma_start3A_432 : memref<10000x64xf32, #tpu.memory_space<vmem_shared>>) offsets(%dma_start3A_429 : memref<128xi32, #tpu.memory_space<vmem>>) semaphore(%dma_start3A_434 : memref<!tpu.dma_semaphore, #tpu.memory_space<semaphore_mem>>) {add = true}
      } else {
      }
      %add3A_310 = arith.constant 5 : i32
      %add3A_311 = arith.addi %mul3A_274, %add3A_310 : i32
      %lt3A_312 = arith.constant 78 : i32
      %lt3A_313 = arith.cmpi slt, %add3A_311, %lt3A_312 : i32
      %convert_element_type3A_314 = arith.extui %lt3A_313 : i1 to i32
      %cond3A_315 = arith.constant 0 : i32
      %cond3A_316 = arith.cmpi ne, %convert_element_type3A_314, %cond3A_315 : i32
      scf.if %cond3A_316 {
        %add3A_403 = arith.constant 5 : i32
        %add3A_404 = arith.addi %mul3A_274, %add3A_403 : i32
        %dma_wait3A_405 = arith.constant 5 : i32
        %dma_wait3A_406 = arith.constant 5 : i32
        %dma_wait3A_407 = arith.constant 0 : i32
        %dma_wait3A_408 = arith.constant 0 : i32
        %dma_wait3A_409 = tpu.memref_slice %arg8[%dma_wait3A_405, %dma_wait3A_407, %dma_wait3A_408] : memref<8x128x64xf32, #tpu.memory_space<vmem>> -> memref<1x128x64xf32, #tpu.memory_space<vmem>>
        %dma_wait3A_410 = tpu.memref_squeeze %dma_wait3A_409 : memref<1x128x64xf32, #tpu.memory_space<vmem>> -> memref<128x64xf32, #tpu.memory_space<vmem>>
        %dma_wait3A_411 = arith.constant 0 : i32
        %dma_wait3A_412 = tpu.memref_slice %arg6[%add3A_404, %dma_wait3A_411] : memref<79x128xi32, #tpu.memory_space<vmem>> -> memref<1x128xi32, #tpu.memory_space<vmem>>
        %dma_wait3A_413 = tpu.memref_squeeze %dma_wait3A_412 : memref<1x128xi32, #tpu.memory_space<vmem>> -> memref<128xi32, #tpu.memory_space<vmem>>
        %dma_wait3A_414 = arith.constant 0 : i32
        %dma_wait3A_415 = arith.constant 0 : i32
        %dma_wait3A_416 = tpu.memref_slice %arg2[%dma_wait3A_414, %dma_wait3A_415] : memref<10000x64xf32, #tpu.memory_space<hbm>> -> memref<10000x64xf32, #tpu.memory_space<hbm>>
        %dma_wait3A_417 = tpu.memref_slice %arg10[%dma_wait3A_406] : memref<8x!tpu.dma_semaphore, #tpu.memory_space<semaphore_mem>> -> memref<1x!tpu.dma_semaphore, #tpu.memory_space<semaphore_mem>>
        %dma_wait3A_418 = tpu.memref_squeeze %dma_wait3A_417 : memref<1x!tpu.dma_semaphore, #tpu.memory_space<semaphore_mem>> -> memref<!tpu.dma_semaphore, #tpu.memory_space<semaphore_mem>>
        tpu.wait_indirect_dma semaphore(%dma_wait3A_418 : memref<!tpu.dma_semaphore, #tpu.memory_space<semaphore_mem>>) src(%dma_wait3A_416 : memref<10000x64xf32, #tpu.memory_space<hbm>>) dst(%dma_wait3A_410 : memref<128x64xf32, #tpu.memory_space<vmem>>)
        %add3A_419 = arith.constant 5 : i32
        %add3A_420 = arith.addi %mul3A_274, %add3A_419 : i32
        %dma_start3A_421 = arith.constant 5 : i32
        %dma_start3A_422 = arith.constant 5 : i32
        %dma_start3A_423 = arith.constant 0 : i32
        %dma_start3A_424 = arith.constant 0 : i32
        %dma_start3A_425 = tpu.memref_slice %arg8[%dma_start3A_421, %dma_start3A_423, %dma_start3A_424] : memref<8x128x64xf32, #tpu.memory_space<vmem>> -> memref<1x128x64xf32, #tpu.memory_space<vmem>>
        %dma_start3A_426 = tpu.memref_squeeze %dma_start3A_425 : memref<1x128x64xf32, #tpu.memory_space<vmem>> -> memref<128x64xf32, #tpu.memory_space<vmem>>
        %dma_start3A_427 = arith.constant 0 : i32
        %dma_start3A_428 = tpu.memref_slice %arg7[%add3A_420, %dma_start3A_427] : memref<79x128xi32, #tpu.memory_space<vmem>> -> memref<1x128xi32, #tpu.memory_space<vmem>>
        %dma_start3A_429 = tpu.memref_squeeze %dma_start3A_428 : memref<1x128xi32, #tpu.memory_space<vmem>> -> memref<128xi32, #tpu.memory_space<vmem>>
        %dma_start3A_430 = arith.constant 0 : i32
        %dma_start3A_431 = arith.constant 0 : i32
        %dma_start3A_432 = tpu.memref_slice %arg9[%dma_start3A_430, %dma_start3A_431] : memref<10000x64xf32, #tpu.memory_space<vmem_shared>> -> memref<10000x64xf32, #tpu.memory_space<vmem_shared>>
        %dma_start3A_433 = tpu.memref_slice %arg11[%dma_start3A_422] : memref<8x!tpu.dma_semaphore, #tpu.memory_space<semaphore_mem>> -> memref<1x!tpu.dma_semaphore, #tpu.memory_space<semaphore_mem>>
        %dma_start3A_434 = tpu.memref_squeeze %dma_start3A_433 : memref<1x!tpu.dma_semaphore, #tpu.memory_space<semaphore_mem>> -> memref<!tpu.dma_semaphore, #tpu.memory_space<semaphore_mem>>
        tpu.enqueue_indirect_dma source(%dma_start3A_426 : memref<128x64xf32, #tpu.memory_space<vmem>>) target(%dma_start3A_432 : memref<10000x64xf32, #tpu.memory_space<vmem_shared>>) offsets(%dma_start3A_429 : memref<128xi32, #tpu.memory_space<vmem>>) semaphore(%dma_start3A_434 : memref<!tpu.dma_semaphore, #tpu.memory_space<semaphore_mem>>) {add = true}
      } else {
      }
      %add3A_317 = arith.constant 6 : i32
      %add3A_318 = arith.addi %mul3A_274, %add3A_317 : i32
      %lt3A_319 = arith.constant 78 : i32
      %lt3A_320 = arith.cmpi slt, %add3A_318, %lt3A_319 : i32
      %convert_element_type3A_321 = arith.extui %lt3A_320 : i1 to i32
      %cond3A_322 = arith.constant 0 : i32
      %cond3A_323 = arith.cmpi ne, %convert_element_type3A_321, %cond3A_322 : i32
      scf.if %cond3A_323 {
        %add3A_403 = arith.constant 6 : i32
        %add3A_404 = arith.addi %mul3A_274, %add3A_403 : i32
        %dma_wait3A_405 = arith.constant 6 : i32
        %dma_wait3A_406 = arith.constant 6 : i32
        %dma_wait3A_407 = arith.constant 0 : i32
        %dma_wait3A_408 = arith.constant 0 : i32
        %dma_wait3A_409 = tpu.memref_slice %arg8[%dma_wait3A_405, %dma_wait3A_407, %dma_wait3A_408] : memref<8x128x64xf32, #tpu.memory_space<vmem>> -> memref<1x128x64xf32, #tpu.memory_space<vmem>>
        %dma_wait3A_410 = tpu.memref_squeeze %dma_wait3A_409 : memref<1x128x64xf32, #tpu.memory_space<vmem>> -> memref<128x64xf32, #tpu.memory_space<vmem>>
        %dma_wait3A_411 = arith.constant 0 : i32
        %dma_wait3A_412 = tpu.memref_slice %arg6[%add3A_404, %dma_wait3A_411] : memref<79x128xi32, #tpu.memory_space<vmem>> -> memref<1x128xi32, #tpu.memory_space<vmem>>
        %dma_wait3A_413 = tpu.memref_squeeze %dma_wait3A_412 : memref<1x128xi32, #tpu.memory_space<vmem>> -> memref<128xi32, #tpu.memory_space<vmem>>
        %dma_wait3A_414 = arith.constant 0 : i32
        %dma_wait3A_415 = arith.constant 0 : i32
        %dma_wait3A_416 = tpu.memref_slice %arg2[%dma_wait3A_414, %dma_wait3A_415] : memref<10000x64xf32, #tpu.memory_space<hbm>> -> memref<10000x64xf32, #tpu.memory_space<hbm>>
        %dma_wait3A_417 = tpu.memref_slice %arg10[%dma_wait3A_406] : memref<8x!tpu.dma_semaphore, #tpu.memory_space<semaphore_mem>> -> memref<1x!tpu.dma_semaphore, #tpu.memory_space<semaphore_mem>>
        %dma_wait3A_418 = tpu.memref_squeeze %dma_wait3A_417 : memref<1x!tpu.dma_semaphore, #tpu.memory_space<semaphore_mem>> -> memref<!tpu.dma_semaphore, #tpu.memory_space<semaphore_mem>>
        tpu.wait_indirect_dma semaphore(%dma_wait3A_418 : memref<!tpu.dma_semaphore, #tpu.memory_space<semaphore_mem>>) src(%dma_wait3A_416 : memref<10000x64xf32, #tpu.memory_space<hbm>>) dst(%dma_wait3A_410 : memref<128x64xf32, #tpu.memory_space<vmem>>)
        %add3A_419 = arith.constant 6 : i32
        %add3A_420 = arith.addi %mul3A_274, %add3A_419 : i32
        %dma_start3A_421 = arith.constant 6 : i32
        %dma_start3A_422 = arith.constant 6 : i32
        %dma_start3A_423 = arith.constant 0 : i32
        %dma_start3A_424 = arith.constant 0 : i32
        %dma_start3A_425 = tpu.memref_slice %arg8[%dma_start3A_421, %dma_start3A_423, %dma_start3A_424] : memref<8x128x64xf32, #tpu.memory_space<vmem>> -> memref<1x128x64xf32, #tpu.memory_space<vmem>>
        %dma_start3A_426 = tpu.memref_squeeze %dma_start3A_425 : memref<1x128x64xf32, #tpu.memory_space<vmem>> -> memref<128x64xf32, #tpu.memory_space<vmem>>
        %dma_start3A_427 = arith.constant 0 : i32
        %dma_start3A_428 = tpu.memref_slice %arg7[%add3A_420, %dma_start3A_427] : memref<79x128xi32, #tpu.memory_space<vmem>> -> memref<1x128xi32, #tpu.memory_space<vmem>>
        %dma_start3A_429 = tpu.memref_squeeze %dma_start3A_428 : memref<1x128xi32, #tpu.memory_space<vmem>> -> memref<128xi32, #tpu.memory_space<vmem>>
        %dma_start3A_430 = arith.constant 0 : i32
        %dma_start3A_431 = arith.constant 0 : i32
        %dma_start3A_432 = tpu.memref_slice %arg9[%dma_start3A_430, %dma_start3A_431] : memref<10000x64xf32, #tpu.memory_space<vmem_shared>> -> memref<10000x64xf32, #tpu.memory_space<vmem_shared>>
        %dma_start3A_433 = tpu.memref_slice %arg11[%dma_start3A_422] : memref<8x!tpu.dma_semaphore, #tpu.memory_space<semaphore_mem>> -> memref<1x!tpu.dma_semaphore, #tpu.memory_space<semaphore_mem>>
        %dma_start3A_434 = tpu.memref_squeeze %dma_start3A_433 : memref<1x!tpu.dma_semaphore, #tpu.memory_space<semaphore_mem>> -> memref<!tpu.dma_semaphore, #tpu.memory_space<semaphore_mem>>
        tpu.enqueue_indirect_dma source(%dma_start3A_426 : memref<128x64xf32, #tpu.memory_space<vmem>>) target(%dma_start3A_432 : memref<10000x64xf32, #tpu.memory_space<vmem_shared>>) offsets(%dma_start3A_429 : memref<128xi32, #tpu.memory_space<vmem>>) semaphore(%dma_start3A_434 : memref<!tpu.dma_semaphore, #tpu.memory_space<semaphore_mem>>) {add = true}
      } else {
      }
      %add3A_324 = arith.constant 7 : i32
      %add3A_325 = arith.addi %mul3A_274, %add3A_324 : i32
      %lt3A_326 = arith.constant 78 : i32
      %lt3A_327 = arith.cmpi slt, %add3A_325, %lt3A_326 : i32
      %convert_element_type3A_328 = arith.extui %lt3A_327 : i1 to i32
      %cond3A_329 = arith.constant 0 : i32
      %cond3A_330 = arith.cmpi ne, %convert_element_type3A_328, %cond3A_329 : i32
      scf.if %cond3A_330 {
        %add3A_403 = arith.constant 7 : i32
        %add3A_404 = arith.addi %mul3A_274, %add3A_403 : i32
        %dma_wait3A_405 = arith.constant 7 : i32
        %dma_wait3A_406 = arith.constant 7 : i32
        %dma_wait3A_407 = arith.constant 0 : i32
        %dma_wait3A_408 = arith.constant 0 : i32
        %dma_wait3A_409 = tpu.memref_slice %arg8[%dma_wait3A_405, %dma_wait3A_407, %dma_wait3A_408] : memref<8x128x64xf32, #tpu.memory_space<vmem>> -> memref<1x128x64xf32, #tpu.memory_space<vmem>>
        %dma_wait3A_410 = tpu.memref_squeeze %dma_wait3A_409 : memref<1x128x64xf32, #tpu.memory_space<vmem>> -> memref<128x64xf32, #tpu.memory_space<vmem>>
        %dma_wait3A_411 = arith.constant 0 : i32
        %dma_wait3A_412 = tpu.memref_slice %arg6[%add3A_404, %dma_wait3A_411] : memref<79x128xi32, #tpu.memory_space<vmem>> -> memref<1x128xi32, #tpu.memory_space<vmem>>
        %dma_wait3A_413 = tpu.memref_squeeze %dma_wait3A_412 : memref<1x128xi32, #tpu.memory_space<vmem>> -> memref<128xi32, #tpu.memory_space<vmem>>
        %dma_wait3A_414 = arith.constant 0 : i32
        %dma_wait3A_415 = arith.constant 0 : i32
        %dma_wait3A_416 = tpu.memref_slice %arg2[%dma_wait3A_414, %dma_wait3A_415] : memref<10000x64xf32, #tpu.memory_space<hbm>> -> memref<10000x64xf32, #tpu.memory_space<hbm>>
        %dma_wait3A_417 = tpu.memref_slice %arg10[%dma_wait3A_406] : memref<8x!tpu.dma_semaphore, #tpu.memory_space<semaphore_mem>> -> memref<1x!tpu.dma_semaphore, #tpu.memory_space<semaphore_mem>>
        %dma_wait3A_418 = tpu.memref_squeeze %dma_wait3A_417 : memref<1x!tpu.dma_semaphore, #tpu.memory_space<semaphore_mem>> -> memref<!tpu.dma_semaphore, #tpu.memory_space<semaphore_mem>>
        tpu.wait_indirect_dma semaphore(%dma_wait3A_418 : memref<!tpu.dma_semaphore, #tpu.memory_space<semaphore_mem>>) src(%dma_wait3A_416 : memref<10000x64xf32, #tpu.memory_space<hbm>>) dst(%dma_wait3A_410 : memref<128x64xf32, #tpu.memory_space<vmem>>)
        %add3A_419 = arith.constant 7 : i32
        %add3A_420 = arith.addi %mul3A_274, %add3A_419 : i32
        %dma_start3A_421 = arith.constant 7 : i32
        %dma_start3A_422 = arith.constant 7 : i32
        %dma_start3A_423 = arith.constant 0 : i32
        %dma_start3A_424 = arith.constant 0 : i32
        %dma_start3A_425 = tpu.memref_slice %arg8[%dma_start3A_421, %dma_start3A_423, %dma_start3A_424] : memref<8x128x64xf32, #tpu.memory_space<vmem>> -> memref<1x128x64xf32, #tpu.memory_space<vmem>>
        %dma_start3A_426 = tpu.memref_squeeze %dma_start3A_425 : memref<1x128x64xf32, #tpu.memory_space<vmem>> -> memref<128x64xf32, #tpu.memory_space<vmem>>
        %dma_start3A_427 = arith.constant 0 : i32
        %dma_start3A_428 = tpu.memref_slice %arg7[%add3A_420, %dma_start3A_427] : memref<79x128xi32, #tpu.memory_space<vmem>> -> memref<1x128xi32, #tpu.memory_space<vmem>>
        %dma_start3A_429 = tpu.memref_squeeze %dma_start3A_428 : memref<1x128xi32, #tpu.memory_space<vmem>> -> memref<128xi32, #tpu.memory_space<vmem>>
        %dma_start3A_430 = arith.constant 0 : i32
        %dma_start3A_431 = arith.constant 0 : i32
        %dma_start3A_432 = tpu.memref_slice %arg9[%dma_start3A_430, %dma_start3A_431] : memref<10000x64xf32, #tpu.memory_space<vmem_shared>> -> memref<10000x64xf32, #tpu.memory_space<vmem_shared>>
        %dma_start3A_433 = tpu.memref_slice %arg11[%dma_start3A_422] : memref<8x!tpu.dma_semaphore, #tpu.memory_space<semaphore_mem>> -> memref<1x!tpu.dma_semaphore, #tpu.memory_space<semaphore_mem>>
        %dma_start3A_434 = tpu.memref_squeeze %dma_start3A_433 : memref<1x!tpu.dma_semaphore, #tpu.memory_space<semaphore_mem>> -> memref<!tpu.dma_semaphore, #tpu.memory_space<semaphore_mem>>
        tpu.enqueue_indirect_dma source(%dma_start3A_426 : memref<128x64xf32, #tpu.memory_space<vmem>>) target(%dma_start3A_432 : memref<10000x64xf32, #tpu.memory_space<vmem_shared>>) offsets(%dma_start3A_429 : memref<128xi32, #tpu.memory_space<vmem>>) semaphore(%dma_start3A_434 : memref<!tpu.dma_semaphore, #tpu.memory_space<semaphore_mem>>) {add = true}
      } else {
      }
      %add3A_331 = arith.constant 8 : i32
      %add3A_332 = arith.addi %mul3A_274, %add3A_331 : i32
      %add3A_333 = arith.constant 0 : i32
      %add3A_334 = arith.addi %add3A_332, %add3A_333 : i32
      %lt3A_335 = arith.constant 78 : i32
      %lt3A_336 = arith.cmpi slt, %add3A_334, %lt3A_335 : i32
      %convert_element_type3A_337 = arith.extui %lt3A_336 : i1 to i32
      %cond3A_338 = arith.constant 0 : i32
      %cond3A_339 = arith.cmpi ne, %convert_element_type3A_337, %cond3A_338 : i32
      scf.if %cond3A_339 {
        %dma_wait3A_403 = arith.constant 0 : i32
        %dma_wait3A_404 = arith.constant 0 : i32
        %dma_wait3A_405 = arith.constant 0 : i32
        %dma_wait3A_406 = arith.constant 0 : i32
        %dma_wait3A_407 = arith.constant 0 : i32
        %dma_wait3A_408 = tpu.memref_slice %arg8[%dma_wait3A_403, %dma_wait3A_406, %dma_wait3A_407] : memref<8x128x64xf32, #tpu.memory_space<vmem>> -> memref<1x128x64xf32, #tpu.memory_space<vmem>>
        %dma_wait3A_409 = tpu.memref_squeeze %dma_wait3A_408 : memref<1x128x64xf32, #tpu.memory_space<vmem>> -> memref<128x64xf32, #tpu.memory_space<vmem>>
        %dma_wait3A_410 = arith.constant 0 : i32
        %dma_wait3A_411 = tpu.memref_slice %arg7[%dma_wait3A_404, %dma_wait3A_410] : memref<79x128xi32, #tpu.memory_space<vmem>> -> memref<1x128xi32, #tpu.memory_space<vmem>>
        %dma_wait3A_412 = tpu.memref_squeeze %dma_wait3A_411 : memref<1x128xi32, #tpu.memory_space<vmem>> -> memref<128xi32, #tpu.memory_space<vmem>>
        %dma_wait3A_413 = arith.constant 0 : i32
        %dma_wait3A_414 = arith.constant 0 : i32
        %dma_wait3A_415 = tpu.memref_slice %arg9[%dma_wait3A_413, %dma_wait3A_414] : memref<10000x64xf32, #tpu.memory_space<vmem_shared>> -> memref<10000x64xf32, #tpu.memory_space<vmem_shared>>
        %dma_wait3A_416 = tpu.memref_slice %arg11[%dma_wait3A_405] : memref<8x!tpu.dma_semaphore, #tpu.memory_space<semaphore_mem>> -> memref<1x!tpu.dma_semaphore, #tpu.memory_space<semaphore_mem>>
        %dma_wait3A_417 = tpu.memref_squeeze %dma_wait3A_416 : memref<1x!tpu.dma_semaphore, #tpu.memory_space<semaphore_mem>> -> memref<!tpu.dma_semaphore, #tpu.memory_space<semaphore_mem>>
        tpu.wait_indirect_dma semaphore(%dma_wait3A_417 : memref<!tpu.dma_semaphore, #tpu.memory_space<semaphore_mem>>) src(%dma_wait3A_409 : memref<128x64xf32, #tpu.memory_space<vmem>>) dst(%dma_wait3A_415 : memref<10000x64xf32, #tpu.memory_space<vmem_shared>>)
        %add3A_418 = arith.constant 8 : i32
        %add3A_419 = arith.addi %mul3A_274, %add3A_418 : i32
        %add3A_420 = arith.constant 0 : i32
        %add3A_421 = arith.addi %add3A_419, %add3A_420 : i32
        %dma_start3A_422 = arith.constant 0 : i32
        %dma_start3A_423 = arith.constant 0 : i32
        %dma_start3A_424 = arith.constant 0 : i32
        %dma_start3A_425 = arith.constant 0 : i32
        %dma_start3A_426 = tpu.memref_slice %arg8[%dma_start3A_422, %dma_start3A_424, %dma_start3A_425] : memref<8x128x64xf32, #tpu.memory_space<vmem>> -> memref<1x128x64xf32, #tpu.memory_space<vmem>>
        %dma_start3A_427 = tpu.memref_squeeze %dma_start3A_426 : memref<1x128x64xf32, #tpu.memory_space<vmem>> -> memref<128x64xf32, #tpu.memory_space<vmem>>
        %dma_start3A_428 = arith.constant 0 : i32
        %dma_start3A_429 = tpu.memref_slice %arg6[%add3A_421, %dma_start3A_428] : memref<79x128xi32, #tpu.memory_space<vmem>> -> memref<1x128xi32, #tpu.memory_space<vmem>>
        %dma_start3A_430 = tpu.memref_squeeze %dma_start3A_429 : memref<1x128xi32, #tpu.memory_space<vmem>> -> memref<128xi32, #tpu.memory_space<vmem>>
        %dma_start3A_431 = arith.constant 0 : i32
        %dma_start3A_432 = arith.constant 0 : i32
        %dma_start3A_433 = tpu.memref_slice %arg2[%dma_start3A_431, %dma_start3A_432] : memref<10000x64xf32, #tpu.memory_space<hbm>> -> memref<10000x64xf32, #tpu.memory_space<hbm>>
        %dma_start3A_434 = tpu.memref_slice %arg10[%dma_start3A_423] : memref<8x!tpu.dma_semaphore, #tpu.memory_space<semaphore_mem>> -> memref<1x!tpu.dma_semaphore, #tpu.memory_space<semaphore_mem>>
        %dma_start3A_435 = tpu.memref_squeeze %dma_start3A_434 : memref<1x!tpu.dma_semaphore, #tpu.memory_space<semaphore_mem>> -> memref<!tpu.dma_semaphore, #tpu.memory_space<semaphore_mem>>
        tpu.enqueue_indirect_dma source(%dma_start3A_433 : memref<10000x64xf32, #tpu.memory_space<hbm>>) target(%dma_start3A_427 : memref<128x64xf32, #tpu.memory_space<vmem>>) offsets(%dma_start3A_430 : memref<128xi32, #tpu.memory_space<vmem>>) semaphore(%dma_start3A_435 : memref<!tpu.dma_semaphore, #tpu.memory_space<semaphore_mem>>)
      } else {
      }
      %add3A_340 = arith.constant 8 : i32
      %add3A_341 = arith.addi %mul3A_274, %add3A_340 : i32
      %add3A_342 = arith.constant 1 : i32
      %add3A_343 = arith.addi %add3A_341, %add3A_342 : i32
      %lt3A_344 = arith.constant 78 : i32
      %lt3A_345 = arith.cmpi slt, %add3A_343, %lt3A_344 : i32
      %convert_element_type3A_346 = arith.extui %lt3A_345 : i1 to i32
      %cond3A_347 = arith.constant 0 : i32
      %cond3A_348 = arith.cmpi ne, %convert_element_type3A_346, %cond3A_347 : i32
      scf.if %cond3A_348 {
        %dma_wait3A_403 = arith.constant 1 : i32
        %dma_wait3A_404 = arith.constant 0 : i32
        %dma_wait3A_405 = arith.constant 1 : i32
        %dma_wait3A_406 = arith.constant 0 : i32
        %dma_wait3A_407 = arith.constant 0 : i32
        %dma_wait3A_408 = tpu.memref_slice %arg8[%dma_wait3A_403, %dma_wait3A_406, %dma_wait3A_407] : memref<8x128x64xf32, #tpu.memory_space<vmem>> -> memref<1x128x64xf32, #tpu.memory_space<vmem>>
        %dma_wait3A_409 = tpu.memref_squeeze %dma_wait3A_408 : memref<1x128x64xf32, #tpu.memory_space<vmem>> -> memref<128x64xf32, #tpu.memory_space<vmem>>
        %dma_wait3A_410 = arith.constant 0 : i32
        %dma_wait3A_411 = tpu.memref_slice %arg7[%dma_wait3A_404, %dma_wait3A_410] : memref<79x128xi32, #tpu.memory_space<vmem>> -> memref<1x128xi32, #tpu.memory_space<vmem>>
        %dma_wait3A_412 = tpu.memref_squeeze %dma_wait3A_411 : memref<1x128xi32, #tpu.memory_space<vmem>> -> memref<128xi32, #tpu.memory_space<vmem>>
        %dma_wait3A_413 = arith.constant 0 : i32
        %dma_wait3A_414 = arith.constant 0 : i32
        %dma_wait3A_415 = tpu.memref_slice %arg9[%dma_wait3A_413, %dma_wait3A_414] : memref<10000x64xf32, #tpu.memory_space<vmem_shared>> -> memref<10000x64xf32, #tpu.memory_space<vmem_shared>>
        %dma_wait3A_416 = tpu.memref_slice %arg11[%dma_wait3A_405] : memref<8x!tpu.dma_semaphore, #tpu.memory_space<semaphore_mem>> -> memref<1x!tpu.dma_semaphore, #tpu.memory_space<semaphore_mem>>
        %dma_wait3A_417 = tpu.memref_squeeze %dma_wait3A_416 : memref<1x!tpu.dma_semaphore, #tpu.memory_space<semaphore_mem>> -> memref<!tpu.dma_semaphore, #tpu.memory_space<semaphore_mem>>
        tpu.wait_indirect_dma semaphore(%dma_wait3A_417 : memref<!tpu.dma_semaphore, #tpu.memory_space<semaphore_mem>>) src(%dma_wait3A_409 : memref<128x64xf32, #tpu.memory_space<vmem>>) dst(%dma_wait3A_415 : memref<10000x64xf32, #tpu.memory_space<vmem_shared>>)
        %add3A_418 = arith.constant 8 : i32
        %add3A_419 = arith.addi %mul3A_274, %add3A_418 : i32
        %add3A_420 = arith.constant 1 : i32
        %add3A_421 = arith.addi %add3A_419, %add3A_420 : i32
        %dma_start3A_422 = arith.constant 1 : i32
        %dma_start3A_423 = arith.constant 1 : i32
        %dma_start3A_424 = arith.constant 0 : i32
        %dma_start3A_425 = arith.constant 0 : i32
        %dma_start3A_426 = tpu.memref_slice %arg8[%dma_start3A_422, %dma_start3A_424, %dma_start3A_425] : memref<8x128x64xf32, #tpu.memory_space<vmem>> -> memref<1x128x64xf32, #tpu.memory_space<vmem>>
        %dma_start3A_427 = tpu.memref_squeeze %dma_start3A_426 : memref<1x128x64xf32, #tpu.memory_space<vmem>> -> memref<128x64xf32, #tpu.memory_space<vmem>>
        %dma_start3A_428 = arith.constant 0 : i32
        %dma_start3A_429 = tpu.memref_slice %arg6[%add3A_421, %dma_start3A_428] : memref<79x128xi32, #tpu.memory_space<vmem>> -> memref<1x128xi32, #tpu.memory_space<vmem>>
        %dma_start3A_430 = tpu.memref_squeeze %dma_start3A_429 : memref<1x128xi32, #tpu.memory_space<vmem>> -> memref<128xi32, #tpu.memory_space<vmem>>
        %dma_start3A_431 = arith.constant 0 : i32
        %dma_start3A_432 = arith.constant 0 : i32
        %dma_start3A_433 = tpu.memref_slice %arg2[%dma_start3A_431, %dma_start3A_432] : memref<10000x64xf32, #tpu.memory_space<hbm>> -> memref<10000x64xf32, #tpu.memory_space<hbm>>
        %dma_start3A_434 = tpu.memref_slice %arg10[%dma_start3A_423] : memref<8x!tpu.dma_semaphore, #tpu.memory_space<semaphore_mem>> -> memref<1x!tpu.dma_semaphore, #tpu.memory_space<semaphore_mem>>
        %dma_start3A_435 = tpu.memref_squeeze %dma_start3A_434 : memref<1x!tpu.dma_semaphore, #tpu.memory_space<semaphore_mem>> -> memref<!tpu.dma_semaphore, #tpu.memory_space<semaphore_mem>>
        tpu.enqueue_indirect_dma source(%dma_start3A_433 : memref<10000x64xf32, #tpu.memory_space<hbm>>) target(%dma_start3A_427 : memref<128x64xf32, #tpu.memory_space<vmem>>) offsets(%dma_start3A_430 : memref<128xi32, #tpu.memory_space<vmem>>) semaphore(%dma_start3A_435 : memref<!tpu.dma_semaphore, #tpu.memory_space<semaphore_mem>>)
      } else {
      }
      %add3A_349 = arith.constant 8 : i32
      %add3A_350 = arith.addi %mul3A_274, %add3A_349 : i32
      %add3A_351 = arith.constant 2 : i32
      %add3A_352 = arith.addi %add3A_350, %add3A_351 : i32
      %lt3A_353 = arith.constant 78 : i32
      %lt3A_354 = arith.cmpi slt, %add3A_352, %lt3A_353 : i32
      %convert_element_type3A_355 = arith.extui %lt3A_354 : i1 to i32
      %cond3A_356 = arith.constant 0 : i32
      %cond3A_357 = arith.cmpi ne, %convert_element_type3A_355, %cond3A_356 : i32
      scf.if %cond3A_357 {
        %dma_wait3A_403 = arith.constant 2 : i32
        %dma_wait3A_404 = arith.constant 0 : i32
        %dma_wait3A_405 = arith.constant 2 : i32
        %dma_wait3A_406 = arith.constant 0 : i32
        %dma_wait3A_407 = arith.constant 0 : i32
        %dma_wait3A_408 = tpu.memref_slice %arg8[%dma_wait3A_403, %dma_wait3A_406, %dma_wait3A_407] : memref<8x128x64xf32, #tpu.memory_space<vmem>> -> memref<1x128x64xf32, #tpu.memory_space<vmem>>
        %dma_wait3A_409 = tpu.memref_squeeze %dma_wait3A_408 : memref<1x128x64xf32, #tpu.memory_space<vmem>> -> memref<128x64xf32, #tpu.memory_space<vmem>>
        %dma_wait3A_410 = arith.constant 0 : i32
        %dma_wait3A_411 = tpu.memref_slice %arg7[%dma_wait3A_404, %dma_wait3A_410] : memref<79x128xi32, #tpu.memory_space<vmem>> -> memref<1x128xi32, #tpu.memory_space<vmem>>
        %dma_wait3A_412 = tpu.memref_squeeze %dma_wait3A_411 : memref<1x128xi32, #tpu.memory_space<vmem>> -> memref<128xi32, #tpu.memory_space<vmem>>
        %dma_wait3A_413 = arith.constant 0 : i32
        %dma_wait3A_414 = arith.constant 0 : i32
        %dma_wait3A_415 = tpu.memref_slice %arg9[%dma_wait3A_413, %dma_wait3A_414] : memref<10000x64xf32, #tpu.memory_space<vmem_shared>> -> memref<10000x64xf32, #tpu.memory_space<vmem_shared>>
        %dma_wait3A_416 = tpu.memref_slice %arg11[%dma_wait3A_405] : memref<8x!tpu.dma_semaphore, #tpu.memory_space<semaphore_mem>> -> memref<1x!tpu.dma_semaphore, #tpu.memory_space<semaphore_mem>>
        %dma_wait3A_417 = tpu.memref_squeeze %dma_wait3A_416 : memref<1x!tpu.dma_semaphore, #tpu.memory_space<semaphore_mem>> -> memref<!tpu.dma_semaphore, #tpu.memory_space<semaphore_mem>>
        tpu.wait_indirect_dma semaphore(%dma_wait3A_417 : memref<!tpu.dma_semaphore, #tpu.memory_space<semaphore_mem>>) src(%dma_wait3A_409 : memref<128x64xf32, #tpu.memory_space<vmem>>) dst(%dma_wait3A_415 : memref<10000x64xf32, #tpu.memory_space<vmem_shared>>)
        %add3A_418 = arith.constant 8 : i32
        %add3A_419 = arith.addi %mul3A_274, %add3A_418 : i32
        %add3A_420 = arith.constant 2 : i32
        %add3A_421 = arith.addi %add3A_419, %add3A_420 : i32
        %dma_start3A_422 = arith.constant 2 : i32
        %dma_start3A_423 = arith.constant 2 : i32
        %dma_start3A_424 = arith.constant 0 : i32
        %dma_start3A_425 = arith.constant 0 : i32
        %dma_start3A_426 = tpu.memref_slice %arg8[%dma_start3A_422, %dma_start3A_424, %dma_start3A_425] : memref<8x128x64xf32, #tpu.memory_space<vmem>> -> memref<1x128x64xf32, #tpu.memory_space<vmem>>
        %dma_start3A_427 = tpu.memref_squeeze %dma_start3A_426 : memref<1x128x64xf32, #tpu.memory_space<vmem>> -> memref<128x64xf32, #tpu.memory_space<vmem>>
        %dma_start3A_428 = arith.constant 0 : i32
        %dma_start3A_429 = tpu.memref_slice %arg6[%add3A_421, %dma_start3A_428] : memref<79x128xi32, #tpu.memory_space<vmem>> -> memref<1x128xi32, #tpu.memory_space<vmem>>
        %dma_start3A_430 = tpu.memref_squeeze %dma_start3A_429 : memref<1x128xi32, #tpu.memory_space<vmem>> -> memref<128xi32, #tpu.memory_space<vmem>>
        %dma_start3A_431 = arith.constant 0 : i32
        %dma_start3A_432 = arith.constant 0 : i32
        %dma_start3A_433 = tpu.memref_slice %arg2[%dma_start3A_431, %dma_start3A_432] : memref<10000x64xf32, #tpu.memory_space<hbm>> -> memref<10000x64xf32, #tpu.memory_space<hbm>>
        %dma_start3A_434 = tpu.memref_slice %arg10[%dma_start3A_423] : memref<8x!tpu.dma_semaphore, #tpu.memory_space<semaphore_mem>> -> memref<1x!tpu.dma_semaphore, #tpu.memory_space<semaphore_mem>>
        %dma_start3A_435 = tpu.memref_squeeze %dma_start3A_434 : memref<1x!tpu.dma_semaphore, #tpu.memory_space<semaphore_mem>> -> memref<!tpu.dma_semaphore, #tpu.memory_space<semaphore_mem>>
        tpu.enqueue_indirect_dma source(%dma_start3A_433 : memref<10000x64xf32, #tpu.memory_space<hbm>>) target(%dma_start3A_427 : memref<128x64xf32, #tpu.memory_space<vmem>>) offsets(%dma_start3A_430 : memref<128xi32, #tpu.memory_space<vmem>>) semaphore(%dma_start3A_435 : memref<!tpu.dma_semaphore, #tpu.memory_space<semaphore_mem>>)
      } else {
      }
      %add3A_358 = arith.constant 8 : i32
      %add3A_359 = arith.addi %mul3A_274, %add3A_358 : i32
      %add3A_360 = arith.constant 3 : i32
      %add3A_361 = arith.addi %add3A_359, %add3A_360 : i32
      %lt3A_362 = arith.constant 78 : i32
      %lt3A_363 = arith.cmpi slt, %add3A_361, %lt3A_362 : i32
      %convert_element_type3A_364 = arith.extui %lt3A_363 : i1 to i32
      %cond3A_365 = arith.constant 0 : i32
      %cond3A_366 = arith.cmpi ne, %convert_element_type3A_364, %cond3A_365 : i32
      scf.if %cond3A_366 {
        %dma_wait3A_403 = arith.constant 3 : i32
        %dma_wait3A_404 = arith.constant 0 : i32
        %dma_wait3A_405 = arith.constant 3 : i32
        %dma_wait3A_406 = arith.constant 0 : i32
        %dma_wait3A_407 = arith.constant 0 : i32
        %dma_wait3A_408 = tpu.memref_slice %arg8[%dma_wait3A_403, %dma_wait3A_406, %dma_wait3A_407] : memref<8x128x64xf32, #tpu.memory_space<vmem>> -> memref<1x128x64xf32, #tpu.memory_space<vmem>>
        %dma_wait3A_409 = tpu.memref_squeeze %dma_wait3A_408 : memref<1x128x64xf32, #tpu.memory_space<vmem>> -> memref<128x64xf32, #tpu.memory_space<vmem>>
        %dma_wait3A_410 = arith.constant 0 : i32
        %dma_wait3A_411 = tpu.memref_slice %arg7[%dma_wait3A_404, %dma_wait3A_410] : memref<79x128xi32, #tpu.memory_space<vmem>> -> memref<1x128xi32, #tpu.memory_space<vmem>>
        %dma_wait3A_412 = tpu.memref_squeeze %dma_wait3A_411 : memref<1x128xi32, #tpu.memory_space<vmem>> -> memref<128xi32, #tpu.memory_space<vmem>>
        %dma_wait3A_413 = arith.constant 0 : i32
        %dma_wait3A_414 = arith.constant 0 : i32
        %dma_wait3A_415 = tpu.memref_slice %arg9[%dma_wait3A_413, %dma_wait3A_414] : memref<10000x64xf32, #tpu.memory_space<vmem_shared>> -> memref<10000x64xf32, #tpu.memory_space<vmem_shared>>
        %dma_wait3A_416 = tpu.memref_slice %arg11[%dma_wait3A_405] : memref<8x!tpu.dma_semaphore, #tpu.memory_space<semaphore_mem>> -> memref<1x!tpu.dma_semaphore, #tpu.memory_space<semaphore_mem>>
        %dma_wait3A_417 = tpu.memref_squeeze %dma_wait3A_416 : memref<1x!tpu.dma_semaphore, #tpu.memory_space<semaphore_mem>> -> memref<!tpu.dma_semaphore, #tpu.memory_space<semaphore_mem>>
        tpu.wait_indirect_dma semaphore(%dma_wait3A_417 : memref<!tpu.dma_semaphore, #tpu.memory_space<semaphore_mem>>) src(%dma_wait3A_409 : memref<128x64xf32, #tpu.memory_space<vmem>>) dst(%dma_wait3A_415 : memref<10000x64xf32, #tpu.memory_space<vmem_shared>>)
        %add3A_418 = arith.constant 8 : i32
        %add3A_419 = arith.addi %mul3A_274, %add3A_418 : i32
        %add3A_420 = arith.constant 3 : i32
        %add3A_421 = arith.addi %add3A_419, %add3A_420 : i32
        %dma_start3A_422 = arith.constant 3 : i32
        %dma_start3A_423 = arith.constant 3 : i32
        %dma_start3A_424 = arith.constant 0 : i32
        %dma_start3A_425 = arith.constant 0 : i32
        %dma_start3A_426 = tpu.memref_slice %arg8[%dma_start3A_422, %dma_start3A_424, %dma_start3A_425] : memref<8x128x64xf32, #tpu.memory_space<vmem>> -> memref<1x128x64xf32, #tpu.memory_space<vmem>>
        %dma_start3A_427 = tpu.memref_squeeze %dma_start3A_426 : memref<1x128x64xf32, #tpu.memory_space<vmem>> -> memref<128x64xf32, #tpu.memory_space<vmem>>
        %dma_start3A_428 = arith.constant 0 : i32
        %dma_start3A_429 = tpu.memref_slice %arg6[%add3A_421, %dma_start3A_428] : memref<79x128xi32, #tpu.memory_space<vmem>> -> memref<1x128xi32, #tpu.memory_space<vmem>>
        %dma_start3A_430 = tpu.memref_squeeze %dma_start3A_429 : memref<1x128xi32, #tpu.memory_space<vmem>> -> memref<128xi32, #tpu.memory_space<vmem>>
        %dma_start3A_431 = arith.constant 0 : i32
        %dma_start3A_432 = arith.constant 0 : i32
        %dma_start3A_433 = tpu.memref_slice %arg2[%dma_start3A_431, %dma_start3A_432] : memref<10000x64xf32, #tpu.memory_space<hbm>> -> memref<10000x64xf32, #tpu.memory_space<hbm>>
        %dma_start3A_434 = tpu.memref_slice %arg10[%dma_start3A_423] : memref<8x!tpu.dma_semaphore, #tpu.memory_space<semaphore_mem>> -> memref<1x!tpu.dma_semaphore, #tpu.memory_space<semaphore_mem>>
        %dma_start3A_435 = tpu.memref_squeeze %dma_start3A_434 : memref<1x!tpu.dma_semaphore, #tpu.memory_space<semaphore_mem>> -> memref<!tpu.dma_semaphore, #tpu.memory_space<semaphore_mem>>
        tpu.enqueue_indirect_dma source(%dma_start3A_433 : memref<10000x64xf32, #tpu.memory_space<hbm>>) target(%dma_start3A_427 : memref<128x64xf32, #tpu.memory_space<vmem>>) offsets(%dma_start3A_430 : memref<128xi32, #tpu.memory_space<vmem>>) semaphore(%dma_start3A_435 : memref<!tpu.dma_semaphore, #tpu.memory_space<semaphore_mem>>)
      } else {
      }
      %add3A_367 = arith.constant 8 : i32
      %add3A_368 = arith.addi %mul3A_274, %add3A_367 : i32
      %add3A_369 = arith.constant 4 : i32
      %add3A_370 = arith.addi %add3A_368, %add3A_369 : i32
      %lt3A_371 = arith.constant 78 : i32
      %lt3A_372 = arith.cmpi slt, %add3A_370, %lt3A_371 : i32
      %convert_element_type3A_373 = arith.extui %lt3A_372 : i1 to i32
      %cond3A_374 = arith.constant 0 : i32
      %cond3A_375 = arith.cmpi ne, %convert_element_type3A_373, %cond3A_374 : i32
      scf.if %cond3A_375 {
        %dma_wait3A_403 = arith.constant 4 : i32
        %dma_wait3A_404 = arith.constant 0 : i32
        %dma_wait3A_405 = arith.constant 4 : i32
        %dma_wait3A_406 = arith.constant 0 : i32
        %dma_wait3A_407 = arith.constant 0 : i32
        %dma_wait3A_408 = tpu.memref_slice %arg8[%dma_wait3A_403, %dma_wait3A_406, %dma_wait3A_407] : memref<8x128x64xf32, #tpu.memory_space<vmem>> -> memref<1x128x64xf32, #tpu.memory_space<vmem>>
        %dma_wait3A_409 = tpu.memref_squeeze %dma_wait3A_408 : memref<1x128x64xf32, #tpu.memory_space<vmem>> -> memref<128x64xf32, #tpu.memory_space<vmem>>
        %dma_wait3A_410 = arith.constant 0 : i32
        %dma_wait3A_411 = tpu.memref_slice %arg7[%dma_wait3A_404, %dma_wait3A_410] : memref<79x128xi32, #tpu.memory_space<vmem>> -> memref<1x128xi32, #tpu.memory_space<vmem>>
        %dma_wait3A_412 = tpu.memref_squeeze %dma_wait3A_411 : memref<1x128xi32, #tpu.memory_space<vmem>> -> memref<128xi32, #tpu.memory_space<vmem>>
        %dma_wait3A_413 = arith.constant 0 : i32
        %dma_wait3A_414 = arith.constant 0 : i32
        %dma_wait3A_415 = tpu.memref_slice %arg9[%dma_wait3A_413, %dma_wait3A_414] : memref<10000x64xf32, #tpu.memory_space<vmem_shared>> -> memref<10000x64xf32, #tpu.memory_space<vmem_shared>>
        %dma_wait3A_416 = tpu.memref_slice %arg11[%dma_wait3A_405] : memref<8x!tpu.dma_semaphore, #tpu.memory_space<semaphore_mem>> -> memref<1x!tpu.dma_semaphore, #tpu.memory_space<semaphore_mem>>
        %dma_wait3A_417 = tpu.memref_squeeze %dma_wait3A_416 : memref<1x!tpu.dma_semaphore, #tpu.memory_space<semaphore_mem>> -> memref<!tpu.dma_semaphore, #tpu.memory_space<semaphore_mem>>
        tpu.wait_indirect_dma semaphore(%dma_wait3A_417 : memref<!tpu.dma_semaphore, #tpu.memory_space<semaphore_mem>>) src(%dma_wait3A_409 : memref<128x64xf32, #tpu.memory_space<vmem>>) dst(%dma_wait3A_415 : memref<10000x64xf32, #tpu.memory_space<vmem_shared>>)
        %add3A_418 = arith.constant 8 : i32
        %add3A_419 = arith.addi %mul3A_274, %add3A_418 : i32
        %add3A_420 = arith.constant 4 : i32
        %add3A_421 = arith.addi %add3A_419, %add3A_420 : i32
        %dma_start3A_422 = arith.constant 4 : i32
        %dma_start3A_423 = arith.constant 4 : i32
        %dma_start3A_424 = arith.constant 0 : i32
        %dma_start3A_425 = arith.constant 0 : i32
        %dma_start3A_426 = tpu.memref_slice %arg8[%dma_start3A_422, %dma_start3A_424, %dma_start3A_425] : memref<8x128x64xf32, #tpu.memory_space<vmem>> -> memref<1x128x64xf32, #tpu.memory_space<vmem>>
        %dma_start3A_427 = tpu.memref_squeeze %dma_start3A_426 : memref<1x128x64xf32, #tpu.memory_space<vmem>> -> memref<128x64xf32, #tpu.memory_space<vmem>>
        %dma_start3A_428 = arith.constant 0 : i32
        %dma_start3A_429 = tpu.memref_slice %arg6[%add3A_421, %dma_start3A_428] : memref<79x128xi32, #tpu.memory_space<vmem>> -> memref<1x128xi32, #tpu.memory_space<vmem>>
        %dma_start3A_430 = tpu.memref_squeeze %dma_start3A_429 : memref<1x128xi32, #tpu.memory_space<vmem>> -> memref<128xi32, #tpu.memory_space<vmem>>
        %dma_start3A_431 = arith.constant 0 : i32
        %dma_start3A_432 = arith.constant 0 : i32
        %dma_start3A_433 = tpu.memref_slice %arg2[%dma_start3A_431, %dma_start3A_432] : memref<10000x64xf32, #tpu.memory_space<hbm>> -> memref<10000x64xf32, #tpu.memory_space<hbm>>
        %dma_start3A_434 = tpu.memref_slice %arg10[%dma_start3A_423] : memref<8x!tpu.dma_semaphore, #tpu.memory_space<semaphore_mem>> -> memref<1x!tpu.dma_semaphore, #tpu.memory_space<semaphore_mem>>
        %dma_start3A_435 = tpu.memref_squeeze %dma_start3A_434 : memref<1x!tpu.dma_semaphore, #tpu.memory_space<semaphore_mem>> -> memref<!tpu.dma_semaphore, #tpu.memory_space<semaphore_mem>>
        tpu.enqueue_indirect_dma source(%dma_start3A_433 : memref<10000x64xf32, #tpu.memory_space<hbm>>) target(%dma_start3A_427 : memref<128x64xf32, #tpu.memory_space<vmem>>) offsets(%dma_start3A_430 : memref<128xi32, #tpu.memory_space<vmem>>) semaphore(%dma_start3A_435 : memref<!tpu.dma_semaphore, #tpu.memory_space<semaphore_mem>>)
      } else {
      }
      %add3A_376 = arith.constant 8 : i32
      %add3A_377 = arith.addi %mul3A_274, %add3A_376 : i32
      %add3A_378 = arith.constant 5 : i32
      %add3A_379 = arith.addi %add3A_377, %add3A_378 : i32
      %lt3A_380 = arith.constant 78 : i32
      %lt3A_381 = arith.cmpi slt, %add3A_379, %lt3A_380 : i32
      %convert_element_type3A_382 = arith.extui %lt3A_381 : i1 to i32
      %cond3A_383 = arith.constant 0 : i32
      %cond3A_384 = arith.cmpi ne, %convert_element_type3A_382, %cond3A_383 : i32
      scf.if %cond3A_384 {
        %dma_wait3A_403 = arith.constant 5 : i32
        %dma_wait3A_404 = arith.constant 0 : i32
        %dma_wait3A_405 = arith.constant 5 : i32
        %dma_wait3A_406 = arith.constant 0 : i32
        %dma_wait3A_407 = arith.constant 0 : i32
        %dma_wait3A_408 = tpu.memref_slice %arg8[%dma_wait3A_403, %dma_wait3A_406, %dma_wait3A_407] : memref<8x128x64xf32, #tpu.memory_space<vmem>> -> memref<1x128x64xf32, #tpu.memory_space<vmem>>
        %dma_wait3A_409 = tpu.memref_squeeze %dma_wait3A_408 : memref<1x128x64xf32, #tpu.memory_space<vmem>> -> memref<128x64xf32, #tpu.memory_space<vmem>>
        %dma_wait3A_410 = arith.constant 0 : i32
        %dma_wait3A_411 = tpu.memref_slice %arg7[%dma_wait3A_404, %dma_wait3A_410] : memref<79x128xi32, #tpu.memory_space<vmem>> -> memref<1x128xi32, #tpu.memory_space<vmem>>
        %dma_wait3A_412 = tpu.memref_squeeze %dma_wait3A_411 : memref<1x128xi32, #tpu.memory_space<vmem>> -> memref<128xi32, #tpu.memory_space<vmem>>
        %dma_wait3A_413 = arith.constant 0 : i32
        %dma_wait3A_414 = arith.constant 0 : i32
        %dma_wait3A_415 = tpu.memref_slice %arg9[%dma_wait3A_413, %dma_wait3A_414] : memref<10000x64xf32, #tpu.memory_space<vmem_shared>> -> memref<10000x64xf32, #tpu.memory_space<vmem_shared>>
        %dma_wait3A_416 = tpu.memref_slice %arg11[%dma_wait3A_405] : memref<8x!tpu.dma_semaphore, #tpu.memory_space<semaphore_mem>> -> memref<1x!tpu.dma_semaphore, #tpu.memory_space<semaphore_mem>>
        %dma_wait3A_417 = tpu.memref_squeeze %dma_wait3A_416 : memref<1x!tpu.dma_semaphore, #tpu.memory_space<semaphore_mem>> -> memref<!tpu.dma_semaphore, #tpu.memory_space<semaphore_mem>>
        tpu.wait_indirect_dma semaphore(%dma_wait3A_417 : memref<!tpu.dma_semaphore, #tpu.memory_space<semaphore_mem>>) src(%dma_wait3A_409 : memref<128x64xf32, #tpu.memory_space<vmem>>) dst(%dma_wait3A_415 : memref<10000x64xf32, #tpu.memory_space<vmem_shared>>)
        %add3A_418 = arith.constant 8 : i32
        %add3A_419 = arith.addi %mul3A_274, %add3A_418 : i32
        %add3A_420 = arith.constant 5 : i32
        %add3A_421 = arith.addi %add3A_419, %add3A_420 : i32
        %dma_start3A_422 = arith.constant 5 : i32
        %dma_start3A_423 = arith.constant 5 : i32
        %dma_start3A_424 = arith.constant 0 : i32
        %dma_start3A_425 = arith.constant 0 : i32
        %dma_start3A_426 = tpu.memref_slice %arg8[%dma_start3A_422, %dma_start3A_424, %dma_start3A_425] : memref<8x128x64xf32, #tpu.memory_space<vmem>> -> memref<1x128x64xf32, #tpu.memory_space<vmem>>
        %dma_start3A_427 = tpu.memref_squeeze %dma_start3A_426 : memref<1x128x64xf32, #tpu.memory_space<vmem>> -> memref<128x64xf32, #tpu.memory_space<vmem>>
        %dma_start3A_428 = arith.constant 0 : i32
        %dma_start3A_429 = tpu.memref_slice %arg6[%add3A_421, %dma_start3A_428] : memref<79x128xi32, #tpu.memory_space<vmem>> -> memref<1x128xi32, #tpu.memory_space<vmem>>
        %dma_start3A_430 = tpu.memref_squeeze %dma_start3A_429 : memref<1x128xi32, #tpu.memory_space<vmem>> -> memref<128xi32, #tpu.memory_space<vmem>>
        %dma_start3A_431 = arith.constant 0 : i32
        %dma_start3A_432 = arith.constant 0 : i32
        %dma_start3A_433 = tpu.memref_slice %arg2[%dma_start3A_431, %dma_start3A_432] : memref<10000x64xf32, #tpu.memory_space<hbm>> -> memref<10000x64xf32, #tpu.memory_space<hbm>>
        %dma_start3A_434 = tpu.memref_slice %arg10[%dma_start3A_423] : memref<8x!tpu.dma_semaphore, #tpu.memory_space<semaphore_mem>> -> memref<1x!tpu.dma_semaphore, #tpu.memory_space<semaphore_mem>>
        %dma_start3A_435 = tpu.memref_squeeze %dma_start3A_434 : memref<1x!tpu.dma_semaphore, #tpu.memory_space<semaphore_mem>> -> memref<!tpu.dma_semaphore, #tpu.memory_space<semaphore_mem>>
        tpu.enqueue_indirect_dma source(%dma_start3A_433 : memref<10000x64xf32, #tpu.memory_space<hbm>>) target(%dma_start3A_427 : memref<128x64xf32, #tpu.memory_space<vmem>>) offsets(%dma_start3A_430 : memref<128xi32, #tpu.memory_space<vmem>>) semaphore(%dma_start3A_435 : memref<!tpu.dma_semaphore, #tpu.memory_space<semaphore_mem>>)
      } else {
      }
      %add3A_385 = arith.constant 8 : i32
      %add3A_386 = arith.addi %mul3A_274, %add3A_385 : i32
      %add3A_387 = arith.constant 6 : i32
      %add3A_388 = arith.addi %add3A_386, %add3A_387 : i32
      %lt3A_389 = arith.constant 78 : i32
      %lt3A_390 = arith.cmpi slt, %add3A_388, %lt3A_389 : i32
      %convert_element_type3A_391 = arith.extui %lt3A_390 : i1 to i32
      %cond3A_392 = arith.constant 0 : i32
      %cond3A_393 = arith.cmpi ne, %convert_element_type3A_391, %cond3A_392 : i32
      scf.if %cond3A_393 {
        %dma_wait3A_403 = arith.constant 6 : i32
        %dma_wait3A_404 = arith.constant 0 : i32
        %dma_wait3A_405 = arith.constant 6 : i32
        %dma_wait3A_406 = arith.constant 0 : i32
        %dma_wait3A_407 = arith.constant 0 : i32
        %dma_wait3A_408 = tpu.memref_slice %arg8[%dma_wait3A_403, %dma_wait3A_406, %dma_wait3A_407] : memref<8x128x64xf32, #tpu.memory_space<vmem>> -> memref<1x128x64xf32, #tpu.memory_space<vmem>>
        %dma_wait3A_409 = tpu.memref_squeeze %dma_wait3A_408 : memref<1x128x64xf32, #tpu.memory_space<vmem>> -> memref<128x64xf32, #tpu.memory_space<vmem>>
        %dma_wait3A_410 = arith.constant 0 : i32
        %dma_wait3A_411 = tpu.memref_slice %arg7[%dma_wait3A_404, %dma_wait3A_410] : memref<79x128xi32, #tpu.memory_space<vmem>> -> memref<1x128xi32, #tpu.memory_space<vmem>>
        %dma_wait3A_412 = tpu.memref_squeeze %dma_wait3A_411 : memref<1x128xi32, #tpu.memory_space<vmem>> -> memref<128xi32, #tpu.memory_space<vmem>>
        %dma_wait3A_413 = arith.constant 0 : i32
        %dma_wait3A_414 = arith.constant 0 : i32
        %dma_wait3A_415 = tpu.memref_slice %arg9[%dma_wait3A_413, %dma_wait3A_414] : memref<10000x64xf32, #tpu.memory_space<vmem_shared>> -> memref<10000x64xf32, #tpu.memory_space<vmem_shared>>
        %dma_wait3A_416 = tpu.memref_slice %arg11[%dma_wait3A_405] : memref<8x!tpu.dma_semaphore, #tpu.memory_space<semaphore_mem>> -> memref<1x!tpu.dma_semaphore, #tpu.memory_space<semaphore_mem>>
        %dma_wait3A_417 = tpu.memref_squeeze %dma_wait3A_416 : memref<1x!tpu.dma_semaphore, #tpu.memory_space<semaphore_mem>> -> memref<!tpu.dma_semaphore, #tpu.memory_space<semaphore_mem>>
        tpu.wait_indirect_dma semaphore(%dma_wait3A_417 : memref<!tpu.dma_semaphore, #tpu.memory_space<semaphore_mem>>) src(%dma_wait3A_409 : memref<128x64xf32, #tpu.memory_space<vmem>>) dst(%dma_wait3A_415 : memref<10000x64xf32, #tpu.memory_space<vmem_shared>>)
        %add3A_418 = arith.constant 8 : i32
        %add3A_419 = arith.addi %mul3A_274, %add3A_418 : i32
        %add3A_420 = arith.constant 6 : i32
        %add3A_421 = arith.addi %add3A_419, %add3A_420 : i32
        %dma_start3A_422 = arith.constant 6 : i32
        %dma_start3A_423 = arith.constant 6 : i32
        %dma_start3A_424 = arith.constant 0 : i32
        %dma_start3A_425 = arith.constant 0 : i32
        %dma_start3A_426 = tpu.memref_slice %arg8[%dma_start3A_422, %dma_start3A_424, %dma_start3A_425] : memref<8x128x64xf32, #tpu.memory_space<vmem>> -> memref<1x128x64xf32, #tpu.memory_space<vmem>>
        %dma_start3A_427 = tpu.memref_squeeze %dma_start3A_426 : memref<1x128x64xf32, #tpu.memory_space<vmem>> -> memref<128x64xf32, #tpu.memory_space<vmem>>
        %dma_start3A_428 = arith.constant 0 : i32
        %dma_start3A_429 = tpu.memref_slice %arg6[%add3A_421, %dma_start3A_428] : memref<79x128xi32, #tpu.memory_space<vmem>> -> memref<1x128xi32, #tpu.memory_space<vmem>>
        %dma_start3A_430 = tpu.memref_squeeze %dma_start3A_429 : memref<1x128xi32, #tpu.memory_space<vmem>> -> memref<128xi32, #tpu.memory_space<vmem>>
        %dma_start3A_431 = arith.constant 0 : i32
        %dma_start3A_432 = arith.constant 0 : i32
        %dma_start3A_433 = tpu.memref_slice %arg2[%dma_start3A_431, %dma_start3A_432] : memref<10000x64xf32, #tpu.memory_space<hbm>> -> memref<10000x64xf32, #tpu.memory_space<hbm>>
        %dma_start3A_434 = tpu.memref_slice %arg10[%dma_start3A_423] : memref<8x!tpu.dma_semaphore, #tpu.memory_space<semaphore_mem>> -> memref<1x!tpu.dma_semaphore, #tpu.memory_space<semaphore_mem>>
        %dma_start3A_435 = tpu.memref_squeeze %dma_start3A_434 : memref<1x!tpu.dma_semaphore, #tpu.memory_space<semaphore_mem>> -> memref<!tpu.dma_semaphore, #tpu.memory_space<semaphore_mem>>
        tpu.enqueue_indirect_dma source(%dma_start3A_433 : memref<10000x64xf32, #tpu.memory_space<hbm>>) target(%dma_start3A_427 : memref<128x64xf32, #tpu.memory_space<vmem>>) offsets(%dma_start3A_430 : memref<128xi32, #tpu.memory_space<vmem>>) semaphore(%dma_start3A_435 : memref<!tpu.dma_semaphore, #tpu.memory_space<semaphore_mem>>)
      } else {
      }
      %add3A_394 = arith.constant 8 : i32
      %add3A_395 = arith.addi %mul3A_274, %add3A_394 : i32
      %add3A_396 = arith.constant 7 : i32
      %add3A_397 = arith.addi %add3A_395, %add3A_396 : i32
      %lt3A_398 = arith.constant 78 : i32
      %lt3A_399 = arith.cmpi slt, %add3A_397, %lt3A_398 : i32
      %convert_element_type3A_400 = arith.extui %lt3A_399 : i1 to i32
      %cond3A_401 = arith.constant 0 : i32
      %cond3A_402 = arith.cmpi ne, %convert_element_type3A_400, %cond3A_401 : i32
      scf.if %cond3A_402 {
        %dma_wait3A_403 = arith.constant 7 : i32
        %dma_wait3A_404 = arith.constant 0 : i32
        %dma_wait3A_405 = arith.constant 7 : i32
        %dma_wait3A_406 = arith.constant 0 : i32
        %dma_wait3A_407 = arith.constant 0 : i32
        %dma_wait3A_408 = tpu.memref_slice %arg8[%dma_wait3A_403, %dma_wait3A_406, %dma_wait3A_407] : memref<8x128x64xf32, #tpu.memory_space<vmem>> -> memref<1x128x64xf32, #tpu.memory_space<vmem>>
        %dma_wait3A_409 = tpu.memref_squeeze %dma_wait3A_408 : memref<1x128x64xf32, #tpu.memory_space<vmem>> -> memref<128x64xf32, #tpu.memory_space<vmem>>
        %dma_wait3A_410 = arith.constant 0 : i32
        %dma_wait3A_411 = tpu.memref_slice %arg7[%dma_wait3A_404, %dma_wait3A_410] : memref<79x128xi32, #tpu.memory_space<vmem>> -> memref<1x128xi32, #tpu.memory_space<vmem>>
        %dma_wait3A_412 = tpu.memref_squeeze %dma_wait3A_411 : memref<1x128xi32, #tpu.memory_space<vmem>> -> memref<128xi32, #tpu.memory_space<vmem>>
        %dma_wait3A_413 = arith.constant 0 : i32
        %dma_wait3A_414 = arith.constant 0 : i32
        %dma_wait3A_415 = tpu.memref_slice %arg9[%dma_wait3A_413, %dma_wait3A_414] : memref<10000x64xf32, #tpu.memory_space<vmem_shared>> -> memref<10000x64xf32, #tpu.memory_space<vmem_shared>>
        %dma_wait3A_416 = tpu.memref_slice %arg11[%dma_wait3A_405] : memref<8x!tpu.dma_semaphore, #tpu.memory_space<semaphore_mem>> -> memref<1x!tpu.dma_semaphore, #tpu.memory_space<semaphore_mem>>
        %dma_wait3A_417 = tpu.memref_squeeze %dma_wait3A_416 : memref<1x!tpu.dma_semaphore, #tpu.memory_space<semaphore_mem>> -> memref<!tpu.dma_semaphore, #tpu.memory_space<semaphore_mem>>
        tpu.wait_indirect_dma semaphore(%dma_wait3A_417 : memref<!tpu.dma_semaphore, #tpu.memory_space<semaphore_mem>>) src(%dma_wait3A_409 : memref<128x64xf32, #tpu.memory_space<vmem>>) dst(%dma_wait3A_415 : memref<10000x64xf32, #tpu.memory_space<vmem_shared>>)
        %add3A_418 = arith.constant 8 : i32
        %add3A_419 = arith.addi %mul3A_274, %add3A_418 : i32
        %add3A_420 = arith.constant 7 : i32
        %add3A_421 = arith.addi %add3A_419, %add3A_420 : i32
        %dma_start3A_422 = arith.constant 7 : i32
        %dma_start3A_423 = arith.constant 7 : i32
        %dma_start3A_424 = arith.constant 0 : i32
        %dma_start3A_425 = arith.constant 0 : i32
        %dma_start3A_426 = tpu.memref_slice %arg8[%dma_start3A_422, %dma_start3A_424, %dma_start3A_425] : memref<8x128x64xf32, #tpu.memory_space<vmem>> -> memref<1x128x64xf32, #tpu.memory_space<vmem>>
        %dma_start3A_427 = tpu.memref_squeeze %dma_start3A_426 : memref<1x128x64xf32, #tpu.memory_space<vmem>> -> memref<128x64xf32, #tpu.memory_space<vmem>>
        %dma_start3A_428 = arith.constant 0 : i32
        %dma_start3A_429 = tpu.memref_slice %arg6[%add3A_421, %dma_start3A_428] : memref<79x128xi32, #tpu.memory_space<vmem>> -> memref<1x128xi32, #tpu.memory_space<vmem>>
        %dma_start3A_430 = tpu.memref_squeeze %dma_start3A_429 : memref<1x128xi32, #tpu.memory_space<vmem>> -> memref<128xi32, #tpu.memory_space<vmem>>
        %dma_start3A_431 = arith.constant 0 : i32
        %dma_start3A_432 = arith.constant 0 : i32
        %dma_start3A_433 = tpu.memref_slice %arg2[%dma_start3A_431, %dma_start3A_432] : memref<10000x64xf32, #tpu.memory_space<hbm>> -> memref<10000x64xf32, #tpu.memory_space<hbm>>
        %dma_start3A_434 = tpu.memref_slice %arg10[%dma_start3A_423] : memref<8x!tpu.dma_semaphore, #tpu.memory_space<semaphore_mem>> -> memref<1x!tpu.dma_semaphore, #tpu.memory_space<semaphore_mem>>
        %dma_start3A_435 = tpu.memref_squeeze %dma_start3A_434 : memref<1x!tpu.dma_semaphore, #tpu.memory_space<semaphore_mem>> -> memref<!tpu.dma_semaphore, #tpu.memory_space<semaphore_mem>>
        tpu.enqueue_indirect_dma source(%dma_start3A_433 : memref<10000x64xf32, #tpu.memory_space<hbm>>) target(%dma_start3A_427 : memref<128x64xf32, #tpu.memory_space<vmem>>) offsets(%dma_start3A_430 : memref<128xi32, #tpu.memory_space<vmem>>) semaphore(%dma_start3A_435 : memref<!tpu.dma_semaphore, #tpu.memory_space<semaphore_mem>>)
      } else {
      }
    }
    %scan3A_137 = arith.constant 10 : i32
    %dma_wait3A = arith.constant 0 : i32
    %dma_wait3A_138 = arith.constant 0 : i32
    %dma_wait3A_139 = arith.constant 0 : i32
    %dma_wait3A_140 = arith.constant 0 : i32
    %dma_wait3A_141 = arith.constant 0 : i32
    %dma_wait3A_142 = tpu.memref_slice %arg8[%dma_wait3A, %dma_wait3A_140, %dma_wait3A_141] : memref<8x128x64xf32, #tpu.memory_space<vmem>> -> memref<1x128x64xf32, #tpu.memory_space<vmem>>
    %dma_wait3A_143 = tpu.memref_squeeze %dma_wait3A_142 : memref<1x128x64xf32, #tpu.memory_space<vmem>> -> memref<128x64xf32, #tpu.memory_space<vmem>>
    %dma_wait3A_144 = arith.constant 0 : i32
    %dma_wait3A_145 = tpu.memref_slice %arg7[%dma_wait3A_138, %dma_wait3A_144] : memref<79x128xi32, #tpu.memory_space<vmem>> -> memref<1x128xi32, #tpu.memory_space<vmem>>
    %dma_wait3A_146 = tpu.memref_squeeze %dma_wait3A_145 : memref<1x128xi32, #tpu.memory_space<vmem>> -> memref<128xi32, #tpu.memory_space<vmem>>
    %dma_wait3A_147 = arith.constant 0 : i32
    %dma_wait3A_148 = arith.constant 0 : i32
    %dma_wait3A_149 = tpu.memref_slice %arg9[%dma_wait3A_147, %dma_wait3A_148] : memref<10000x64xf32, #tpu.memory_space<vmem_shared>> -> memref<10000x64xf32, #tpu.memory_space<vmem_shared>>
    %dma_wait3A_150 = tpu.memref_slice %arg11[%dma_wait3A_139] : memref<8x!tpu.dma_semaphore, #tpu.memory_space<semaphore_mem>> -> memref<1x!tpu.dma_semaphore, #tpu.memory_space<semaphore_mem>>
    %dma_wait3A_151 = tpu.memref_squeeze %dma_wait3A_150 : memref<1x!tpu.dma_semaphore, #tpu.memory_space<semaphore_mem>> -> memref<!tpu.dma_semaphore, #tpu.memory_space<semaphore_mem>>
    tpu.wait_indirect_dma semaphore(%dma_wait3A_151 : memref<!tpu.dma_semaphore, #tpu.memory_space<semaphore_mem>>) src(%dma_wait3A_143 : memref<128x64xf32, #tpu.memory_space<vmem>>) dst(%dma_wait3A_149 : memref<10000x64xf32, #tpu.memory_space<vmem_shared>>)
    %dma_wait3A_152 = arith.constant 1 : i32
    %dma_wait3A_153 = arith.constant 0 : i32
    %dma_wait3A_154 = arith.constant 1 : i32
    %dma_wait3A_155 = arith.constant 0 : i32
    %dma_wait3A_156 = arith.constant 0 : i32
    %dma_wait3A_157 = tpu.memref_slice %arg8[%dma_wait3A_152, %dma_wait3A_155, %dma_wait3A_156] : memref<8x128x64xf32, #tpu.memory_space<vmem>> -> memref<1x128x64xf32, #tpu.memory_space<vmem>>
    %dma_wait3A_158 = tpu.memref_squeeze %dma_wait3A_157 : memref<1x128x64xf32, #tpu.memory_space<vmem>> -> memref<128x64xf32, #tpu.memory_space<vmem>>
    %dma_wait3A_159 = arith.constant 0 : i32
    %dma_wait3A_160 = tpu.memref_slice %arg7[%dma_wait3A_153, %dma_wait3A_159] : memref<79x128xi32, #tpu.memory_space<vmem>> -> memref<1x128xi32, #tpu.memory_space<vmem>>
    %dma_wait3A_161 = tpu.memref_squeeze %dma_wait3A_160 : memref<1x128xi32, #tpu.memory_space<vmem>> -> memref<128xi32, #tpu.memory_space<vmem>>
    %dma_wait3A_162 = arith.constant 0 : i32
    %dma_wait3A_163 = arith.constant 0 : i32
    %dma_wait3A_164 = tpu.memref_slice %arg9[%dma_wait3A_162, %dma_wait3A_163] : memref<10000x64xf32, #tpu.memory_space<vmem_shared>> -> memref<10000x64xf32, #tpu.memory_space<vmem_shared>>
    %dma_wait3A_165 = tpu.memref_slice %arg11[%dma_wait3A_154] : memref<8x!tpu.dma_semaphore, #tpu.memory_space<semaphore_mem>> -> memref<1x!tpu.dma_semaphore, #tpu.memory_space<semaphore_mem>>
    %dma_wait3A_166 = tpu.memref_squeeze %dma_wait3A_165 : memref<1x!tpu.dma_semaphore, #tpu.memory_space<semaphore_mem>> -> memref<!tpu.dma_semaphore, #tpu.memory_space<semaphore_mem>>
    tpu.wait_indirect_dma semaphore(%dma_wait3A_166 : memref<!tpu.dma_semaphore, #tpu.memory_space<semaphore_mem>>) src(%dma_wait3A_158 : memref<128x64xf32, #tpu.memory_space<vmem>>) dst(%dma_wait3A_164 : memref<10000x64xf32, #tpu.memory_space<vmem_shared>>)
    %dma_wait3A_167 = arith.constant 2 : i32
    %dma_wait3A_168 = arith.constant 0 : i32
    %dma_wait3A_169 = arith.constant 2 : i32
    %dma_wait3A_170 = arith.constant 0 : i32
    %dma_wait3A_171 = arith.constant 0 : i32
    %dma_wait3A_172 = tpu.memref_slice %arg8[%dma_wait3A_167, %dma_wait3A_170, %dma_wait3A_171] : memref<8x128x64xf32, #tpu.memory_space<vmem>> -> memref<1x128x64xf32, #tpu.memory_space<vmem>>
    %dma_wait3A_173 = tpu.memref_squeeze %dma_wait3A_172 : memref<1x128x64xf32, #tpu.memory_space<vmem>> -> memref<128x64xf32, #tpu.memory_space<vmem>>
    %dma_wait3A_174 = arith.constant 0 : i32
    %dma_wait3A_175 = tpu.memref_slice %arg7[%dma_wait3A_168, %dma_wait3A_174] : memref<79x128xi32, #tpu.memory_space<vmem>> -> memref<1x128xi32, #tpu.memory_space<vmem>>
    %dma_wait3A_176 = tpu.memref_squeeze %dma_wait3A_175 : memref<1x128xi32, #tpu.memory_space<vmem>> -> memref<128xi32, #tpu.memory_space<vmem>>
    %dma_wait3A_177 = arith.constant 0 : i32
    %dma_wait3A_178 = arith.constant 0 : i32
    %dma_wait3A_179 = tpu.memref_slice %arg9[%dma_wait3A_177, %dma_wait3A_178] : memref<10000x64xf32, #tpu.memory_space<vmem_shared>> -> memref<10000x64xf32, #tpu.memory_space<vmem_shared>>
    %dma_wait3A_180 = tpu.memref_slice %arg11[%dma_wait3A_169] : memref<8x!tpu.dma_semaphore, #tpu.memory_space<semaphore_mem>> -> memref<1x!tpu.dma_semaphore, #tpu.memory_space<semaphore_mem>>
    %dma_wait3A_181 = tpu.memref_squeeze %dma_wait3A_180 : memref<1x!tpu.dma_semaphore, #tpu.memory_space<semaphore_mem>> -> memref<!tpu.dma_semaphore, #tpu.memory_space<semaphore_mem>>
    tpu.wait_indirect_dma semaphore(%dma_wait3A_181 : memref<!tpu.dma_semaphore, #tpu.memory_space<semaphore_mem>>) src(%dma_wait3A_173 : memref<128x64xf32, #tpu.memory_space<vmem>>) dst(%dma_wait3A_179 : memref<10000x64xf32, #tpu.memory_space<vmem_shared>>)
    %dma_wait3A_182 = arith.constant 3 : i32
    %dma_wait3A_183 = arith.constant 0 : i32
    %dma_wait3A_184 = arith.constant 3 : i32
    %dma_wait3A_185 = arith.constant 0 : i32
    %dma_wait3A_186 = arith.constant 0 : i32
    %dma_wait3A_187 = tpu.memref_slice %arg8[%dma_wait3A_182, %dma_wait3A_185, %dma_wait3A_186] : memref<8x128x64xf32, #tpu.memory_space<vmem>> -> memref<1x128x64xf32, #tpu.memory_space<vmem>>
    %dma_wait3A_188 = tpu.memref_squeeze %dma_wait3A_187 : memref<1x128x64xf32, #tpu.memory_space<vmem>> -> memref<128x64xf32, #tpu.memory_space<vmem>>
    %dma_wait3A_189 = arith.constant 0 : i32
    %dma_wait3A_190 = tpu.memref_slice %arg7[%dma_wait3A_183, %dma_wait3A_189] : memref<79x128xi32, #tpu.memory_space<vmem>> -> memref<1x128xi32, #tpu.memory_space<vmem>>
    %dma_wait3A_191 = tpu.memref_squeeze %dma_wait3A_190 : memref<1x128xi32, #tpu.memory_space<vmem>> -> memref<128xi32, #tpu.memory_space<vmem>>
    %dma_wait3A_192 = arith.constant 0 : i32
    %dma_wait3A_193 = arith.constant 0 : i32
    %dma_wait3A_194 = tpu.memref_slice %arg9[%dma_wait3A_192, %dma_wait3A_193] : memref<10000x64xf32, #tpu.memory_space<vmem_shared>> -> memref<10000x64xf32, #tpu.memory_space<vmem_shared>>
    %dma_wait3A_195 = tpu.memref_slice %arg11[%dma_wait3A_184] : memref<8x!tpu.dma_semaphore, #tpu.memory_space<semaphore_mem>> -> memref<1x!tpu.dma_semaphore, #tpu.memory_space<semaphore_mem>>
    %dma_wait3A_196 = tpu.memref_squeeze %dma_wait3A_195 : memref<1x!tpu.dma_semaphore, #tpu.memory_space<semaphore_mem>> -> memref<!tpu.dma_semaphore, #tpu.memory_space<semaphore_mem>>
    tpu.wait_indirect_dma semaphore(%dma_wait3A_196 : memref<!tpu.dma_semaphore, #tpu.memory_space<semaphore_mem>>) src(%dma_wait3A_188 : memref<128x64xf32, #tpu.memory_space<vmem>>) dst(%dma_wait3A_194 : memref<10000x64xf32, #tpu.memory_space<vmem_shared>>)
    %dma_wait3A_197 = arith.constant 4 : i32
    %dma_wait3A_198 = arith.constant 0 : i32
    %dma_wait3A_199 = arith.constant 4 : i32
    %dma_wait3A_200 = arith.constant 0 : i32
    %dma_wait3A_201 = arith.constant 0 : i32
    %dma_wait3A_202 = tpu.memref_slice %arg8[%dma_wait3A_197, %dma_wait3A_200, %dma_wait3A_201] : memref<8x128x64xf32, #tpu.memory_space<vmem>> -> memref<1x128x64xf32, #tpu.memory_space<vmem>>
    %dma_wait3A_203 = tpu.memref_squeeze %dma_wait3A_202 : memref<1x128x64xf32, #tpu.memory_space<vmem>> -> memref<128x64xf32, #tpu.memory_space<vmem>>
    %dma_wait3A_204 = arith.constant 0 : i32
    %dma_wait3A_205 = tpu.memref_slice %arg7[%dma_wait3A_198, %dma_wait3A_204] : memref<79x128xi32, #tpu.memory_space<vmem>> -> memref<1x128xi32, #tpu.memory_space<vmem>>
    %dma_wait3A_206 = tpu.memref_squeeze %dma_wait3A_205 : memref<1x128xi32, #tpu.memory_space<vmem>> -> memref<128xi32, #tpu.memory_space<vmem>>
    %dma_wait3A_207 = arith.constant 0 : i32
    %dma_wait3A_208 = arith.constant 0 : i32
    %dma_wait3A_209 = tpu.memref_slice %arg9[%dma_wait3A_207, %dma_wait3A_208] : memref<10000x64xf32, #tpu.memory_space<vmem_shared>> -> memref<10000x64xf32, #tpu.memory_space<vmem_shared>>
    %dma_wait3A_210 = tpu.memref_slice %arg11[%dma_wait3A_199] : memref<8x!tpu.dma_semaphore, #tpu.memory_space<semaphore_mem>> -> memref<1x!tpu.dma_semaphore, #tpu.memory_space<semaphore_mem>>
    %dma_wait3A_211 = tpu.memref_squeeze %dma_wait3A_210 : memref<1x!tpu.dma_semaphore, #tpu.memory_space<semaphore_mem>> -> memref<!tpu.dma_semaphore, #tpu.memory_space<semaphore_mem>>
    tpu.wait_indirect_dma semaphore(%dma_wait3A_211 : memref<!tpu.dma_semaphore, #tpu.memory_space<semaphore_mem>>) src(%dma_wait3A_203 : memref<128x64xf32, #tpu.memory_space<vmem>>) dst(%dma_wait3A_209 : memref<10000x64xf32, #tpu.memory_space<vmem_shared>>)
    %dma_wait3A_212 = arith.constant 5 : i32
    %dma_wait3A_213 = arith.constant 0 : i32
    %dma_wait3A_214 = arith.constant 5 : i32
    %dma_wait3A_215 = arith.constant 0 : i32
    %dma_wait3A_216 = arith.constant 0 : i32
    %dma_wait3A_217 = tpu.memref_slice %arg8[%dma_wait3A_212, %dma_wait3A_215, %dma_wait3A_216] : memref<8x128x64xf32, #tpu.memory_space<vmem>> -> memref<1x128x64xf32, #tpu.memory_space<vmem>>
    %dma_wait3A_218 = tpu.memref_squeeze %dma_wait3A_217 : memref<1x128x64xf32, #tpu.memory_space<vmem>> -> memref<128x64xf32, #tpu.memory_space<vmem>>
    %dma_wait3A_219 = arith.constant 0 : i32
    %dma_wait3A_220 = tpu.memref_slice %arg7[%dma_wait3A_213, %dma_wait3A_219] : memref<79x128xi32, #tpu.memory_space<vmem>> -> memref<1x128xi32, #tpu.memory_space<vmem>>
    %dma_wait3A_221 = tpu.memref_squeeze %dma_wait3A_220 : memref<1x128xi32, #tpu.memory_space<vmem>> -> memref<128xi32, #tpu.memory_space<vmem>>
    %dma_wait3A_222 = arith.constant 0 : i32
    %dma_wait3A_223 = arith.constant 0 : i32
    %dma_wait3A_224 = tpu.memref_slice %arg9[%dma_wait3A_222, %dma_wait3A_223] : memref<10000x64xf32, #tpu.memory_space<vmem_shared>> -> memref<10000x64xf32, #tpu.memory_space<vmem_shared>>
    %dma_wait3A_225 = tpu.memref_slice %arg11[%dma_wait3A_214] : memref<8x!tpu.dma_semaphore, #tpu.memory_space<semaphore_mem>> -> memref<1x!tpu.dma_semaphore, #tpu.memory_space<semaphore_mem>>
    %dma_wait3A_226 = tpu.memref_squeeze %dma_wait3A_225 : memref<1x!tpu.dma_semaphore, #tpu.memory_space<semaphore_mem>> -> memref<!tpu.dma_semaphore, #tpu.memory_space<semaphore_mem>>
    tpu.wait_indirect_dma semaphore(%dma_wait3A_226 : memref<!tpu.dma_semaphore, #tpu.memory_space<semaphore_mem>>) src(%dma_wait3A_218 : memref<128x64xf32, #tpu.memory_space<vmem>>) dst(%dma_wait3A_224 : memref<10000x64xf32, #tpu.memory_space<vmem_shared>>)
    %dma_wait3A_227 = arith.constant 6 : i32
    %dma_wait3A_228 = arith.constant 0 : i32
    %dma_wait3A_229 = arith.constant 6 : i32
    %dma_wait3A_230 = arith.constant 0 : i32
    %dma_wait3A_231 = arith.constant 0 : i32
    %dma_wait3A_232 = tpu.memref_slice %arg8[%dma_wait3A_227, %dma_wait3A_230, %dma_wait3A_231] : memref<8x128x64xf32, #tpu.memory_space<vmem>> -> memref<1x128x64xf32, #tpu.memory_space<vmem>>
    %dma_wait3A_233 = tpu.memref_squeeze %dma_wait3A_232 : memref<1x128x64xf32, #tpu.memory_space<vmem>> -> memref<128x64xf32, #tpu.memory_space<vmem>>
    %dma_wait3A_234 = arith.constant 0 : i32
    %dma_wait3A_235 = tpu.memref_slice %arg7[%dma_wait3A_228, %dma_wait3A_234] : memref<79x128xi32, #tpu.memory_space<vmem>> -> memref<1x128xi32, #tpu.memory_space<vmem>>
    %dma_wait3A_236 = tpu.memref_squeeze %dma_wait3A_235 : memref<1x128xi32, #tpu.memory_space<vmem>> -> memref<128xi32, #tpu.memory_space<vmem>>
    %dma_wait3A_237 = arith.constant 0 : i32
    %dma_wait3A_238 = arith.constant 0 : i32
    %dma_wait3A_239 = tpu.memref_slice %arg9[%dma_wait3A_237, %dma_wait3A_238] : memref<10000x64xf32, #tpu.memory_space<vmem_shared>> -> memref<10000x64xf32, #tpu.memory_space<vmem_shared>>
    %dma_wait3A_240 = tpu.memref_slice %arg11[%dma_wait3A_229] : memref<8x!tpu.dma_semaphore, #tpu.memory_space<semaphore_mem>> -> memref<1x!tpu.dma_semaphore, #tpu.memory_space<semaphore_mem>>
    %dma_wait3A_241 = tpu.memref_squeeze %dma_wait3A_240 : memref<1x!tpu.dma_semaphore, #tpu.memory_space<semaphore_mem>> -> memref<!tpu.dma_semaphore, #tpu.memory_space<semaphore_mem>>
    tpu.wait_indirect_dma semaphore(%dma_wait3A_241 : memref<!tpu.dma_semaphore, #tpu.memory_space<semaphore_mem>>) src(%dma_wait3A_233 : memref<128x64xf32, #tpu.memory_space<vmem>>) dst(%dma_wait3A_239 : memref<10000x64xf32, #tpu.memory_space<vmem_shared>>)
    %dma_wait3A_242 = arith.constant 7 : i32
    %dma_wait3A_243 = arith.constant 0 : i32
    %dma_wait3A_244 = arith.constant 7 : i32
    %dma_wait3A_245 = arith.constant 0 : i32
    %dma_wait3A_246 = arith.constant 0 : i32
    %dma_wait3A_247 = tpu.memref_slice %arg8[%dma_wait3A_242, %dma_wait3A_245, %dma_wait3A_246] : memref<8x128x64xf32, #tpu.memory_space<vmem>> -> memref<1x128x64xf32, #tpu.memory_space<vmem>>
    %dma_wait3A_248 = tpu.memref_squeeze %dma_wait3A_247 : memref<1x128x64xf32, #tpu.memory_space<vmem>> -> memref<128x64xf32, #tpu.memory_space<vmem>>
    %dma_wait3A_249 = arith.constant 0 : i32
    %dma_wait3A_250 = tpu.memref_slice %arg7[%dma_wait3A_243, %dma_wait3A_249] : memref<79x128xi32, #tpu.memory_space<vmem>> -> memref<1x128xi32, #tpu.memory_space<vmem>>
    %dma_wait3A_251 = tpu.memref_squeeze %dma_wait3A_250 : memref<1x128xi32, #tpu.memory_space<vmem>> -> memref<128xi32, #tpu.memory_space<vmem>>
    %dma_wait3A_252 = arith.constant 0 : i32
    %dma_wait3A_253 = arith.constant 0 : i32
    %dma_wait3A_254 = tpu.memref_slice %arg9[%dma_wait3A_252, %dma_wait3A_253] : memref<10000x64xf32, #tpu.memory_space<vmem_shared>> -> memref<10000x64xf32, #tpu.memory_space<vmem_shared>>
    %dma_wait3A_255 = tpu.memref_slice %arg11[%dma_wait3A_244] : memref<8x!tpu.dma_semaphore, #tpu.memory_space<semaphore_mem>> -> memref<1x!tpu.dma_semaphore, #tpu.memory_space<semaphore_mem>>
    %dma_wait3A_256 = tpu.memref_squeeze %dma_wait3A_255 : memref<1x!tpu.dma_semaphore, #tpu.memory_space<semaphore_mem>> -> memref<!tpu.dma_semaphore, #tpu.memory_space<semaphore_mem>>
    tpu.wait_indirect_dma semaphore(%dma_wait3A_256 : memref<!tpu.dma_semaphore, #tpu.memory_space<semaphore_mem>>) src(%dma_wait3A_248 : memref<128x64xf32, #tpu.memory_space<vmem>>) dst(%dma_wait3A_254 : memref<10000x64xf32, #tpu.memory_space<vmem_shared>>)
    %lt3A_257 = arith.constant 4 : i32
    %lt3A_258 = arith.cmpi slt, %add3A, %lt3A_257 : i32
    %convert_element_type3A_259 = arith.extui %lt3A_258 : i1 to i32
    %cond3A_260 = arith.constant 0 : i32
    %cond3A_261 = arith.cmpi ne, %convert_element_type3A_259, %cond3A_260 : i32
    scf.if %cond3A_261 {
      %dma_start3A_272 = arith.constant 78 : i32
      %dma_start3A_273 = arith.constant 0 : i32
      %dma_start3A_274 = arith.constant 0 : i32
      %dma_start3A_275 = arith.constant 0 : i32
      %dma_start3A_276 = arith.constant 0 : i32
      %dma_start3A_277 = tpu.memref_slice %arg8[%dma_start3A_273, %dma_start3A_275, %dma_start3A_276] : memref<8x128x64xf32, #tpu.memory_space<vmem>> -> memref<1x128x64xf32, #tpu.memory_space<vmem>>
      %dma_start3A_278 = tpu.memref_squeeze %dma_start3A_277 : memref<1x128x64xf32, #tpu.memory_space<vmem>> -> memref<128x64xf32, #tpu.memory_space<vmem>>
      %dma_start3A_279 = arith.constant 0 : i32
      %dma_start3A_280 = tpu.memref_slice %arg6[%dma_start3A_272, %dma_start3A_279] : memref<79x128xi32, #tpu.memory_space<vmem>> -> memref<1x128xi32, #tpu.memory_space<vmem>>
      %dma_start3A_281 = tpu.memref_squeeze %dma_start3A_280 : memref<1x128xi32, #tpu.memory_space<vmem>> -> memref<128xi32, #tpu.memory_space<vmem>>
      %dma_start3A_282 = arith.constant 0 : i32
      %dma_start3A_283 = arith.constant 0 : i32
      %dma_start3A_284 = tpu.memref_slice %arg2[%dma_start3A_282, %dma_start3A_283] : memref<10000x64xf32, #tpu.memory_space<hbm>> -> memref<10000x64xf32, #tpu.memory_space<hbm>>
      %dma_start3A_285 = tpu.memref_slice %arg10[%dma_start3A_274] : memref<8x!tpu.dma_semaphore, #tpu.memory_space<semaphore_mem>> -> memref<1x!tpu.dma_semaphore, #tpu.memory_space<semaphore_mem>>
      %dma_start3A_286 = tpu.memref_squeeze %dma_start3A_285 : memref<1x!tpu.dma_semaphore, #tpu.memory_space<semaphore_mem>> -> memref<!tpu.dma_semaphore, #tpu.memory_space<semaphore_mem>>
      tpu.enqueue_indirect_dma source(%dma_start3A_284 : memref<10000x64xf32, #tpu.memory_space<hbm>>) target(%dma_start3A_278 : memref<128x64xf32, #tpu.memory_space<vmem>>) offsets(%dma_start3A_281 : memref<128xi32, #tpu.memory_space<vmem>>) semaphore(%dma_start3A_286 : memref<!tpu.dma_semaphore, #tpu.memory_space<semaphore_mem>>)
      %dma_wait3A_287 = arith.constant 78 : i32
      %dma_wait3A_288 = arith.constant 0 : i32
      %dma_wait3A_289 = arith.constant 0 : i32
      %dma_wait3A_290 = arith.constant 0 : i32
      %dma_wait3A_291 = arith.constant 0 : i32
      %dma_wait3A_292 = tpu.memref_slice %arg8[%dma_wait3A_288, %dma_wait3A_290, %dma_wait3A_291] : memref<8x128x64xf32, #tpu.memory_space<vmem>> -> memref<1x128x64xf32, #tpu.memory_space<vmem>>
      %dma_wait3A_293 = tpu.memref_squeeze %dma_wait3A_292 : memref<1x128x64xf32, #tpu.memory_space<vmem>> -> memref<128x64xf32, #tpu.memory_space<vmem>>
      %dma_wait3A_294 = arith.constant 0 : i32
      %dma_wait3A_295 = tpu.memref_slice %arg6[%dma_wait3A_287, %dma_wait3A_294] : memref<79x128xi32, #tpu.memory_space<vmem>> -> memref<1x128xi32, #tpu.memory_space<vmem>>
      %dma_wait3A_296 = tpu.memref_squeeze %dma_wait3A_295 : memref<1x128xi32, #tpu.memory_space<vmem>> -> memref<128xi32, #tpu.memory_space<vmem>>
      %dma_wait3A_297 = arith.constant 0 : i32
      %dma_wait3A_298 = arith.constant 0 : i32
      %dma_wait3A_299 = tpu.memref_slice %arg2[%dma_wait3A_297, %dma_wait3A_298] : memref<10000x64xf32, #tpu.memory_space<hbm>> -> memref<10000x64xf32, #tpu.memory_space<hbm>>
      %dma_wait3A_300 = tpu.memref_slice %arg10[%dma_wait3A_289] : memref<8x!tpu.dma_semaphore, #tpu.memory_space<semaphore_mem>> -> memref<1x!tpu.dma_semaphore, #tpu.memory_space<semaphore_mem>>
      %dma_wait3A_301 = tpu.memref_squeeze %dma_wait3A_300 : memref<1x!tpu.dma_semaphore, #tpu.memory_space<semaphore_mem>> -> memref<!tpu.dma_semaphore, #tpu.memory_space<semaphore_mem>>
      tpu.wait_indirect_dma semaphore(%dma_wait3A_301 : memref<!tpu.dma_semaphore, #tpu.memory_space<semaphore_mem>>) src(%dma_wait3A_299 : memref<10000x64xf32, #tpu.memory_space<hbm>>) dst(%dma_wait3A_293 : memref<128x64xf32, #tpu.memory_space<vmem>>)
      %run_scoped3A_302 = arith.constant 0 : i32
      %run_scoped3A_303 = arith.constant 78 : i32
      "tpu.region"() ({
        %run_scoped3A_304 = tpu.sem_alloc : memref<!tpu.dma_semaphore, #tpu.memory_space<semaphore_mem>>
        %dma_start3A_305 = arith.constant 0 : i32
        %dma_start3A_306 = arith.constant 0 : i32
        %dma_start3A_307 = tpu.memref_slice %arg8[%run_scoped3A_302, %dma_start3A_305, %dma_start3A_306] : memref<8x128x64xf32, #tpu.memory_space<vmem>> -> memref<1x128x64xf32, #tpu.memory_space<vmem>>
        %dma_start3A_308 = tpu.memref_squeeze %dma_start3A_307 : memref<1x128x64xf32, #tpu.memory_space<vmem>> -> memref<128x64xf32, #tpu.memory_space<vmem>>
        %dma_start3A_309 = arith.constant 0 : i32
        %dma_start3A_310 = tpu.memref_slice %arg7[%run_scoped3A_303, %dma_start3A_309] : memref<79x128xi32, #tpu.memory_space<vmem>> -> memref<1x128xi32, #tpu.memory_space<vmem>>
        %dma_start3A_311 = tpu.memref_squeeze %dma_start3A_310 : memref<1x128xi32, #tpu.memory_space<vmem>> -> memref<128xi32, #tpu.memory_space<vmem>>
        %dma_start3A_312 = arith.constant 0 : i32
        %dma_start3A_313 = arith.constant 0 : i32
        %dma_start3A_314 = tpu.memref_slice %arg9[%dma_start3A_312, %dma_start3A_313] : memref<10000x64xf32, #tpu.memory_space<vmem_shared>> -> memref<10000x64xf32, #tpu.memory_space<vmem_shared>>
        tpu.enqueue_indirect_dma source(%dma_start3A_308 : memref<128x64xf32, #tpu.memory_space<vmem>>) target(%dma_start3A_314 : memref<10000x64xf32, #tpu.memory_space<vmem_shared>>) offsets(%dma_start3A_311 : memref<128xi32, #tpu.memory_space<vmem>>) semaphore(%run_scoped3A_304 : memref<!tpu.dma_semaphore, #tpu.memory_space<semaphore_mem>>) {add = true}
        %dma_wait3A_315 = arith.constant 0 : i32
        %dma_wait3A_316 = arith.constant 0 : i32
        %dma_wait3A_317 = tpu.memref_slice %arg8[%run_scoped3A_302, %dma_wait3A_315, %dma_wait3A_316] : memref<8x128x64xf32, #tpu.memory_space<vmem>> -> memref<1x128x64xf32, #tpu.memory_space<vmem>>
        %dma_wait3A_318 = tpu.memref_squeeze %dma_wait3A_317 : memref<1x128x64xf32, #tpu.memory_space<vmem>> -> memref<128x64xf32, #tpu.memory_space<vmem>>
        %dma_wait3A_319 = arith.constant 0 : i32
        %dma_wait3A_320 = tpu.memref_slice %arg7[%run_scoped3A_303, %dma_wait3A_319] : memref<79x128xi32, #tpu.memory_space<vmem>> -> memref<1x128xi32, #tpu.memory_space<vmem>>
        %dma_wait3A_321 = tpu.memref_squeeze %dma_wait3A_320 : memref<1x128xi32, #tpu.memory_space<vmem>> -> memref<128xi32, #tpu.memory_space<vmem>>
        %dma_wait3A_322 = arith.constant 0 : i32
        %dma_wait3A_323 = arith.constant 0 : i32
        %dma_wait3A_324 = tpu.memref_slice %arg9[%dma_wait3A_322, %dma_wait3A_323] : memref<10000x64xf32, #tpu.memory_space<vmem_shared>> -> memref<10000x64xf32, #tpu.memory_space<vmem_shared>>
        tpu.wait_indirect_dma semaphore(%run_scoped3A_304 : memref<!tpu.dma_semaphore, #tpu.memory_space<semaphore_mem>>) src(%dma_wait3A_318 : memref<128x64xf32, #tpu.memory_space<vmem>>) dst(%dma_wait3A_324 : memref<10000x64xf32, #tpu.memory_space<vmem_shared>>)
        tpu.yield
      }) : () -> ()
    } else {
    }
    %barrier3A_262 = arith.constant 0 : index
    tpu.barrier barrier_id(%barrier3A_262)
    %mul3A_263 = arith.constant 624 : i32
    %mul3A_264 = arith.muli %arg1, %mul3A_263 : i32
    %mul3A_265 = arith.constant 624 : i32
    %mul3A_266 = arith.muli %arg1, %mul3A_265 : i32
    "tpu.region"() ({
      %run_scoped3A_272 = tpu.sem_alloc : memref<!tpu.dma_semaphore, #tpu.memory_space<semaphore_mem>>
      %dma_start3A_273 = arith.constant 0 : i32
      %dma_start3A_274 = tpu.memref_slice %arg5[%arg0, %mul3A_266, %dma_start3A_273] : memref<2x10000x64xf32, #tpu.memory_space<hbm>> -> memref<1x624x64xf32, #tpu.memory_space<hbm>>
      %dma_start3A_275 = tpu.memref_squeeze %dma_start3A_274 : memref<1x624x64xf32, #tpu.memory_space<hbm>> -> memref<624x64xf32, #tpu.memory_space<hbm>>
      %dma_start3A_276 = arith.constant 0 : i32
      %dma_start3A_277 = tpu.memref_slice %arg9[%mul3A_264, %dma_start3A_276] : memref<10000x64xf32, #tpu.memory_space<vmem_shared>> -> memref<624x64xf32, #tpu.memory_space<vmem_shared>>
      tpu.enqueue_dma source(%dma_start3A_277 : memref<624x64xf32, #tpu.memory_space<vmem_shared>>) target(%dma_start3A_275 : memref<624x64xf32, #tpu.memory_space<hbm>>) target_semaphore(%run_scoped3A_272 : memref<!tpu.dma_semaphore, #tpu.memory_space<semaphore_mem>>)
      %dma_wait3A_278 = arith.constant 0 : i32
      %dma_wait3A_279 = tpu.memref_slice %arg5[%arg0, %mul3A_266, %dma_wait3A_278] : memref<2x10000x64xf32, #tpu.memory_space<hbm>> -> memref<1x624x64xf32, #tpu.memory_space<hbm>>
      %dma_wait3A_280 = tpu.memref_squeeze %dma_wait3A_279 : memref<1x624x64xf32, #tpu.memory_space<hbm>> -> memref<624x64xf32, #tpu.memory_space<hbm>>
      %dma_wait3A_281 = arith.constant 0 : i32
      %dma_wait3A_282 = tpu.memref_slice %arg9[%mul3A_264, %dma_wait3A_281] : memref<10000x64xf32, #tpu.memory_space<vmem_shared>> -> memref<624x64xf32, #tpu.memory_space<vmem_shared>>
      tpu.wait_dma2 semaphore(%run_scoped3A_272 : memref<!tpu.dma_semaphore, #tpu.memory_space<semaphore_mem>>) src(%dma_wait3A_282 : memref<624x64xf32, #tpu.memory_space<vmem_shared>>) dst(%dma_wait3A_280 : memref<624x64xf32, #tpu.memory_space<hbm>>)
      tpu.yield
    }) : () -> ()
    %eq3A_267 = arith.constant 0 : i32
    %eq3A_268 = arith.cmpi eq, %arg1, %eq3A_267 : i32
    %convert_element_type3A_269 = arith.extui %eq3A_268 : i1 to i32
    %cond3A_270 = arith.constant 0 : i32
    %cond3A_271 = arith.cmpi ne, %convert_element_type3A_269, %cond3A_270 : i32
    scf.if %cond3A_271 {
      "tpu.region"() ({
        %run_scoped3A_272 = tpu.sem_alloc : memref<!tpu.dma_semaphore, #tpu.memory_space<semaphore_mem>>
        %dma_start3A_273 = arith.constant 9984 : i32
        %dma_start3A_274 = arith.constant 0 : i32
        %dma_start3A_275 = tpu.memref_slice %arg5[%arg0, %dma_start3A_273, %dma_start3A_274] : memref<2x10000x64xf32, #tpu.memory_space<hbm>> -> memref<1x16x64xf32, #tpu.memory_space<hbm>>
        %dma_start3A_276 = tpu.memref_squeeze %dma_start3A_275 : memref<1x16x64xf32, #tpu.memory_space<hbm>> -> memref<16x64xf32, #tpu.memory_space<hbm>>
        %dma_start3A_277 = arith.constant 9984 : i32
        %dma_start3A_278 = arith.constant 0 : i32
        %dma_start3A_279 = tpu.memref_slice %arg9[%dma_start3A_277, %dma_start3A_278] : memref<10000x64xf32, #tpu.memory_space<vmem_shared>> -> memref<16x64xf32, #tpu.memory_space<vmem_shared>>
        tpu.enqueue_dma source(%dma_start3A_279 : memref<16x64xf32, #tpu.memory_space<vmem_shared>>) target(%dma_start3A_276 : memref<16x64xf32, #tpu.memory_space<hbm>>) target_semaphore(%run_scoped3A_272 : memref<!tpu.dma_semaphore, #tpu.memory_space<semaphore_mem>>)
        %dma_wait3A_280 = arith.constant 9984 : i32
        %dma_wait3A_281 = arith.constant 0 : i32
        %dma_wait3A_282 = tpu.memref_slice %arg5[%arg0, %dma_wait3A_280, %dma_wait3A_281] : memref<2x10000x64xf32, #tpu.memory_space<hbm>> -> memref<1x16x64xf32, #tpu.memory_space<hbm>>
        %dma_wait3A_283 = tpu.memref_squeeze %dma_wait3A_282 : memref<1x16x64xf32, #tpu.memory_space<hbm>> -> memref<16x64xf32, #tpu.memory_space<hbm>>
        %dma_wait3A_284 = arith.constant 9984 : i32
        %dma_wait3A_285 = arith.constant 0 : i32
        %dma_wait3A_286 = tpu.memref_slice %arg9[%dma_wait3A_284, %dma_wait3A_285] : memref<10000x64xf32, #tpu.memory_space<vmem_shared>> -> memref<16x64xf32, #tpu.memory_space<vmem_shared>>
        tpu.wait_dma2 semaphore(%run_scoped3A_272 : memref<!tpu.dma_semaphore, #tpu.memory_space<semaphore_mem>>) src(%dma_wait3A_286 : memref<16x64xf32, #tpu.memory_space<vmem_shared>>) dst(%dma_wait3A_283 : memref<16x64xf32, #tpu.memory_space<hbm>>)
        tpu.yield
      }) : () -> ()
    } else {
    }
    return
  }
}

#map = affine_map<(d0, d1) -> (0, 0)>
#map1 = affine_map<(d0, d1) -> (0, 0, 0)>
module attributes {stable_mosaic.version = 14 : i64} {
  func.func @k(%arg0: i32, %arg1: i32, %arg2: memref<10000x64xf32, #tpu.memory_space<hbm>>, %arg3: memref<2x2500x128xi32, #tpu.memory_space<hbm>>, %arg4: memref<624x64xf32, #tpu.memory_space<hbm>>, %arg5: memref<2x10000x64xf32, #tpu.memory_space<hbm>>, %arg6: memref<79x128xi32, #tpu.memory_space<vmem>>, %arg7: memref<79x128xi32, #tpu.memory_space<vmem>>, %arg8: memref<8x128x64xf32, #tpu.memory_space<vmem>>, %arg9: memref<10000x64xf32, #tpu.memory_space<vmem_shared>>, %arg10: memref<8x!tpu.dma_semaphore, #tpu.memory_space<semaphore_mem>>, %arg11: memref<8x!tpu.dma_semaphore, #tpu.memory_space<semaphore_mem>>) attributes {dimension_semantics = [#tpu.dimension_semantics<core_parallel>, #tpu.dimension_semantics<subcore_parallel>], iteration_bounds = array<i64: 2, 16>, scalar_prefetch = 0 : i64, scratch_operands = 6 : i64, tpu.core_type = #tpu.core_type<sc_vector_subcore>, window_params = [{transform_indices = #map}, {transform_indices = #map1}, {transform_indices = #map}, {transform_indices = #map1}]} {
    %mul3A = arith.constant 2 : i32
    %mul3A_0 = arith.muli %arg1, %mul3A : i32
    %add3A = arith.addi %mul3A_0, %arg0 : i32
    %mul3A_1 = arith.constant 624 : i32
    %mul3A_2 = arith.muli %arg1, %mul3A_1 : i32
    "tpu.region"() ({
      %run_scoped3A_272 = tpu.sem_alloc : memref<!tpu.dma_semaphore, #tpu.memory_space<semaphore_mem>>
      %dma_start3A_273 = arith.constant 0 : i32
      %dma_start3A_274 = tpu.memref_slice %arg9[%mul3A_2, %dma_start3A_273] : memref<10000x64xf32, #tpu.memory_space<vmem_shared>> -> memref<624x64xf32, #tpu.memory_space<vmem_shared>>
      tpu.enqueue_dma source(%arg4 : memref<624x64xf32, #tpu.memory_space<hbm>>) target(%dma_start3A_274 : memref<624x64xf32, #tpu.memory_space<vmem_shared>>) target_semaphore(%run_scoped3A_272 : memref<!tpu.dma_semaphore, #tpu.memory_space<semaphore_mem>>)
      %dma_wait3A_275 = arith.constant 0 : i32
      %dma_wait3A_276 = tpu.memref_slice %arg9[%mul3A_2, %dma_wait3A_275] : memref<10000x64xf32, #tpu.memory_space<vmem_shared>> -> memref<624x64xf32, #tpu.memory_space<vmem_shared>>
      tpu.wait_dma2 semaphore(%run_scoped3A_272 : memref<!tpu.dma_semaphore, #tpu.memory_space<semaphore_mem>>) src(%arg4 : memref<624x64xf32, #tpu.memory_space<hbm>>) dst(%dma_wait3A_276 : memref<624x64xf32, #tpu.memory_space<vmem_shared>>)
      tpu.yield
    }) : () -> ()
    %eq3A = arith.constant 0 : i32
    %eq3A_3 = arith.cmpi eq, %arg1, %eq3A : i32
    %convert_element_type3A = arith.extui %eq3A_3 : i1 to i32
    %cond3A = arith.constant 0 : i32
    %cond3A_4 = arith.cmpi ne, %convert_element_type3A, %cond3A : i32
    scf.if %cond3A_4 {
      "tpu.region"() ({
        %run_scoped3A_272 = tpu.sem_alloc : memref<!tpu.dma_semaphore, #tpu.memory_space<semaphore_mem>>
        %dma_start3A_273 = arith.constant 9984 : i32
        %dma_start3A_274 = arith.constant 0 : i32
        %dma_start3A_275 = tpu.memref_slice %arg9[%dma_start3A_273, %dma_start3A_274] : memref<10000x64xf32, #tpu.memory_space<vmem_shared>> -> memref<16x64xf32, #tpu.memory_space<vmem_shared>>
        %dma_start3A_276 = arith.constant 0 : i32
        %dma_start3A_277 = arith.constant 0 : i32
        %dma_start3A_278 = tpu.memref_slice %arg4[%dma_start3A_276, %dma_start3A_277] : memref<624x64xf32, #tpu.memory_space<hbm>> -> memref<16x64xf32, #tpu.memory_space<hbm>>
        tpu.enqueue_dma source(%dma_start3A_278 : memref<16x64xf32, #tpu.memory_space<hbm>>) target(%dma_start3A_275 : memref<16x64xf32, #tpu.memory_space<vmem_shared>>) target_semaphore(%run_scoped3A_272 : memref<!tpu.dma_semaphore, #tpu.memory_space<semaphore_mem>>)
        %dma_wait3A_279 = arith.constant 9984 : i32
        %dma_wait3A_280 = arith.constant 0 : i32
        %dma_wait3A_281 = tpu.memref_slice %arg9[%dma_wait3A_279, %dma_wait3A_280] : memref<10000x64xf32, #tpu.memory_space<vmem_shared>> -> memref<16x64xf32, #tpu.memory_space<vmem_shared>>
        %dma_wait3A_282 = arith.constant 0 : i32
        %dma_wait3A_283 = arith.constant 0 : i32
        %dma_wait3A_284 = tpu.memref_slice %arg4[%dma_wait3A_282, %dma_wait3A_283] : memref<624x64xf32, #tpu.memory_space<hbm>> -> memref<16x64xf32, #tpu.memory_space<hbm>>
        tpu.wait_dma2 semaphore(%run_scoped3A_272 : memref<!tpu.dma_semaphore, #tpu.memory_space<semaphore_mem>>) src(%dma_wait3A_284 : memref<16x64xf32, #tpu.memory_space<hbm>>) dst(%dma_wait3A_281 : memref<16x64xf32, #tpu.memory_space<vmem_shared>>)
        tpu.yield
      }) : () -> ()
    } else {
    }
    %mul3A_5 = arith.constant 78 : i32
    %mul3A_6 = arith.muli %add3A, %mul3A_5 : i32
    %min3A = arith.constant 4 : i32
    %min3A_7 = arith.minsi %add3A, %min3A : i32
    %add3A_8 = arith.addi %mul3A_6, %min3A_7 : i32
    %run_scoped3A = arith.constant 0 : i32
    "tpu.region"() ({
      %run_scoped3A_272 = tpu.sem_alloc : memref<!tpu.dma_semaphore, #tpu.memory_space<semaphore_mem>>
      %dma_start3A_273 = arith.constant 0 : i32
      %dma_start3A_274 = arith.constant 0 : i32
      %dma_start3A_275 = tpu.memref_slice %arg6[%dma_start3A_273, %dma_start3A_274] : memref<79x128xi32, #tpu.memory_space<vmem>> -> memref<78x128xi32, #tpu.memory_space<vmem>>
      %dma_start3A_276 = arith.constant 0 : i32
      %dma_start3A_277 = tpu.memref_slice %arg3[%run_scoped3A, %add3A_8, %dma_start3A_276] : memref<2x2500x128xi32, #tpu.memory_space<hbm>> -> memref<1x78x128xi32, #tpu.memory_space<hbm>>
      %dma_start3A_278 = tpu.memref_squeeze %dma_start3A_277 : memref<1x78x128xi32, #tpu.memory_space<hbm>> -> memref<78x128xi32, #tpu.memory_space<hbm>>
      %dma_start3A_279 = arith.constant 0 : i32
      %dma_start3A_280 = arith.constant 0 : i32
      %dma_start3A_281 = tpu.memref_slice %arg6[%dma_start3A_279, %dma_start3A_280] : memref<79x128xi32, #tpu.memory_space<vmem>> -> memref<78x128xi32, #tpu.memory_space<vmem>>
      %dma_start3A_282 = arith.constant 0 : i32
      %dma_start3A_283 = tpu.memref_slice %arg3[%run_scoped3A, %add3A_8, %dma_start3A_282] : memref<2x2500x128xi32, #tpu.memory_space<hbm>> -> memref<1x78x128xi32, #tpu.memory_space<hbm>>
      %dma_start3A_284 = tpu.memref_squeeze %dma_start3A_283 : memref<1x78x128xi32, #tpu.memory_space<hbm>> -> memref<78x128xi32, #tpu.memory_space<hbm>>
      tpu.enqueue_dma source(%dma_start3A_284 : memref<78x128xi32, #tpu.memory_space<hbm>>) target(%dma_start3A_281 : memref<78x128xi32, #tpu.memory_space<vmem>>) target_semaphore(%run_scoped3A_272 : memref<!tpu.dma_semaphore, #tpu.memory_space<semaphore_mem>>)
      %dma_wait3A_285 = arith.constant 0 : i32
      %dma_wait3A_286 = arith.constant 0 : i32
      %dma_wait3A_287 = tpu.memref_slice %arg6[%dma_wait3A_285, %dma_wait3A_286] : memref<79x128xi32, #tpu.memory_space<vmem>> -> memref<78x128xi32, #tpu.memory_space<vmem>>
      %dma_wait3A_288 = arith.constant 0 : i32
      %dma_wait3A_289 = tpu.memref_slice %arg3[%run_scoped3A, %add3A_8, %dma_wait3A_288] : memref<2x2500x128xi32, #tpu.memory_space<hbm>> -> memref<1x78x128xi32, #tpu.memory_space<hbm>>
      %dma_wait3A_290 = tpu.memref_squeeze %dma_wait3A_289 : memref<1x78x128xi32, #tpu.memory_space<hbm>> -> memref<78x128xi32, #tpu.memory_space<hbm>>
      %dma_wait3A_291 = arith.constant 0 : i32
      %dma_wait3A_292 = arith.constant 0 : i32
      %dma_wait3A_293 = tpu.memref_slice %arg6[%dma_wait3A_291, %dma_wait3A_292] : memref<79x128xi32, #tpu.memory_space<vmem>> -> memref<78x128xi32, #tpu.memory_space<vmem>>
      %dma_wait3A_294 = arith.constant 0 : i32
      %dma_wait3A_295 = tpu.memref_slice %arg3[%run_scoped3A, %add3A_8, %dma_wait3A_294] : memref<2x2500x128xi32, #tpu.memory_space<hbm>> -> memref<1x78x128xi32, #tpu.memory_space<hbm>>
      %dma_wait3A_296 = tpu.memref_squeeze %dma_wait3A_295 : memref<1x78x128xi32, #tpu.memory_space<hbm>> -> memref<78x128xi32, #tpu.memory_space<hbm>>
      tpu.wait_dma2 semaphore(%run_scoped3A_272 : memref<!tpu.dma_semaphore, #tpu.memory_space<semaphore_mem>>) src(%dma_wait3A_296 : memref<78x128xi32, #tpu.memory_space<hbm>>) dst(%dma_wait3A_293 : memref<78x128xi32, #tpu.memory_space<vmem>>)
      tpu.yield
    }) : () -> ()
    %run_scoped3A_9 = arith.constant 1 : i32
    "tpu.region"() ({
      %run_scoped3A_272 = tpu.sem_alloc : memref<!tpu.dma_semaphore, #tpu.memory_space<semaphore_mem>>
      %dma_start3A_273 = arith.constant 0 : i32
      %dma_start3A_274 = arith.constant 0 : i32
      %dma_start3A_275 = tpu.memref_slice %arg7[%dma_start3A_273, %dma_start3A_274] : memref<79x128xi32, #tpu.memory_space<vmem>> -> memref<78x128xi32, #tpu.memory_space<vmem>>
      %dma_start3A_276 = arith.constant 0 : i32
      %dma_start3A_277 = tpu.memref_slice %arg3[%run_scoped3A_9, %add3A_8, %dma_start3A_276] : memref<2x2500x128xi32, #tpu.memory_space<hbm>> -> memref<1x78x128xi32, #tpu.memory_space<hbm>>
      %dma_start3A_278 = tpu.memref_squeeze %dma_start3A_277 : memref<1x78x128xi32, #tpu.memory_space<hbm>> -> memref<78x128xi32, #tpu.memory_space<hbm>>
      %dma_start3A_279 = arith.constant 0 : i32
      %dma_start3A_280 = arith.constant 0 : i32
      %dma_start3A_281 = tpu.memref_slice %arg7[%dma_start3A_279, %dma_start3A_280] : memref<79x128xi32, #tpu.memory_space<vmem>> -> memref<78x128xi32, #tpu.memory_space<vmem>>
      %dma_start3A_282 = arith.constant 0 : i32
      %dma_start3A_283 = tpu.memref_slice %arg3[%run_scoped3A_9, %add3A_8, %dma_start3A_282] : memref<2x2500x128xi32, #tpu.memory_space<hbm>> -> memref<1x78x128xi32, #tpu.memory_space<hbm>>
      %dma_start3A_284 = tpu.memref_squeeze %dma_start3A_283 : memref<1x78x128xi32, #tpu.memory_space<hbm>> -> memref<78x128xi32, #tpu.memory_space<hbm>>
      tpu.enqueue_dma source(%dma_start3A_284 : memref<78x128xi32, #tpu.memory_space<hbm>>) target(%dma_start3A_281 : memref<78x128xi32, #tpu.memory_space<vmem>>) target_semaphore(%run_scoped3A_272 : memref<!tpu.dma_semaphore, #tpu.memory_space<semaphore_mem>>)
      %dma_wait3A_285 = arith.constant 0 : i32
      %dma_wait3A_286 = arith.constant 0 : i32
      %dma_wait3A_287 = tpu.memref_slice %arg7[%dma_wait3A_285, %dma_wait3A_286] : memref<79x128xi32, #tpu.memory_space<vmem>> -> memref<78x128xi32, #tpu.memory_space<vmem>>
      %dma_wait3A_288 = arith.constant 0 : i32
      %dma_wait3A_289 = tpu.memref_slice %arg3[%run_scoped3A_9, %add3A_8, %dma_wait3A_288] : memref<2x2500x128xi32, #tpu.memory_space<hbm>> -> memref<1x78x128xi32, #tpu.memory_space<hbm>>
      %dma_wait3A_290 = tpu.memref_squeeze %dma_wait3A_289 : memref<1x78x128xi32, #tpu.memory_space<hbm>> -> memref<78x128xi32, #tpu.memory_space<hbm>>
      %dma_wait3A_291 = arith.constant 0 : i32
      %dma_wait3A_292 = arith.constant 0 : i32
      %dma_wait3A_293 = tpu.memref_slice %arg7[%dma_wait3A_291, %dma_wait3A_292] : memref<79x128xi32, #tpu.memory_space<vmem>> -> memref<78x128xi32, #tpu.memory_space<vmem>>
      %dma_wait3A_294 = arith.constant 0 : i32
      %dma_wait3A_295 = tpu.memref_slice %arg3[%run_scoped3A_9, %add3A_8, %dma_wait3A_294] : memref<2x2500x128xi32, #tpu.memory_space<hbm>> -> memref<1x78x128xi32, #tpu.memory_space<hbm>>
      %dma_wait3A_296 = tpu.memref_squeeze %dma_wait3A_295 : memref<1x78x128xi32, #tpu.memory_space<hbm>> -> memref<78x128xi32, #tpu.memory_space<hbm>>
      tpu.wait_dma2 semaphore(%run_scoped3A_272 : memref<!tpu.dma_semaphore, #tpu.memory_space<semaphore_mem>>) src(%dma_wait3A_296 : memref<78x128xi32, #tpu.memory_space<hbm>>) dst(%dma_wait3A_293 : memref<78x128xi32, #tpu.memory_space<vmem>>)
      tpu.yield
    }) : () -> ()
    %lt3A = arith.constant 4 : i32
    %lt3A_10 = arith.cmpi slt, %add3A, %lt3A : i32
    %convert_element_type3A_11 = arith.extui %lt3A_10 : i1 to i32
    %cond3A_12 = arith.constant 0 : i32
    %cond3A_13 = arith.cmpi ne, %convert_element_type3A_11, %cond3A_12 : i32
    scf.if %cond3A_13 {
      %add3A_272 = arith.constant 78 : i32
      %add3A_273 = arith.addi %add3A_8, %add3A_272 : i32
      %run_scoped3A_274 = arith.constant 0 : i32
      "tpu.region"() ({
        %run_scoped3A_278 = tpu.sem_alloc : memref<!tpu.dma_semaphore, #tpu.memory_space<semaphore_mem>>
        %dma_start3A_279 = arith.constant 78 : i32
        %dma_start3A_280 = arith.constant 0 : i32
        %dma_start3A_281 = tpu.memref_slice %arg6[%dma_start3A_279, %dma_start3A_280] : memref<79x128xi32, #tpu.memory_space<vmem>> -> memref<1x128xi32, #tpu.memory_space<vmem>>
        %dma_start3A_282 = arith.constant 0 : i32
        %dma_start3A_283 = tpu.memref_slice %arg3[%run_scoped3A_274, %add3A_273, %dma_start3A_282] : memref<2x2500x128xi32, #tpu.memory_space<hbm>> -> memref<1x1x128xi32, #tpu.memory_space<hbm>>
        %dma_start3A_284 = tpu.memref_squeeze %dma_start3A_283 : memref<1x1x128xi32, #tpu.memory_space<hbm>> -> memref<1x128xi32, #tpu.memory_space<hbm>>
        %dma_start3A_285 = arith.constant 78 : i32
        %dma_start3A_286 = arith.constant 0 : i32
        %dma_start3A_287 = tpu.memref_slice %arg6[%dma_start3A_285, %dma_start3A_286] : memref<79x128xi32, #tpu.memory_space<vmem>> -> memref<1x128xi32, #tpu.memory_space<vmem>>
        %dma_start3A_288 = arith.constant 0 : i32
        %dma_start3A_289 = tpu.memref_slice %arg3[%run_scoped3A_274, %add3A_273, %dma_start3A_288] : memref<2x2500x128xi32, #tpu.memory_space<hbm>> -> memref<1x1x128xi32, #tpu.memory_space<hbm>>
        %dma_start3A_290 = tpu.memref_squeeze %dma_start3A_289 : memref<1x1x128xi32, #tpu.memory_space<hbm>> -> memref<1x128xi32, #tpu.memory_space<hbm>>
        tpu.enqueue_dma source(%dma_start3A_290 : memref<1x128xi32, #tpu.memory_space<hbm>>) target(%dma_start3A_287 : memref<1x128xi32, #tpu.memory_space<vmem>>) target_semaphore(%run_scoped3A_278 : memref<!tpu.dma_semaphore, #tpu.memory_space<semaphore_mem>>)
        %dma_wait3A_291 = arith.constant 78 : i32
        %dma_wait3A_292 = arith.constant 0 : i32
        %dma_wait3A_293 = tpu.memref_slice %arg6[%dma_wait3A_291, %dma_wait3A_292] : memref<79x128xi32, #tpu.memory_space<vmem>> -> memref<1x128xi32, #tpu.memory_space<vmem>>
        %dma_wait3A_294 = arith.constant 0 : i32
        %dma_wait3A_295 = tpu.memref_slice %arg3[%run_scoped3A_274, %add3A_273, %dma_wait3A_294] : memref<2x2500x128xi32, #tpu.memory_space<hbm>> -> memref<1x1x128xi32, #tpu.memory_space<hbm>>
        %dma_wait3A_296 = tpu.memref_squeeze %dma_wait3A_295 : memref<1x1x128xi32, #tpu.memory_space<hbm>> -> memref<1x128xi32, #tpu.memory_space<hbm>>
        %dma_wait3A_297 = arith.constant 78 : i32
        %dma_wait3A_298 = arith.constant 0 : i32
        %dma_wait3A_299 = tpu.memref_slice %arg6[%dma_wait3A_297, %dma_wait3A_298] : memref<79x128xi32, #tpu.memory_space<vmem>> -> memref<1x128xi32, #tpu.memory_space<vmem>>
        %dma_wait3A_300 = arith.constant 0 : i32
        %dma_wait3A_301 = tpu.memref_slice %arg3[%run_scoped3A_274, %add3A_273, %dma_wait3A_300] : memref<2x2500x128xi32, #tpu.memory_space<hbm>> -> memref<1x1x128xi32, #tpu.memory_space<hbm>>
        %dma_wait3A_302 = tpu.memref_squeeze %dma_wait3A_301 : memref<1x1x128xi32, #tpu.memory_space<hbm>> -> memref<1x128xi32, #tpu.memory_space<hbm>>
        tpu.wait_dma2 semaphore(%run_scoped3A_278 : memref<!tpu.dma_semaphore, #tpu.memory_space<semaphore_mem>>) src(%dma_wait3A_302 : memref<1x128xi32, #tpu.memory_space<hbm>>) dst(%dma_wait3A_299 : memref<1x128xi32, #tpu.memory_space<vmem>>)
        tpu.yield
      }) : () -> ()
      %add3A_275 = arith.constant 78 : i32
      %add3A_276 = arith.addi %add3A_8, %add3A_275 : i32
      %run_scoped3A_277 = arith.constant 1 : i32
      "tpu.region"() ({
        %run_scoped3A_278 = tpu.sem_alloc : memref<!tpu.dma_semaphore, #tpu.memory_space<semaphore_mem>>
        %dma_start3A_279 = arith.constant 78 : i32
        %dma_start3A_280 = arith.constant 0 : i32
        %dma_start3A_281 = tpu.memref_slice %arg7[%dma_start3A_279, %dma_start3A_280] : memref<79x128xi32, #tpu.memory_space<vmem>> -> memref<1x128xi32, #tpu.memory_space<vmem>>
        %dma_start3A_282 = arith.constant 0 : i32
        %dma_start3A_283 = tpu.memref_slice %arg3[%run_scoped3A_277, %add3A_276, %dma_start3A_282] : memref<2x2500x128xi32, #tpu.memory_space<hbm>> -> memref<1x1x128xi32, #tpu.memory_space<hbm>>
        %dma_start3A_284 = tpu.memref_squeeze %dma_start3A_283 : memref<1x1x128xi32, #tpu.memory_space<hbm>> -> memref<1x128xi32, #tpu.memory_space<hbm>>
        %dma_start3A_285 = arith.constant 78 : i32
        %dma_start3A_286 = arith.constant 0 : i32
        %dma_start3A_287 = tpu.memref_slice %arg7[%dma_start3A_285, %dma_start3A_286] : memref<79x128xi32, #tpu.memory_space<vmem>> -> memref<1x128xi32, #tpu.memory_space<vmem>>
        %dma_start3A_288 = arith.constant 0 : i32
        %dma_start3A_289 = tpu.memref_slice %arg3[%run_scoped3A_277, %add3A_276, %dma_start3A_288] : memref<2x2500x128xi32, #tpu.memory_space<hbm>> -> memref<1x1x128xi32, #tpu.memory_space<hbm>>
        %dma_start3A_290 = tpu.memref_squeeze %dma_start3A_289 : memref<1x1x128xi32, #tpu.memory_space<hbm>> -> memref<1x128xi32, #tpu.memory_space<hbm>>
        tpu.enqueue_dma source(%dma_start3A_290 : memref<1x128xi32, #tpu.memory_space<hbm>>) target(%dma_start3A_287 : memref<1x128xi32, #tpu.memory_space<vmem>>) target_semaphore(%run_scoped3A_278 : memref<!tpu.dma_semaphore, #tpu.memory_space<semaphore_mem>>)
        %dma_wait3A_291 = arith.constant 78 : i32
        %dma_wait3A_292 = arith.constant 0 : i32
        %dma_wait3A_293 = tpu.memref_slice %arg7[%dma_wait3A_291, %dma_wait3A_292] : memref<79x128xi32, #tpu.memory_space<vmem>> -> memref<1x128xi32, #tpu.memory_space<vmem>>
        %dma_wait3A_294 = arith.constant 0 : i32
        %dma_wait3A_295 = tpu.memref_slice %arg3[%run_scoped3A_277, %add3A_276, %dma_wait3A_294] : memref<2x2500x128xi32, #tpu.memory_space<hbm>> -> memref<1x1x128xi32, #tpu.memory_space<hbm>>
        %dma_wait3A_296 = tpu.memref_squeeze %dma_wait3A_295 : memref<1x1x128xi32, #tpu.memory_space<hbm>> -> memref<1x128xi32, #tpu.memory_space<hbm>>
        %dma_wait3A_297 = arith.constant 78 : i32
        %dma_wait3A_298 = arith.constant 0 : i32
        %dma_wait3A_299 = tpu.memref_slice %arg7[%dma_wait3A_297, %dma_wait3A_298] : memref<79x128xi32, #tpu.memory_space<vmem>> -> memref<1x128xi32, #tpu.memory_space<vmem>>
        %dma_wait3A_300 = arith.constant 0 : i32
        %dma_wait3A_301 = tpu.memref_slice %arg3[%run_scoped3A_277, %add3A_276, %dma_wait3A_300] : memref<2x2500x128xi32, #tpu.memory_space<hbm>> -> memref<1x1x128xi32, #tpu.memory_space<hbm>>
        %dma_wait3A_302 = tpu.memref_squeeze %dma_wait3A_301 : memref<1x1x128xi32, #tpu.memory_space<hbm>> -> memref<1x128xi32, #tpu.memory_space<hbm>>
        tpu.wait_dma2 semaphore(%run_scoped3A_278 : memref<!tpu.dma_semaphore, #tpu.memory_space<semaphore_mem>>) src(%dma_wait3A_302 : memref<1x128xi32, #tpu.memory_space<hbm>>) dst(%dma_wait3A_299 : memref<1x128xi32, #tpu.memory_space<vmem>>)
        tpu.yield
      }) : () -> ()
    } else {
    }
    %barrier3A = arith.constant 0 : index
    tpu.barrier barrier_id(%barrier3A)
    %dma_start3A = arith.constant 0 : i32
    %dma_start3A_14 = arith.constant 0 : i32
    %dma_start3A_15 = arith.constant 0 : i32
    %dma_start3A_16 = arith.constant 0 : i32
    %dma_start3A_17 = arith.constant 0 : i32
    %dma_start3A_18 = tpu.memref_slice %arg8[%dma_start3A_14, %dma_start3A_16, %dma_start3A_17] : memref<8x128x64xf32, #tpu.memory_space<vmem>> -> memref<1x128x64xf32, #tpu.memory_space<vmem>>
    %dma_start3A_19 = tpu.memref_squeeze %dma_start3A_18 : memref<1x128x64xf32, #tpu.memory_space<vmem>> -> memref<128x64xf32, #tpu.memory_space<vmem>>
    %dma_start3A_20 = arith.constant 0 : i32
    %dma_start3A_21 = tpu.memref_slice %arg6[%dma_start3A, %dma_start3A_20] : memref<79x128xi32, #tpu.memory_space<vmem>> -> memref<1x128xi32, #tpu.memory_space<vmem>>
    %dma_start3A_22 = tpu.memref_squeeze %dma_start3A_21 : memref<1x128xi32, #tpu.memory_space<vmem>> -> memref<128xi32, #tpu.memory_space<vmem>>
    %dma_start3A_23 = arith.constant 0 : i32
    %dma_start3A_24 = arith.constant 0 : i32
    %dma_start3A_25 = tpu.memref_slice %arg2[%dma_start3A_23, %dma_start3A_24] : memref<10000x64xf32, #tpu.memory_space<hbm>> -> memref<10000x64xf32, #tpu.memory_space<hbm>>
    %dma_start3A_26 = tpu.memref_slice %arg10[%dma_start3A_15] : memref<8x!tpu.dma_semaphore, #tpu.memory_space<semaphore_mem>> -> memref<1x!tpu.dma_semaphore, #tpu.memory_space<semaphore_mem>>
    %dma_start3A_27 = tpu.memref_squeeze %dma_start3A_26 : memref<1x!tpu.dma_semaphore, #tpu.memory_space<semaphore_mem>> -> memref<!tpu.dma_semaphore, #tpu.memory_space<semaphore_mem>>
    tpu.enqueue_indirect_dma source(%dma_start3A_25 : memref<10000x64xf32, #tpu.memory_space<hbm>>) target(%dma_start3A_19 : memref<128x64xf32, #tpu.memory_space<vmem>>) offsets(%dma_start3A_22 : memref<128xi32, #tpu.memory_space<vmem>>) semaphore(%dma_start3A_27 : memref<!tpu.dma_semaphore, #tpu.memory_space<semaphore_mem>>)
    %dma_start3A_28 = arith.constant 1 : i32
    %dma_start3A_29 = arith.constant 1 : i32
    %dma_start3A_30 = arith.constant 1 : i32
    %dma_start3A_31 = arith.constant 0 : i32
    %dma_start3A_32 = arith.constant 0 : i32
    %dma_start3A_33 = tpu.memref_slice %arg8[%dma_start3A_29, %dma_start3A_31, %dma_start3A_32] : memref<8x128x64xf32, #tpu.memory_space<vmem>> -> memref<1x128x64xf32, #tpu.memory_space<vmem>>
    %dma_start3A_34 = tpu.memref_squeeze %dma_start3A_33 : memref<1x128x64xf32, #tpu.memory_space<vmem>> -> memref<128x64xf32, #tpu.memory_space<vmem>>
    %dma_start3A_35 = arith.constant 0 : i32
    %dma_start3A_36 = tpu.memref_slice %arg6[%dma_start3A_28, %dma_start3A_35] : memref<79x128xi32, #tpu.memory_space<vmem>> -> memref<1x128xi32, #tpu.memory_space<vmem>>
    %dma_start3A_37 = tpu.memref_squeeze %dma_start3A_36 : memref<1x128xi32, #tpu.memory_space<vmem>> -> memref<128xi32, #tpu.memory_space<vmem>>
    %dma_start3A_38 = arith.constant 0 : i32
    %dma_start3A_39 = arith.constant 0 : i32
    %dma_start3A_40 = tpu.memref_slice %arg2[%dma_start3A_38, %dma_start3A_39] : memref<10000x64xf32, #tpu.memory_space<hbm>> -> memref<10000x64xf32, #tpu.memory_space<hbm>>
    %dma_start3A_41 = tpu.memref_slice %arg10[%dma_start3A_30] : memref<8x!tpu.dma_semaphore, #tpu.memory_space<semaphore_mem>> -> memref<1x!tpu.dma_semaphore, #tpu.memory_space<semaphore_mem>>
    %dma_start3A_42 = tpu.memref_squeeze %dma_start3A_41 : memref<1x!tpu.dma_semaphore, #tpu.memory_space<semaphore_mem>> -> memref<!tpu.dma_semaphore, #tpu.memory_space<semaphore_mem>>
    tpu.enqueue_indirect_dma source(%dma_start3A_40 : memref<10000x64xf32, #tpu.memory_space<hbm>>) target(%dma_start3A_34 : memref<128x64xf32, #tpu.memory_space<vmem>>) offsets(%dma_start3A_37 : memref<128xi32, #tpu.memory_space<vmem>>) semaphore(%dma_start3A_42 : memref<!tpu.dma_semaphore, #tpu.memory_space<semaphore_mem>>)
    %dma_start3A_43 = arith.constant 2 : i32
    %dma_start3A_44 = arith.constant 2 : i32
    %dma_start3A_45 = arith.constant 2 : i32
    %dma_start3A_46 = arith.constant 0 : i32
    %dma_start3A_47 = arith.constant 0 : i32
    %dma_start3A_48 = tpu.memref_slice %arg8[%dma_start3A_44, %dma_start3A_46, %dma_start3A_47] : memref<8x128x64xf32, #tpu.memory_space<vmem>> -> memref<1x128x64xf32, #tpu.memory_space<vmem>>
    %dma_start3A_49 = tpu.memref_squeeze %dma_start3A_48 : memref<1x128x64xf32, #tpu.memory_space<vmem>> -> memref<128x64xf32, #tpu.memory_space<vmem>>
    %dma_start3A_50 = arith.constant 0 : i32
    %dma_start3A_51 = tpu.memref_slice %arg6[%dma_start3A_43, %dma_start3A_50] : memref<79x128xi32, #tpu.memory_space<vmem>> -> memref<1x128xi32, #tpu.memory_space<vmem>>
    %dma_start3A_52 = tpu.memref_squeeze %dma_start3A_51 : memref<1x128xi32, #tpu.memory_space<vmem>> -> memref<128xi32, #tpu.memory_space<vmem>>
    %dma_start3A_53 = arith.constant 0 : i32
    %dma_start3A_54 = arith.constant 0 : i32
    %dma_start3A_55 = tpu.memref_slice %arg2[%dma_start3A_53, %dma_start3A_54] : memref<10000x64xf32, #tpu.memory_space<hbm>> -> memref<10000x64xf32, #tpu.memory_space<hbm>>
    %dma_start3A_56 = tpu.memref_slice %arg10[%dma_start3A_45] : memref<8x!tpu.dma_semaphore, #tpu.memory_space<semaphore_mem>> -> memref<1x!tpu.dma_semaphore, #tpu.memory_space<semaphore_mem>>
    %dma_start3A_57 = tpu.memref_squeeze %dma_start3A_56 : memref<1x!tpu.dma_semaphore, #tpu.memory_space<semaphore_mem>> -> memref<!tpu.dma_semaphore, #tpu.memory_space<semaphore_mem>>
    tpu.enqueue_indirect_dma source(%dma_start3A_55 : memref<10000x64xf32, #tpu.memory_space<hbm>>) target(%dma_start3A_49 : memref<128x64xf32, #tpu.memory_space<vmem>>) offsets(%dma_start3A_52 : memref<128xi32, #tpu.memory_space<vmem>>) semaphore(%dma_start3A_57 : memref<!tpu.dma_semaphore, #tpu.memory_space<semaphore_mem>>)
    %dma_start3A_58 = arith.constant 3 : i32
    %dma_start3A_59 = arith.constant 3 : i32
    %dma_start3A_60 = arith.constant 3 : i32
    %dma_start3A_61 = arith.constant 0 : i32
    %dma_start3A_62 = arith.constant 0 : i32
    %dma_start3A_63 = tpu.memref_slice %arg8[%dma_start3A_59, %dma_start3A_61, %dma_start3A_62] : memref<8x128x64xf32, #tpu.memory_space<vmem>> -> memref<1x128x64xf32, #tpu.memory_space<vmem>>
    %dma_start3A_64 = tpu.memref_squeeze %dma_start3A_63 : memref<1x128x64xf32, #tpu.memory_space<vmem>> -> memref<128x64xf32, #tpu.memory_space<vmem>>
    %dma_start3A_65 = arith.constant 0 : i32
    %dma_start3A_66 = tpu.memref_slice %arg6[%dma_start3A_58, %dma_start3A_65] : memref<79x128xi32, #tpu.memory_space<vmem>> -> memref<1x128xi32, #tpu.memory_space<vmem>>
    %dma_start3A_67 = tpu.memref_squeeze %dma_start3A_66 : memref<1x128xi32, #tpu.memory_space<vmem>> -> memref<128xi32, #tpu.memory_space<vmem>>
    %dma_start3A_68 = arith.constant 0 : i32
    %dma_start3A_69 = arith.constant 0 : i32
    %dma_start3A_70 = tpu.memref_slice %arg2[%dma_start3A_68, %dma_start3A_69] : memref<10000x64xf32, #tpu.memory_space<hbm>> -> memref<10000x64xf32, #tpu.memory_space<hbm>>
    %dma_start3A_71 = tpu.memref_slice %arg10[%dma_start3A_60] : memref<8x!tpu.dma_semaphore, #tpu.memory_space<semaphore_mem>> -> memref<1x!tpu.dma_semaphore, #tpu.memory_space<semaphore_mem>>
    %dma_start3A_72 = tpu.memref_squeeze %dma_start3A_71 : memref<1x!tpu.dma_semaphore, #tpu.memory_space<semaphore_mem>> -> memref<!tpu.dma_semaphore, #tpu.memory_space<semaphore_mem>>
    tpu.enqueue_indirect_dma source(%dma_start3A_70 : memref<10000x64xf32, #tpu.memory_space<hbm>>) target(%dma_start3A_64 : memref<128x64xf32, #tpu.memory_space<vmem>>) offsets(%dma_start3A_67 : memref<128xi32, #tpu.memory_space<vmem>>) semaphore(%dma_start3A_72 : memref<!tpu.dma_semaphore, #tpu.memory_space<semaphore_mem>>)
    %dma_start3A_73 = arith.constant 4 : i32
    %dma_start3A_74 = arith.constant 4 : i32
    %dma_start3A_75 = arith.constant 4 : i32
    %dma_start3A_76 = arith.constant 0 : i32
    %dma_start3A_77 = arith.constant 0 : i32
    %dma_start3A_78 = tpu.memref_slice %arg8[%dma_start3A_74, %dma_start3A_76, %dma_start3A_77] : memref<8x128x64xf32, #tpu.memory_space<vmem>> -> memref<1x128x64xf32, #tpu.memory_space<vmem>>
    %dma_start3A_79 = tpu.memref_squeeze %dma_start3A_78 : memref<1x128x64xf32, #tpu.memory_space<vmem>> -> memref<128x64xf32, #tpu.memory_space<vmem>>
    %dma_start3A_80 = arith.constant 0 : i32
    %dma_start3A_81 = tpu.memref_slice %arg6[%dma_start3A_73, %dma_start3A_80] : memref<79x128xi32, #tpu.memory_space<vmem>> -> memref<1x128xi32, #tpu.memory_space<vmem>>
    %dma_start3A_82 = tpu.memref_squeeze %dma_start3A_81 : memref<1x128xi32, #tpu.memory_space<vmem>> -> memref<128xi32, #tpu.memory_space<vmem>>
    %dma_start3A_83 = arith.constant 0 : i32
    %dma_start3A_84 = arith.constant 0 : i32
    %dma_start3A_85 = tpu.memref_slice %arg2[%dma_start3A_83, %dma_start3A_84] : memref<10000x64xf32, #tpu.memory_space<hbm>> -> memref<10000x64xf32, #tpu.memory_space<hbm>>
    %dma_start3A_86 = tpu.memref_slice %arg10[%dma_start3A_75] : memref<8x!tpu.dma_semaphore, #tpu.memory_space<semaphore_mem>> -> memref<1x!tpu.dma_semaphore, #tpu.memory_space<semaphore_mem>>
    %dma_start3A_87 = tpu.memref_squeeze %dma_start3A_86 : memref<1x!tpu.dma_semaphore, #tpu.memory_space<semaphore_mem>> -> memref<!tpu.dma_semaphore, #tpu.memory_space<semaphore_mem>>
    tpu.enqueue_indirect_dma source(%dma_start3A_85 : memref<10000x64xf32, #tpu.memory_space<hbm>>) target(%dma_start3A_79 : memref<128x64xf32, #tpu.memory_space<vmem>>) offsets(%dma_start3A_82 : memref<128xi32, #tpu.memory_space<vmem>>) semaphore(%dma_start3A_87 : memref<!tpu.dma_semaphore, #tpu.memory_space<semaphore_mem>>)
    %dma_start3A_88 = arith.constant 5 : i32
    %dma_start3A_89 = arith.constant 5 : i32
    %dma_start3A_90 = arith.constant 5 : i32
    %dma_start3A_91 = arith.constant 0 : i32
    %dma_start3A_92 = arith.constant 0 : i32
    %dma_start3A_93 = tpu.memref_slice %arg8[%dma_start3A_89, %dma_start3A_91, %dma_start3A_92] : memref<8x128x64xf32, #tpu.memory_space<vmem>> -> memref<1x128x64xf32, #tpu.memory_space<vmem>>
    %dma_start3A_94 = tpu.memref_squeeze %dma_start3A_93 : memref<1x128x64xf32, #tpu.memory_space<vmem>> -> memref<128x64xf32, #tpu.memory_space<vmem>>
    %dma_start3A_95 = arith.constant 0 : i32
    %dma_start3A_96 = tpu.memref_slice %arg6[%dma_start3A_88, %dma_start3A_95] : memref<79x128xi32, #tpu.memory_space<vmem>> -> memref<1x128xi32, #tpu.memory_space<vmem>>
    %dma_start3A_97 = tpu.memref_squeeze %dma_start3A_96 : memref<1x128xi32, #tpu.memory_space<vmem>> -> memref<128xi32, #tpu.memory_space<vmem>>
    %dma_start3A_98 = arith.constant 0 : i32
    %dma_start3A_99 = arith.constant 0 : i32
    %dma_start3A_100 = tpu.memref_slice %arg2[%dma_start3A_98, %dma_start3A_99] : memref<10000x64xf32, #tpu.memory_space<hbm>> -> memref<10000x64xf32, #tpu.memory_space<hbm>>
    %dma_start3A_101 = tpu.memref_slice %arg10[%dma_start3A_90] : memref<8x!tpu.dma_semaphore, #tpu.memory_space<semaphore_mem>> -> memref<1x!tpu.dma_semaphore, #tpu.memory_space<semaphore_mem>>
    %dma_start3A_102 = tpu.memref_squeeze %dma_start3A_101 : memref<1x!tpu.dma_semaphore, #tpu.memory_space<semaphore_mem>> -> memref<!tpu.dma_semaphore, #tpu.memory_space<semaphore_mem>>
    tpu.enqueue_indirect_dma source(%dma_start3A_100 : memref<10000x64xf32, #tpu.memory_space<hbm>>) target(%dma_start3A_94 : memref<128x64xf32, #tpu.memory_space<vmem>>) offsets(%dma_start3A_97 : memref<128xi32, #tpu.memory_space<vmem>>) semaphore(%dma_start3A_102 : memref<!tpu.dma_semaphore, #tpu.memory_space<semaphore_mem>>)
    %dma_start3A_103 = arith.constant 6 : i32
    %dma_start3A_104 = arith.constant 6 : i32
    %dma_start3A_105 = arith.constant 6 : i32
    %dma_start3A_106 = arith.constant 0 : i32
    %dma_start3A_107 = arith.constant 0 : i32
    %dma_start3A_108 = tpu.memref_slice %arg8[%dma_start3A_104, %dma_start3A_106, %dma_start3A_107] : memref<8x128x64xf32, #tpu.memory_space<vmem>> -> memref<1x128x64xf32, #tpu.memory_space<vmem>>
    %dma_start3A_109 = tpu.memref_squeeze %dma_start3A_108 : memref<1x128x64xf32, #tpu.memory_space<vmem>> -> memref<128x64xf32, #tpu.memory_space<vmem>>
    %dma_start3A_110 = arith.constant 0 : i32
    %dma_start3A_111 = tpu.memref_slice %arg6[%dma_start3A_103, %dma_start3A_110] : memref<79x128xi32, #tpu.memory_space<vmem>> -> memref<1x128xi32, #tpu.memory_space<vmem>>
    %dma_start3A_112 = tpu.memref_squeeze %dma_start3A_111 : memref<1x128xi32, #tpu.memory_space<vmem>> -> memref<128xi32, #tpu.memory_space<vmem>>
    %dma_start3A_113 = arith.constant 0 : i32
    %dma_start3A_114 = arith.constant 0 : i32
    %dma_start3A_115 = tpu.memref_slice %arg2[%dma_start3A_113, %dma_start3A_114] : memref<10000x64xf32, #tpu.memory_space<hbm>> -> memref<10000x64xf32, #tpu.memory_space<hbm>>
    %dma_start3A_116 = tpu.memref_slice %arg10[%dma_start3A_105] : memref<8x!tpu.dma_semaphore, #tpu.memory_space<semaphore_mem>> -> memref<1x!tpu.dma_semaphore, #tpu.memory_space<semaphore_mem>>
    %dma_start3A_117 = tpu.memref_squeeze %dma_start3A_116 : memref<1x!tpu.dma_semaphore, #tpu.memory_space<semaphore_mem>> -> memref<!tpu.dma_semaphore, #tpu.memory_space<semaphore_mem>>
    tpu.enqueue_indirect_dma source(%dma_start3A_115 : memref<10000x64xf32, #tpu.memory_space<hbm>>) target(%dma_start3A_109 : memref<128x64xf32, #tpu.memory_space<vmem>>) offsets(%dma_start3A_112 : memref<128xi32, #tpu.memory_space<vmem>>) semaphore(%dma_start3A_117 : memref<!tpu.dma_semaphore, #tpu.memory_space<semaphore_mem>>)
    %dma_start3A_118 = arith.constant 7 : i32
    %dma_start3A_119 = arith.constant 7 : i32
    %dma_start3A_120 = arith.constant 7 : i32
    %dma_start3A_121 = arith.constant 0 : i32
    %dma_start3A_122 = arith.constant 0 : i32
    %dma_start3A_123 = tpu.memref_slice %arg8[%dma_start3A_119, %dma_start3A_121, %dma_start3A_122] : memref<8x128x64xf32, #tpu.memory_space<vmem>> -> memref<1x128x64xf32, #tpu.memory_space<vmem>>
    %dma_start3A_124 = tpu.memref_squeeze %dma_start3A_123 : memref<1x128x64xf32, #tpu.memory_space<vmem>> -> memref<128x64xf32, #tpu.memory_space<vmem>>
    %dma_start3A_125 = arith.constant 0 : i32
    %dma_start3A_126 = tpu.memref_slice %arg6[%dma_start3A_118, %dma_start3A_125] : memref<79x128xi32, #tpu.memory_space<vmem>> -> memref<1x128xi32, #tpu.memory_space<vmem>>
    %dma_start3A_127 = tpu.memref_squeeze %dma_start3A_126 : memref<1x128xi32, #tpu.memory_space<vmem>> -> memref<128xi32, #tpu.memory_space<vmem>>
    %dma_start3A_128 = arith.constant 0 : i32
    %dma_start3A_129 = arith.constant 0 : i32
    %dma_start3A_130 = tpu.memref_slice %arg2[%dma_start3A_128, %dma_start3A_129] : memref<10000x64xf32, #tpu.memory_space<hbm>> -> memref<10000x64xf32, #tpu.memory_space<hbm>>
    %dma_start3A_131 = tpu.memref_slice %arg10[%dma_start3A_120] : memref<8x!tpu.dma_semaphore, #tpu.memory_space<semaphore_mem>> -> memref<1x!tpu.dma_semaphore, #tpu.memory_space<semaphore_mem>>
    %dma_start3A_132 = tpu.memref_squeeze %dma_start3A_131 : memref<1x!tpu.dma_semaphore, #tpu.memory_space<semaphore_mem>> -> memref<!tpu.dma_semaphore, #tpu.memory_space<semaphore_mem>>
    tpu.enqueue_indirect_dma source(%dma_start3A_130 : memref<10000x64xf32, #tpu.memory_space<hbm>>) target(%dma_start3A_124 : memref<128x64xf32, #tpu.memory_space<vmem>>) offsets(%dma_start3A_127 : memref<128xi32, #tpu.memory_space<vmem>>) semaphore(%dma_start3A_132 : memref<!tpu.dma_semaphore, #tpu.memory_space<semaphore_mem>>)
    %scan3A = arith.constant 0 : i32
    %scan3A_133 = arith.constant 0 : i32
    %scan3A_134 = arith.constant 10 : i32
    %scan3A_135 = arith.addi %scan3A_133, %scan3A_134 : i32
    %scan3A_136 = arith.constant 1 : i32
    scf.for %scan3A_272 = %scan3A_133 to %scan3A_135 step %scan3A_136  : i32 {
      %mul3A_273 = arith.constant 8 : i32
      %mul3A_274 = arith.muli %scan3A_272, %mul3A_273 : i32
      %add3A_275 = arith.constant 0 : i32
      %add3A_276 = arith.addi %mul3A_274, %add3A_275 : i32
      %lt3A_277 = arith.constant 78 : i32
      %lt3A_278 = arith.cmpi slt, %add3A_276, %lt3A_277 : i32
      %convert_element_type3A_279 = arith.extui %lt3A_278 : i1 to i32
      %cond3A_280 = arith.constant 0 : i32
      %cond3A_281 = arith.cmpi ne, %convert_element_type3A_279, %cond3A_280 : i32
      scf.if %cond3A_281 {
        %add3A_403 = arith.constant 0 : i32
        %add3A_404 = arith.addi %mul3A_274, %add3A_403 : i32
        %dma_wait3A_405 = arith.constant 0 : i32
        %dma_wait3A_406 = arith.constant 0 : i32
        %dma_wait3A_407 = arith.constant 0 : i32
        %dma_wait3A_408 = arith.constant 0 : i32
        %dma_wait3A_409 = tpu.memref_slice %arg8[%dma_wait3A_405, %dma_wait3A_407, %dma_wait3A_408] : memref<8x128x64xf32, #tpu.memory_space<vmem>> -> memref<1x128x64xf32, #tpu.memory_space<vmem>>
        %dma_wait3A_410 = tpu.memref_squeeze %dma_wait3A_409 : memref<1x128x64xf32, #tpu.memory_space<vmem>> -> memref<128x64xf32, #tpu.memory_space<vmem>>
        %dma_wait3A_411 = arith.constant 0 : i32
        %dma_wait3A_412 = tpu.memref_slice %arg6[%add3A_404, %dma_wait3A_411] : memref<79x128xi32, #tpu.memory_space<vmem>> -> memref<1x128xi32, #tpu.memory_space<vmem>>
        %dma_wait3A_413 = tpu.memref_squeeze %dma_wait3A_412 : memref<1x128xi32, #tpu.memory_space<vmem>> -> memref<128xi32, #tpu.memory_space<vmem>>
        %dma_wait3A_414 = arith.constant 0 : i32
        %dma_wait3A_415 = arith.constant 0 : i32
        %dma_wait3A_416 = tpu.memref_slice %arg2[%dma_wait3A_414, %dma_wait3A_415] : memref<10000x64xf32, #tpu.memory_space<hbm>> -> memref<10000x64xf32, #tpu.memory_space<hbm>>
        %dma_wait3A_417 = tpu.memref_slice %arg10[%dma_wait3A_406] : memref<8x!tpu.dma_semaphore, #tpu.memory_space<semaphore_mem>> -> memref<1x!tpu.dma_semaphore, #tpu.memory_space<semaphore_mem>>
        %dma_wait3A_418 = tpu.memref_squeeze %dma_wait3A_417 : memref<1x!tpu.dma_semaphore, #tpu.memory_space<semaphore_mem>> -> memref<!tpu.dma_semaphore, #tpu.memory_space<semaphore_mem>>
        tpu.wait_indirect_dma semaphore(%dma_wait3A_418 : memref<!tpu.dma_semaphore, #tpu.memory_space<semaphore_mem>>) src(%dma_wait3A_416 : memref<10000x64xf32, #tpu.memory_space<hbm>>) dst(%dma_wait3A_410 : memref<128x64xf32, #tpu.memory_space<vmem>>)
        %add3A_419 = arith.constant 0 : i32
        %add3A_420 = arith.addi %mul3A_274, %add3A_419 : i32
        %dma_start3A_421 = arith.constant 0 : i32
        %dma_start3A_422 = arith.constant 0 : i32
        %dma_start3A_423 = arith.constant 0 : i32
        %dma_start3A_424 = arith.constant 0 : i32
        %dma_start3A_425 = tpu.memref_slice %arg8[%dma_start3A_421, %dma_start3A_423, %dma_start3A_424] : memref<8x128x64xf32, #tpu.memory_space<vmem>> -> memref<1x128x64xf32, #tpu.memory_space<vmem>>
        %dma_start3A_426 = tpu.memref_squeeze %dma_start3A_425 : memref<1x128x64xf32, #tpu.memory_space<vmem>> -> memref<128x64xf32, #tpu.memory_space<vmem>>
        %dma_start3A_427 = arith.constant 0 : i32
        %dma_start3A_428 = tpu.memref_slice %arg7[%add3A_420, %dma_start3A_427] : memref<79x128xi32, #tpu.memory_space<vmem>> -> memref<1x128xi32, #tpu.memory_space<vmem>>
        %dma_start3A_429 = tpu.memref_squeeze %dma_start3A_428 : memref<1x128xi32, #tpu.memory_space<vmem>> -> memref<128xi32, #tpu.memory_space<vmem>>
        %dma_start3A_430 = arith.constant 0 : i32
        %dma_start3A_431 = arith.constant 0 : i32
        %dma_start3A_432 = tpu.memref_slice %arg9[%dma_start3A_430, %dma_start3A_431] : memref<10000x64xf32, #tpu.memory_space<vmem_shared>> -> memref<10000x64xf32, #tpu.memory_space<vmem_shared>>
        %dma_start3A_433 = tpu.memref_slice %arg11[%dma_start3A_422] : memref<8x!tpu.dma_semaphore, #tpu.memory_space<semaphore_mem>> -> memref<1x!tpu.dma_semaphore, #tpu.memory_space<semaphore_mem>>
        %dma_start3A_434 = tpu.memref_squeeze %dma_start3A_433 : memref<1x!tpu.dma_semaphore, #tpu.memory_space<semaphore_mem>> -> memref<!tpu.dma_semaphore, #tpu.memory_space<semaphore_mem>>
        tpu.enqueue_indirect_dma source(%dma_start3A_426 : memref<128x64xf32, #tpu.memory_space<vmem>>) target(%dma_start3A_432 : memref<10000x64xf32, #tpu.memory_space<vmem_shared>>) offsets(%dma_start3A_429 : memref<128xi32, #tpu.memory_space<vmem>>) semaphore(%dma_start3A_434 : memref<!tpu.dma_semaphore, #tpu.memory_space<semaphore_mem>>) {add = true}
      } else {
      }
      %add3A_282 = arith.constant 1 : i32
      %add3A_283 = arith.addi %mul3A_274, %add3A_282 : i32
      %lt3A_284 = arith.constant 78 : i32
      %lt3A_285 = arith.cmpi slt, %add3A_283, %lt3A_284 : i32
      %convert_element_type3A_286 = arith.extui %lt3A_285 : i1 to i32
      %cond3A_287 = arith.constant 0 : i32
      %cond3A_288 = arith.cmpi ne, %convert_element_type3A_286, %cond3A_287 : i32
      scf.if %cond3A_288 {
        %add3A_403 = arith.constant 1 : i32
        %add3A_404 = arith.addi %mul3A_274, %add3A_403 : i32
        %dma_wait3A_405 = arith.constant 1 : i32
        %dma_wait3A_406 = arith.constant 1 : i32
        %dma_wait3A_407 = arith.constant 0 : i32
        %dma_wait3A_408 = arith.constant 0 : i32
        %dma_wait3A_409 = tpu.memref_slice %arg8[%dma_wait3A_405, %dma_wait3A_407, %dma_wait3A_408] : memref<8x128x64xf32, #tpu.memory_space<vmem>> -> memref<1x128x64xf32, #tpu.memory_space<vmem>>
        %dma_wait3A_410 = tpu.memref_squeeze %dma_wait3A_409 : memref<1x128x64xf32, #tpu.memory_space<vmem>> -> memref<128x64xf32, #tpu.memory_space<vmem>>
        %dma_wait3A_411 = arith.constant 0 : i32
        %dma_wait3A_412 = tpu.memref_slice %arg6[%add3A_404, %dma_wait3A_411] : memref<79x128xi32, #tpu.memory_space<vmem>> -> memref<1x128xi32, #tpu.memory_space<vmem>>
        %dma_wait3A_413 = tpu.memref_squeeze %dma_wait3A_412 : memref<1x128xi32, #tpu.memory_space<vmem>> -> memref<128xi32, #tpu.memory_space<vmem>>
        %dma_wait3A_414 = arith.constant 0 : i32
        %dma_wait3A_415 = arith.constant 0 : i32
        %dma_wait3A_416 = tpu.memref_slice %arg2[%dma_wait3A_414, %dma_wait3A_415] : memref<10000x64xf32, #tpu.memory_space<hbm>> -> memref<10000x64xf32, #tpu.memory_space<hbm>>
        %dma_wait3A_417 = tpu.memref_slice %arg10[%dma_wait3A_406] : memref<8x!tpu.dma_semaphore, #tpu.memory_space<semaphore_mem>> -> memref<1x!tpu.dma_semaphore, #tpu.memory_space<semaphore_mem>>
        %dma_wait3A_418 = tpu.memref_squeeze %dma_wait3A_417 : memref<1x!tpu.dma_semaphore, #tpu.memory_space<semaphore_mem>> -> memref<!tpu.dma_semaphore, #tpu.memory_space<semaphore_mem>>
        tpu.wait_indirect_dma semaphore(%dma_wait3A_418 : memref<!tpu.dma_semaphore, #tpu.memory_space<semaphore_mem>>) src(%dma_wait3A_416 : memref<10000x64xf32, #tpu.memory_space<hbm>>) dst(%dma_wait3A_410 : memref<128x64xf32, #tpu.memory_space<vmem>>)
        %add3A_419 = arith.constant 1 : i32
        %add3A_420 = arith.addi %mul3A_274, %add3A_419 : i32
        %dma_start3A_421 = arith.constant 1 : i32
        %dma_start3A_422 = arith.constant 1 : i32
        %dma_start3A_423 = arith.constant 0 : i32
        %dma_start3A_424 = arith.constant 0 : i32
        %dma_start3A_425 = tpu.memref_slice %arg8[%dma_start3A_421, %dma_start3A_423, %dma_start3A_424] : memref<8x128x64xf32, #tpu.memory_space<vmem>> -> memref<1x128x64xf32, #tpu.memory_space<vmem>>
        %dma_start3A_426 = tpu.memref_squeeze %dma_start3A_425 : memref<1x128x64xf32, #tpu.memory_space<vmem>> -> memref<128x64xf32, #tpu.memory_space<vmem>>
        %dma_start3A_427 = arith.constant 0 : i32
        %dma_start3A_428 = tpu.memref_slice %arg7[%add3A_420, %dma_start3A_427] : memref<79x128xi32, #tpu.memory_space<vmem>> -> memref<1x128xi32, #tpu.memory_space<vmem>>
        %dma_start3A_429 = tpu.memref_squeeze %dma_start3A_428 : memref<1x128xi32, #tpu.memory_space<vmem>> -> memref<128xi32, #tpu.memory_space<vmem>>
        %dma_start3A_430 = arith.constant 0 : i32
        %dma_start3A_431 = arith.constant 0 : i32
        %dma_start3A_432 = tpu.memref_slice %arg9[%dma_start3A_430, %dma_start3A_431] : memref<10000x64xf32, #tpu.memory_space<vmem_shared>> -> memref<10000x64xf32, #tpu.memory_space<vmem_shared>>
        %dma_start3A_433 = tpu.memref_slice %arg11[%dma_start3A_422] : memref<8x!tpu.dma_semaphore, #tpu.memory_space<semaphore_mem>> -> memref<1x!tpu.dma_semaphore, #tpu.memory_space<semaphore_mem>>
        %dma_start3A_434 = tpu.memref_squeeze %dma_start3A_433 : memref<1x!tpu.dma_semaphore, #tpu.memory_space<semaphore_mem>> -> memref<!tpu.dma_semaphore, #tpu.memory_space<semaphore_mem>>
        tpu.enqueue_indirect_dma source(%dma_start3A_426 : memref<128x64xf32, #tpu.memory_space<vmem>>) target(%dma_start3A_432 : memref<10000x64xf32, #tpu.memory_space<vmem_shared>>) offsets(%dma_start3A_429 : memref<128xi32, #tpu.memory_space<vmem>>) semaphore(%dma_start3A_434 : memref<!tpu.dma_semaphore, #tpu.memory_space<semaphore_mem>>) {add = true}
      } else {
      }
      %add3A_289 = arith.constant 2 : i32
      %add3A_290 = arith.addi %mul3A_274, %add3A_289 : i32
      %lt3A_291 = arith.constant 78 : i32
      %lt3A_292 = arith.cmpi slt, %add3A_290, %lt3A_291 : i32
      %convert_element_type3A_293 = arith.extui %lt3A_292 : i1 to i32
      %cond3A_294 = arith.constant 0 : i32
      %cond3A_295 = arith.cmpi ne, %convert_element_type3A_293, %cond3A_294 : i32
      scf.if %cond3A_295 {
        %add3A_403 = arith.constant 2 : i32
        %add3A_404 = arith.addi %mul3A_274, %add3A_403 : i32
        %dma_wait3A_405 = arith.constant 2 : i32
        %dma_wait3A_406 = arith.constant 2 : i32
        %dma_wait3A_407 = arith.constant 0 : i32
        %dma_wait3A_408 = arith.constant 0 : i32
        %dma_wait3A_409 = tpu.memref_slice %arg8[%dma_wait3A_405, %dma_wait3A_407, %dma_wait3A_408] : memref<8x128x64xf32, #tpu.memory_space<vmem>> -> memref<1x128x64xf32, #tpu.memory_space<vmem>>
        %dma_wait3A_410 = tpu.memref_squeeze %dma_wait3A_409 : memref<1x128x64xf32, #tpu.memory_space<vmem>> -> memref<128x64xf32, #tpu.memory_space<vmem>>
        %dma_wait3A_411 = arith.constant 0 : i32
        %dma_wait3A_412 = tpu.memref_slice %arg6[%add3A_404, %dma_wait3A_411] : memref<79x128xi32, #tpu.memory_space<vmem>> -> memref<1x128xi32, #tpu.memory_space<vmem>>
        %dma_wait3A_413 = tpu.memref_squeeze %dma_wait3A_412 : memref<1x128xi32, #tpu.memory_space<vmem>> -> memref<128xi32, #tpu.memory_space<vmem>>
        %dma_wait3A_414 = arith.constant 0 : i32
        %dma_wait3A_415 = arith.constant 0 : i32
        %dma_wait3A_416 = tpu.memref_slice %arg2[%dma_wait3A_414, %dma_wait3A_415] : memref<10000x64xf32, #tpu.memory_space<hbm>> -> memref<10000x64xf32, #tpu.memory_space<hbm>>
        %dma_wait3A_417 = tpu.memref_slice %arg10[%dma_wait3A_406] : memref<8x!tpu.dma_semaphore, #tpu.memory_space<semaphore_mem>> -> memref<1x!tpu.dma_semaphore, #tpu.memory_space<semaphore_mem>>
        %dma_wait3A_418 = tpu.memref_squeeze %dma_wait3A_417 : memref<1x!tpu.dma_semaphore, #tpu.memory_space<semaphore_mem>> -> memref<!tpu.dma_semaphore, #tpu.memory_space<semaphore_mem>>
        tpu.wait_indirect_dma semaphore(%dma_wait3A_418 : memref<!tpu.dma_semaphore, #tpu.memory_space<semaphore_mem>>) src(%dma_wait3A_416 : memref<10000x64xf32, #tpu.memory_space<hbm>>) dst(%dma_wait3A_410 : memref<128x64xf32, #tpu.memory_space<vmem>>)
        %add3A_419 = arith.constant 2 : i32
        %add3A_420 = arith.addi %mul3A_274, %add3A_419 : i32
        %dma_start3A_421 = arith.constant 2 : i32
        %dma_start3A_422 = arith.constant 2 : i32
        %dma_start3A_423 = arith.constant 0 : i32
        %dma_start3A_424 = arith.constant 0 : i32
        %dma_start3A_425 = tpu.memref_slice %arg8[%dma_start3A_421, %dma_start3A_423, %dma_start3A_424] : memref<8x128x64xf32, #tpu.memory_space<vmem>> -> memref<1x128x64xf32, #tpu.memory_space<vmem>>
        %dma_start3A_426 = tpu.memref_squeeze %dma_start3A_425 : memref<1x128x64xf32, #tpu.memory_space<vmem>> -> memref<128x64xf32, #tpu.memory_space<vmem>>
        %dma_start3A_427 = arith.constant 0 : i32
        %dma_start3A_428 = tpu.memref_slice %arg7[%add3A_420, %dma_start3A_427] : memref<79x128xi32, #tpu.memory_space<vmem>> -> memref<1x128xi32, #tpu.memory_space<vmem>>
        %dma_start3A_429 = tpu.memref_squeeze %dma_start3A_428 : memref<1x128xi32, #tpu.memory_space<vmem>> -> memref<128xi32, #tpu.memory_space<vmem>>
        %dma_start3A_430 = arith.constant 0 : i32
        %dma_start3A_431 = arith.constant 0 : i32
        %dma_start3A_432 = tpu.memref_slice %arg9[%dma_start3A_430, %dma_start3A_431] : memref<10000x64xf32, #tpu.memory_space<vmem_shared>> -> memref<10000x64xf32, #tpu.memory_space<vmem_shared>>
        %dma_start3A_433 = tpu.memref_slice %arg11[%dma_start3A_422] : memref<8x!tpu.dma_semaphore, #tpu.memory_space<semaphore_mem>> -> memref<1x!tpu.dma_semaphore, #tpu.memory_space<semaphore_mem>>
        %dma_start3A_434 = tpu.memref_squeeze %dma_start3A_433 : memref<1x!tpu.dma_semaphore, #tpu.memory_space<semaphore_mem>> -> memref<!tpu.dma_semaphore, #tpu.memory_space<semaphore_mem>>
        tpu.enqueue_indirect_dma source(%dma_start3A_426 : memref<128x64xf32, #tpu.memory_space<vmem>>) target(%dma_start3A_432 : memref<10000x64xf32, #tpu.memory_space<vmem_shared>>) offsets(%dma_start3A_429 : memref<128xi32, #tpu.memory_space<vmem>>) semaphore(%dma_start3A_434 : memref<!tpu.dma_semaphore, #tpu.memory_space<semaphore_mem>>) {add = true}
      } else {
      }
      %add3A_296 = arith.constant 3 : i32
      %add3A_297 = arith.addi %mul3A_274, %add3A_296 : i32
      %lt3A_298 = arith.constant 78 : i32
      %lt3A_299 = arith.cmpi slt, %add3A_297, %lt3A_298 : i32
      %convert_element_type3A_300 = arith.extui %lt3A_299 : i1 to i32
      %cond3A_301 = arith.constant 0 : i32
      %cond3A_302 = arith.cmpi ne, %convert_element_type3A_300, %cond3A_301 : i32
      scf.if %cond3A_302 {
        %add3A_403 = arith.constant 3 : i32
        %add3A_404 = arith.addi %mul3A_274, %add3A_403 : i32
        %dma_wait3A_405 = arith.constant 3 : i32
        %dma_wait3A_406 = arith.constant 3 : i32
        %dma_wait3A_407 = arith.constant 0 : i32
        %dma_wait3A_408 = arith.constant 0 : i32
        %dma_wait3A_409 = tpu.memref_slice %arg8[%dma_wait3A_405, %dma_wait3A_407, %dma_wait3A_408] : memref<8x128x64xf32, #tpu.memory_space<vmem>> -> memref<1x128x64xf32, #tpu.memory_space<vmem>>
        %dma_wait3A_410 = tpu.memref_squeeze %dma_wait3A_409 : memref<1x128x64xf32, #tpu.memory_space<vmem>> -> memref<128x64xf32, #tpu.memory_space<vmem>>
        %dma_wait3A_411 = arith.constant 0 : i32
        %dma_wait3A_412 = tpu.memref_slice %arg6[%add3A_404, %dma_wait3A_411] : memref<79x128xi32, #tpu.memory_space<vmem>> -> memref<1x128xi32, #tpu.memory_space<vmem>>
        %dma_wait3A_413 = tpu.memref_squeeze %dma_wait3A_412 : memref<1x128xi32, #tpu.memory_space<vmem>> -> memref<128xi32, #tpu.memory_space<vmem>>
        %dma_wait3A_414 = arith.constant 0 : i32
        %dma_wait3A_415 = arith.constant 0 : i32
        %dma_wait3A_416 = tpu.memref_slice %arg2[%dma_wait3A_414, %dma_wait3A_415] : memref<10000x64xf32, #tpu.memory_space<hbm>> -> memref<10000x64xf32, #tpu.memory_space<hbm>>
        %dma_wait3A_417 = tpu.memref_slice %arg10[%dma_wait3A_406] : memref<8x!tpu.dma_semaphore, #tpu.memory_space<semaphore_mem>> -> memref<1x!tpu.dma_semaphore, #tpu.memory_space<semaphore_mem>>
        %dma_wait3A_418 = tpu.memref_squeeze %dma_wait3A_417 : memref<1x!tpu.dma_semaphore, #tpu.memory_space<semaphore_mem>> -> memref<!tpu.dma_semaphore, #tpu.memory_space<semaphore_mem>>
        tpu.wait_indirect_dma semaphore(%dma_wait3A_418 : memref<!tpu.dma_semaphore, #tpu.memory_space<semaphore_mem>>) src(%dma_wait3A_416 : memref<10000x64xf32, #tpu.memory_space<hbm>>) dst(%dma_wait3A_410 : memref<128x64xf32, #tpu.memory_space<vmem>>)
        %add3A_419 = arith.constant 3 : i32
        %add3A_420 = arith.addi %mul3A_274, %add3A_419 : i32
        %dma_start3A_421 = arith.constant 3 : i32
        %dma_start3A_422 = arith.constant 3 : i32
        %dma_start3A_423 = arith.constant 0 : i32
        %dma_start3A_424 = arith.constant 0 : i32
        %dma_start3A_425 = tpu.memref_slice %arg8[%dma_start3A_421, %dma_start3A_423, %dma_start3A_424] : memref<8x128x64xf32, #tpu.memory_space<vmem>> -> memref<1x128x64xf32, #tpu.memory_space<vmem>>
        %dma_start3A_426 = tpu.memref_squeeze %dma_start3A_425 : memref<1x128x64xf32, #tpu.memory_space<vmem>> -> memref<128x64xf32, #tpu.memory_space<vmem>>
        %dma_start3A_427 = arith.constant 0 : i32
        %dma_start3A_428 = tpu.memref_slice %arg7[%add3A_420, %dma_start3A_427] : memref<79x128xi32, #tpu.memory_space<vmem>> -> memref<1x128xi32, #tpu.memory_space<vmem>>
        %dma_start3A_429 = tpu.memref_squeeze %dma_start3A_428 : memref<1x128xi32, #tpu.memory_space<vmem>> -> memref<128xi32, #tpu.memory_space<vmem>>
        %dma_start3A_430 = arith.constant 0 : i32
        %dma_start3A_431 = arith.constant 0 : i32
        %dma_start3A_432 = tpu.memref_slice %arg9[%dma_start3A_430, %dma_start3A_431] : memref<10000x64xf32, #tpu.memory_space<vmem_shared>> -> memref<10000x64xf32, #tpu.memory_space<vmem_shared>>
        %dma_start3A_433 = tpu.memref_slice %arg11[%dma_start3A_422] : memref<8x!tpu.dma_semaphore, #tpu.memory_space<semaphore_mem>> -> memref<1x!tpu.dma_semaphore, #tpu.memory_space<semaphore_mem>>
        %dma_start3A_434 = tpu.memref_squeeze %dma_start3A_433 : memref<1x!tpu.dma_semaphore, #tpu.memory_space<semaphore_mem>> -> memref<!tpu.dma_semaphore, #tpu.memory_space<semaphore_mem>>
        tpu.enqueue_indirect_dma source(%dma_start3A_426 : memref<128x64xf32, #tpu.memory_space<vmem>>) target(%dma_start3A_432 : memref<10000x64xf32, #tpu.memory_space<vmem_shared>>) offsets(%dma_start3A_429 : memref<128xi32, #tpu.memory_space<vmem>>) semaphore(%dma_start3A_434 : memref<!tpu.dma_semaphore, #tpu.memory_space<semaphore_mem>>) {add = true}
      } else {
      }
      %add3A_303 = arith.constant 4 : i32
      %add3A_304 = arith.addi %mul3A_274, %add3A_303 : i32
      %lt3A_305 = arith.constant 78 : i32
      %lt3A_306 = arith.cmpi slt, %add3A_304, %lt3A_305 : i32
      %convert_element_type3A_307 = arith.extui %lt3A_306 : i1 to i32
      %cond3A_308 = arith.constant 0 : i32
      %cond3A_309 = arith.cmpi ne, %convert_element_type3A_307, %cond3A_308 : i32
      scf.if %cond3A_309 {
        %add3A_403 = arith.constant 4 : i32
        %add3A_404 = arith.addi %mul3A_274, %add3A_403 : i32
        %dma_wait3A_405 = arith.constant 4 : i32
        %dma_wait3A_406 = arith.constant 4 : i32
        %dma_wait3A_407 = arith.constant 0 : i32
        %dma_wait3A_408 = arith.constant 0 : i32
        %dma_wait3A_409 = tpu.memref_slice %arg8[%dma_wait3A_405, %dma_wait3A_407, %dma_wait3A_408] : memref<8x128x64xf32, #tpu.memory_space<vmem>> -> memref<1x128x64xf32, #tpu.memory_space<vmem>>
        %dma_wait3A_410 = tpu.memref_squeeze %dma_wait3A_409 : memref<1x128x64xf32, #tpu.memory_space<vmem>> -> memref<128x64xf32, #tpu.memory_space<vmem>>
        %dma_wait3A_411 = arith.constant 0 : i32
        %dma_wait3A_412 = tpu.memref_slice %arg6[%add3A_404, %dma_wait3A_411] : memref<79x128xi32, #tpu.memory_space<vmem>> -> memref<1x128xi32, #tpu.memory_space<vmem>>
        %dma_wait3A_413 = tpu.memref_squeeze %dma_wait3A_412 : memref<1x128xi32, #tpu.memory_space<vmem>> -> memref<128xi32, #tpu.memory_space<vmem>>
        %dma_wait3A_414 = arith.constant 0 : i32
        %dma_wait3A_415 = arith.constant 0 : i32
        %dma_wait3A_416 = tpu.memref_slice %arg2[%dma_wait3A_414, %dma_wait3A_415] : memref<10000x64xf32, #tpu.memory_space<hbm>> -> memref<10000x64xf32, #tpu.memory_space<hbm>>
        %dma_wait3A_417 = tpu.memref_slice %arg10[%dma_wait3A_406] : memref<8x!tpu.dma_semaphore, #tpu.memory_space<semaphore_mem>> -> memref<1x!tpu.dma_semaphore, #tpu.memory_space<semaphore_mem>>
        %dma_wait3A_418 = tpu.memref_squeeze %dma_wait3A_417 : memref<1x!tpu.dma_semaphore, #tpu.memory_space<semaphore_mem>> -> memref<!tpu.dma_semaphore, #tpu.memory_space<semaphore_mem>>
        tpu.wait_indirect_dma semaphore(%dma_wait3A_418 : memref<!tpu.dma_semaphore, #tpu.memory_space<semaphore_mem>>) src(%dma_wait3A_416 : memref<10000x64xf32, #tpu.memory_space<hbm>>) dst(%dma_wait3A_410 : memref<128x64xf32, #tpu.memory_space<vmem>>)
        %add3A_419 = arith.constant 4 : i32
        %add3A_420 = arith.addi %mul3A_274, %add3A_419 : i32
        %dma_start3A_421 = arith.constant 4 : i32
        %dma_start3A_422 = arith.constant 4 : i32
        %dma_start3A_423 = arith.constant 0 : i32
        %dma_start3A_424 = arith.constant 0 : i32
        %dma_start3A_425 = tpu.memref_slice %arg8[%dma_start3A_421, %dma_start3A_423, %dma_start3A_424] : memref<8x128x64xf32, #tpu.memory_space<vmem>> -> memref<1x128x64xf32, #tpu.memory_space<vmem>>
        %dma_start3A_426 = tpu.memref_squeeze %dma_start3A_425 : memref<1x128x64xf32, #tpu.memory_space<vmem>> -> memref<128x64xf32, #tpu.memory_space<vmem>>
        %dma_start3A_427 = arith.constant 0 : i32
        %dma_start3A_428 = tpu.memref_slice %arg7[%add3A_420, %dma_start3A_427] : memref<79x128xi32, #tpu.memory_space<vmem>> -> memref<1x128xi32, #tpu.memory_space<vmem>>
        %dma_start3A_429 = tpu.memref_squeeze %dma_start3A_428 : memref<1x128xi32, #tpu.memory_space<vmem>> -> memref<128xi32, #tpu.memory_space<vmem>>
        %dma_start3A_430 = arith.constant 0 : i32
        %dma_start3A_431 = arith.constant 0 : i32
        %dma_start3A_432 = tpu.memref_slice %arg9[%dma_start3A_430, %dma_start3A_431] : memref<10000x64xf32, #tpu.memory_space<vmem_shared>> -> memref<10000x64xf32, #tpu.memory_space<vmem_shared>>
        %dma_start3A_433 = tpu.memref_slice %arg11[%dma_start3A_422] : memref<8x!tpu.dma_semaphore, #tpu.memory_space<semaphore_mem>> -> memref<1x!tpu.dma_semaphore, #tpu.memory_space<semaphore_mem>>
        %dma_start3A_434 = tpu.memref_squeeze %dma_start3A_433 : memref<1x!tpu.dma_semaphore, #tpu.memory_space<semaphore_mem>> -> memref<!tpu.dma_semaphore, #tpu.memory_space<semaphore_mem>>
        tpu.enqueue_indirect_dma source(%dma_start3A_426 : memref<128x64xf32, #tpu.memory_space<vmem>>) target(%dma_start3A_432 : memref<10000x64xf32, #tpu.memory_space<vmem_shared>>) offsets(%dma_start3A_429 : memref<128xi32, #tpu.memory_space<vmem>>) semaphore(%dma_start3A_434 : memref<!tpu.dma_semaphore, #tpu.memory_space<semaphore_mem>>) {add = true}
      } else {
      }
      %add3A_310 = arith.constant 5 : i32
      %add3A_311 = arith.addi %mul3A_274, %add3A_310 : i32
      %lt3A_312 = arith.constant 78 : i32
      %lt3A_313 = arith.cmpi slt, %add3A_311, %lt3A_312 : i32
      %convert_element_type3A_314 = arith.extui %lt3A_313 : i1 to i32
      %cond3A_315 = arith.constant 0 : i32
      %cond3A_316 = arith.cmpi ne, %convert_element_type3A_314, %cond3A_315 : i32
      scf.if %cond3A_316 {
        %add3A_403 = arith.constant 5 : i32
        %add3A_404 = arith.addi %mul3A_274, %add3A_403 : i32
        %dma_wait3A_405 = arith.constant 5 : i32
        %dma_wait3A_406 = arith.constant 5 : i32
        %dma_wait3A_407 = arith.constant 0 : i32
        %dma_wait3A_408 = arith.constant 0 : i32
        %dma_wait3A_409 = tpu.memref_slice %arg8[%dma_wait3A_405, %dma_wait3A_407, %dma_wait3A_408] : memref<8x128x64xf32, #tpu.memory_space<vmem>> -> memref<1x128x64xf32, #tpu.memory_space<vmem>>
        %dma_wait3A_410 = tpu.memref_squeeze %dma_wait3A_409 : memref<1x128x64xf32, #tpu.memory_space<vmem>> -> memref<128x64xf32, #tpu.memory_space<vmem>>
        %dma_wait3A_411 = arith.constant 0 : i32
        %dma_wait3A_412 = tpu.memref_slice %arg6[%add3A_404, %dma_wait3A_411] : memref<79x128xi32, #tpu.memory_space<vmem>> -> memref<1x128xi32, #tpu.memory_space<vmem>>
        %dma_wait3A_413 = tpu.memref_squeeze %dma_wait3A_412 : memref<1x128xi32, #tpu.memory_space<vmem>> -> memref<128xi32, #tpu.memory_space<vmem>>
        %dma_wait3A_414 = arith.constant 0 : i32
        %dma_wait3A_415 = arith.constant 0 : i32
        %dma_wait3A_416 = tpu.memref_slice %arg2[%dma_wait3A_414, %dma_wait3A_415] : memref<10000x64xf32, #tpu.memory_space<hbm>> -> memref<10000x64xf32, #tpu.memory_space<hbm>>
        %dma_wait3A_417 = tpu.memref_slice %arg10[%dma_wait3A_406] : memref<8x!tpu.dma_semaphore, #tpu.memory_space<semaphore_mem>> -> memref<1x!tpu.dma_semaphore, #tpu.memory_space<semaphore_mem>>
        %dma_wait3A_418 = tpu.memref_squeeze %dma_wait3A_417 : memref<1x!tpu.dma_semaphore, #tpu.memory_space<semaphore_mem>> -> memref<!tpu.dma_semaphore, #tpu.memory_space<semaphore_mem>>
        tpu.wait_indirect_dma semaphore(%dma_wait3A_418 : memref<!tpu.dma_semaphore, #tpu.memory_space<semaphore_mem>>) src(%dma_wait3A_416 : memref<10000x64xf32, #tpu.memory_space<hbm>>) dst(%dma_wait3A_410 : memref<128x64xf32, #tpu.memory_space<vmem>>)
        %add3A_419 = arith.constant 5 : i32
        %add3A_420 = arith.addi %mul3A_274, %add3A_419 : i32
        %dma_start3A_421 = arith.constant 5 : i32
        %dma_start3A_422 = arith.constant 5 : i32
        %dma_start3A_423 = arith.constant 0 : i32
        %dma_start3A_424 = arith.constant 0 : i32
        %dma_start3A_425 = tpu.memref_slice %arg8[%dma_start3A_421, %dma_start3A_423, %dma_start3A_424] : memref<8x128x64xf32, #tpu.memory_space<vmem>> -> memref<1x128x64xf32, #tpu.memory_space<vmem>>
        %dma_start3A_426 = tpu.memref_squeeze %dma_start3A_425 : memref<1x128x64xf32, #tpu.memory_space<vmem>> -> memref<128x64xf32, #tpu.memory_space<vmem>>
        %dma_start3A_427 = arith.constant 0 : i32
        %dma_start3A_428 = tpu.memref_slice %arg7[%add3A_420, %dma_start3A_427] : memref<79x128xi32, #tpu.memory_space<vmem>> -> memref<1x128xi32, #tpu.memory_space<vmem>>
        %dma_start3A_429 = tpu.memref_squeeze %dma_start3A_428 : memref<1x128xi32, #tpu.memory_space<vmem>> -> memref<128xi32, #tpu.memory_space<vmem>>
        %dma_start3A_430 = arith.constant 0 : i32
        %dma_start3A_431 = arith.constant 0 : i32
        %dma_start3A_432 = tpu.memref_slice %arg9[%dma_start3A_430, %dma_start3A_431] : memref<10000x64xf32, #tpu.memory_space<vmem_shared>> -> memref<10000x64xf32, #tpu.memory_space<vmem_shared>>
        %dma_start3A_433 = tpu.memref_slice %arg11[%dma_start3A_422] : memref<8x!tpu.dma_semaphore, #tpu.memory_space<semaphore_mem>> -> memref<1x!tpu.dma_semaphore, #tpu.memory_space<semaphore_mem>>
        %dma_start3A_434 = tpu.memref_squeeze %dma_start3A_433 : memref<1x!tpu.dma_semaphore, #tpu.memory_space<semaphore_mem>> -> memref<!tpu.dma_semaphore, #tpu.memory_space<semaphore_mem>>
        tpu.enqueue_indirect_dma source(%dma_start3A_426 : memref<128x64xf32, #tpu.memory_space<vmem>>) target(%dma_start3A_432 : memref<10000x64xf32, #tpu.memory_space<vmem_shared>>) offsets(%dma_start3A_429 : memref<128xi32, #tpu.memory_space<vmem>>) semaphore(%dma_start3A_434 : memref<!tpu.dma_semaphore, #tpu.memory_space<semaphore_mem>>) {add = true}
      } else {
      }
      %add3A_317 = arith.constant 6 : i32
      %add3A_318 = arith.addi %mul3A_274, %add3A_317 : i32
      %lt3A_319 = arith.constant 78 : i32
      %lt3A_320 = arith.cmpi slt, %add3A_318, %lt3A_319 : i32
      %convert_element_type3A_321 = arith.extui %lt3A_320 : i1 to i32
      %cond3A_322 = arith.constant 0 : i32
      %cond3A_323 = arith.cmpi ne, %convert_element_type3A_321, %cond3A_322 : i32
      scf.if %cond3A_323 {
        %add3A_403 = arith.constant 6 : i32
        %add3A_404 = arith.addi %mul3A_274, %add3A_403 : i32
        %dma_wait3A_405 = arith.constant 6 : i32
        %dma_wait3A_406 = arith.constant 6 : i32
        %dma_wait3A_407 = arith.constant 0 : i32
        %dma_wait3A_408 = arith.constant 0 : i32
        %dma_wait3A_409 = tpu.memref_slice %arg8[%dma_wait3A_405, %dma_wait3A_407, %dma_wait3A_408] : memref<8x128x64xf32, #tpu.memory_space<vmem>> -> memref<1x128x64xf32, #tpu.memory_space<vmem>>
        %dma_wait3A_410 = tpu.memref_squeeze %dma_wait3A_409 : memref<1x128x64xf32, #tpu.memory_space<vmem>> -> memref<128x64xf32, #tpu.memory_space<vmem>>
        %dma_wait3A_411 = arith.constant 0 : i32
        %dma_wait3A_412 = tpu.memref_slice %arg6[%add3A_404, %dma_wait3A_411] : memref<79x128xi32, #tpu.memory_space<vmem>> -> memref<1x128xi32, #tpu.memory_space<vmem>>
        %dma_wait3A_413 = tpu.memref_squeeze %dma_wait3A_412 : memref<1x128xi32, #tpu.memory_space<vmem>> -> memref<128xi32, #tpu.memory_space<vmem>>
        %dma_wait3A_414 = arith.constant 0 : i32
        %dma_wait3A_415 = arith.constant 0 : i32
        %dma_wait3A_416 = tpu.memref_slice %arg2[%dma_wait3A_414, %dma_wait3A_415] : memref<10000x64xf32, #tpu.memory_space<hbm>> -> memref<10000x64xf32, #tpu.memory_space<hbm>>
        %dma_wait3A_417 = tpu.memref_slice %arg10[%dma_wait3A_406] : memref<8x!tpu.dma_semaphore, #tpu.memory_space<semaphore_mem>> -> memref<1x!tpu.dma_semaphore, #tpu.memory_space<semaphore_mem>>
        %dma_wait3A_418 = tpu.memref_squeeze %dma_wait3A_417 : memref<1x!tpu.dma_semaphore, #tpu.memory_space<semaphore_mem>> -> memref<!tpu.dma_semaphore, #tpu.memory_space<semaphore_mem>>
        tpu.wait_indirect_dma semaphore(%dma_wait3A_418 : memref<!tpu.dma_semaphore, #tpu.memory_space<semaphore_mem>>) src(%dma_wait3A_416 : memref<10000x64xf32, #tpu.memory_space<hbm>>) dst(%dma_wait3A_410 : memref<128x64xf32, #tpu.memory_space<vmem>>)
        %add3A_419 = arith.constant 6 : i32
        %add3A_420 = arith.addi %mul3A_274, %add3A_419 : i32
        %dma_start3A_421 = arith.constant 6 : i32
        %dma_start3A_422 = arith.constant 6 : i32
        %dma_start3A_423 = arith.constant 0 : i32
        %dma_start3A_424 = arith.constant 0 : i32
        %dma_start3A_425 = tpu.memref_slice %arg8[%dma_start3A_421, %dma_start3A_423, %dma_start3A_424] : memref<8x128x64xf32, #tpu.memory_space<vmem>> -> memref<1x128x64xf32, #tpu.memory_space<vmem>>
        %dma_start3A_426 = tpu.memref_squeeze %dma_start3A_425 : memref<1x128x64xf32, #tpu.memory_space<vmem>> -> memref<128x64xf32, #tpu.memory_space<vmem>>
        %dma_start3A_427 = arith.constant 0 : i32
        %dma_start3A_428 = tpu.memref_slice %arg7[%add3A_420, %dma_start3A_427] : memref<79x128xi32, #tpu.memory_space<vmem>> -> memref<1x128xi32, #tpu.memory_space<vmem>>
        %dma_start3A_429 = tpu.memref_squeeze %dma_start3A_428 : memref<1x128xi32, #tpu.memory_space<vmem>> -> memref<128xi32, #tpu.memory_space<vmem>>
        %dma_start3A_430 = arith.constant 0 : i32
        %dma_start3A_431 = arith.constant 0 : i32
        %dma_start3A_432 = tpu.memref_slice %arg9[%dma_start3A_430, %dma_start3A_431] : memref<10000x64xf32, #tpu.memory_space<vmem_shared>> -> memref<10000x64xf32, #tpu.memory_space<vmem_shared>>
        %dma_start3A_433 = tpu.memref_slice %arg11[%dma_start3A_422] : memref<8x!tpu.dma_semaphore, #tpu.memory_space<semaphore_mem>> -> memref<1x!tpu.dma_semaphore, #tpu.memory_space<semaphore_mem>>
        %dma_start3A_434 = tpu.memref_squeeze %dma_start3A_433 : memref<1x!tpu.dma_semaphore, #tpu.memory_space<semaphore_mem>> -> memref<!tpu.dma_semaphore, #tpu.memory_space<semaphore_mem>>
        tpu.enqueue_indirect_dma source(%dma_start3A_426 : memref<128x64xf32, #tpu.memory_space<vmem>>) target(%dma_start3A_432 : memref<10000x64xf32, #tpu.memory_space<vmem_shared>>) offsets(%dma_start3A_429 : memref<128xi32, #tpu.memory_space<vmem>>) semaphore(%dma_start3A_434 : memref<!tpu.dma_semaphore, #tpu.memory_space<semaphore_mem>>) {add = true}
      } else {
      }
      %add3A_324 = arith.constant 7 : i32
      %add3A_325 = arith.addi %mul3A_274, %add3A_324 : i32
      %lt3A_326 = arith.constant 78 : i32
      %lt3A_327 = arith.cmpi slt, %add3A_325, %lt3A_326 : i32
      %convert_element_type3A_328 = arith.extui %lt3A_327 : i1 to i32
      %cond3A_329 = arith.constant 0 : i32
      %cond3A_330 = arith.cmpi ne, %convert_element_type3A_328, %cond3A_329 : i32
      scf.if %cond3A_330 {
        %add3A_403 = arith.constant 7 : i32
        %add3A_404 = arith.addi %mul3A_274, %add3A_403 : i32
        %dma_wait3A_405 = arith.constant 7 : i32
        %dma_wait3A_406 = arith.constant 7 : i32
        %dma_wait3A_407 = arith.constant 0 : i32
        %dma_wait3A_408 = arith.constant 0 : i32
        %dma_wait3A_409 = tpu.memref_slice %arg8[%dma_wait3A_405, %dma_wait3A_407, %dma_wait3A_408] : memref<8x128x64xf32, #tpu.memory_space<vmem>> -> memref<1x128x64xf32, #tpu.memory_space<vmem>>
        %dma_wait3A_410 = tpu.memref_squeeze %dma_wait3A_409 : memref<1x128x64xf32, #tpu.memory_space<vmem>> -> memref<128x64xf32, #tpu.memory_space<vmem>>
        %dma_wait3A_411 = arith.constant 0 : i32
        %dma_wait3A_412 = tpu.memref_slice %arg6[%add3A_404, %dma_wait3A_411] : memref<79x128xi32, #tpu.memory_space<vmem>> -> memref<1x128xi32, #tpu.memory_space<vmem>>
        %dma_wait3A_413 = tpu.memref_squeeze %dma_wait3A_412 : memref<1x128xi32, #tpu.memory_space<vmem>> -> memref<128xi32, #tpu.memory_space<vmem>>
        %dma_wait3A_414 = arith.constant 0 : i32
        %dma_wait3A_415 = arith.constant 0 : i32
        %dma_wait3A_416 = tpu.memref_slice %arg2[%dma_wait3A_414, %dma_wait3A_415] : memref<10000x64xf32, #tpu.memory_space<hbm>> -> memref<10000x64xf32, #tpu.memory_space<hbm>>
        %dma_wait3A_417 = tpu.memref_slice %arg10[%dma_wait3A_406] : memref<8x!tpu.dma_semaphore, #tpu.memory_space<semaphore_mem>> -> memref<1x!tpu.dma_semaphore, #tpu.memory_space<semaphore_mem>>
        %dma_wait3A_418 = tpu.memref_squeeze %dma_wait3A_417 : memref<1x!tpu.dma_semaphore, #tpu.memory_space<semaphore_mem>> -> memref<!tpu.dma_semaphore, #tpu.memory_space<semaphore_mem>>
        tpu.wait_indirect_dma semaphore(%dma_wait3A_418 : memref<!tpu.dma_semaphore, #tpu.memory_space<semaphore_mem>>) src(%dma_wait3A_416 : memref<10000x64xf32, #tpu.memory_space<hbm>>) dst(%dma_wait3A_410 : memref<128x64xf32, #tpu.memory_space<vmem>>)
        %add3A_419 = arith.constant 7 : i32
        %add3A_420 = arith.addi %mul3A_274, %add3A_419 : i32
        %dma_start3A_421 = arith.constant 7 : i32
        %dma_start3A_422 = arith.constant 7 : i32
        %dma_start3A_423 = arith.constant 0 : i32
        %dma_start3A_424 = arith.constant 0 : i32
        %dma_start3A_425 = tpu.memref_slice %arg8[%dma_start3A_421, %dma_start3A_423, %dma_start3A_424] : memref<8x128x64xf32, #tpu.memory_space<vmem>> -> memref<1x128x64xf32, #tpu.memory_space<vmem>>
        %dma_start3A_426 = tpu.memref_squeeze %dma_start3A_425 : memref<1x128x64xf32, #tpu.memory_space<vmem>> -> memref<128x64xf32, #tpu.memory_space<vmem>>
        %dma_start3A_427 = arith.constant 0 : i32
        %dma_start3A_428 = tpu.memref_slice %arg7[%add3A_420, %dma_start3A_427] : memref<79x128xi32, #tpu.memory_space<vmem>> -> memref<1x128xi32, #tpu.memory_space<vmem>>
        %dma_start3A_429 = tpu.memref_squeeze %dma_start3A_428 : memref<1x128xi32, #tpu.memory_space<vmem>> -> memref<128xi32, #tpu.memory_space<vmem>>
        %dma_start3A_430 = arith.constant 0 : i32
        %dma_start3A_431 = arith.constant 0 : i32
        %dma_start3A_432 = tpu.memref_slice %arg9[%dma_start3A_430, %dma_start3A_431] : memref<10000x64xf32, #tpu.memory_space<vmem_shared>> -> memref<10000x64xf32, #tpu.memory_space<vmem_shared>>
        %dma_start3A_433 = tpu.memref_slice %arg11[%dma_start3A_422] : memref<8x!tpu.dma_semaphore, #tpu.memory_space<semaphore_mem>> -> memref<1x!tpu.dma_semaphore, #tpu.memory_space<semaphore_mem>>
        %dma_start3A_434 = tpu.memref_squeeze %dma_start3A_433 : memref<1x!tpu.dma_semaphore, #tpu.memory_space<semaphore_mem>> -> memref<!tpu.dma_semaphore, #tpu.memory_space<semaphore_mem>>
        tpu.enqueue_indirect_dma source(%dma_start3A_426 : memref<128x64xf32, #tpu.memory_space<vmem>>) target(%dma_start3A_432 : memref<10000x64xf32, #tpu.memory_space<vmem_shared>>) offsets(%dma_start3A_429 : memref<128xi32, #tpu.memory_space<vmem>>) semaphore(%dma_start3A_434 : memref<!tpu.dma_semaphore, #tpu.memory_space<semaphore_mem>>) {add = true}
      } else {
      }
      %add3A_331 = arith.constant 8 : i32
      %add3A_332 = arith.addi %mul3A_274, %add3A_331 : i32
      %add3A_333 = arith.constant 0 : i32
      %add3A_334 = arith.addi %add3A_332, %add3A_333 : i32
      %lt3A_335 = arith.constant 78 : i32
      %lt3A_336 = arith.cmpi slt, %add3A_334, %lt3A_335 : i32
      %convert_element_type3A_337 = arith.extui %lt3A_336 : i1 to i32
      %cond3A_338 = arith.constant 0 : i32
      %cond3A_339 = arith.cmpi ne, %convert_element_type3A_337, %cond3A_338 : i32
      scf.if %cond3A_339 {
        %dma_wait3A_403 = arith.constant 0 : i32
        %dma_wait3A_404 = arith.constant 0 : i32
        %dma_wait3A_405 = arith.constant 0 : i32
        %dma_wait3A_406 = arith.constant 0 : i32
        %dma_wait3A_407 = arith.constant 0 : i32
        %dma_wait3A_408 = tpu.memref_slice %arg8[%dma_wait3A_403, %dma_wait3A_406, %dma_wait3A_407] : memref<8x128x64xf32, #tpu.memory_space<vmem>> -> memref<1x128x64xf32, #tpu.memory_space<vmem>>
        %dma_wait3A_409 = tpu.memref_squeeze %dma_wait3A_408 : memref<1x128x64xf32, #tpu.memory_space<vmem>> -> memref<128x64xf32, #tpu.memory_space<vmem>>
        %dma_wait3A_410 = arith.constant 0 : i32
        %dma_wait3A_411 = tpu.memref_slice %arg7[%dma_wait3A_404, %dma_wait3A_410] : memref<79x128xi32, #tpu.memory_space<vmem>> -> memref<1x128xi32, #tpu.memory_space<vmem>>
        %dma_wait3A_412 = tpu.memref_squeeze %dma_wait3A_411 : memref<1x128xi32, #tpu.memory_space<vmem>> -> memref<128xi32, #tpu.memory_space<vmem>>
        %dma_wait3A_413 = arith.constant 0 : i32
        %dma_wait3A_414 = arith.constant 0 : i32
        %dma_wait3A_415 = tpu.memref_slice %arg9[%dma_wait3A_413, %dma_wait3A_414] : memref<10000x64xf32, #tpu.memory_space<vmem_shared>> -> memref<10000x64xf32, #tpu.memory_space<vmem_shared>>
        %dma_wait3A_416 = tpu.memref_slice %arg11[%dma_wait3A_405] : memref<8x!tpu.dma_semaphore, #tpu.memory_space<semaphore_mem>> -> memref<1x!tpu.dma_semaphore, #tpu.memory_space<semaphore_mem>>
        %dma_wait3A_417 = tpu.memref_squeeze %dma_wait3A_416 : memref<1x!tpu.dma_semaphore, #tpu.memory_space<semaphore_mem>> -> memref<!tpu.dma_semaphore, #tpu.memory_space<semaphore_mem>>
        tpu.wait_indirect_dma semaphore(%dma_wait3A_417 : memref<!tpu.dma_semaphore, #tpu.memory_space<semaphore_mem>>) src(%dma_wait3A_409 : memref<128x64xf32, #tpu.memory_space<vmem>>) dst(%dma_wait3A_415 : memref<10000x64xf32, #tpu.memory_space<vmem_shared>>)
        %add3A_418 = arith.constant 8 : i32
        %add3A_419 = arith.addi %mul3A_274, %add3A_418 : i32
        %add3A_420 = arith.constant 0 : i32
        %add3A_421 = arith.addi %add3A_419, %add3A_420 : i32
        %dma_start3A_422 = arith.constant 0 : i32
        %dma_start3A_423 = arith.constant 0 : i32
        %dma_start3A_424 = arith.constant 0 : i32
        %dma_start3A_425 = arith.constant 0 : i32
        %dma_start3A_426 = tpu.memref_slice %arg8[%dma_start3A_422, %dma_start3A_424, %dma_start3A_425] : memref<8x128x64xf32, #tpu.memory_space<vmem>> -> memref<1x128x64xf32, #tpu.memory_space<vmem>>
        %dma_start3A_427 = tpu.memref_squeeze %dma_start3A_426 : memref<1x128x64xf32, #tpu.memory_space<vmem>> -> memref<128x64xf32, #tpu.memory_space<vmem>>
        %dma_start3A_428 = arith.constant 0 : i32
        %dma_start3A_429 = tpu.memref_slice %arg6[%add3A_421, %dma_start3A_428] : memref<79x128xi32, #tpu.memory_space<vmem>> -> memref<1x128xi32, #tpu.memory_space<vmem>>
        %dma_start3A_430 = tpu.memref_squeeze %dma_start3A_429 : memref<1x128xi32, #tpu.memory_space<vmem>> -> memref<128xi32, #tpu.memory_space<vmem>>
        %dma_start3A_431 = arith.constant 0 : i32
        %dma_start3A_432 = arith.constant 0 : i32
        %dma_start3A_433 = tpu.memref_slice %arg2[%dma_start3A_431, %dma_start3A_432] : memref<10000x64xf32, #tpu.memory_space<hbm>> -> memref<10000x64xf32, #tpu.memory_space<hbm>>
        %dma_start3A_434 = tpu.memref_slice %arg10[%dma_start3A_423] : memref<8x!tpu.dma_semaphore, #tpu.memory_space<semaphore_mem>> -> memref<1x!tpu.dma_semaphore, #tpu.memory_space<semaphore_mem>>
        %dma_start3A_435 = tpu.memref_squeeze %dma_start3A_434 : memref<1x!tpu.dma_semaphore, #tpu.memory_space<semaphore_mem>> -> memref<!tpu.dma_semaphore, #tpu.memory_space<semaphore_mem>>
        tpu.enqueue_indirect_dma source(%dma_start3A_433 : memref<10000x64xf32, #tpu.memory_space<hbm>>) target(%dma_start3A_427 : memref<128x64xf32, #tpu.memory_space<vmem>>) offsets(%dma_start3A_430 : memref<128xi32, #tpu.memory_space<vmem>>) semaphore(%dma_start3A_435 : memref<!tpu.dma_semaphore, #tpu.memory_space<semaphore_mem>>)
      } else {
      }
      %add3A_340 = arith.constant 8 : i32
      %add3A_341 = arith.addi %mul3A_274, %add3A_340 : i32
      %add3A_342 = arith.constant 1 : i32
      %add3A_343 = arith.addi %add3A_341, %add3A_342 : i32
      %lt3A_344 = arith.constant 78 : i32
      %lt3A_345 = arith.cmpi slt, %add3A_343, %lt3A_344 : i32
      %convert_element_type3A_346 = arith.extui %lt3A_345 : i1 to i32
      %cond3A_347 = arith.constant 0 : i32
      %cond3A_348 = arith.cmpi ne, %convert_element_type3A_346, %cond3A_347 : i32
      scf.if %cond3A_348 {
        %dma_wait3A_403 = arith.constant 1 : i32
        %dma_wait3A_404 = arith.constant 0 : i32
        %dma_wait3A_405 = arith.constant 1 : i32
        %dma_wait3A_406 = arith.constant 0 : i32
        %dma_wait3A_407 = arith.constant 0 : i32
        %dma_wait3A_408 = tpu.memref_slice %arg8[%dma_wait3A_403, %dma_wait3A_406, %dma_wait3A_407] : memref<8x128x64xf32, #tpu.memory_space<vmem>> -> memref<1x128x64xf32, #tpu.memory_space<vmem>>
        %dma_wait3A_409 = tpu.memref_squeeze %dma_wait3A_408 : memref<1x128x64xf32, #tpu.memory_space<vmem>> -> memref<128x64xf32, #tpu.memory_space<vmem>>
        %dma_wait3A_410 = arith.constant 0 : i32
        %dma_wait3A_411 = tpu.memref_slice %arg7[%dma_wait3A_404, %dma_wait3A_410] : memref<79x128xi32, #tpu.memory_space<vmem>> -> memref<1x128xi32, #tpu.memory_space<vmem>>
        %dma_wait3A_412 = tpu.memref_squeeze %dma_wait3A_411 : memref<1x128xi32, #tpu.memory_space<vmem>> -> memref<128xi32, #tpu.memory_space<vmem>>
        %dma_wait3A_413 = arith.constant 0 : i32
        %dma_wait3A_414 = arith.constant 0 : i32
        %dma_wait3A_415 = tpu.memref_slice %arg9[%dma_wait3A_413, %dma_wait3A_414] : memref<10000x64xf32, #tpu.memory_space<vmem_shared>> -> memref<10000x64xf32, #tpu.memory_space<vmem_shared>>
        %dma_wait3A_416 = tpu.memref_slice %arg11[%dma_wait3A_405] : memref<8x!tpu.dma_semaphore, #tpu.memory_space<semaphore_mem>> -> memref<1x!tpu.dma_semaphore, #tpu.memory_space<semaphore_mem>>
        %dma_wait3A_417 = tpu.memref_squeeze %dma_wait3A_416 : memref<1x!tpu.dma_semaphore, #tpu.memory_space<semaphore_mem>> -> memref<!tpu.dma_semaphore, #tpu.memory_space<semaphore_mem>>
        tpu.wait_indirect_dma semaphore(%dma_wait3A_417 : memref<!tpu.dma_semaphore, #tpu.memory_space<semaphore_mem>>) src(%dma_wait3A_409 : memref<128x64xf32, #tpu.memory_space<vmem>>) dst(%dma_wait3A_415 : memref<10000x64xf32, #tpu.memory_space<vmem_shared>>)
        %add3A_418 = arith.constant 8 : i32
        %add3A_419 = arith.addi %mul3A_274, %add3A_418 : i32
        %add3A_420 = arith.constant 1 : i32
        %add3A_421 = arith.addi %add3A_419, %add3A_420 : i32
        %dma_start3A_422 = arith.constant 1 : i32
        %dma_start3A_423 = arith.constant 1 : i32
        %dma_start3A_424 = arith.constant 0 : i32
        %dma_start3A_425 = arith.constant 0 : i32
        %dma_start3A_426 = tpu.memref_slice %arg8[%dma_start3A_422, %dma_start3A_424, %dma_start3A_425] : memref<8x128x64xf32, #tpu.memory_space<vmem>> -> memref<1x128x64xf32, #tpu.memory_space<vmem>>
        %dma_start3A_427 = tpu.memref_squeeze %dma_start3A_426 : memref<1x128x64xf32, #tpu.memory_space<vmem>> -> memref<128x64xf32, #tpu.memory_space<vmem>>
        %dma_start3A_428 = arith.constant 0 : i32
        %dma_start3A_429 = tpu.memref_slice %arg6[%add3A_421, %dma_start3A_428] : memref<79x128xi32, #tpu.memory_space<vmem>> -> memref<1x128xi32, #tpu.memory_space<vmem>>
        %dma_start3A_430 = tpu.memref_squeeze %dma_start3A_429 : memref<1x128xi32, #tpu.memory_space<vmem>> -> memref<128xi32, #tpu.memory_space<vmem>>
        %dma_start3A_431 = arith.constant 0 : i32
        %dma_start3A_432 = arith.constant 0 : i32
        %dma_start3A_433 = tpu.memref_slice %arg2[%dma_start3A_431, %dma_start3A_432] : memref<10000x64xf32, #tpu.memory_space<hbm>> -> memref<10000x64xf32, #tpu.memory_space<hbm>>
        %dma_start3A_434 = tpu.memref_slice %arg10[%dma_start3A_423] : memref<8x!tpu.dma_semaphore, #tpu.memory_space<semaphore_mem>> -> memref<1x!tpu.dma_semaphore, #tpu.memory_space<semaphore_mem>>
        %dma_start3A_435 = tpu.memref_squeeze %dma_start3A_434 : memref<1x!tpu.dma_semaphore, #tpu.memory_space<semaphore_mem>> -> memref<!tpu.dma_semaphore, #tpu.memory_space<semaphore_mem>>
        tpu.enqueue_indirect_dma source(%dma_start3A_433 : memref<10000x64xf32, #tpu.memory_space<hbm>>) target(%dma_start3A_427 : memref<128x64xf32, #tpu.memory_space<vmem>>) offsets(%dma_start3A_430 : memref<128xi32, #tpu.memory_space<vmem>>) semaphore(%dma_start3A_435 : memref<!tpu.dma_semaphore, #tpu.memory_space<semaphore_mem>>)
      } else {
      }
      %add3A_349 = arith.constant 8 : i32
      %add3A_350 = arith.addi %mul3A_274, %add3A_349 : i32
      %add3A_351 = arith.constant 2 : i32
      %add3A_352 = arith.addi %add3A_350, %add3A_351 : i32
      %lt3A_353 = arith.constant 78 : i32
      %lt3A_354 = arith.cmpi slt, %add3A_352, %lt3A_353 : i32
      %convert_element_type3A_355 = arith.extui %lt3A_354 : i1 to i32
      %cond3A_356 = arith.constant 0 : i32
      %cond3A_357 = arith.cmpi ne, %convert_element_type3A_355, %cond3A_356 : i32
      scf.if %cond3A_357 {
        %dma_wait3A_403 = arith.constant 2 : i32
        %dma_wait3A_404 = arith.constant 0 : i32
        %dma_wait3A_405 = arith.constant 2 : i32
        %dma_wait3A_406 = arith.constant 0 : i32
        %dma_wait3A_407 = arith.constant 0 : i32
        %dma_wait3A_408 = tpu.memref_slice %arg8[%dma_wait3A_403, %dma_wait3A_406, %dma_wait3A_407] : memref<8x128x64xf32, #tpu.memory_space<vmem>> -> memref<1x128x64xf32, #tpu.memory_space<vmem>>
        %dma_wait3A_409 = tpu.memref_squeeze %dma_wait3A_408 : memref<1x128x64xf32, #tpu.memory_space<vmem>> -> memref<128x64xf32, #tpu.memory_space<vmem>>
        %dma_wait3A_410 = arith.constant 0 : i32
        %dma_wait3A_411 = tpu.memref_slice %arg7[%dma_wait3A_404, %dma_wait3A_410] : memref<79x128xi32, #tpu.memory_space<vmem>> -> memref<1x128xi32, #tpu.memory_space<vmem>>
        %dma_wait3A_412 = tpu.memref_squeeze %dma_wait3A_411 : memref<1x128xi32, #tpu.memory_space<vmem>> -> memref<128xi32, #tpu.memory_space<vmem>>
        %dma_wait3A_413 = arith.constant 0 : i32
        %dma_wait3A_414 = arith.constant 0 : i32
        %dma_wait3A_415 = tpu.memref_slice %arg9[%dma_wait3A_413, %dma_wait3A_414] : memref<10000x64xf32, #tpu.memory_space<vmem_shared>> -> memref<10000x64xf32, #tpu.memory_space<vmem_shared>>
        %dma_wait3A_416 = tpu.memref_slice %arg11[%dma_wait3A_405] : memref<8x!tpu.dma_semaphore, #tpu.memory_space<semaphore_mem>> -> memref<1x!tpu.dma_semaphore, #tpu.memory_space<semaphore_mem>>
        %dma_wait3A_417 = tpu.memref_squeeze %dma_wait3A_416 : memref<1x!tpu.dma_semaphore, #tpu.memory_space<semaphore_mem>> -> memref<!tpu.dma_semaphore, #tpu.memory_space<semaphore_mem>>
        tpu.wait_indirect_dma semaphore(%dma_wait3A_417 : memref<!tpu.dma_semaphore, #tpu.memory_space<semaphore_mem>>) src(%dma_wait3A_409 : memref<128x64xf32, #tpu.memory_space<vmem>>) dst(%dma_wait3A_415 : memref<10000x64xf32, #tpu.memory_space<vmem_shared>>)
        %add3A_418 = arith.constant 8 : i32
        %add3A_419 = arith.addi %mul3A_274, %add3A_418 : i32
        %add3A_420 = arith.constant 2 : i32
        %add3A_421 = arith.addi %add3A_419, %add3A_420 : i32
        %dma_start3A_422 = arith.constant 2 : i32
        %dma_start3A_423 = arith.constant 2 : i32
        %dma_start3A_424 = arith.constant 0 : i32
        %dma_start3A_425 = arith.constant 0 : i32
        %dma_start3A_426 = tpu.memref_slice %arg8[%dma_start3A_422, %dma_start3A_424, %dma_start3A_425] : memref<8x128x64xf32, #tpu.memory_space<vmem>> -> memref<1x128x64xf32, #tpu.memory_space<vmem>>
        %dma_start3A_427 = tpu.memref_squeeze %dma_start3A_426 : memref<1x128x64xf32, #tpu.memory_space<vmem>> -> memref<128x64xf32, #tpu.memory_space<vmem>>
        %dma_start3A_428 = arith.constant 0 : i32
        %dma_start3A_429 = tpu.memref_slice %arg6[%add3A_421, %dma_start3A_428] : memref<79x128xi32, #tpu.memory_space<vmem>> -> memref<1x128xi32, #tpu.memory_space<vmem>>
        %dma_start3A_430 = tpu.memref_squeeze %dma_start3A_429 : memref<1x128xi32, #tpu.memory_space<vmem>> -> memref<128xi32, #tpu.memory_space<vmem>>
        %dma_start3A_431 = arith.constant 0 : i32
        %dma_start3A_432 = arith.constant 0 : i32
        %dma_start3A_433 = tpu.memref_slice %arg2[%dma_start3A_431, %dma_start3A_432] : memref<10000x64xf32, #tpu.memory_space<hbm>> -> memref<10000x64xf32, #tpu.memory_space<hbm>>
        %dma_start3A_434 = tpu.memref_slice %arg10[%dma_start3A_423] : memref<8x!tpu.dma_semaphore, #tpu.memory_space<semaphore_mem>> -> memref<1x!tpu.dma_semaphore, #tpu.memory_space<semaphore_mem>>
        %dma_start3A_435 = tpu.memref_squeeze %dma_start3A_434 : memref<1x!tpu.dma_semaphore, #tpu.memory_space<semaphore_mem>> -> memref<!tpu.dma_semaphore, #tpu.memory_space<semaphore_mem>>
        tpu.enqueue_indirect_dma source(%dma_start3A_433 : memref<10000x64xf32, #tpu.memory_space<hbm>>) target(%dma_start3A_427 : memref<128x64xf32, #tpu.memory_space<vmem>>) offsets(%dma_start3A_430 : memref<128xi32, #tpu.memory_space<vmem>>) semaphore(%dma_start3A_435 : memref<!tpu.dma_semaphore, #tpu.memory_space<semaphore_mem>>)
      } else {
      }
      %add3A_358 = arith.constant 8 : i32
      %add3A_359 = arith.addi %mul3A_274, %add3A_358 : i32
      %add3A_360 = arith.constant 3 : i32
      %add3A_361 = arith.addi %add3A_359, %add3A_360 : i32
      %lt3A_362 = arith.constant 78 : i32
      %lt3A_363 = arith.cmpi slt, %add3A_361, %lt3A_362 : i32
      %convert_element_type3A_364 = arith.extui %lt3A_363 : i1 to i32
      %cond3A_365 = arith.constant 0 : i32
      %cond3A_366 = arith.cmpi ne, %convert_element_type3A_364, %cond3A_365 : i32
      scf.if %cond3A_366 {
        %dma_wait3A_403 = arith.constant 3 : i32
        %dma_wait3A_404 = arith.constant 0 : i32
        %dma_wait3A_405 = arith.constant 3 : i32
        %dma_wait3A_406 = arith.constant 0 : i32
        %dma_wait3A_407 = arith.constant 0 : i32
        %dma_wait3A_408 = tpu.memref_slice %arg8[%dma_wait3A_403, %dma_wait3A_406, %dma_wait3A_407] : memref<8x128x64xf32, #tpu.memory_space<vmem>> -> memref<1x128x64xf32, #tpu.memory_space<vmem>>
        %dma_wait3A_409 = tpu.memref_squeeze %dma_wait3A_408 : memref<1x128x64xf32, #tpu.memory_space<vmem>> -> memref<128x64xf32, #tpu.memory_space<vmem>>
        %dma_wait3A_410 = arith.constant 0 : i32
        %dma_wait3A_411 = tpu.memref_slice %arg7[%dma_wait3A_404, %dma_wait3A_410] : memref<79x128xi32, #tpu.memory_space<vmem>> -> memref<1x128xi32, #tpu.memory_space<vmem>>
        %dma_wait3A_412 = tpu.memref_squeeze %dma_wait3A_411 : memref<1x128xi32, #tpu.memory_space<vmem>> -> memref<128xi32, #tpu.memory_space<vmem>>
        %dma_wait3A_413 = arith.constant 0 : i32
        %dma_wait3A_414 = arith.constant 0 : i32
        %dma_wait3A_415 = tpu.memref_slice %arg9[%dma_wait3A_413, %dma_wait3A_414] : memref<10000x64xf32, #tpu.memory_space<vmem_shared>> -> memref<10000x64xf32, #tpu.memory_space<vmem_shared>>
        %dma_wait3A_416 = tpu.memref_slice %arg11[%dma_wait3A_405] : memref<8x!tpu.dma_semaphore, #tpu.memory_space<semaphore_mem>> -> memref<1x!tpu.dma_semaphore, #tpu.memory_space<semaphore_mem>>
        %dma_wait3A_417 = tpu.memref_squeeze %dma_wait3A_416 : memref<1x!tpu.dma_semaphore, #tpu.memory_space<semaphore_mem>> -> memref<!tpu.dma_semaphore, #tpu.memory_space<semaphore_mem>>
        tpu.wait_indirect_dma semaphore(%dma_wait3A_417 : memref<!tpu.dma_semaphore, #tpu.memory_space<semaphore_mem>>) src(%dma_wait3A_409 : memref<128x64xf32, #tpu.memory_space<vmem>>) dst(%dma_wait3A_415 : memref<10000x64xf32, #tpu.memory_space<vmem_shared>>)
        %add3A_418 = arith.constant 8 : i32
        %add3A_419 = arith.addi %mul3A_274, %add3A_418 : i32
        %add3A_420 = arith.constant 3 : i32
        %add3A_421 = arith.addi %add3A_419, %add3A_420 : i32
        %dma_start3A_422 = arith.constant 3 : i32
        %dma_start3A_423 = arith.constant 3 : i32
        %dma_start3A_424 = arith.constant 0 : i32
        %dma_start3A_425 = arith.constant 0 : i32
        %dma_start3A_426 = tpu.memref_slice %arg8[%dma_start3A_422, %dma_start3A_424, %dma_start3A_425] : memref<8x128x64xf32, #tpu.memory_space<vmem>> -> memref<1x128x64xf32, #tpu.memory_space<vmem>>
        %dma_start3A_427 = tpu.memref_squeeze %dma_start3A_426 : memref<1x128x64xf32, #tpu.memory_space<vmem>> -> memref<128x64xf32, #tpu.memory_space<vmem>>
        %dma_start3A_428 = arith.constant 0 : i32
        %dma_start3A_429 = tpu.memref_slice %arg6[%add3A_421, %dma_start3A_428] : memref<79x128xi32, #tpu.memory_space<vmem>> -> memref<1x128xi32, #tpu.memory_space<vmem>>
        %dma_start3A_430 = tpu.memref_squeeze %dma_start3A_429 : memref<1x128xi32, #tpu.memory_space<vmem>> -> memref<128xi32, #tpu.memory_space<vmem>>
        %dma_start3A_431 = arith.constant 0 : i32
        %dma_start3A_432 = arith.constant 0 : i32
        %dma_start3A_433 = tpu.memref_slice %arg2[%dma_start3A_431, %dma_start3A_432] : memref<10000x64xf32, #tpu.memory_space<hbm>> -> memref<10000x64xf32, #tpu.memory_space<hbm>>
        %dma_start3A_434 = tpu.memref_slice %arg10[%dma_start3A_423] : memref<8x!tpu.dma_semaphore, #tpu.memory_space<semaphore_mem>> -> memref<1x!tpu.dma_semaphore, #tpu.memory_space<semaphore_mem>>
        %dma_start3A_435 = tpu.memref_squeeze %dma_start3A_434 : memref<1x!tpu.dma_semaphore, #tpu.memory_space<semaphore_mem>> -> memref<!tpu.dma_semaphore, #tpu.memory_space<semaphore_mem>>
        tpu.enqueue_indirect_dma source(%dma_start3A_433 : memref<10000x64xf32, #tpu.memory_space<hbm>>) target(%dma_start3A_427 : memref<128x64xf32, #tpu.memory_space<vmem>>) offsets(%dma_start3A_430 : memref<128xi32, #tpu.memory_space<vmem>>) semaphore(%dma_start3A_435 : memref<!tpu.dma_semaphore, #tpu.memory_space<semaphore_mem>>)
      } else {
      }
      %add3A_367 = arith.constant 8 : i32
      %add3A_368 = arith.addi %mul3A_274, %add3A_367 : i32
      %add3A_369 = arith.constant 4 : i32
      %add3A_370 = arith.addi %add3A_368, %add3A_369 : i32
      %lt3A_371 = arith.constant 78 : i32
      %lt3A_372 = arith.cmpi slt, %add3A_370, %lt3A_371 : i32
      %convert_element_type3A_373 = arith.extui %lt3A_372 : i1 to i32
      %cond3A_374 = arith.constant 0 : i32
      %cond3A_375 = arith.cmpi ne, %convert_element_type3A_373, %cond3A_374 : i32
      scf.if %cond3A_375 {
        %dma_wait3A_403 = arith.constant 4 : i32
        %dma_wait3A_404 = arith.constant 0 : i32
        %dma_wait3A_405 = arith.constant 4 : i32
        %dma_wait3A_406 = arith.constant 0 : i32
        %dma_wait3A_407 = arith.constant 0 : i32
        %dma_wait3A_408 = tpu.memref_slice %arg8[%dma_wait3A_403, %dma_wait3A_406, %dma_wait3A_407] : memref<8x128x64xf32, #tpu.memory_space<vmem>> -> memref<1x128x64xf32, #tpu.memory_space<vmem>>
        %dma_wait3A_409 = tpu.memref_squeeze %dma_wait3A_408 : memref<1x128x64xf32, #tpu.memory_space<vmem>> -> memref<128x64xf32, #tpu.memory_space<vmem>>
        %dma_wait3A_410 = arith.constant 0 : i32
        %dma_wait3A_411 = tpu.memref_slice %arg7[%dma_wait3A_404, %dma_wait3A_410] : memref<79x128xi32, #tpu.memory_space<vmem>> -> memref<1x128xi32, #tpu.memory_space<vmem>>
        %dma_wait3A_412 = tpu.memref_squeeze %dma_wait3A_411 : memref<1x128xi32, #tpu.memory_space<vmem>> -> memref<128xi32, #tpu.memory_space<vmem>>
        %dma_wait3A_413 = arith.constant 0 : i32
        %dma_wait3A_414 = arith.constant 0 : i32
        %dma_wait3A_415 = tpu.memref_slice %arg9[%dma_wait3A_413, %dma_wait3A_414] : memref<10000x64xf32, #tpu.memory_space<vmem_shared>> -> memref<10000x64xf32, #tpu.memory_space<vmem_shared>>
        %dma_wait3A_416 = tpu.memref_slice %arg11[%dma_wait3A_405] : memref<8x!tpu.dma_semaphore, #tpu.memory_space<semaphore_mem>> -> memref<1x!tpu.dma_semaphore, #tpu.memory_space<semaphore_mem>>
        %dma_wait3A_417 = tpu.memref_squeeze %dma_wait3A_416 : memref<1x!tpu.dma_semaphore, #tpu.memory_space<semaphore_mem>> -> memref<!tpu.dma_semaphore, #tpu.memory_space<semaphore_mem>>
        tpu.wait_indirect_dma semaphore(%dma_wait3A_417 : memref<!tpu.dma_semaphore, #tpu.memory_space<semaphore_mem>>) src(%dma_wait3A_409 : memref<128x64xf32, #tpu.memory_space<vmem>>) dst(%dma_wait3A_415 : memref<10000x64xf32, #tpu.memory_space<vmem_shared>>)
        %add3A_418 = arith.constant 8 : i32
        %add3A_419 = arith.addi %mul3A_274, %add3A_418 : i32
        %add3A_420 = arith.constant 4 : i32
        %add3A_421 = arith.addi %add3A_419, %add3A_420 : i32
        %dma_start3A_422 = arith.constant 4 : i32
        %dma_start3A_423 = arith.constant 4 : i32
        %dma_start3A_424 = arith.constant 0 : i32
        %dma_start3A_425 = arith.constant 0 : i32
        %dma_start3A_426 = tpu.memref_slice %arg8[%dma_start3A_422, %dma_start3A_424, %dma_start3A_425] : memref<8x128x64xf32, #tpu.memory_space<vmem>> -> memref<1x128x64xf32, #tpu.memory_space<vmem>>
        %dma_start3A_427 = tpu.memref_squeeze %dma_start3A_426 : memref<1x128x64xf32, #tpu.memory_space<vmem>> -> memref<128x64xf32, #tpu.memory_space<vmem>>
        %dma_start3A_428 = arith.constant 0 : i32
        %dma_start3A_429 = tpu.memref_slice %arg6[%add3A_421, %dma_start3A_428] : memref<79x128xi32, #tpu.memory_space<vmem>> -> memref<1x128xi32, #tpu.memory_space<vmem>>
        %dma_start3A_430 = tpu.memref_squeeze %dma_start3A_429 : memref<1x128xi32, #tpu.memory_space<vmem>> -> memref<128xi32, #tpu.memory_space<vmem>>
        %dma_start3A_431 = arith.constant 0 : i32
        %dma_start3A_432 = arith.constant 0 : i32
        %dma_start3A_433 = tpu.memref_slice %arg2[%dma_start3A_431, %dma_start3A_432] : memref<10000x64xf32, #tpu.memory_space<hbm>> -> memref<10000x64xf32, #tpu.memory_space<hbm>>
        %dma_start3A_434 = tpu.memref_slice %arg10[%dma_start3A_423] : memref<8x!tpu.dma_semaphore, #tpu.memory_space<semaphore_mem>> -> memref<1x!tpu.dma_semaphore, #tpu.memory_space<semaphore_mem>>
        %dma_start3A_435 = tpu.memref_squeeze %dma_start3A_434 : memref<1x!tpu.dma_semaphore, #tpu.memory_space<semaphore_mem>> -> memref<!tpu.dma_semaphore, #tpu.memory_space<semaphore_mem>>
        tpu.enqueue_indirect_dma source(%dma_start3A_433 : memref<10000x64xf32, #tpu.memory_space<hbm>>) target(%dma_start3A_427 : memref<128x64xf32, #tpu.memory_space<vmem>>) offsets(%dma_start3A_430 : memref<128xi32, #tpu.memory_space<vmem>>) semaphore(%dma_start3A_435 : memref<!tpu.dma_semaphore, #tpu.memory_space<semaphore_mem>>)
      } else {
      }
      %add3A_376 = arith.constant 8 : i32
      %add3A_377 = arith.addi %mul3A_274, %add3A_376 : i32
      %add3A_378 = arith.constant 5 : i32
      %add3A_379 = arith.addi %add3A_377, %add3A_378 : i32
      %lt3A_380 = arith.constant 78 : i32
      %lt3A_381 = arith.cmpi slt, %add3A_379, %lt3A_380 : i32
      %convert_element_type3A_382 = arith.extui %lt3A_381 : i1 to i32
      %cond3A_383 = arith.constant 0 : i32
      %cond3A_384 = arith.cmpi ne, %convert_element_type3A_382, %cond3A_383 : i32
      scf.if %cond3A_384 {
        %dma_wait3A_403 = arith.constant 5 : i32
        %dma_wait3A_404 = arith.constant 0 : i32
        %dma_wait3A_405 = arith.constant 5 : i32
        %dma_wait3A_406 = arith.constant 0 : i32
        %dma_wait3A_407 = arith.constant 0 : i32
        %dma_wait3A_408 = tpu.memref_slice %arg8[%dma_wait3A_403, %dma_wait3A_406, %dma_wait3A_407] : memref<8x128x64xf32, #tpu.memory_space<vmem>> -> memref<1x128x64xf32, #tpu.memory_space<vmem>>
        %dma_wait3A_409 = tpu.memref_squeeze %dma_wait3A_408 : memref<1x128x64xf32, #tpu.memory_space<vmem>> -> memref<128x64xf32, #tpu.memory_space<vmem>>
        %dma_wait3A_410 = arith.constant 0 : i32
        %dma_wait3A_411 = tpu.memref_slice %arg7[%dma_wait3A_404, %dma_wait3A_410] : memref<79x128xi32, #tpu.memory_space<vmem>> -> memref<1x128xi32, #tpu.memory_space<vmem>>
        %dma_wait3A_412 = tpu.memref_squeeze %dma_wait3A_411 : memref<1x128xi32, #tpu.memory_space<vmem>> -> memref<128xi32, #tpu.memory_space<vmem>>
        %dma_wait3A_413 = arith.constant 0 : i32
        %dma_wait3A_414 = arith.constant 0 : i32
        %dma_wait3A_415 = tpu.memref_slice %arg9[%dma_wait3A_413, %dma_wait3A_414] : memref<10000x64xf32, #tpu.memory_space<vmem_shared>> -> memref<10000x64xf32, #tpu.memory_space<vmem_shared>>
        %dma_wait3A_416 = tpu.memref_slice %arg11[%dma_wait3A_405] : memref<8x!tpu.dma_semaphore, #tpu.memory_space<semaphore_mem>> -> memref<1x!tpu.dma_semaphore, #tpu.memory_space<semaphore_mem>>
        %dma_wait3A_417 = tpu.memref_squeeze %dma_wait3A_416 : memref<1x!tpu.dma_semaphore, #tpu.memory_space<semaphore_mem>> -> memref<!tpu.dma_semaphore, #tpu.memory_space<semaphore_mem>>
        tpu.wait_indirect_dma semaphore(%dma_wait3A_417 : memref<!tpu.dma_semaphore, #tpu.memory_space<semaphore_mem>>) src(%dma_wait3A_409 : memref<128x64xf32, #tpu.memory_space<vmem>>) dst(%dma_wait3A_415 : memref<10000x64xf32, #tpu.memory_space<vmem_shared>>)
        %add3A_418 = arith.constant 8 : i32
        %add3A_419 = arith.addi %mul3A_274, %add3A_418 : i32
        %add3A_420 = arith.constant 5 : i32
        %add3A_421 = arith.addi %add3A_419, %add3A_420 : i32
        %dma_start3A_422 = arith.constant 5 : i32
        %dma_start3A_423 = arith.constant 5 : i32
        %dma_start3A_424 = arith.constant 0 : i32
        %dma_start3A_425 = arith.constant 0 : i32
        %dma_start3A_426 = tpu.memref_slice %arg8[%dma_start3A_422, %dma_start3A_424, %dma_start3A_425] : memref<8x128x64xf32, #tpu.memory_space<vmem>> -> memref<1x128x64xf32, #tpu.memory_space<vmem>>
        %dma_start3A_427 = tpu.memref_squeeze %dma_start3A_426 : memref<1x128x64xf32, #tpu.memory_space<vmem>> -> memref<128x64xf32, #tpu.memory_space<vmem>>
        %dma_start3A_428 = arith.constant 0 : i32
        %dma_start3A_429 = tpu.memref_slice %arg6[%add3A_421, %dma_start3A_428] : memref<79x128xi32, #tpu.memory_space<vmem>> -> memref<1x128xi32, #tpu.memory_space<vmem>>
        %dma_start3A_430 = tpu.memref_squeeze %dma_start3A_429 : memref<1x128xi32, #tpu.memory_space<vmem>> -> memref<128xi32, #tpu.memory_space<vmem>>
        %dma_start3A_431 = arith.constant 0 : i32
        %dma_start3A_432 = arith.constant 0 : i32
        %dma_start3A_433 = tpu.memref_slice %arg2[%dma_start3A_431, %dma_start3A_432] : memref<10000x64xf32, #tpu.memory_space<hbm>> -> memref<10000x64xf32, #tpu.memory_space<hbm>>
        %dma_start3A_434 = tpu.memref_slice %arg10[%dma_start3A_423] : memref<8x!tpu.dma_semaphore, #tpu.memory_space<semaphore_mem>> -> memref<1x!tpu.dma_semaphore, #tpu.memory_space<semaphore_mem>>
        %dma_start3A_435 = tpu.memref_squeeze %dma_start3A_434 : memref<1x!tpu.dma_semaphore, #tpu.memory_space<semaphore_mem>> -> memref<!tpu.dma_semaphore, #tpu.memory_space<semaphore_mem>>
        tpu.enqueue_indirect_dma source(%dma_start3A_433 : memref<10000x64xf32, #tpu.memory_space<hbm>>) target(%dma_start3A_427 : memref<128x64xf32, #tpu.memory_space<vmem>>) offsets(%dma_start3A_430 : memref<128xi32, #tpu.memory_space<vmem>>) semaphore(%dma_start3A_435 : memref<!tpu.dma_semaphore, #tpu.memory_space<semaphore_mem>>)
      } else {
      }
      %add3A_385 = arith.constant 8 : i32
      %add3A_386 = arith.addi %mul3A_274, %add3A_385 : i32
      %add3A_387 = arith.constant 6 : i32
      %add3A_388 = arith.addi %add3A_386, %add3A_387 : i32
      %lt3A_389 = arith.constant 78 : i32
      %lt3A_390 = arith.cmpi slt, %add3A_388, %lt3A_389 : i32
      %convert_element_type3A_391 = arith.extui %lt3A_390 : i1 to i32
      %cond3A_392 = arith.constant 0 : i32
      %cond3A_393 = arith.cmpi ne, %convert_element_type3A_391, %cond3A_392 : i32
      scf.if %cond3A_393 {
        %dma_wait3A_403 = arith.constant 6 : i32
        %dma_wait3A_404 = arith.constant 0 : i32
        %dma_wait3A_405 = arith.constant 6 : i32
        %dma_wait3A_406 = arith.constant 0 : i32
        %dma_wait3A_407 = arith.constant 0 : i32
        %dma_wait3A_408 = tpu.memref_slice %arg8[%dma_wait3A_403, %dma_wait3A_406, %dma_wait3A_407] : memref<8x128x64xf32, #tpu.memory_space<vmem>> -> memref<1x128x64xf32, #tpu.memory_space<vmem>>
        %dma_wait3A_409 = tpu.memref_squeeze %dma_wait3A_408 : memref<1x128x64xf32, #tpu.memory_space<vmem>> -> memref<128x64xf32, #tpu.memory_space<vmem>>
        %dma_wait3A_410 = arith.constant 0 : i32
        %dma_wait3A_411 = tpu.memref_slice %arg7[%dma_wait3A_404, %dma_wait3A_410] : memref<79x128xi32, #tpu.memory_space<vmem>> -> memref<1x128xi32, #tpu.memory_space<vmem>>
        %dma_wait3A_412 = tpu.memref_squeeze %dma_wait3A_411 : memref<1x128xi32, #tpu.memory_space<vmem>> -> memref<128xi32, #tpu.memory_space<vmem>>
        %dma_wait3A_413 = arith.constant 0 : i32
        %dma_wait3A_414 = arith.constant 0 : i32
        %dma_wait3A_415 = tpu.memref_slice %arg9[%dma_wait3A_413, %dma_wait3A_414] : memref<10000x64xf32, #tpu.memory_space<vmem_shared>> -> memref<10000x64xf32, #tpu.memory_space<vmem_shared>>
        %dma_wait3A_416 = tpu.memref_slice %arg11[%dma_wait3A_405] : memref<8x!tpu.dma_semaphore, #tpu.memory_space<semaphore_mem>> -> memref<1x!tpu.dma_semaphore, #tpu.memory_space<semaphore_mem>>
        %dma_wait3A_417 = tpu.memref_squeeze %dma_wait3A_416 : memref<1x!tpu.dma_semaphore, #tpu.memory_space<semaphore_mem>> -> memref<!tpu.dma_semaphore, #tpu.memory_space<semaphore_mem>>
        tpu.wait_indirect_dma semaphore(%dma_wait3A_417 : memref<!tpu.dma_semaphore, #tpu.memory_space<semaphore_mem>>) src(%dma_wait3A_409 : memref<128x64xf32, #tpu.memory_space<vmem>>) dst(%dma_wait3A_415 : memref<10000x64xf32, #tpu.memory_space<vmem_shared>>)
        %add3A_418 = arith.constant 8 : i32
        %add3A_419 = arith.addi %mul3A_274, %add3A_418 : i32
        %add3A_420 = arith.constant 6 : i32
        %add3A_421 = arith.addi %add3A_419, %add3A_420 : i32
        %dma_start3A_422 = arith.constant 6 : i32
        %dma_start3A_423 = arith.constant 6 : i32
        %dma_start3A_424 = arith.constant 0 : i32
        %dma_start3A_425 = arith.constant 0 : i32
        %dma_start3A_426 = tpu.memref_slice %arg8[%dma_start3A_422, %dma_start3A_424, %dma_start3A_425] : memref<8x128x64xf32, #tpu.memory_space<vmem>> -> memref<1x128x64xf32, #tpu.memory_space<vmem>>
        %dma_start3A_427 = tpu.memref_squeeze %dma_start3A_426 : memref<1x128x64xf32, #tpu.memory_space<vmem>> -> memref<128x64xf32, #tpu.memory_space<vmem>>
        %dma_start3A_428 = arith.constant 0 : i32
        %dma_start3A_429 = tpu.memref_slice %arg6[%add3A_421, %dma_start3A_428] : memref<79x128xi32, #tpu.memory_space<vmem>> -> memref<1x128xi32, #tpu.memory_space<vmem>>
        %dma_start3A_430 = tpu.memref_squeeze %dma_start3A_429 : memref<1x128xi32, #tpu.memory_space<vmem>> -> memref<128xi32, #tpu.memory_space<vmem>>
        %dma_start3A_431 = arith.constant 0 : i32
        %dma_start3A_432 = arith.constant 0 : i32
        %dma_start3A_433 = tpu.memref_slice %arg2[%dma_start3A_431, %dma_start3A_432] : memref<10000x64xf32, #tpu.memory_space<hbm>> -> memref<10000x64xf32, #tpu.memory_space<hbm>>
        %dma_start3A_434 = tpu.memref_slice %arg10[%dma_start3A_423] : memref<8x!tpu.dma_semaphore, #tpu.memory_space<semaphore_mem>> -> memref<1x!tpu.dma_semaphore, #tpu.memory_space<semaphore_mem>>
        %dma_start3A_435 = tpu.memref_squeeze %dma_start3A_434 : memref<1x!tpu.dma_semaphore, #tpu.memory_space<semaphore_mem>> -> memref<!tpu.dma_semaphore, #tpu.memory_space<semaphore_mem>>
        tpu.enqueue_indirect_dma source(%dma_start3A_433 : memref<10000x64xf32, #tpu.memory_space<hbm>>) target(%dma_start3A_427 : memref<128x64xf32, #tpu.memory_space<vmem>>) offsets(%dma_start3A_430 : memref<128xi32, #tpu.memory_space<vmem>>) semaphore(%dma_start3A_435 : memref<!tpu.dma_semaphore, #tpu.memory_space<semaphore_mem>>)
      } else {
      }
      %add3A_394 = arith.constant 8 : i32
      %add3A_395 = arith.addi %mul3A_274, %add3A_394 : i32
      %add3A_396 = arith.constant 7 : i32
      %add3A_397 = arith.addi %add3A_395, %add3A_396 : i32
      %lt3A_398 = arith.constant 78 : i32
      %lt3A_399 = arith.cmpi slt, %add3A_397, %lt3A_398 : i32
      %convert_element_type3A_400 = arith.extui %lt3A_399 : i1 to i32
      %cond3A_401 = arith.constant 0 : i32
      %cond3A_402 = arith.cmpi ne, %convert_element_type3A_400, %cond3A_401 : i32
      scf.if %cond3A_402 {
        %dma_wait3A_403 = arith.constant 7 : i32
        %dma_wait3A_404 = arith.constant 0 : i32
        %dma_wait3A_405 = arith.constant 7 : i32
        %dma_wait3A_406 = arith.constant 0 : i32
        %dma_wait3A_407 = arith.constant 0 : i32
        %dma_wait3A_408 = tpu.memref_slice %arg8[%dma_wait3A_403, %dma_wait3A_406, %dma_wait3A_407] : memref<8x128x64xf32, #tpu.memory_space<vmem>> -> memref<1x128x64xf32, #tpu.memory_space<vmem>>
        %dma_wait3A_409 = tpu.memref_squeeze %dma_wait3A_408 : memref<1x128x64xf32, #tpu.memory_space<vmem>> -> memref<128x64xf32, #tpu.memory_space<vmem>>
        %dma_wait3A_410 = arith.constant 0 : i32
        %dma_wait3A_411 = tpu.memref_slice %arg7[%dma_wait3A_404, %dma_wait3A_410] : memref<79x128xi32, #tpu.memory_space<vmem>> -> memref<1x128xi32, #tpu.memory_space<vmem>>
        %dma_wait3A_412 = tpu.memref_squeeze %dma_wait3A_411 : memref<1x128xi32, #tpu.memory_space<vmem>> -> memref<128xi32, #tpu.memory_space<vmem>>
        %dma_wait3A_413 = arith.constant 0 : i32
        %dma_wait3A_414 = arith.constant 0 : i32
        %dma_wait3A_415 = tpu.memref_slice %arg9[%dma_wait3A_413, %dma_wait3A_414] : memref<10000x64xf32, #tpu.memory_space<vmem_shared>> -> memref<10000x64xf32, #tpu.memory_space<vmem_shared>>
        %dma_wait3A_416 = tpu.memref_slice %arg11[%dma_wait3A_405] : memref<8x!tpu.dma_semaphore, #tpu.memory_space<semaphore_mem>> -> memref<1x!tpu.dma_semaphore, #tpu.memory_space<semaphore_mem>>
        %dma_wait3A_417 = tpu.memref_squeeze %dma_wait3A_416 : memref<1x!tpu.dma_semaphore, #tpu.memory_space<semaphore_mem>> -> memref<!tpu.dma_semaphore, #tpu.memory_space<semaphore_mem>>
        tpu.wait_indirect_dma semaphore(%dma_wait3A_417 : memref<!tpu.dma_semaphore, #tpu.memory_space<semaphore_mem>>) src(%dma_wait3A_409 : memref<128x64xf32, #tpu.memory_space<vmem>>) dst(%dma_wait3A_415 : memref<10000x64xf32, #tpu.memory_space<vmem_shared>>)
        %add3A_418 = arith.constant 8 : i32
        %add3A_419 = arith.addi %mul3A_274, %add3A_418 : i32
        %add3A_420 = arith.constant 7 : i32
        %add3A_421 = arith.addi %add3A_419, %add3A_420 : i32
        %dma_start3A_422 = arith.constant 7 : i32
        %dma_start3A_423 = arith.constant 7 : i32
        %dma_start3A_424 = arith.constant 0 : i32
        %dma_start3A_425 = arith.constant 0 : i32
        %dma_start3A_426 = tpu.memref_slice %arg8[%dma_start3A_422, %dma_start3A_424, %dma_start3A_425] : memref<8x128x64xf32, #tpu.memory_space<vmem>> -> memref<1x128x64xf32, #tpu.memory_space<vmem>>
        %dma_start3A_427 = tpu.memref_squeeze %dma_start3A_426 : memref<1x128x64xf32, #tpu.memory_space<vmem>> -> memref<128x64xf32, #tpu.memory_space<vmem>>
        %dma_start3A_428 = arith.constant 0 : i32
        %dma_start3A_429 = tpu.memref_slice %arg6[%add3A_421, %dma_start3A_428] : memref<79x128xi32, #tpu.memory_space<vmem>> -> memref<1x128xi32, #tpu.memory_space<vmem>>
        %dma_start3A_430 = tpu.memref_squeeze %dma_start3A_429 : memref<1x128xi32, #tpu.memory_space<vmem>> -> memref<128xi32, #tpu.memory_space<vmem>>
        %dma_start3A_431 = arith.constant 0 : i32
        %dma_start3A_432 = arith.constant 0 : i32
        %dma_start3A_433 = tpu.memref_slice %arg2[%dma_start3A_431, %dma_start3A_432] : memref<10000x64xf32, #tpu.memory_space<hbm>> -> memref<10000x64xf32, #tpu.memory_space<hbm>>
        %dma_start3A_434 = tpu.memref_slice %arg10[%dma_start3A_423] : memref<8x!tpu.dma_semaphore, #tpu.memory_space<semaphore_mem>> -> memref<1x!tpu.dma_semaphore, #tpu.memory_space<semaphore_mem>>
        %dma_start3A_435 = tpu.memref_squeeze %dma_start3A_434 : memref<1x!tpu.dma_semaphore, #tpu.memory_space<semaphore_mem>> -> memref<!tpu.dma_semaphore, #tpu.memory_space<semaphore_mem>>
        tpu.enqueue_indirect_dma source(%dma_start3A_433 : memref<10000x64xf32, #tpu.memory_space<hbm>>) target(%dma_start3A_427 : memref<128x64xf32, #tpu.memory_space<vmem>>) offsets(%dma_start3A_430 : memref<128xi32, #tpu.memory_space<vmem>>) semaphore(%dma_start3A_435 : memref<!tpu.dma_semaphore, #tpu.memory_space<semaphore_mem>>)
      } else {
      }
    }
    %scan3A_137 = arith.constant 10 : i32
    %dma_wait3A = arith.constant 0 : i32
    %dma_wait3A_138 = arith.constant 0 : i32
    %dma_wait3A_139 = arith.constant 0 : i32
    %dma_wait3A_140 = arith.constant 0 : i32
    %dma_wait3A_141 = arith.constant 0 : i32
    %dma_wait3A_142 = tpu.memref_slice %arg8[%dma_wait3A, %dma_wait3A_140, %dma_wait3A_141] : memref<8x128x64xf32, #tpu.memory_space<vmem>> -> memref<1x128x64xf32, #tpu.memory_space<vmem>>
    %dma_wait3A_143 = tpu.memref_squeeze %dma_wait3A_142 : memref<1x128x64xf32, #tpu.memory_space<vmem>> -> memref<128x64xf32, #tpu.memory_space<vmem>>
    %dma_wait3A_144 = arith.constant 0 : i32
    %dma_wait3A_145 = tpu.memref_slice %arg7[%dma_wait3A_138, %dma_wait3A_144] : memref<79x128xi32, #tpu.memory_space<vmem>> -> memref<1x128xi32, #tpu.memory_space<vmem>>
    %dma_wait3A_146 = tpu.memref_squeeze %dma_wait3A_145 : memref<1x128xi32, #tpu.memory_space<vmem>> -> memref<128xi32, #tpu.memory_space<vmem>>
    %dma_wait3A_147 = arith.constant 0 : i32
    %dma_wait3A_148 = arith.constant 0 : i32
    %dma_wait3A_149 = tpu.memref_slice %arg9[%dma_wait3A_147, %dma_wait3A_148] : memref<10000x64xf32, #tpu.memory_space<vmem_shared>> -> memref<10000x64xf32, #tpu.memory_space<vmem_shared>>
    %dma_wait3A_150 = tpu.memref_slice %arg11[%dma_wait3A_139] : memref<8x!tpu.dma_semaphore, #tpu.memory_space<semaphore_mem>> -> memref<1x!tpu.dma_semaphore, #tpu.memory_space<semaphore_mem>>
    %dma_wait3A_151 = tpu.memref_squeeze %dma_wait3A_150 : memref<1x!tpu.dma_semaphore, #tpu.memory_space<semaphore_mem>> -> memref<!tpu.dma_semaphore, #tpu.memory_space<semaphore_mem>>
    tpu.wait_indirect_dma semaphore(%dma_wait3A_151 : memref<!tpu.dma_semaphore, #tpu.memory_space<semaphore_mem>>) src(%dma_wait3A_143 : memref<128x64xf32, #tpu.memory_space<vmem>>) dst(%dma_wait3A_149 : memref<10000x64xf32, #tpu.memory_space<vmem_shared>>)
    %dma_wait3A_152 = arith.constant 1 : i32
    %dma_wait3A_153 = arith.constant 0 : i32
    %dma_wait3A_154 = arith.constant 1 : i32
    %dma_wait3A_155 = arith.constant 0 : i32
    %dma_wait3A_156 = arith.constant 0 : i32
    %dma_wait3A_157 = tpu.memref_slice %arg8[%dma_wait3A_152, %dma_wait3A_155, %dma_wait3A_156] : memref<8x128x64xf32, #tpu.memory_space<vmem>> -> memref<1x128x64xf32, #tpu.memory_space<vmem>>
    %dma_wait3A_158 = tpu.memref_squeeze %dma_wait3A_157 : memref<1x128x64xf32, #tpu.memory_space<vmem>> -> memref<128x64xf32, #tpu.memory_space<vmem>>
    %dma_wait3A_159 = arith.constant 0 : i32
    %dma_wait3A_160 = tpu.memref_slice %arg7[%dma_wait3A_153, %dma_wait3A_159] : memref<79x128xi32, #tpu.memory_space<vmem>> -> memref<1x128xi32, #tpu.memory_space<vmem>>
    %dma_wait3A_161 = tpu.memref_squeeze %dma_wait3A_160 : memref<1x128xi32, #tpu.memory_space<vmem>> -> memref<128xi32, #tpu.memory_space<vmem>>
    %dma_wait3A_162 = arith.constant 0 : i32
    %dma_wait3A_163 = arith.constant 0 : i32
    %dma_wait3A_164 = tpu.memref_slice %arg9[%dma_wait3A_162, %dma_wait3A_163] : memref<10000x64xf32, #tpu.memory_space<vmem_shared>> -> memref<10000x64xf32, #tpu.memory_space<vmem_shared>>
    %dma_wait3A_165 = tpu.memref_slice %arg11[%dma_wait3A_154] : memref<8x!tpu.dma_semaphore, #tpu.memory_space<semaphore_mem>> -> memref<1x!tpu.dma_semaphore, #tpu.memory_space<semaphore_mem>>
    %dma_wait3A_166 = tpu.memref_squeeze %dma_wait3A_165 : memref<1x!tpu.dma_semaphore, #tpu.memory_space<semaphore_mem>> -> memref<!tpu.dma_semaphore, #tpu.memory_space<semaphore_mem>>
    tpu.wait_indirect_dma semaphore(%dma_wait3A_166 : memref<!tpu.dma_semaphore, #tpu.memory_space<semaphore_mem>>) src(%dma_wait3A_158 : memref<128x64xf32, #tpu.memory_space<vmem>>) dst(%dma_wait3A_164 : memref<10000x64xf32, #tpu.memory_space<vmem_shared>>)
    %dma_wait3A_167 = arith.constant 2 : i32
    %dma_wait3A_168 = arith.constant 0 : i32
    %dma_wait3A_169 = arith.constant 2 : i32
    %dma_wait3A_170 = arith.constant 0 : i32
    %dma_wait3A_171 = arith.constant 0 : i32
    %dma_wait3A_172 = tpu.memref_slice %arg8[%dma_wait3A_167, %dma_wait3A_170, %dma_wait3A_171] : memref<8x128x64xf32, #tpu.memory_space<vmem>> -> memref<1x128x64xf32, #tpu.memory_space<vmem>>
    %dma_wait3A_173 = tpu.memref_squeeze %dma_wait3A_172 : memref<1x128x64xf32, #tpu.memory_space<vmem>> -> memref<128x64xf32, #tpu.memory_space<vmem>>
    %dma_wait3A_174 = arith.constant 0 : i32
    %dma_wait3A_175 = tpu.memref_slice %arg7[%dma_wait3A_168, %dma_wait3A_174] : memref<79x128xi32, #tpu.memory_space<vmem>> -> memref<1x128xi32, #tpu.memory_space<vmem>>
    %dma_wait3A_176 = tpu.memref_squeeze %dma_wait3A_175 : memref<1x128xi32, #tpu.memory_space<vmem>> -> memref<128xi32, #tpu.memory_space<vmem>>
    %dma_wait3A_177 = arith.constant 0 : i32
    %dma_wait3A_178 = arith.constant 0 : i32
    %dma_wait3A_179 = tpu.memref_slice %arg9[%dma_wait3A_177, %dma_wait3A_178] : memref<10000x64xf32, #tpu.memory_space<vmem_shared>> -> memref<10000x64xf32, #tpu.memory_space<vmem_shared>>
    %dma_wait3A_180 = tpu.memref_slice %arg11[%dma_wait3A_169] : memref<8x!tpu.dma_semaphore, #tpu.memory_space<semaphore_mem>> -> memref<1x!tpu.dma_semaphore, #tpu.memory_space<semaphore_mem>>
    %dma_wait3A_181 = tpu.memref_squeeze %dma_wait3A_180 : memref<1x!tpu.dma_semaphore, #tpu.memory_space<semaphore_mem>> -> memref<!tpu.dma_semaphore, #tpu.memory_space<semaphore_mem>>
    tpu.wait_indirect_dma semaphore(%dma_wait3A_181 : memref<!tpu.dma_semaphore, #tpu.memory_space<semaphore_mem>>) src(%dma_wait3A_173 : memref<128x64xf32, #tpu.memory_space<vmem>>) dst(%dma_wait3A_179 : memref<10000x64xf32, #tpu.memory_space<vmem_shared>>)
    %dma_wait3A_182 = arith.constant 3 : i32
    %dma_wait3A_183 = arith.constant 0 : i32
    %dma_wait3A_184 = arith.constant 3 : i32
    %dma_wait3A_185 = arith.constant 0 : i32
    %dma_wait3A_186 = arith.constant 0 : i32
    %dma_wait3A_187 = tpu.memref_slice %arg8[%dma_wait3A_182, %dma_wait3A_185, %dma_wait3A_186] : memref<8x128x64xf32, #tpu.memory_space<vmem>> -> memref<1x128x64xf32, #tpu.memory_space<vmem>>
    %dma_wait3A_188 = tpu.memref_squeeze %dma_wait3A_187 : memref<1x128x64xf32, #tpu.memory_space<vmem>> -> memref<128x64xf32, #tpu.memory_space<vmem>>
    %dma_wait3A_189 = arith.constant 0 : i32
    %dma_wait3A_190 = tpu.memref_slice %arg7[%dma_wait3A_183, %dma_wait3A_189] : memref<79x128xi32, #tpu.memory_space<vmem>> -> memref<1x128xi32, #tpu.memory_space<vmem>>
    %dma_wait3A_191 = tpu.memref_squeeze %dma_wait3A_190 : memref<1x128xi32, #tpu.memory_space<vmem>> -> memref<128xi32, #tpu.memory_space<vmem>>
    %dma_wait3A_192 = arith.constant 0 : i32
    %dma_wait3A_193 = arith.constant 0 : i32
    %dma_wait3A_194 = tpu.memref_slice %arg9[%dma_wait3A_192, %dma_wait3A_193] : memref<10000x64xf32, #tpu.memory_space<vmem_shared>> -> memref<10000x64xf32, #tpu.memory_space<vmem_shared>>
    %dma_wait3A_195 = tpu.memref_slice %arg11[%dma_wait3A_184] : memref<8x!tpu.dma_semaphore, #tpu.memory_space<semaphore_mem>> -> memref<1x!tpu.dma_semaphore, #tpu.memory_space<semaphore_mem>>
    %dma_wait3A_196 = tpu.memref_squeeze %dma_wait3A_195 : memref<1x!tpu.dma_semaphore, #tpu.memory_space<semaphore_mem>> -> memref<!tpu.dma_semaphore, #tpu.memory_space<semaphore_mem>>
    tpu.wait_indirect_dma semaphore(%dma_wait3A_196 : memref<!tpu.dma_semaphore, #tpu.memory_space<semaphore_mem>>) src(%dma_wait3A_188 : memref<128x64xf32, #tpu.memory_space<vmem>>) dst(%dma_wait3A_194 : memref<10000x64xf32, #tpu.memory_space<vmem_shared>>)
    %dma_wait3A_197 = arith.constant 4 : i32
    %dma_wait3A_198 = arith.constant 0 : i32
    %dma_wait3A_199 = arith.constant 4 : i32
    %dma_wait3A_200 = arith.constant 0 : i32
    %dma_wait3A_201 = arith.constant 0 : i32
    %dma_wait3A_202 = tpu.memref_slice %arg8[%dma_wait3A_197, %dma_wait3A_200, %dma_wait3A_201] : memref<8x128x64xf32, #tpu.memory_space<vmem>> -> memref<1x128x64xf32, #tpu.memory_space<vmem>>
    %dma_wait3A_203 = tpu.memref_squeeze %dma_wait3A_202 : memref<1x128x64xf32, #tpu.memory_space<vmem>> -> memref<128x64xf32, #tpu.memory_space<vmem>>
    %dma_wait3A_204 = arith.constant 0 : i32
    %dma_wait3A_205 = tpu.memref_slice %arg7[%dma_wait3A_198, %dma_wait3A_204] : memref<79x128xi32, #tpu.memory_space<vmem>> -> memref<1x128xi32, #tpu.memory_space<vmem>>
    %dma_wait3A_206 = tpu.memref_squeeze %dma_wait3A_205 : memref<1x128xi32, #tpu.memory_space<vmem>> -> memref<128xi32, #tpu.memory_space<vmem>>
    %dma_wait3A_207 = arith.constant 0 : i32
    %dma_wait3A_208 = arith.constant 0 : i32
    %dma_wait3A_209 = tpu.memref_slice %arg9[%dma_wait3A_207, %dma_wait3A_208] : memref<10000x64xf32, #tpu.memory_space<vmem_shared>> -> memref<10000x64xf32, #tpu.memory_space<vmem_shared>>
    %dma_wait3A_210 = tpu.memref_slice %arg11[%dma_wait3A_199] : memref<8x!tpu.dma_semaphore, #tpu.memory_space<semaphore_mem>> -> memref<1x!tpu.dma_semaphore, #tpu.memory_space<semaphore_mem>>
    %dma_wait3A_211 = tpu.memref_squeeze %dma_wait3A_210 : memref<1x!tpu.dma_semaphore, #tpu.memory_space<semaphore_mem>> -> memref<!tpu.dma_semaphore, #tpu.memory_space<semaphore_mem>>
    tpu.wait_indirect_dma semaphore(%dma_wait3A_211 : memref<!tpu.dma_semaphore, #tpu.memory_space<semaphore_mem>>) src(%dma_wait3A_203 : memref<128x64xf32, #tpu.memory_space<vmem>>) dst(%dma_wait3A_209 : memref<10000x64xf32, #tpu.memory_space<vmem_shared>>)
    %dma_wait3A_212 = arith.constant 5 : i32
    %dma_wait3A_213 = arith.constant 0 : i32
    %dma_wait3A_214 = arith.constant 5 : i32
    %dma_wait3A_215 = arith.constant 0 : i32
    %dma_wait3A_216 = arith.constant 0 : i32
    %dma_wait3A_217 = tpu.memref_slice %arg8[%dma_wait3A_212, %dma_wait3A_215, %dma_wait3A_216] : memref<8x128x64xf32, #tpu.memory_space<vmem>> -> memref<1x128x64xf32, #tpu.memory_space<vmem>>
    %dma_wait3A_218 = tpu.memref_squeeze %dma_wait3A_217 : memref<1x128x64xf32, #tpu.memory_space<vmem>> -> memref<128x64xf32, #tpu.memory_space<vmem>>
    %dma_wait3A_219 = arith.constant 0 : i32
    %dma_wait3A_220 = tpu.memref_slice %arg7[%dma_wait3A_213, %dma_wait3A_219] : memref<79x128xi32, #tpu.memory_space<vmem>> -> memref<1x128xi32, #tpu.memory_space<vmem>>
    %dma_wait3A_221 = tpu.memref_squeeze %dma_wait3A_220 : memref<1x128xi32, #tpu.memory_space<vmem>> -> memref<128xi32, #tpu.memory_space<vmem>>
    %dma_wait3A_222 = arith.constant 0 : i32
    %dma_wait3A_223 = arith.constant 0 : i32
    %dma_wait3A_224 = tpu.memref_slice %arg9[%dma_wait3A_222, %dma_wait3A_223] : memref<10000x64xf32, #tpu.memory_space<vmem_shared>> -> memref<10000x64xf32, #tpu.memory_space<vmem_shared>>
    %dma_wait3A_225 = tpu.memref_slice %arg11[%dma_wait3A_214] : memref<8x!tpu.dma_semaphore, #tpu.memory_space<semaphore_mem>> -> memref<1x!tpu.dma_semaphore, #tpu.memory_space<semaphore_mem>>
    %dma_wait3A_226 = tpu.memref_squeeze %dma_wait3A_225 : memref<1x!tpu.dma_semaphore, #tpu.memory_space<semaphore_mem>> -> memref<!tpu.dma_semaphore, #tpu.memory_space<semaphore_mem>>
    tpu.wait_indirect_dma semaphore(%dma_wait3A_226 : memref<!tpu.dma_semaphore, #tpu.memory_space<semaphore_mem>>) src(%dma_wait3A_218 : memref<128x64xf32, #tpu.memory_space<vmem>>) dst(%dma_wait3A_224 : memref<10000x64xf32, #tpu.memory_space<vmem_shared>>)
    %dma_wait3A_227 = arith.constant 6 : i32
    %dma_wait3A_228 = arith.constant 0 : i32
    %dma_wait3A_229 = arith.constant 6 : i32
    %dma_wait3A_230 = arith.constant 0 : i32
    %dma_wait3A_231 = arith.constant 0 : i32
    %dma_wait3A_232 = tpu.memref_slice %arg8[%dma_wait3A_227, %dma_wait3A_230, %dma_wait3A_231] : memref<8x128x64xf32, #tpu.memory_space<vmem>> -> memref<1x128x64xf32, #tpu.memory_space<vmem>>
    %dma_wait3A_233 = tpu.memref_squeeze %dma_wait3A_232 : memref<1x128x64xf32, #tpu.memory_space<vmem>> -> memref<128x64xf32, #tpu.memory_space<vmem>>
    %dma_wait3A_234 = arith.constant 0 : i32
    %dma_wait3A_235 = tpu.memref_slice %arg7[%dma_wait3A_228, %dma_wait3A_234] : memref<79x128xi32, #tpu.memory_space<vmem>> -> memref<1x128xi32, #tpu.memory_space<vmem>>
    %dma_wait3A_236 = tpu.memref_squeeze %dma_wait3A_235 : memref<1x128xi32, #tpu.memory_space<vmem>> -> memref<128xi32, #tpu.memory_space<vmem>>
    %dma_wait3A_237 = arith.constant 0 : i32
    %dma_wait3A_238 = arith.constant 0 : i32
    %dma_wait3A_239 = tpu.memref_slice %arg9[%dma_wait3A_237, %dma_wait3A_238] : memref<10000x64xf32, #tpu.memory_space<vmem_shared>> -> memref<10000x64xf32, #tpu.memory_space<vmem_shared>>
    %dma_wait3A_240 = tpu.memref_slice %arg11[%dma_wait3A_229] : memref<8x!tpu.dma_semaphore, #tpu.memory_space<semaphore_mem>> -> memref<1x!tpu.dma_semaphore, #tpu.memory_space<semaphore_mem>>
    %dma_wait3A_241 = tpu.memref_squeeze %dma_wait3A_240 : memref<1x!tpu.dma_semaphore, #tpu.memory_space<semaphore_mem>> -> memref<!tpu.dma_semaphore, #tpu.memory_space<semaphore_mem>>
    tpu.wait_indirect_dma semaphore(%dma_wait3A_241 : memref<!tpu.dma_semaphore, #tpu.memory_space<semaphore_mem>>) src(%dma_wait3A_233 : memref<128x64xf32, #tpu.memory_space<vmem>>) dst(%dma_wait3A_239 : memref<10000x64xf32, #tpu.memory_space<vmem_shared>>)
    %dma_wait3A_242 = arith.constant 7 : i32
    %dma_wait3A_243 = arith.constant 0 : i32
    %dma_wait3A_244 = arith.constant 7 : i32
    %dma_wait3A_245 = arith.constant 0 : i32
    %dma_wait3A_246 = arith.constant 0 : i32
    %dma_wait3A_247 = tpu.memref_slice %arg8[%dma_wait3A_242, %dma_wait3A_245, %dma_wait3A_246] : memref<8x128x64xf32, #tpu.memory_space<vmem>> -> memref<1x128x64xf32, #tpu.memory_space<vmem>>
    %dma_wait3A_248 = tpu.memref_squeeze %dma_wait3A_247 : memref<1x128x64xf32, #tpu.memory_space<vmem>> -> memref<128x64xf32, #tpu.memory_space<vmem>>
    %dma_wait3A_249 = arith.constant 0 : i32
    %dma_wait3A_250 = tpu.memref_slice %arg7[%dma_wait3A_243, %dma_wait3A_249] : memref<79x128xi32, #tpu.memory_space<vmem>> -> memref<1x128xi32, #tpu.memory_space<vmem>>
    %dma_wait3A_251 = tpu.memref_squeeze %dma_wait3A_250 : memref<1x128xi32, #tpu.memory_space<vmem>> -> memref<128xi32, #tpu.memory_space<vmem>>
    %dma_wait3A_252 = arith.constant 0 : i32
    %dma_wait3A_253 = arith.constant 0 : i32
    %dma_wait3A_254 = tpu.memref_slice %arg9[%dma_wait3A_252, %dma_wait3A_253] : memref<10000x64xf32, #tpu.memory_space<vmem_shared>> -> memref<10000x64xf32, #tpu.memory_space<vmem_shared>>
    %dma_wait3A_255 = tpu.memref_slice %arg11[%dma_wait3A_244] : memref<8x!tpu.dma_semaphore, #tpu.memory_space<semaphore_mem>> -> memref<1x!tpu.dma_semaphore, #tpu.memory_space<semaphore_mem>>
    %dma_wait3A_256 = tpu.memref_squeeze %dma_wait3A_255 : memref<1x!tpu.dma_semaphore, #tpu.memory_space<semaphore_mem>> -> memref<!tpu.dma_semaphore, #tpu.memory_space<semaphore_mem>>
    tpu.wait_indirect_dma semaphore(%dma_wait3A_256 : memref<!tpu.dma_semaphore, #tpu.memory_space<semaphore_mem>>) src(%dma_wait3A_248 : memref<128x64xf32, #tpu.memory_space<vmem>>) dst(%dma_wait3A_254 : memref<10000x64xf32, #tpu.memory_space<vmem_shared>>)
    %lt3A_257 = arith.constant 4 : i32
    %lt3A_258 = arith.cmpi slt, %add3A, %lt3A_257 : i32
    %convert_element_type3A_259 = arith.extui %lt3A_258 : i1 to i32
    %cond3A_260 = arith.constant 0 : i32
    %cond3A_261 = arith.cmpi ne, %convert_element_type3A_259, %cond3A_260 : i32
    scf.if %cond3A_261 {
      %dma_start3A_272 = arith.constant 78 : i32
      %dma_start3A_273 = arith.constant 0 : i32
      %dma_start3A_274 = arith.constant 0 : i32
      %dma_start3A_275 = arith.constant 0 : i32
      %dma_start3A_276 = arith.constant 0 : i32
      %dma_start3A_277 = tpu.memref_slice %arg8[%dma_start3A_273, %dma_start3A_275, %dma_start3A_276] : memref<8x128x64xf32, #tpu.memory_space<vmem>> -> memref<1x128x64xf32, #tpu.memory_space<vmem>>
      %dma_start3A_278 = tpu.memref_squeeze %dma_start3A_277 : memref<1x128x64xf32, #tpu.memory_space<vmem>> -> memref<128x64xf32, #tpu.memory_space<vmem>>
      %dma_start3A_279 = arith.constant 0 : i32
      %dma_start3A_280 = tpu.memref_slice %arg6[%dma_start3A_272, %dma_start3A_279] : memref<79x128xi32, #tpu.memory_space<vmem>> -> memref<1x128xi32, #tpu.memory_space<vmem>>
      %dma_start3A_281 = tpu.memref_squeeze %dma_start3A_280 : memref<1x128xi32, #tpu.memory_space<vmem>> -> memref<128xi32, #tpu.memory_space<vmem>>
      %dma_start3A_282 = arith.constant 0 : i32
      %dma_start3A_283 = arith.constant 0 : i32
      %dma_start3A_284 = tpu.memref_slice %arg2[%dma_start3A_282, %dma_start3A_283] : memref<10000x64xf32, #tpu.memory_space<hbm>> -> memref<10000x64xf32, #tpu.memory_space<hbm>>
      %dma_start3A_285 = tpu.memref_slice %arg10[%dma_start3A_274] : memref<8x!tpu.dma_semaphore, #tpu.memory_space<semaphore_mem>> -> memref<1x!tpu.dma_semaphore, #tpu.memory_space<semaphore_mem>>
      %dma_start3A_286 = tpu.memref_squeeze %dma_start3A_285 : memref<1x!tpu.dma_semaphore, #tpu.memory_space<semaphore_mem>> -> memref<!tpu.dma_semaphore, #tpu.memory_space<semaphore_mem>>
      tpu.enqueue_indirect_dma source(%dma_start3A_284 : memref<10000x64xf32, #tpu.memory_space<hbm>>) target(%dma_start3A_278 : memref<128x64xf32, #tpu.memory_space<vmem>>) offsets(%dma_start3A_281 : memref<128xi32, #tpu.memory_space<vmem>>) semaphore(%dma_start3A_286 : memref<!tpu.dma_semaphore, #tpu.memory_space<semaphore_mem>>)
      %dma_wait3A_287 = arith.constant 78 : i32
      %dma_wait3A_288 = arith.constant 0 : i32
      %dma_wait3A_289 = arith.constant 0 : i32
      %dma_wait3A_290 = arith.constant 0 : i32
      %dma_wait3A_291 = arith.constant 0 : i32
      %dma_wait3A_292 = tpu.memref_slice %arg8[%dma_wait3A_288, %dma_wait3A_290, %dma_wait3A_291] : memref<8x128x64xf32, #tpu.memory_space<vmem>> -> memref<1x128x64xf32, #tpu.memory_space<vmem>>
      %dma_wait3A_293 = tpu.memref_squeeze %dma_wait3A_292 : memref<1x128x64xf32, #tpu.memory_space<vmem>> -> memref<128x64xf32, #tpu.memory_space<vmem>>
      %dma_wait3A_294 = arith.constant 0 : i32
      %dma_wait3A_295 = tpu.memref_slice %arg6[%dma_wait3A_287, %dma_wait3A_294] : memref<79x128xi32, #tpu.memory_space<vmem>> -> memref<1x128xi32, #tpu.memory_space<vmem>>
      %dma_wait3A_296 = tpu.memref_squeeze %dma_wait3A_295 : memref<1x128xi32, #tpu.memory_space<vmem>> -> memref<128xi32, #tpu.memory_space<vmem>>
      %dma_wait3A_297 = arith.constant 0 : i32
      %dma_wait3A_298 = arith.constant 0 : i32
      %dma_wait3A_299 = tpu.memref_slice %arg2[%dma_wait3A_297, %dma_wait3A_298] : memref<10000x64xf32, #tpu.memory_space<hbm>> -> memref<10000x64xf32, #tpu.memory_space<hbm>>
      %dma_wait3A_300 = tpu.memref_slice %arg10[%dma_wait3A_289] : memref<8x!tpu.dma_semaphore, #tpu.memory_space<semaphore_mem>> -> memref<1x!tpu.dma_semaphore, #tpu.memory_space<semaphore_mem>>
      %dma_wait3A_301 = tpu.memref_squeeze %dma_wait3A_300 : memref<1x!tpu.dma_semaphore, #tpu.memory_space<semaphore_mem>> -> memref<!tpu.dma_semaphore, #tpu.memory_space<semaphore_mem>>
      tpu.wait_indirect_dma semaphore(%dma_wait3A_301 : memref<!tpu.dma_semaphore, #tpu.memory_space<semaphore_mem>>) src(%dma_wait3A_299 : memref<10000x64xf32, #tpu.memory_space<hbm>>) dst(%dma_wait3A_293 : memref<128x64xf32, #tpu.memory_space<vmem>>)
      %run_scoped3A_302 = arith.constant 0 : i32
      %run_scoped3A_303 = arith.constant 78 : i32
      "tpu.region"() ({
        %run_scoped3A_304 = tpu.sem_alloc : memref<!tpu.dma_semaphore, #tpu.memory_space<semaphore_mem>>
        %dma_start3A_305 = arith.constant 0 : i32
        %dma_start3A_306 = arith.constant 0 : i32
        %dma_start3A_307 = tpu.memref_slice %arg8[%run_scoped3A_302, %dma_start3A_305, %dma_start3A_306] : memref<8x128x64xf32, #tpu.memory_space<vmem>> -> memref<1x128x64xf32, #tpu.memory_space<vmem>>
        %dma_start3A_308 = tpu.memref_squeeze %dma_start3A_307 : memref<1x128x64xf32, #tpu.memory_space<vmem>> -> memref<128x64xf32, #tpu.memory_space<vmem>>
        %dma_start3A_309 = arith.constant 0 : i32
        %dma_start3A_310 = tpu.memref_slice %arg7[%run_scoped3A_303, %dma_start3A_309] : memref<79x128xi32, #tpu.memory_space<vmem>> -> memref<1x128xi32, #tpu.memory_space<vmem>>
        %dma_start3A_311 = tpu.memref_squeeze %dma_start3A_310 : memref<1x128xi32, #tpu.memory_space<vmem>> -> memref<128xi32, #tpu.memory_space<vmem>>
        %dma_start3A_312 = arith.constant 0 : i32
        %dma_start3A_313 = arith.constant 0 : i32
        %dma_start3A_314 = tpu.memref_slice %arg9[%dma_start3A_312, %dma_start3A_313] : memref<10000x64xf32, #tpu.memory_space<vmem_shared>> -> memref<10000x64xf32, #tpu.memory_space<vmem_shared>>
        tpu.enqueue_indirect_dma source(%dma_start3A_308 : memref<128x64xf32, #tpu.memory_space<vmem>>) target(%dma_start3A_314 : memref<10000x64xf32, #tpu.memory_space<vmem_shared>>) offsets(%dma_start3A_311 : memref<128xi32, #tpu.memory_space<vmem>>) semaphore(%run_scoped3A_304 : memref<!tpu.dma_semaphore, #tpu.memory_space<semaphore_mem>>) {add = true}
        %dma_wait3A_315 = arith.constant 0 : i32
        %dma_wait3A_316 = arith.constant 0 : i32
        %dma_wait3A_317 = tpu.memref_slice %arg8[%run_scoped3A_302, %dma_wait3A_315, %dma_wait3A_316] : memref<8x128x64xf32, #tpu.memory_space<vmem>> -> memref<1x128x64xf32, #tpu.memory_space<vmem>>
        %dma_wait3A_318 = tpu.memref_squeeze %dma_wait3A_317 : memref<1x128x64xf32, #tpu.memory_space<vmem>> -> memref<128x64xf32, #tpu.memory_space<vmem>>
        %dma_wait3A_319 = arith.constant 0 : i32
        %dma_wait3A_320 = tpu.memref_slice %arg7[%run_scoped3A_303, %dma_wait3A_319] : memref<79x128xi32, #tpu.memory_space<vmem>> -> memref<1x128xi32, #tpu.memory_space<vmem>>
        %dma_wait3A_321 = tpu.memref_squeeze %dma_wait3A_320 : memref<1x128xi32, #tpu.memory_space<vmem>> -> memref<128xi32, #tpu.memory_space<vmem>>
        %dma_wait3A_322 = arith.constant 0 : i32
        %dma_wait3A_323 = arith.constant 0 : i32
        %dma_wait3A_324 = tpu.memref_slice %arg9[%dma_wait3A_322, %dma_wait3A_323] : memref<10000x64xf32, #tpu.memory_space<vmem_shared>> -> memref<10000x64xf32, #tpu.memory_space<vmem_shared>>
        tpu.wait_indirect_dma semaphore(%run_scoped3A_304 : memref<!tpu.dma_semaphore, #tpu.memory_space<semaphore_mem>>) src(%dma_wait3A_318 : memref<128x64xf32, #tpu.memory_space<vmem>>) dst(%dma_wait3A_324 : memref<10000x64xf32, #tpu.memory_space<vmem_shared>>)
        tpu.yield
      }) : () -> ()
    } else {
    }
    %barrier3A_262 = arith.constant 0 : index
    tpu.barrier barrier_id(%barrier3A_262)
    %mul3A_263 = arith.constant 624 : i32
    %mul3A_264 = arith.muli %arg1, %mul3A_263 : i32
    %mul3A_265 = arith.constant 624 : i32
    %mul3A_266 = arith.muli %arg1, %mul3A_265 : i32
    "tpu.region"() ({
      %run_scoped3A_272 = tpu.sem_alloc : memref<!tpu.dma_semaphore, #tpu.memory_space<semaphore_mem>>
      %dma_start3A_273 = arith.constant 0 : i32
      %dma_start3A_274 = tpu.memref_slice %arg5[%arg0, %mul3A_266, %dma_start3A_273] : memref<2x10000x64xf32, #tpu.memory_space<hbm>> -> memref<1x624x64xf32, #tpu.memory_space<hbm>>
      %dma_start3A_275 = tpu.memref_squeeze %dma_start3A_274 : memref<1x624x64xf32, #tpu.memory_space<hbm>> -> memref<624x64xf32, #tpu.memory_space<hbm>>
      %dma_start3A_276 = arith.constant 0 : i32
      %dma_start3A_277 = tpu.memref_slice %arg9[%mul3A_264, %dma_start3A_276] : memref<10000x64xf32, #tpu.memory_space<vmem_shared>> -> memref<624x64xf32, #tpu.memory_space<vmem_shared>>
      tpu.enqueue_dma source(%dma_start3A_277 : memref<624x64xf32, #tpu.memory_space<vmem_shared>>) target(%dma_start3A_275 : memref<624x64xf32, #tpu.memory_space<hbm>>) target_semaphore(%run_scoped3A_272 : memref<!tpu.dma_semaphore, #tpu.memory_space<semaphore_mem>>)
      %dma_wait3A_278 = arith.constant 0 : i32
      %dma_wait3A_279 = tpu.memref_slice %arg5[%arg0, %mul3A_266, %dma_wait3A_278] : memref<2x10000x64xf32, #tpu.memory_space<hbm>> -> memref<1x624x64xf32, #tpu.memory_space<hbm>>
      %dma_wait3A_280 = tpu.memref_squeeze %dma_wait3A_279 : memref<1x624x64xf32, #tpu.memory_space<hbm>> -> memref<624x64xf32, #tpu.memory_space<hbm>>
      %dma_wait3A_281 = arith.constant 0 : i32
      %dma_wait3A_282 = tpu.memref_slice %arg9[%mul3A_264, %dma_wait3A_281] : memref<10000x64xf32, #tpu.memory_space<vmem_shared>> -> memref<624x64xf32, #tpu.memory_space<vmem_shared>>
      tpu.wait_dma2 semaphore(%run_scoped3A_272 : memref<!tpu.dma_semaphore, #tpu.memory_space<semaphore_mem>>) src(%dma_wait3A_282 : memref<624x64xf32, #tpu.memory_space<vmem_shared>>) dst(%dma_wait3A_280 : memref<624x64xf32, #tpu.memory_space<hbm>>)
      tpu.yield
    }) : () -> ()
    %eq3A_267 = arith.constant 0 : i32
    %eq3A_268 = arith.cmpi eq, %arg1, %eq3A_267 : i32
    %convert_element_type3A_269 = arith.extui %eq3A_268 : i1 to i32
    %cond3A_270 = arith.constant 0 : i32
    %cond3A_271 = arith.cmpi ne, %convert_element_type3A_269, %cond3A_270 : i32
    scf.if %cond3A_271 {
      "tpu.region"() ({
        %run_scoped3A_272 = tpu.sem_alloc : memref<!tpu.dma_semaphore, #tpu.memory_space<semaphore_mem>>
        %dma_start3A_273 = arith.constant 9984 : i32
        %dma_start3A_274 = arith.constant 0 : i32
        %dma_start3A_275 = tpu.memref_slice %arg5[%arg0, %dma_start3A_273, %dma_start3A_274] : memref<2x10000x64xf32, #tpu.memory_space<hbm>> -> memref<1x16x64xf32, #tpu.memory_space<hbm>>
        %dma_start3A_276 = tpu.memref_squeeze %dma_start3A_275 : memref<1x16x64xf32, #tpu.memory_space<hbm>> -> memref<16x64xf32, #tpu.memory_space<hbm>>
        %dma_start3A_277 = arith.constant 9984 : i32
        %dma_start3A_278 = arith.constant 0 : i32
        %dma_start3A_279 = tpu.memref_slice %arg9[%dma_start3A_277, %dma_start3A_278] : memref<10000x64xf32, #tpu.memory_space<vmem_shared>> -> memref<16x64xf32, #tpu.memory_space<vmem_shared>>
        tpu.enqueue_dma source(%dma_start3A_279 : memref<16x64xf32, #tpu.memory_space<vmem_shared>>) target(%dma_start3A_276 : memref<16x64xf32, #tpu.memory_space<hbm>>) target_semaphore(%run_scoped3A_272 : memref<!tpu.dma_semaphore, #tpu.memory_space<semaphore_mem>>)
        %dma_wait3A_280 = arith.constant 9984 : i32
        %dma_wait3A_281 = arith.constant 0 : i32
        %dma_wait3A_282 = tpu.memref_slice %arg5[%arg0, %dma_wait3A_280, %dma_wait3A_281] : memref<2x10000x64xf32, #tpu.memory_space<hbm>> -> memref<1x16x64xf32, #tpu.memory_space<hbm>>
        %dma_wait3A_283 = tpu.memref_squeeze %dma_wait3A_282 : memref<1x16x64xf32, #tpu.memory_space<hbm>> -> memref<16x64xf32, #tpu.memory_space<hbm>>
        %dma_wait3A_284 = arith.constant 9984 : i32
        %dma_wait3A_285 = arith.constant 0 : i32
        %dma_wait3A_286 = tpu.memref_slice %arg9[%dma_wait3A_284, %dma_wait3A_285] : memref<10000x64xf32, #tpu.memory_space<vmem_shared>> -> memref<16x64xf32, #tpu.memory_space<vmem_shared>>
        tpu.wait_dma2 semaphore(%run_scoped3A_272 : memref<!tpu.dma_semaphore, #tpu.memory_space<semaphore_mem>>) src(%dma_wait3A_286 : memref<16x64xf32, #tpu.memory_space<vmem_shared>>) dst(%dma_wait3A_283 : memref<16x64xf32, #tpu.memory_space<hbm>>)
        tpu.yield
      }) : () -> ()
    } else {
    }
    return
  }
}

module attributes {stable_mosaic.version = 14 : i64} {
  func.func @body(%arg0: memref<5000x256xf32, #tpu.memory_space<vmem>>, %arg1: memref<256x128xf32, #tpu.memory_space<vmem>>, %arg2: memref<1x128xf32, #tpu.memory_space<vmem>>, %arg3: memref<5000x128xf32, #tpu.memory_space<vmem>>) attributes {dimension_semantics = [], scalar_prefetch = 0 : i64, scratch_operands = 0 : i64, tpu.core_type = #tpu.core_type<tc>} {
    %get3A = arith.constant 0 : index
    %get3A_0 = arith.constant 0 : index
    %get3A_1 = vector.load %arg0[%get3A, %get3A_0] : memref<5000x256xf32, #tpu.memory_space<vmem>>, vector<5000x256xf32>
    %get3A_2 = arith.constant 0 : index
    %get3A_3 = arith.constant 0 : index
    %get3A_4 = vector.load %arg1[%get3A_2, %get3A_3] : memref<256x128xf32, #tpu.memory_space<vmem>>, vector<256x128xf32>
    %dot_general3A = arith.constant dense<0.000000e+00> : vector<5000x128xf32>
    %dot_general3A_5 = tpu.matmul %get3A_1, %get3A_4, %dot_general3A {dimension_numbers = #tpu.dot_dimension_numbers<[1], [0], [0], [1], [0, 0, 1, 1], [], []>, transpose_lhs_hint = false} : vector<5000x256xf32>, vector<256x128xf32>, vector<5000x128xf32> -> vector<5000x128xf32>
    %get3A_6 = arith.constant 0 : index
    %get3A_7 = arith.constant 0 : index
    %get3A_8 = vector.load %arg2[%get3A_6, %get3A_7] : memref<1x128xf32, #tpu.memory_space<vmem>>, vector<1x128xf32>
    %add3A = vector.broadcast %get3A_8 : vector<1x128xf32> to vector<5000x128xf32>
    %add3A_9 = arith.addf %dot_general3A_5, %add3A : vector<5000x128xf32>
    %max3A = arith.constant 0.000000e+00 : f32
    %max3A_10 = vector.broadcast %max3A : f32 to vector<5000x128xf32>
    %max3A_11 = arith.maximumf %add3A_9, %max3A_10 : vector<5000x128xf32>
    %swap3A = arith.constant 0 : index
    %swap3A_12 = arith.constant 0 : index
    %swap3A_13 = vector.load %arg3[%swap3A, %swap3A_12] : memref<5000x128xf32, #tpu.memory_space<vmem>>, vector<5000x128xf32>
    tpu.vector_store %arg3[%swap3A, %swap3A_12], %max3A_11 {strides = array<i32>} : memref<5000x128xf32, #tpu.memory_space<vmem>>, vector<5000x128xf32>,
    return
  }
}

module attributes {stable_mosaic.version = 14 : i64} {
  func.func @body(%arg0: memref<5000x128xf32, #tpu.memory_space<vmem>>, %arg1: memref<2x5000x128xf32, #tpu.memory_space<vmem>>, %arg2: memref<128x128xf32, #tpu.memory_space<vmem>>, %arg3: memref<1x128xf32, #tpu.memory_space<vmem>>, %arg4: memref<128x128xf32, #tpu.memory_space<vmem>>, %arg5: memref<1x128xf32, #tpu.memory_space<vmem>>, %arg6: memref<1x128xf32, #tpu.memory_space<vmem>>, %arg7: memref<1x128xf32, #tpu.memory_space<vmem>>, %arg8: memref<1x1xf32, #tpu.memory_space<vmem>>, %arg9: memref<5000x128xf32, #tpu.memory_space<vmem>>) attributes {dimension_semantics = [], scalar_prefetch = 0 : i64, scratch_operands = 0 : i64, tpu.core_type = #tpu.core_type<tc>} {
    %get3A = arith.constant 0 : index
    %get3A_0 = arith.constant 0 : index
    %get3A_1 = vector.load %arg0[%get3A, %get3A_0] : memref<5000x128xf32, #tpu.memory_space<vmem>>, vector<5000x128xf32>
    %get3A_2 = arith.constant 0 : index
    %get3A_3 = arith.constant 0 : index
    %get3A_4 = vector.load %arg8[%get3A_2, %get3A_3] : memref<1x1xf32, #tpu.memory_space<vmem>>, vector<1x1xf32>
    %get3A_5 = vector.extract %get3A_4[0, 0] : f32 from vector<1x1xf32>
    %mul3A = vector.broadcast %get3A_5 : f32 to vector<5000x128xf32>
    %mul3A_6 = arith.mulf %get3A_1, %mul3A : vector<5000x128xf32>
    %get3A_7 = arith.constant 0 : index
    %get3A_8 = arith.constant 0 : index
    %get3A_9 = arith.constant 0 : index
    %get3A_10 = vector.load %arg1[%get3A_7, %get3A_8, %get3A_9] : memref<2x5000x128xf32, #tpu.memory_space<vmem>>, vector<1x5000x128xf32>
    %get3A_11 = vector.shape_cast %get3A_10 : vector<1x5000x128xf32> to vector<5000x128xf32>
    %add3A = arith.addf %mul3A_6, %get3A_11 : vector<5000x128xf32>
    %get3A_12 = arith.constant 1 : index
    %get3A_13 = arith.constant 0 : index
    %get3A_14 = arith.constant 0 : index
    %get3A_15 = vector.load %arg1[%get3A_12, %get3A_13, %get3A_14] : memref<2x5000x128xf32, #tpu.memory_space<vmem>>, vector<1x5000x128xf32>
    %get3A_16 = vector.shape_cast %get3A_15 : vector<1x5000x128xf32> to vector<5000x128xf32>
    %add3A_17 = arith.addf %add3A, %get3A_16 : vector<5000x128xf32>
    %get3A_18 = arith.constant 0 : index
    %get3A_19 = arith.constant 0 : index
    %get3A_20 = vector.load %arg2[%get3A_18, %get3A_19] : memref<128x128xf32, #tpu.memory_space<vmem>>, vector<128x128xf32>
    %dot_general3A = arith.constant dense<0.000000e+00> : vector<5000x128xf32>
    %dot_general3A_21 = tpu.matmul %add3A_17, %get3A_20, %dot_general3A {dimension_numbers = #tpu.dot_dimension_numbers<[1], [0], [0], [1], [0, 0, 1, 1], [], []>, transpose_lhs_hint = false} : vector<5000x128xf32>, vector<128x128xf32>, vector<5000x128xf32> -> vector<5000x128xf32>
    %get3A_22 = arith.constant 0 : index
    %get3A_23 = arith.constant 0 : index
    %get3A_24 = vector.load %arg3[%get3A_22, %get3A_23] : memref<1x128xf32, #tpu.memory_space<vmem>>, vector<1x128xf32>
    %add3A_25 = vector.broadcast %get3A_24 : vector<1x128xf32> to vector<5000x128xf32>
    %add3A_26 = arith.addf %dot_general3A_21, %add3A_25 : vector<5000x128xf32>
    %max3A = arith.constant 0.000000e+00 : f32
    %max3A_27 = vector.broadcast %max3A : f32 to vector<5000x128xf32>
    %max3A_28 = arith.maximumf %add3A_26, %max3A_27 : vector<5000x128xf32>
    %get3A_29 = arith.constant 0 : index
    %get3A_30 = arith.constant 0 : index
    %get3A_31 = vector.load %arg4[%get3A_29, %get3A_30] : memref<128x128xf32, #tpu.memory_space<vmem>>, vector<128x128xf32>
    %dot_general3A_32 = arith.constant dense<0.000000e+00> : vector<5000x128xf32>
    %dot_general3A_33 = tpu.matmul %max3A_28, %get3A_31, %dot_general3A_32 {dimension_numbers = #tpu.dot_dimension_numbers<[1], [0], [0], [1], [0, 0, 1, 1], [], []>, transpose_lhs_hint = false} : vector<5000x128xf32>, vector<128x128xf32>, vector<5000x128xf32> -> vector<5000x128xf32>
    %get3A_34 = arith.constant 0 : index
    %get3A_35 = arith.constant 0 : index
    %get3A_36 = vector.load %arg5[%get3A_34, %get3A_35] : memref<1x128xf32, #tpu.memory_space<vmem>>, vector<1x128xf32>
    %add3A_37 = vector.broadcast %get3A_36 : vector<1x128xf32> to vector<5000x128xf32>
    %add3A_38 = arith.addf %dot_general3A_33, %add3A_37 : vector<5000x128xf32>
    %max3A_39 = arith.constant 0.000000e+00 : f32
    %max3A_40 = vector.broadcast %max3A_39 : f32 to vector<5000x128xf32>
    %max3A_41 = arith.maximumf %add3A_38, %max3A_40 : vector<5000x128xf32>
    %get3A_42 = arith.constant 0 : index
    %get3A_43 = arith.constant 0 : index
    %get3A_44 = vector.load %arg6[%get3A_42, %get3A_43] : memref<1x128xf32, #tpu.memory_space<vmem>>, vector<1x128xf32>
    %mul3A_45 = vector.broadcast %get3A_44 : vector<1x128xf32> to vector<5000x128xf32>
    %mul3A_46 = arith.mulf %max3A_41, %mul3A_45 : vector<5000x128xf32>
    %get3A_47 = arith.constant 0 : index
    %get3A_48 = arith.constant 0 : index
    %get3A_49 = vector.load %arg7[%get3A_47, %get3A_48] : memref<1x128xf32, #tpu.memory_space<vmem>>, vector<1x128xf32>
    %add3A_50 = vector.broadcast %get3A_49 : vector<1x128xf32> to vector<5000x128xf32>
    %add3A_51 = arith.addf %mul3A_46, %add3A_50 : vector<5000x128xf32>
    %max3A_52 = arith.constant 0.000000e+00 : f32
    %max3A_53 = vector.broadcast %max3A_52 : f32 to vector<5000x128xf32>
    %max3A_54 = arith.maximumf %add3A_51, %max3A_53 : vector<5000x128xf32>
    %swap3A = arith.constant 0 : index
    %swap3A_55 = arith.constant 0 : index
    %swap3A_56 = vector.load %arg9[%swap3A, %swap3A_55] : memref<5000x128xf32, #tpu.memory_space<vmem>>, vector<5000x128xf32>
    tpu.vector_store %arg9[%swap3A, %swap3A_55], %max3A_54 {strides = array<i32>} : memref<5000x128xf32, #tpu.memory_space<vmem>>, vector<5000x128xf32>,
    return
  }
}

module attributes {stable_mosaic.version = 14 : i64} {
  func.func @body(%arg0: memref<5000x128xf32, #tpu.memory_space<vmem>>, %arg1: memref<5000x2xi32, #tpu.memory_space<vmem>>, %arg2: memref<128x64xf32, #tpu.memory_space<vmem>>, %arg3: memref<1x64xf32, #tpu.memory_space<vmem>>, %arg4: memref<64x32xf32, #tpu.memory_space<vmem>>, %arg5: memref<1x32xf32, #tpu.memory_space<vmem>>, %arg6: memref<32x2xf32, #tpu.memory_space<vmem>>, %arg7: memref<1x2xf32, #tpu.memory_space<vmem>>, %arg8: memref<1x1xf32, #tpu.memory_space<vmem>>, %arg9: memref<64x32xf32, #tpu.memory_space<vmem>>, %arg10: memref<1x32xf32, #tpu.memory_space<vmem>>, %arg11: memref<32x3xf32, #tpu.memory_space<vmem>>, %arg12: memref<1x3xf32, #tpu.memory_space<vmem>>, %arg13: memref<128x3xf32, #tpu.memory_space<vmem>>, %arg14: memref<5000x2xf32, #tpu.memory_space<vmem>>) attributes {dimension_semantics = [], scalar_prefetch = 0 : i64, scratch_operands = 0 : i64, tpu.core_type = #tpu.core_type<tc>} {
    %get3A = arith.constant 0 : index
    %get3A_0 = arith.constant 0 : index
    %get3A_1 = vector.load %arg0[%get3A, %get3A_0] : memref<5000x128xf32, #tpu.memory_space<vmem>>, vector<5000x128xf32>
    %get3A_2 = arith.constant 0 : index
    %get3A_3 = arith.constant 0 : index
    %get3A_4 = vector.load %arg2[%get3A_2, %get3A_3] : memref<128x64xf32, #tpu.memory_space<vmem>>, vector<128x64xf32>
    %dot_general3A = arith.constant dense<0.000000e+00> : vector<5000x64xf32>
    %dot_general3A_5 = tpu.matmul %get3A_1, %get3A_4, %dot_general3A {dimension_numbers = #tpu.dot_dimension_numbers<[1], [0], [0], [1], [0, 0, 1, 1], [], []>, transpose_lhs_hint = false} : vector<5000x128xf32>, vector<128x64xf32>, vector<5000x64xf32> -> vector<5000x64xf32>
    %get3A_6 = arith.constant 0 : index
    %get3A_7 = arith.constant 0 : index
    %get3A_8 = vector.load %arg3[%get3A_6, %get3A_7] : memref<1x64xf32, #tpu.memory_space<vmem>>, vector<1x64xf32>
    %add3A = vector.broadcast %get3A_8 : vector<1x64xf32> to vector<5000x64xf32>
    %add3A_9 = arith.addf %dot_general3A_5, %add3A : vector<5000x64xf32>
    %gt3A = arith.constant 0.000000e+00 : f32
    %gt3A_10 = vector.broadcast %gt3A : f32 to vector<5000x64xf32>
    %gt3A_11 = arith.cmpf ogt, %add3A_9, %gt3A_10 : vector<5000x64xf32>
    %mul3A = arith.constant 2.000000e-01 : f32
    %mul3A_12 = vector.broadcast %mul3A : f32 to vector<5000x64xf32>
    %mul3A_13 = arith.mulf %mul3A_12, %add3A_9 : vector<5000x64xf32>
    %select_n3A = arith.select %gt3A_11, %add3A_9, %mul3A_13 : vector<5000x64xi1>, vector<5000x64xf32>
    %get3A_14 = arith.constant 0 : index
    %get3A_15 = arith.constant 0 : index
    %get3A_16 = vector.load %arg4[%get3A_14, %get3A_15] : memref<64x32xf32, #tpu.memory_space<vmem>>, vector<64x32xf32>
    %dot_general3A_17 = arith.constant dense<0.000000e+00> : vector<5000x32xf32>
    %dot_general3A_18 = tpu.matmul %select_n3A, %get3A_16, %dot_general3A_17 {dimension_numbers = #tpu.dot_dimension_numbers<[1], [0], [0], [1], [0, 0, 1, 1], [], []>, transpose_lhs_hint = false} : vector<5000x64xf32>, vector<64x32xf32>, vector<5000x32xf32> -> vector<5000x32xf32>
    %get3A_19 = arith.constant 0 : index
    %get3A_20 = arith.constant 0 : index
    %get3A_21 = vector.load %arg5[%get3A_19, %get3A_20] : memref<1x32xf32, #tpu.memory_space<vmem>>, vector<1x32xf32>
    %add3A_22 = vector.broadcast %get3A_21 : vector<1x32xf32> to vector<5000x32xf32>
    %add3A_23 = arith.addf %dot_general3A_18, %add3A_22 : vector<5000x32xf32>
    %gt3A_24 = arith.constant 0.000000e+00 : f32
    %gt3A_25 = vector.broadcast %gt3A_24 : f32 to vector<5000x32xf32>
    %gt3A_26 = arith.cmpf ogt, %add3A_23, %gt3A_25 : vector<5000x32xf32>
    %mul3A_27 = arith.constant 2.000000e-01 : f32
    %mul3A_28 = vector.broadcast %mul3A_27 : f32 to vector<5000x32xf32>
    %mul3A_29 = arith.mulf %mul3A_28, %add3A_23 : vector<5000x32xf32>
    %select_n3A_30 = arith.select %gt3A_26, %add3A_23, %mul3A_29 : vector<5000x32xi1>, vector<5000x32xf32>
    %get3A_31 = arith.constant 0 : index
    %get3A_32 = arith.constant 0 : index
    %get3A_33 = vector.load %arg6[%get3A_31, %get3A_32] : memref<32x2xf32, #tpu.memory_space<vmem>>, vector<32x2xf32>
    %dot_general3A_34 = arith.constant dense<0.000000e+00> : vector<5000x2xf32>
    %dot_general3A_35 = tpu.matmul %select_n3A_30, %get3A_33, %dot_general3A_34 {dimension_numbers = #tpu.dot_dimension_numbers<[1], [0], [0], [1], [0, 0, 1, 1], [], []>, transpose_lhs_hint = false} : vector<5000x32xf32>, vector<32x2xf32>, vector<5000x2xf32> -> vector<5000x2xf32>
    %get3A_36 = arith.constant 0 : index
    %get3A_37 = arith.constant 0 : index
    %get3A_38 = vector.load %arg7[%get3A_36, %get3A_37] : memref<1x2xf32, #tpu.memory_space<vmem>>, vector<1x2xf32>
    %add3A_39 = vector.broadcast %get3A_38 : vector<1x2xf32> to vector<5000x2xf32>
    %add3A_40 = arith.addf %dot_general3A_35, %add3A_39 : vector<5000x2xf32>
    %jit3A = arith.constant -1.000000e+01 : f32
    %jit3A_41 = arith.constant 1.000000e+01 : f32
    %max3A = vector.broadcast %jit3A : f32 to vector<5000x2xf32>
    %max3A_42 = arith.maximumf %max3A, %add3A_40 : vector<5000x2xf32>
    %min3A = vector.broadcast %jit3A_41 : f32 to vector<5000x2xf32>
    %min3A_43 = arith.minimumf %min3A, %max3A_42 : vector<5000x2xf32>
    %get3A_44 = arith.constant 0 : index
    %get3A_45 = arith.constant 0 : index
    %get3A_46 = vector.load %arg8[%get3A_44, %get3A_45] : memref<1x1xf32, #tpu.memory_space<vmem>>, vector<1x1xf32>
    %get3A_47 = vector.extract %get3A_46[0, 0] : f32 from vector<1x1xf32>
    %mul3A_48 = vector.broadcast %get3A_47 : f32 to vector<5000x2xf32>
    %mul3A_49 = arith.mulf %min3A_43, %mul3A_48 : vector<5000x2xf32>
    %logistic3A = arith.negf %mul3A_49 : vector<5000x2xf32>
    %logistic3A_50 = math.exp %logistic3A : vector<5000x2xf32>
    %logistic3A_51 = arith.constant 1.000000e+00 : f32
    %logistic3A_52 = vector.broadcast %logistic3A_51 : f32 to vector<5000x2xf32>
    %logistic3A_53 = arith.addf %logistic3A_52, %logistic3A_50 : vector<5000x2xf32>
    %logistic3A_54 = arith.divf %logistic3A_52, %logistic3A_53 : vector<5000x2xf32>
    %swap3A = arith.constant 0 : index
    %swap3A_55 = arith.constant 0 : index
    %swap3A_56 = vector.load %arg14[%swap3A, %swap3A_55] : memref<5000x2xf32, #tpu.memory_space<vmem>>, vector<5000x2xf32>
    tpu.vector_store %arg14[%swap3A, %swap3A_55], %logistic3A_54 {strides = array<i32>} : memref<5000x2xf32, #tpu.memory_space<vmem>>, vector<5000x2xf32>,
    %slice3A = vector.extract_strided_slice %logistic3A_54 {offsets = [0, 0], sizes = [5000, 1], strides = [1, 1]} : vector<5000x2xf32> to vector<5000x1xf32>
    %broadcast_in_dim3A = vector.shape_cast %slice3A : vector<5000x1xf32> to vector<5000x1xf32>
    %broadcast_in_dim3A_57 = vector.broadcast %broadcast_in_dim3A : vector<5000x1xf32> to vector<5000x64xf32>
    %slice3A_58 = vector.extract_strided_slice %logistic3A_54 {offsets = [0, 1], sizes = [5000, 1], strides = [1, 1]} : vector<5000x2xf32> to vector<5000x1xf32>
    %broadcast_in_dim3A_59 = vector.shape_cast %slice3A_58 : vector<5000x1xf32> to vector<5000x1xf32>
    %broadcast_in_dim3A_60 = vector.broadcast %broadcast_in_dim3A_59 : vector<5000x1xf32> to vector<5000x64xf32>
    %concatenate3A = tpu.concatenate %broadcast_in_dim3A_57, %broadcast_in_dim3A_60 in 1 : vector<5000x64xf32>, vector<5000x64xf32> -> vector<5000x128xf32>
    %mul3A_61 = arith.mulf %get3A_1, %concatenate3A : vector<5000x128xf32>
    %iota3A = tpu.iota {dimensions = array<i32: 1>} : vector<5000x128xi32>
    %get3A_62 = arith.constant 0 : index
    %get3A_63 = arith.constant 0 : index
    %get3A_64 = vector.load %arg1[%get3A_62, %get3A_63] : memref<5000x2xi32, #tpu.memory_space<vmem>>, vector<5000x1xi32>
    %eq3A = vector.broadcast %get3A_64 : vector<5000x1xi32> to vector<5000x128xi32>
    %eq3A_65 = arith.cmpi eq, %eq3A, %iota3A : vector<5000x128xi32>
    %convert_element_type3A = arith.extui %eq3A_65 : vector<5000x128xi1> to vector<5000x128xi32>
    %convert_element_type3A_66 = arith.sitofp %convert_element_type3A : vector<5000x128xi32> to vector<5000x128xf32>
    %get3A_67 = arith.constant 0 : index
    %get3A_68 = arith.constant 1 : index
    %get3A_69 = vector.load %arg1[%get3A_67, %get3A_68] : memref<5000x2xi32, #tpu.memory_space<vmem>>, vector<5000x1xi32>
    %eq3A_70 = vector.broadcast %get3A_69 : vector<5000x1xi32> to vector<5000x128xi32>
    %eq3A_71 = arith.cmpi eq, %eq3A_70, %iota3A : vector<5000x128xi32>
    %convert_element_type3A_72 = arith.extui %eq3A_71 : vector<5000x128xi1> to vector<5000x128xi32>
    %convert_element_type3A_73 = arith.sitofp %convert_element_type3A_72 : vector<5000x128xi32> to vector<5000x128xf32>
    %slice3A_74 = vector.extract_strided_slice %mul3A_61 {offsets = [0, 0], sizes = [5000, 64], strides = [1, 1]} : vector<5000x128xf32> to vector<5000x64xf32>
    %dot_general3A_75 = arith.constant dense<0.000000e+00> : vector<128x64xf32>
    %dot_general3A_76 = tpu.matmul %convert_element_type3A_66, %slice3A_74, %dot_general3A_75 {dimension_numbers = #tpu.dot_dimension_numbers<[0], [0], [1], [1], [0, 1, 1, 1], [], []>, precision = #tpu.contract_precision<fp32>, transpose_lhs_hint = false} : vector<5000x128xf32>, vector<5000x64xf32>, vector<128x64xf32> -> vector<128x64xf32>
    %slice3A_77 = vector.extract_strided_slice %mul3A_61 {offsets = [0, 64], sizes = [5000, 64], strides = [1, 1]} : vector<5000x128xf32> to vector<5000x64xf32>
    %dot_general3A_78 = arith.constant dense<0.000000e+00> : vector<128x64xf32>
    %dot_general3A_79 = tpu.matmul %convert_element_type3A_73, %slice3A_77, %dot_general3A_78 {dimension_numbers = #tpu.dot_dimension_numbers<[0], [0], [1], [1], [0, 1, 1, 1], [], []>, precision = #tpu.contract_precision<fp32>, transpose_lhs_hint = false} : vector<5000x128xf32>, vector<5000x64xf32>, vector<128x64xf32> -> vector<128x64xf32>
    %add3A_80 = arith.addf %dot_general3A_76, %dot_general3A_79 : vector<128x64xf32>
    %get3A_81 = arith.constant 0 : index
    %get3A_82 = arith.constant 0 : index
    %get3A_83 = vector.load %arg9[%get3A_81, %get3A_82] : memref<64x32xf32, #tpu.memory_space<vmem>>, vector<64x32xf32>
    %dot_general3A_84 = arith.constant dense<0.000000e+00> : vector<128x32xf32>
    %dot_general3A_85 = tpu.matmul %add3A_80, %get3A_83, %dot_general3A_84 {dimension_numbers = #tpu.dot_dimension_numbers<[1], [0], [0], [1], [0, 0, 1, 1], [], []>, precision = #tpu.contract_precision<fp32>, transpose_lhs_hint = false} : vector<128x64xf32>, vector<64x32xf32>, vector<128x32xf32> -> vector<128x32xf32>
    %get3A_86 = arith.constant 0 : index
    %get3A_87 = arith.constant 0 : index
    %get3A_88 = vector.load %arg10[%get3A_86, %get3A_87] : memref<1x32xf32, #tpu.memory_space<vmem>>, vector<1x32xf32>
    %add3A_89 = vector.broadcast %get3A_88 : vector<1x32xf32> to vector<128x32xf32>
    %add3A_90 = arith.addf %dot_general3A_85, %add3A_89 : vector<128x32xf32>
    %max3A_91 = arith.constant 0.000000e+00 : f32
    %max3A_92 = vector.broadcast %max3A_91 : f32 to vector<128x32xf32>
    %max3A_93 = arith.maximumf %add3A_90, %max3A_92 : vector<128x32xf32>
    %get3A_94 = arith.constant 0 : index
    %get3A_95 = arith.constant 0 : index
    %get3A_96 = vector.load %arg11[%get3A_94, %get3A_95] : memref<32x3xf32, #tpu.memory_space<vmem>>, vector<32x3xf32>
    %dot_general3A_97 = arith.constant dense<0.000000e+00> : vector<128x3xf32>
    %dot_general3A_98 = tpu.matmul %max3A_93, %get3A_96, %dot_general3A_97 {dimension_numbers = #tpu.dot_dimension_numbers<[1], [0], [0], [1], [0, 0, 1, 1], [], []>, precision = #tpu.contract_precision<fp32>, transpose_lhs_hint = false} : vector<128x32xf32>, vector<32x3xf32>, vector<128x3xf32> -> vector<128x3xf32>
    %get3A_99 = arith.constant 0 : index
    %get3A_100 = arith.constant 0 : index
    %get3A_101 = vector.load %arg12[%get3A_99, %get3A_100] : memref<1x3xf32, #tpu.memory_space<vmem>>, vector<1x3xf32>
    %add3A_102 = vector.broadcast %get3A_101 : vector<1x3xf32> to vector<128x3xf32>
    %add3A_103 = arith.addf %dot_general3A_98, %add3A_102 : vector<128x3xf32>
    %swap3A_104 = arith.constant 0 : index
    %swap3A_105 = arith.constant 0 : index
    %swap3A_106 = vector.load %arg13[%swap3A_104, %swap3A_105] : memref<128x3xf32, #tpu.memory_space<vmem>>, vector<128x3xf32>
    tpu.vector_store %arg13[%swap3A_104, %swap3A_105], %add3A_103 {strides = array<i32>} : memref<128x3xf32, #tpu.memory_space<vmem>>, vector<128x3xf32>,
    return
  }
}

</mosaic_0001>

<sc_bundles>
// kernel: kernel.10.cloned.1.call-start
scs
__scs_entry_jumppad:
0x0: {  	(pc) =	sbr.rel $0x88, $3  }
0x1: {  	(tag) =	ssettag $0x0;
	lr =	simm.s32 $0x1  }
0x2: {  	[smem:$0x3F70] =	sst lr;
	_ =	strace $0xD0000000  }
0x3: {  	_ = 	snop  }
0x4: {  	_ = 	snop  }
0x5: {  	_ = 	snop  }
0x6: {  	_ = 	snop  }
0x7: {  	_ = 	snop  }
__scs_overlays_trampoline_lowered:
0x8: {  	[smem:$0x3F7F] =	sst s0  }
0x9: {  	[smem:$0x3F80] =	sst s1  }
0xa: {  	[smem:$0x3F81] =	sst s2  }
0xb: {  	[smem:$0x3F82] =	sst s3  }
0xc: {  	[smem:$0x3F83] =	sst s4  }
0xd: {  	[smem:$0x3F84] =	sst s5  }
0xe: {  	[smem:$0x3F85] =	sst s6  }
0xf: {  	[smem:$0x3F86] =	sst s7  }
0x10: {  	[smem:$0x3F87] =	sst s8  }
0x11: {  	[smem:$0x3F88] =	sst s9;
	s0 =	simm.s32 @!p0 $0x0  }
0x12: {  	s1 =	sld [smem:$0x3F6E];
	s0 =	simm.s32 @p0 $0x1  }
0x13: {  	[smem:$0x3F89] =	sst s0;
	s0 =	simm.s32 @!p1 $0x0  }
0x14: {  	s2 =	sld [smem:$0x3F6D];
	s0 =	simm.s32 @p1 $0x1  }
0x15: {  	[smem:$0x3F8A] =	sst s0;
	s0 =	simm.s32 @!p2 $0x0  }
0x16: {  	s3 =	sld [smem:$0x3FDB];
	s0 =	simm.s32 @p2 $0x1  }
0x17: {  	s4 =	simm.s32 $0x1BF5;
	[smem:$0x3F8C] =	sst s0  }
0x18: {  	s0 =	sld [smem:$0x3F6F];
	_ =	swait.ge [sflag:s4], $0x0  }
0x19: {  	s7 =	sld [smem:$0x3F70]  }
0x1a: {  	s8 =	sadd.s32 $0xFFFFE003, lr  }
0x1b: {  	s9 =	sadd.s32 $0xFFFFFEF7, lr;
	s5 =	simm.s32 $0xFFFFFFFF;
	p2 =	slt.u32 s8, $0xFFFFF086  }
0x1c: {  	p1 =	slt.u32 s9, $0xF7A;
	s5 =	simm.s32 @!p2 $0x0  }
0x1d: {  	s5 =	simm.s32 @p1 $0x1;
	p0 =	seq.s32 s7, s2  }
0x1e: {  	s7 =	smul.u32 @!p0 $0xF7A, s2;
	p2 =	seq.s32 @!p0 s5, $0x0  }
0x1f: {  	s9 =	smul.u32 $0xF7A, s1;
	s8 =	simm.s32 @!p0 $0x1BF5;
	p2 =	por !p2, p0  }
0x20: {  	[sflag:s8] =	ssyncset.s32 @!p0 $0xFFFFF086;
	s6 =	sadd.s32 @!p0 s3, s7;
	s7 =	simm.s32 @!p0 $0x108  }
0x21: {  	s3 =	sadd.s32 s3, s9;
	s6 =	sadd.s32 @!p0 $0x88, s6;
	s7 =	simm.s32 @p2 $0x1082  }
0x22: {  	[simem:s7], [sflag:s8] =	dma.local @!p0 [hbm:s6], $0xF7A  }
0x23: {  	s9 =	sor.u32 $0xD0000000, s2;
	s6 =	simm.s32 $0x108;
	_ =	swait.ge @!p0 [sflag:s8], $0x0  }
0x24: {  	s3 =	sadd.s32 $0x88, s3;
	s6 =	simm.s32 @!p1 $0x1082;
	[sflag:s4] =	ssyncset.s32 $0xFFFFF086  }
0x25: {  	[simem:s6], [sflag:s4] =	dma.local [hbm:s3], $0xF7A  }
0x26: {  	[smem:$0x3F70] =	sst s1;
	(tag) =	ssettag s2;
	_ =	strace s9  }
0x27: {  	s1 =	sld [smem:$0x3F80]  }
0x28: {  	s2 =	sld [smem:$0x3F81]  }
0x29: {  	s4 =	sld [smem:$0x3F83]  }
0x2a: {  	p0 =	seq.s32 s5, $0x0;
	s5 =	sld [smem:$0x3F84]  }
0x2b: {  	s6 =	sld [smem:$0x3F85]  }
0x2c: {  	s7 =	sld [smem:$0x3F86]  }
0x2d: {  	s3 =	simm.s32 $0x108;
	s8 =	sld [smem:$0x3F87]  }
0x2e: {  	s3 =	simm.s32 @!p0 $0x1082;
	s9 =	sld [smem:$0x3F88]  }
0x2f: {  	lr =	sadd.s32 s0, s3;
	s0 =	sld [smem:$0x3F7F]  }
0x30: {  	s3 =	sld [smem:$0x3F82]  }
0x31: {  	[smem:$0x3F8B] =	sst s10  }
0x32: {  	s10 =	sld [smem:$0x3F89];
	_ =	sdelay $0x3  }
0x33: {  	p0 =	seq.s32 s10, $0x1;
	s10 =	sld [smem:$0x3F8B];
	_ =	sdelay $0x3  }
0x34: {  	[smem:$0x3F8B] =	sst s10  }
0x35: {  	s10 =	sld [smem:$0x3F8A];
	_ =	sdelay $0x3  }
0x36: {  	p1 =	seq.s32 s10, $0x1;
	s10 =	sld [smem:$0x3F8B];
	_ =	sdelay $0x3  }
0x37: {  	[smem:$0x3F8B] =	sst s10  }
0x38: {  	s10 =	sld [smem:$0x3F8C]  }
0x39: {  	_ = 	snop;
	(pc) =	sbr.ind lr, $3  }
0x3a: {  	_ = 	snop  }
0x3b: {  	_ = 	snop  }
0x3c: {  	p2 =	seq.s32 s10, $0x1;
	s10 =	sld [smem:$0x3F8B]  }
0x3d: {  	_ =	shalt  }
0x3e: {  	_ =	shalt  }
0x3f: {  	_ =	shalt  }
0x40: {  	_ =	shalt  }
0x41: {  	_ =	shalt  }
0x42: {  	_ =	shalt  }
0x43: {  	_ =	shalt  }
0x44: {  	_ =	shalt  }
0x45: {  	_ =	shalt  }
0x46: {  	_ =	shalt  }
0x47: {  	_ =	shalt  }
0x48: {  	_ =	shalt  }
0x49: {  	_ =	shalt  }
0x4a: {  	_ =	shalt  }
0x4b: {  	_ =	shalt  }
0x4c: {  	_ =	shalt  }
0x4d: {  	_ =	shalt  }
0x4e: {  	_ =	shalt  }
0x4f: {  	_ =	shalt  }
0x50: {  	_ =	shalt  }
0x51: {  	_ =	shalt  }
0x52: {  	_ =	shalt  }
0x53: {  	_ =	shalt  }
0x54: {  	_ =	shalt  }
0x55: {  	_ =	shalt  }
0x56: {  	_ =	shalt  }
0x57: {  	_ =	shalt  }
0x58: {  	_ =	shalt  }
0x59: {  	_ =	shalt  }
0x5a: {  	_ =	shalt  }
0x5b: {  	_ =	shalt  }
0x5c: {  	_ =	shalt  }
0x5d: {  	_ =	shalt  }
0x5e: {  	_ =	shalt  }
0x5f: {  	_ =	shalt  }
0x60: {  	_ =	shalt  }
0x61: {  	_ =	shalt  }
0x62: {  	_ =	shalt  }
0x63: {  	_ =	shalt  }
0x64: {  	_ =	shalt  }
0x65: {  	_ =	shalt  }
0x66: {  	_ =	shalt  }
0x67: {  	_ =	shalt  }
0x68: {  	_ =	shalt  }
0x69: {  	_ =	shalt  }
0x6a: {  	_ =	shalt  }
0x6b: {  	_ =	shalt  }
0x6c: {  	_ =	shalt  }
0x6d: {  	_ =	shalt  }
0x6e: {  	_ =	shalt  }
0x6f: {  	_ =	shalt  }
0x70: {  	_ =	shalt  }
0x71: {  	_ =	shalt  }
0x72: {  	_ =	shalt  }
0x73: {  	_ =	shalt  }
0x74: {  	_ =	shalt  }
0x75: {  	_ =	shalt  }
0x76: {  	_ =	shalt  }
0x77: {  	_ =	shalt  }
0x78: {  	_ =	shalt  }
0x79: {  	_ =	shalt  }
0x7a: {  	_ =	shalt  }
0x7b: {  	_ =	shalt  }
0x7c: {  	_ =	shalt  }
0x7d: {  	_ =	shalt  }
0x7e: {  	_ =	shalt  }
0x7f: {  	_ =	shalt  }
0x80: {  	_ =	shalt  }
0x81: {  	_ =	shalt  }
0x82: {  	_ =	shalt  }
0x83: {  	_ =	shalt  }
0x84: {  	_ =	shalt  }
0x85: {  	_ =	shalt  }
0x86: {  	_ =	shalt  }
0x87: {  	_ =	shalt  }
.Lfunc_end0:
.L_simem_size_0:
called_computation_lowered:
.L_overlay_start_0:
0x88: {  	s2 =	sld [smem:$0x3FD9]  }
0x89: {  	s3 =	sld [smem:$0x3FFE];
	_ =	sdelay $0x1  }
0x8a: {  	s1 =	srdreg.scid  }
0x8b: {  	s0 =	sand.u32 $0x1, s1  }
0x8c: {  	s16 =	sshll.u32 s0, $0xA;
	s2 =	sadd.s32 s3, s2  }
0x8d: {  	s2 =	sadd.s32 s2, s16  }
0x8e: {  	[smem:$0x3F97] =	sst s2  }
0x8f: {  	_ = 	snop  }
0x90: {  	(tm) =	ssettm $0x1  }
0x91: {  	s17 =	sld [smem:$0x3FFB];
	_ =	sdelay $0x3  }
0x92: {  	_ =	strace s17  }
0x93: {  	s2 =	sld [smem:$0x3FFC];
	_ =	sdelay $0x3  }
0x94: {  	_ =	strace s2  }
0x95: {  	s2 =	sld [smem:$0x3FFD];
	_ =	sdelay $0x3  }
0x96: {  	_ =	strace s2  }
0x97: {  	_ =	strace $0x8FFFFFFF  }
0x98: {  	s18 =	sld [smem:$0x3FDB];
	_ =	sdelay $0x1  }
0x99: {  	s19 =	simm.s32 $_scs_section_size  }
0x9a: {  	s4 =	simm.s32 $_size__tile_overlayer_lowered;
	s5 =	simm.s32 $_tile_overlayer_lowered  }
0x9b: {  	s22 =	simm.s32 $0x1BFF;
	s21 =	sshll.u32 s5, $0x1;
	s2 =	sadd.s32 s19, s18  }
0x9c: {  	s6 =	simm.s32 $0x0;
	s20 =	sshll.u32 s4, $0x1;
	s4 =	sadd.s32 s21, s2  }
0x9d: {  	[timem:s6], [sflag:s22] =	dma.local [hbm:s4], s20  }
0x9e: {  	_ =	swait.ge [sflag:s22], s20  }
0x9f: {  	s3 =	ssub.s32 $0x0, s20;
	[sflag:s22] =	ssyncset.done $0x0  }
0xa0: {  	[sflag:s22] =	ssyncadd.s32 s3;
	_ =	sdelay $0x1  }
0xa1: {  	s23 =	simm.s32 $0x1B8B  }
0xa2: {  	_ =	swait.ge [sflag:s23], $0x1  }
0xa3: {  	[sflag:s23] =	ssyncset.done $0x0  }
0xa4: {  	s25 =	simm.s32 $0x1B8E;
	s24 =	sld [smem:$0x3FFE];
	[sflag:s23] =	ssyncadd.s32 $0xFFFFFFFF  }
0xa5: {  	s26 =	simm.s32 $execute0_lowered;
	[smem:$0x3FD2] =	sst s25  }
0xa6: {  	s4 =	sshll.u32 s26, $0x1;
	_ =	strace $0x80000046;
	[dreg:$0x1] =	wrdreg $0xFFFFFFFF  }
0xa7: {  	s28 =	simm.s32 $_size_execute0_lowered;
	s2 =	sadd.s32 s2, s4;
	[dreg:$0x0] =	wrdreg $0x0  }
0xa8: {  	s4 =	sshll.u32 s28, $0x1;
	[dreg:$0x2] =	wrdreg s2  }
0xa9: {  	[dreg:$0x3] =	wrdreg s4  }
0xaa: {  	[dreg:$0x4] =	wrdreg $0xC0  }
0xab: {  	_ =	task [dreg:s6], $0x5FFFF  }
0xac: {  	[dreg:$0x1] =	wrdreg $0xFFFFFFFF  }
0xad: {  	[dreg:$0x0] =	wrdreg $0x60  }
0xae: {  	[dreg:$0x2] =	wrdreg s24  }
0xaf: {  	[dreg:$0x3] =	wrdreg $0x14F000  }
0xb0: {  	[dreg:$0x4] =	wrdreg $0x9  }
0xb1: {  	_ =	task.clear_ibuf [dreg:s6], $0x5FFFF;
	_ =	strace $0x90000046  }
0xb2: {  	s29 =	simm.s32 $0x9;
	_ =	strace $0x80000048  }
0xb3: {  	_ =	swait.ge [sflag:s29], $0x1  }
0xb4: {  	[sflag:s29] =	ssyncadd.s32 $0xFFFFFFFF  }
0xb5: {  	_ =	strace $0x90000048  }
0xb6: {  	_ =	sfence  }
0xb7: {  	s30 =	sld [smem:$0x0];
	_ =	sdelay $0x2  }
0xb8: {  	s31 =	sshll.u32 s1, $0xD;
	s1 =	sshrl.u32 s1, $0x2  }
0xb9: {  	s3 =	sand.u32 $0x4000, s31;
	s1 =	sadd.s32 s1, s30  }
0xba: {  	s0 =	sor.u32 s3, s0;
	s1 =	sshll.u32 s1, $0x11  }
0xbb: {  	s0 =	sor.u32 s1, s0  }
0xbc: {  	s0 =	sadd.s32 $0x8F2B, s0  }
0xbd: {  	[sflag:s0] =	ssyncadd.remote.s32 $0x1  }
0xbe: {  	_ =	sfence.sel $0xFFFF  }
0xbf: {  	[dreg:$0x0] =	wrdreg $0xFFFFFFFF;
	(pc) =	sbr.abs _section_cstart, $3  }
0xc0: {  	[dreg:$0x1] =	wrdreg $0xFFFFFFFF  }
0xc1: {  	_ =	task.clear_ibuf [dreg:s6], $0x2FFFF;
	_ =	strace $0x9FFFFFFF  }
0xc2: {  	(tm) =	ssettm $0x7FFFFFFF  }
0xc3: {  	_ =	shalt  }
tec
execute0_lowered:
.L_overlay_start_1:
0x0: {  	(tag) =	ssettag $0x1  }
0x1: {  	s0 =	srdreg.scid  }
0x2: {  	s2 =	stileid.u32;
	s5 =	rddreg [dreg:$0x0];
	s6 =	simm.s32 $0x0  }
0x3: {  	s14 =	simm.s32 $0x11;
	s17 =	simm.s32 $0x80;
	s18 =	simm.s32 $0x4F00  }
0x4: {  	s19 =	simm.s32 $0x6F00;
	s21 =	simm.s32 $0x8F00;
	s28 =	simm.s32 $0xEF00  }
0x5: {  	s16 =	simm.s32 $0x1;
	s20 =	simm.s32 $0x2;
	s29 =	simm.s32 $0x6  }
0x6: {  	s0 =	sand.u32 $0x1, s0;
	s1 =	sshll.u32 s2, $0x1;
	[smem:$0x7FF] =	sst s6  }
0x7: {  	s9 =	smul.u32 $0x9C00, s2;
	s10 =	sadd.s32 $0x31C00, s5;
	s23 =	sshll.u32 s2, $0x6  }
0x8: {  	p0 =	sne.s32 s2, $0x0;
	p1 =	sgt.u32 s2, $0x1;
	s3 =	sor.u32 s0, s1  }
0x9: {  	s1 =	rddreg [dreg:$0x1];
	s7 =	ssub.s32 $0x2, s0;
	s0 =	smul.u32 $0x9C400, s0  }
0xa: {  	_ =	strace $0x80000047;
	s4 =	smul.u32 $0x4E, s3;
	s3 =	smin.u32 s3, $0x4  }
0xb: {  	s8 =	sshrl.u32 s7, $0x1;
	s24 =	sadd.s32 s9, s1;
	s11 =	sadd.s32 $0x9C000, s1  }
0xc: {  	s7 =	ssub.s32 s7, s8;
	s9 =	sadd.s32 s9, s0;
	s0 =	sshrl.u32 s0, $0x3  }
0xd: {  	s13 =	sshrl.u32 s24, $0x3;
	s15 =	sshrl.u32 @!p0 s11, $0x3;
	s24 =	simm.s32 $0x4  }
0xe: {  	s8 =	simm.s32 $0xE;
	s11 =	simm.s32 $0x0;
	s3 =	sadd.s32 s3, s4  }
0xf: {  	s30 =	sshrl.u32 s9, $0x3;
	s0 =	sadd.s32 s10, s0;
	s31 =	smax.u32 s7, $0x1  }
0x10: {  	s9 =	simm.s32 $0xF;
	s4 =	sshll.u32 s3, $0x4;
	s3 =	sadd.s32 $0x1CE00, s5  }
0x11: {  	s0 =	sadd.s32 $0x13800, s0;
	[dreg:$0x9] =	wrdreg s31;
	s22 =	sadd.s32 s4, s5  }
0x12: {  	s4 =	sadd.s32 $0x30800, s5;
	[dreg:$0x8] =	wrdreg s0;
	s12 =	sadd.s32 $0x9400, s22  }
0x13: {  	s5 =	sor.u32 $0x1C11, s23;
	s25 =	sadd.s32 $0x13040, s22;
	[dreg:$0x3] =	wrdreg s12  }
0x14: {  	s23 =	simm.s32 $0xAF00;
	s26 =	sadd.s32 $0x98E0, s22;
	[dreg:$0x4] =	wrdreg s25  }
0x15: {  	s6 =	sadd.s32 $0x13520, s22;
	s22 =	simm.s32 $0x3;
	[dreg:$0x5] =	wrdreg s26  }
0x16: {  	[dreg:$0x6] =	wrdreg s6;
	s6 =	sadd.s32 s10, s30;
	s25 =	simm.s32 $0xCF00  }
0x17: {  	s26 =	simm.s32 $0x5;
	s10 =	simm.s32 $0x10;
	[dreg:$0x7] =	wrdreg s6  }
.LBB2_1:
0x18: {  	[spmem:s13], [sflag:s5] =	dma.local [hbm:s4], $0x1380  }
0x19: {  	_ =	swait.ge [sflag:s14], $0x1380  }
0x1a: {  	[sflag:s14] =	ssyncset.done $0x0  }
0x1b: {  	s2 =	simm.s32 @!p0 $0x11;
	[sflag:s14] =	ssyncadd.s32 $0xFFFFEC80  }
0x1c: {  	[spmem:s15], [sflag:s5] =	dma.local @!p0 [hbm:s4], $0x80  }
0x1d: {  	_ =	swait.ge @!p0 [sflag:s2], $0x80  }
0x1e: {  	[sflag:s2] =	ssyncset.done @!p0 $0x0  }
0x1f: {  	s0 =	simm.s32 $0x0;
	s12 =	rddreg [dreg:$0x3];
	[sflag:s2] =	ssyncadd.s32 @!p0 $0xFFFFFF80  }
0x20: {  	[tilespmem:s0], [sflag:$0x11] =	stream.linear.gather [hbm4b:s12+s0], $0x2700, $0x38;
	[tilespmem:$0x1EB40] =	vst v63  }
0x21: {  	_ =	swait.ge [sflag:s14], $0x2700  }
0x22: {  	[sflag:s14] =	ssyncset.done $0x0  }
0x23: {  	s6 =	simm.s32 $0x2780;
	s31 =	rddreg [dreg:$0x4];
	[sflag:s14] =	ssyncadd.s32 $0xFFFFD900  }
0x24: {  	[tilespmem:s6], [sflag:$0x11] =	stream.linear.gather [hbm4b:s31+s0], $0x2700, $0x38;
	[tilespmem:$0x1EB40] =	vst v63  }
0x25: {  	_ =	swait.ge [sflag:s14], $0x2700  }
0x26: {  	s2 =	simm.s32 @!p1 $0x0;
	[sflag:s14] =	ssyncset.done $0x0  }
0x27: {  	s12 =	simm.s32 @!p1 $0x2700;
	s6 =	rddreg [dreg:$0x5];
	[sflag:s14] =	ssyncadd.s32 $0xFFFFD900  }
0x28: {  	[tilespmem:s12], [sflag:$0x11] =	stream.linear.gather @!p1 [hbm4b:s6+s2], $0x80, $0x38;
	[tilespmem:$0x1EB40] =	vst v63  }
0x29: {  	s12 =	simm.s32 @!p1 $0x11  }
0x2a: {  	_ =	swait.ge @!p1 [sflag:s12], $0x80  }
0x2b: {  	[sflag:s12] =	ssyncset.done @!p1 $0x0  }
0x2c: {  	s30 =	simm.s32 @!p1 $0x4E80;
	s6 =	rddreg [dreg:$0x6];
	[sflag:s12] =	ssyncadd.s32 @!p1 $0xFFFFFF80  }
0x2d: {  	[tilespmem:s30], [sflag:$0x11] =	stream.linear.gather @!p1 [hbm4b:s6+s2], $0x80, $0x38;
	[tilespmem:$0x1EB40] =	vst v63  }
0x2e: {  	_ =	swait.ge @!p1 [sflag:s12], $0x80  }
0x2f: {  	[sflag:s12] =	ssyncset.done @!p1 $0x0  }
0x30: {  	[sflag:s12] =	ssyncadd.s32 @!p1 $0xFFFFFF80  }
0x31: {  	[bflag:$0x0] =	sbarrier.arrive $0xFFFF  }
0x32: {  	[tilespmem:s18], [sflag:$0x1] =	stream.indirect.gather [hbm4b:s3+s17], $0x40, s0, s17, $0xb8;
	[tilespmem:$0x1EB40] =	vst v63  }
0x33: {  	_ = 	snop  }
0x34: {  	[tilespmem:s19], [sflag:$0x2] =	stream.indirect.gather [hbm4b:s3+s17], $0x40, s17, s17, $0xb8;
	[tilespmem:$0x1EB40] =	vst v63  }
0x35: {  	s7 =	simm.s32 $0x100  }
0x36: {  	[tilespmem:s21], [sflag:$0x3] =	stream.indirect.gather [hbm4b:s3+s17], $0x40, s7, s17, $0xb8;
	[tilespmem:$0x1EB40] =	vst v63  }
0x37: {  	s12 =	simm.s32 $0x180  }
0x38: {  	[tilespmem:s23], [sflag:$0x4] =	stream.indirect.gather [hbm4b:s3+s17], $0x40, s12, s17, $0xb8;
	[tilespmem:$0x1EB40] =	vst v63  }
0x39: {  	s31 =	simm.s32 $0x200  }
0x3a: {  	[tilespmem:s25], [sflag:$0x5] =	stream.indirect.gather [hbm4b:s3+s17], $0x40, s31, s17, $0xb8;
	[tilespmem:$0x1EB40] =	vst v63  }
0x3b: {  	s2 =	simm.s32 $0x280  }
0x3c: {  	[tilespmem:s28], [sflag:$0x6] =	stream.indirect.gather [hbm4b:s3+s17], $0x40, s2, s17, $0xb8;
	[tilespmem:$0x1EB40] =	vst v63  }
0x3d: {  	s6 =	simm.s32 $0x300;
	s7 =	simm.s32 $0x10F00  }
0x3e: {  	[tilespmem:s7], [sflag:$0x7] =	stream.indirect.gather [hbm4b:s3+s17], $0x40, s6, s17, $0xb8;
	[tilespmem:$0x1EB40] =	vst v63  }
0x3f: {  	s12 =	simm.s32 $0x380;
	s31 =	simm.s32 $0x12F00  }
0x40: {  	[tilespmem:s31], [sflag:$0x8] =	stream.indirect.gather [hbm4b:s3+s17], $0x40, s12, s17, $0xb8;
	[tilespmem:$0x1EB40] =	vst v63  }
0x41: {  	s30 =	simm.s32 $0x0;
	s2 =	simm.s32 $0x0;
	s12 =	simm.s32 $0x6  }
.LBB2_2:
0x42: {  	_ =	swait.ge [sflag:s16], $0x2000  }
0x43: {  	s31 =	sshra.s32 s2, $0x2;
	[sflag:s16] =	ssyncset.done $0x0  }
0x44: {  	s0 =	sadd.s32 $0x2780, s31;
	[sflag:s16] =	ssyncadd.s32 $0xFFFFE000  }
0x45: {  	[spmem:s1] =	stream.indirect.scatter.add.f32 [tilespmem:s18], [sflag:$0x9], $0x40, s0, s17, $0xb8;
	[tilespmem:$0x1EB40] =	vst v63  }
0x46: {  	_ =	swait.ge [sflag:s20], $0x2000  }
0x47: {  	[sflag:s20] =	ssyncset.done $0x0  }
0x48: {  	s6 =	sadd.s32 $0x2800, s31;
	[sflag:s20] =	ssyncadd.s32 $0xFFFFE000  }
0x49: {  	[spmem:s1] =	stream.indirect.scatter.add.f32 [tilespmem:s19], [sflag:$0xA], $0x40, s6, s17, $0xb8;
	[tilespmem:$0x1EB40] =	vst v63  }
0x4a: {  	_ =	swait.ge [sflag:s22], $0x2000  }
0x4b: {  	[sflag:s22] =	ssyncset.done $0x0  }
0x4c: {  	s7 =	sadd.s32 $0x2880, s31;
	[sflag:s22] =	ssyncadd.s32 $0xFFFFE000  }
0x4d: {  	[spmem:s1] =	stream.indirect.scatter.add.f32 [tilespmem:s21], [sflag:$0xB], $0x40, s7, s17, $0xb8;
	[tilespmem:$0x1EB40] =	vst v63  }
0x4e: {  	_ =	swait.ge [sflag:s24], $0x2000  }
0x4f: {  	[sflag:s24] =	ssyncset.done $0x0  }
0x50: {  	s6 =	sadd.s32 $0x2900, s31;
	[sflag:s24] =	ssyncadd.s32 $0xFFFFE000  }
0x51: {  	[spmem:s1] =	stream.indirect.scatter.add.f32 [tilespmem:s23], [sflag:$0xC], $0x40, s6, s17, $0xb8;
	[tilespmem:$0x1EB40] =	vst v63  }
0x52: {  	_ =	swait.ge [sflag:s26], $0x2000  }
0x53: {  	[sflag:s26] =	ssyncset.done $0x0  }
0x54: {  	s7 =	sadd.s32 $0x2980, s31;
	[sflag:s26] =	ssyncadd.s32 $0xFFFFE000  }
0x55: {  	[spmem:s1] =	stream.indirect.scatter.add.f32 [tilespmem:s25], [sflag:$0xD], $0x40, s7, s17, $0xb8;
	[tilespmem:$0x1EB40] =	vst v63  }
0x56: {  	_ =	swait.ge [sflag:s29], $0x2000  }
0x57: {  	p2 =	sgt.u32 s12, $0x4D;
	[sflag:s29] =	ssyncset.done $0x0  }
0x58: {  	s0 =	simm.s32 @!p2 $0x7;
	s31 =	sadd.s32 $0x2A00, s31;
	[sflag:s29] =	ssyncadd.s32 $0xFFFFE000  }
0x59: {  	[spmem:s1] =	stream.indirect.scatter.add.f32 [tilespmem:s28], [sflag:$0xE], $0x40, s31, s17, $0xb8;
	[tilespmem:$0x1EB40] =	vst v63  }
0x5a: {  	_ =	swait.ge @!p2 [sflag:s0], $0x2000  }
0x5b: {  	[sflag:s0] =	ssyncset.done @!p2 $0x0  }
0x5c: {  	[sflag:s0] =	ssyncadd.s32 @!p2 $0xFFFFE000;
	s0 =	sshra.s32 @!p2 s2, $0x2  }
0x5d: {  	s6 =	simm.s32 @!p2 $0x80;
	s7 =	simm.s32 @!p2 $0x10F00;
	s31 =	sadd.s32 @!p2 $0x2A80, s0  }
0x5e: {  	[spmem:s1] =	stream.indirect.scatter.add.f32 @!p2 [tilespmem:s7], [sflag:$0xF], $0x40, s31, s6, $0xb8;
	[tilespmem:$0x1EB40] =	vst v63  }
0x5f: {  	s7 =	simm.s32 @!p2 $0x8  }
0x60: {  	_ =	swait.ge @!p2 [sflag:s7], $0x2000  }
0x61: {  	[sflag:s7] =	ssyncset.done @!p2 $0x0  }
0x62: {  	s0 =	sadd.s32 @!p2 $0x2B00, s0;
	[sflag:s7] =	ssyncadd.s32 @!p2 $0xFFFFE000;
	s7 =	simm.s32 @!p2 $0x12F00  }
0x63: {  	[spmem:s1] =	stream.indirect.scatter.add.f32 @!p2 [tilespmem:s7], [sflag:$0x10], $0x40, s0, s6, $0xb8;
	[tilespmem:$0x1EB40] =	vst v63  }
0x64: {  	p2 =	seq.s32 s2, $0x9000  }
0x65: {  	s0 =	simm.s32 @!p2 $0x9  }
0x66: {  	_ =	swait.ge @!p2 [sflag:s0], $0x2000  }
0x67: {  	[sflag:s0] =	ssyncset.done @!p2 $0x0  }
0x68: {  	[sflag:s0] =	ssyncadd.s32 @!p2 $0xFFFFE000;
	s0 =	sshra.s32 @!p2 s2, $0x2  }
0x69: {  	s7 =	simm.s32 @!p2 $0x80;
	s31 =	simm.s32 @!p2 $0x4F00;
	s6 =	sadd.s32 @!p2 $0x400, s0  }
0x6a: {  	[tilespmem:s31], [sflag:$0x1] =	stream.indirect.gather @!p2 [hbm4b:s3+s7], $0x40, s6, s7, $0xb8;
	[tilespmem:$0x1EB40] =	vst v63  }
0x6b: {  	s6 =	simm.s32 @!p2 $0xA  }
0x6c: {  	_ =	swait.ge @!p2 [sflag:s6], $0x2000  }
0x6d: {  	[sflag:s6] =	ssyncset.done @!p2 $0x0  }
0x6e: {  	s31 =	simm.s32 @!p2 $0x6F00;
	[sflag:s6] =	ssyncadd.s32 @!p2 $0xFFFFE000;
	s6 =	sadd.s32 @!p2 $0x480, s0  }
0x6f: {  	[tilespmem:s31], [sflag:$0x2] =	stream.indirect.gather @!p2 [hbm4b:s3+s7], $0x40, s6, s7, $0xb8;
	[tilespmem:$0x1EB40] =	vst v63  }
0x70: {  	s6 =	simm.s32 @!p2 $0xB  }
0x71: {  	_ =	swait.ge @!p2 [sflag:s6], $0x2000  }
0x72: {  	[sflag:s6] =	ssyncset.done @!p2 $0x0  }
0x73: {  	s31 =	simm.s32 @!p2 $0x8F00;
	[sflag:s6] =	ssyncadd.s32 @!p2 $0xFFFFE000;
	s6 =	sadd.s32 @!p2 $0x500, s0  }
0x74: {  	[tilespmem:s31], [sflag:$0x3] =	stream.indirect.gather @!p2 [hbm4b:s3+s7], $0x40, s6, s7, $0xb8;
	[tilespmem:$0x1EB40] =	vst v63  }
0x75: {  	s6 =	simm.s32 @!p2 $0xC  }
0x76: {  	_ =	swait.ge @!p2 [sflag:s6], $0x2000  }
0x77: {  	[sflag:s6] =	ssyncset.done @!p2 $0x0  }
0x78: {  	s31 =	simm.s32 @!p2 $0xAF00;
	[sflag:s6] =	ssyncadd.s32 @!p2 $0xFFFFE000;
	s6 =	sadd.s32 @!p2 $0x580, s0  }
0x79: {  	[tilespmem:s31], [sflag:$0x4] =	stream.indirect.gather @!p2 [hbm4b:s3+s7], $0x40, s6, s7, $0xb8;
	[tilespmem:$0x1EB40] =	vst v63  }
0x7a: {  	s6 =	simm.s32 @!p2 $0xD  }
0x7b: {  	_ =	swait.ge @!p2 [sflag:s6], $0x2000  }
0x7c: {  	[sflag:s6] =	ssyncset.done @!p2 $0x0  }
0x7d: {  	s31 =	simm.s32 @!p2 $0xCF00;
	[sflag:s6] =	ssyncadd.s32 @!p2 $0xFFFFE000;
	s6 =	sadd.s32 @!p2 $0x600, s0  }
0x7e: {  	[tilespmem:s31], [sflag:$0x5] =	stream.indirect.gather @!p2 [hbm4b:s3+s7], $0x40, s6, s7, $0xb8;
	[tilespmem:$0x1EB40] =	vst v63  }
0x7f: {  	s6 =	simm.s32 @!p2 $0xE  }
0x80: {  	p3 =	sgt.u32 @!p2 s30, $0x7;
	_ =	swait.ge @!p2 [sflag:s6], $0x2000  }
0x81: {  	p3 =	por p3, p2;
	[sflag:s6] =	ssyncset.done @!p2 $0x0  }
0x82: {  	s0 =	sadd.s32 @!p2 $0x680, s0;
	[sflag:s6] =	ssyncadd.s32 @!p2 $0xFFFFE000;
	s6 =	simm.s32 @!p2 $0xEF00  }
0x83: {  	[tilespmem:s6], [sflag:$0x6] =	stream.indirect.gather @!p2 [hbm4b:s3+s7], $0x40, s0, s7, $0xb8;
	[tilespmem:$0x1EB40] =	vst v63  }
0x84: {  	s0 =	simm.s32 @!p3 $0xF  }
0x85: {  	_ =	swait.ge @!p3 [sflag:s0], $0x2000  }
0x86: {  	[sflag:s0] =	ssyncset.done @!p3 $0x0  }
0x87: {  	[sflag:s0] =	ssyncadd.s32 @!p3 $0xFFFFE000;
	s0 =	sshra.s32 @!p3 s2, $0x2  }
0x88: {  	s31 =	simm.s32 @!p3 $0x10F00;
	s7 =	simm.s32 @!p3 $0x80;
	s6 =	sadd.s32 @!p3 $0x700, s0  }
0x89: {  	[tilespmem:s31], [sflag:$0x7] =	stream.indirect.gather @!p3 [hbm4b:s3+s7], $0x40, s6, s7, $0xb8;
	[tilespmem:$0x1EB40] =	vst v63  }
0x8a: {  	s6 =	simm.s32 @!p3 $0x10  }
0x8b: {  	_ =	swait.ge @!p3 [sflag:s6], $0x2000  }
0x8c: {  	s2 =	sadd.s32 @!p2 $0x1000, s2;
	[sflag:s6] =	ssyncset.done @!p3 $0x0  }
0x8d: {  	s0 =	sadd.s32 @!p3 $0x780, s0;
	[sflag:s6] =	ssyncadd.s32 @!p3 $0xFFFFE000;
	s6 =	simm.s32 @!p3 $0x12F00  }
0x8e: {  	[tilespmem:s6], [sflag:$0x8] =	stream.indirect.gather @!p3 [hbm4b:s3+s7], $0x40, s0, s7, $0xb8;
	[tilespmem:$0x1EB40] =	vst v63  }
0x8f: {  	p3 =	sne.s32 @!p2 s2, $0xA000  }
0x90: {  	p3 =	por p2, !p3  }
.Ltmp0:
0x91: {  	_ = 	snop;
	(pc) =	sbr.rel @!p3 .LBB2_2-.Ltmp0, $2  }
0x92: {  	_ =	sdelay $0x2  }
0x93: {  	s30 =	sadd.s32 @!p2 $0x1, s30;
	s12 =	sadd.s32 @!p2 $0x8, s12  }
0x94: {  	s0 =	simm.s32 $0x9  }
0x95: {  	_ =	swait.ge [sflag:s0], $0x2000  }
0x96: {  	[sflag:s0] =	ssyncset.done $0x0  }
0x97: {  	s2 =	simm.s32 $0xA;
	[sflag:s0] =	ssyncadd.s32 $0xFFFFE000  }
0x98: {  	_ =	swait.ge [sflag:s2], $0x2000  }
0x99: {  	[sflag:s2] =	ssyncset.done $0x0  }
0x9a: {  	s6 =	simm.s32 $0xB;
	[sflag:s2] =	ssyncadd.s32 $0xFFFFE000  }
0x9b: {  	_ =	swait.ge [sflag:s6], $0x2000  }
0x9c: {  	[sflag:s6] =	ssyncset.done $0x0  }
0x9d: {  	s7 =	simm.s32 $0xC;
	[sflag:s6] =	ssyncadd.s32 $0xFFFFE000  }
0x9e: {  	_ =	swait.ge [sflag:s7], $0x2000  }
0x9f: {  	[sflag:s7] =	ssyncset.done $0x0  }
0xa0: {  	s12 =	simm.s32 $0xD;
	[sflag:s7] =	ssyncadd.s32 $0xFFFFE000  }
0xa1: {  	_ =	swait.ge [sflag:s12], $0x2000  }
0xa2: {  	[sflag:s12] =	ssyncset.done $0x0  }
0xa3: {  	[sflag:s12] =	ssyncadd.s32 $0xFFFFE000  }
0xa4: {  	_ =	swait.ge [sflag:s8], $0x2000  }
0xa5: {  	[sflag:s8] =	ssyncset.done $0x0  }
0xa6: {  	[sflag:s8] =	ssyncadd.s32 $0xFFFFE000  }
0xa7: {  	_ =	swait.ge [sflag:s9], $0x2000  }
0xa8: {  	[sflag:s9] =	ssyncset.done $0x0  }
0xa9: {  	[sflag:s9] =	ssyncadd.s32 $0xFFFFE000  }
0xaa: {  	_ =	swait.ge [sflag:s10], $0x2000  }
0xab: {  	s0 =	simm.s32 @!p1 $0x80;
	[sflag:s10] =	ssyncset.done $0x0  }
0xac: {  	s2 =	simm.s32 @!p1 $0x2700;
	s6 =	simm.s32 @!p1 $0x4F00;
	[sflag:s10] =	ssyncadd.s32 $0xFFFFE000  }
0xad: {  	[tilespmem:s6], [sflag:$0x1] =	stream.indirect.gather @!p1 [hbm4b:s3+s0], $0x40, s2, s0, $0xb8;
	[tilespmem:$0x1EB40] =	vst v63  }
0xae: {  	s2 =	simm.s32 @!p1 $0x1  }
0xaf: {  	_ =	swait.ge @!p1 [sflag:s2], $0x2000  }
0xb0: {  	[sflag:s2] =	ssyncset.done @!p1 $0x0  }
0xb1: {  	[sflag:s2] =	ssyncadd.s32 @!p1 $0xFFFFE000;
	s2 =	simm.s32 @!p1 $0x4E80  }
0xb2: {  	[spmem:s1] =	stream.indirect.scatter.add.f32 @!p1 [tilespmem:s6], [sflag:$0x11], $0x40, s2, s0, $0xb8;
	[tilespmem:$0x1EB40] =	vst v63  }
0xb3: {  	s0 =	simm.s32 @!p1 $0x11  }
0xb4: {  	_ =	swait.ge @!p1 [sflag:s0], $0x2000  }
0xb5: {  	[sflag:s0] =	ssyncset.done @!p1 $0x0  }
0xb6: {  	[sflag:s0] =	ssyncadd.s32 @!p1 $0xFFFFE000  }
0xb7: {  	[bflag:$0x0] =	sbarrier.arrive $0xFFFF  }
0xb8: {  	s30 =	rddreg [dreg:$0x7]  }
0xb9: {  	[hbm:s30], [sflag:s5] =	dma.local [spmem:s13], $0x1380  }
0xba: {  	_ =	swait.ge [sflag:s14], $0x1380  }
0xbb: {  	[sflag:s14] =	ssyncset.done $0x0  }
0xbc: {  	s0 =	rddreg [dreg:$0x8];
	[sflag:s14] =	ssyncadd.s32 $0xFFFFEC80  }
0xbd: {  	[hbm:s0], [sflag:s5] =	dma.local @!p0 [spmem:s15], $0x80  }
0xbe: {  	s0 =	simm.s32 @!p0 $0x11  }
0xbf: {  	_ =	swait.ge @!p0 [sflag:s0], $0x80  }
0xc0: {  	s11 =	sadd.s32 $0x1, s11;
	s31 =	rddreg [dreg:$0x9]  }
0xc1: {  	p2 =	sne.s32 s11, s31  }
.Ltmp1:
0xc2: {  	_ = 	snop;
	(pc) =	sbr.rel @p2 .LBB2_1-.Ltmp1, $3  }
0xc3: {  	_ =	sdelay $0x1  }
0xc4: {  	[sflag:s0] =	ssyncset.done @!p0 $0x0  }
0xc5: {  	[sflag:s0] =	ssyncadd.s32 @!p0 $0xFFFFFF80  }
0xc6: {  	_ =	sfence.sel $0x180000  }
0xc7: {  	[bflag:$0x0] =	sbarrier.arrive $0xFFFF  }
0xc8: {  	_ =	strace $0x90000047  }
0xc9: {  	[bflag:$0x2] =	sbarrier.arrive $0xFFFF  }
0xca: {  	s0 =	rddreg [dreg:$0x2]  }
0xcb: {  	s0 =	sadd.s32 @!p0 $0x100000, s0  }
0xcc: {  	[sflag:s0] =	ssyncadd.tile.s32 @!p0 $0x1;
	_ =	shalt  }
.Lfunc_end2:
_tile_overlayer_lowered:
.L_overlay_start_2:
0xcd: {  	(tag) =	ssettag $0x2  }
0xce: {  	s0 =	rddreg [dreg:$0x0];
	s2 =	stileid.u32  }
0xcf: {  	s1 =	rddreg [dreg:$0x1];
	p0 =	sne.s32 s2, $0x0  }
0xd0: {  	s3 =	rddreg [dreg:$0x2];
	[bflag:$0x3] =	sbarrier.arrive $0xFFFF;
	s2 =	simm.s32 @!p0 $0x1C11  }
0xd1: {  	[timem:s3], [sflag:s2] =	dma.local @!p0 [hbm:s0], s1  }
0xd2: {  	s0 =	simm.s32 @!p0 $0x11  }
0xd3: {  	_ =	swait.ge @!p0 [sflag:s0], s1  }
0xd4: {  	s1 =	ssub.s32 @!p0 $0x0, s1;
	[sflag:s0] =	ssyncset.done @!p0 $0x0  }
0xd5: {  	[sflag:s0] =	ssyncadd.s32 @!p0 s1  }
0xd6: {  	[bflag:$0x3] =	sbarrier.arrive $0xFFFF  }
0xd7: {  	_ =	shalt  }

// kernel: kernel.13.cloned.1.call-start
scs
__scs_entry_jumppad:
0x0: {  	(pc) =	sbr.rel $0x88, $3  }
0x1: {  	(tag) =	ssettag $0x0;
	lr =	simm.s32 $0x1  }
0x2: {  	[smem:$0x3F70] =	sst lr;
	_ =	strace $0xD0000000  }
0x3: {  	_ = 	snop  }
0x4: {  	_ = 	snop  }
0x5: {  	_ = 	snop  }
0x6: {  	_ = 	snop  }
0x7: {  	_ = 	snop  }
__scs_overlays_trampoline_lowered:
0x8: {  	[smem:$0x3F7F] =	sst s0  }
0x9: {  	[smem:$0x3F80] =	sst s1  }
0xa: {  	[smem:$0x3F81] =	sst s2  }
0xb: {  	[smem:$0x3F82] =	sst s3  }
0xc: {  	[smem:$0x3F83] =	sst s4  }
0xd: {  	[smem:$0x3F84] =	sst s5  }
0xe: {  	[smem:$0x3F85] =	sst s6  }
0xf: {  	[smem:$0x3F86] =	sst s7  }
0x10: {  	[smem:$0x3F87] =	sst s8  }
0x11: {  	[smem:$0x3F88] =	sst s9;
	s0 =	simm.s32 @!p0 $0x0  }
0x12: {  	s1 =	sld [smem:$0x3F6E];
	s0 =	simm.s32 @p0 $0x1  }
0x13: {  	[smem:$0x3F89] =	sst s0;
	s0 =	simm.s32 @!p1 $0x0  }
0x14: {  	s2 =	sld [smem:$0x3F6D];
	s0 =	simm.s32 @p1 $0x1  }
0x15: {  	[smem:$0x3F8A] =	sst s0;
	s0 =	simm.s32 @!p2 $0x0  }
0x16: {  	s3 =	sld [smem:$0x3FDB];
	s0 =	simm.s32 @p2 $0x1  }
0x17: {  	s4 =	simm.s32 $0x1BF5;
	[smem:$0x3F8C] =	sst s0  }
0x18: {  	s0 =	sld [smem:$0x3F6F];
	_ =	swait.ge [sflag:s4], $0x0  }
0x19: {  	s7 =	sld [smem:$0x3F70]  }
0x1a: {  	s8 =	sadd.s32 $0xFFFFE003, lr  }
0x1b: {  	s9 =	sadd.s32 $0xFFFFFEF7, lr;
	s5 =	simm.s32 $0xFFFFFFFF;
	p2 =	slt.u32 s8, $0xFFFFF086  }
0x1c: {  	p1 =	slt.u32 s9, $0xF7A;
	s5 =	simm.s32 @!p2 $0x0  }
0x1d: {  	s5 =	simm.s32 @p1 $0x1;
	p0 =	seq.s32 s7, s2  }
0x1e: {  	s7 =	smul.u32 @!p0 $0xF7A, s2;
	p2 =	seq.s32 @!p0 s5, $0x0  }
0x1f: {  	s9 =	smul.u32 $0xF7A, s1;
	s8 =	simm.s32 @!p0 $0x1BF5;
	p2 =	por !p2, p0  }
0x20: {  	[sflag:s8] =	ssyncset.s32 @!p0 $0xFFFFF086;
	s6 =	sadd.s32 @!p0 s3, s7;
	s7 =	simm.s32 @!p0 $0x108  }
0x21: {  	s3 =	sadd.s32 s3, s9;
	s6 =	sadd.s32 @!p0 $0x88, s6;
	s7 =	simm.s32 @p2 $0x1082  }
0x22: {  	[simem:s7], [sflag:s8] =	dma.local @!p0 [hbm:s6], $0xF7A  }
0x23: {  	s9 =	sor.u32 $0xD0000000, s2;
	s6 =	simm.s32 $0x108;
	_ =	swait.ge @!p0 [sflag:s8], $0x0  }
0x24: {  	s3 =	sadd.s32 $0x88, s3;
	s6 =	simm.s32 @!p1 $0x1082;
	[sflag:s4] =	ssyncset.s32 $0xFFFFF086  }
0x25: {  	[simem:s6], [sflag:s4] =	dma.local [hbm:s3], $0xF7A  }
0x26: {  	[smem:$0x3F70] =	sst s1;
	(tag) =	ssettag s2;
	_ =	strace s9  }
0x27: {  	s1 =	sld [smem:$0x3F80]  }
0x28: {  	s2 =	sld [smem:$0x3F81]  }
0x29: {  	s4 =	sld [smem:$0x3F83]  }
0x2a: {  	p0 =	seq.s32 s5, $0x0;
	s5 =	sld [smem:$0x3F84]  }
0x2b: {  	s6 =	sld [smem:$0x3F85]  }
0x2c: {  	s7 =	sld [smem:$0x3F86]  }
0x2d: {  	s3 =	simm.s32 $0x108;
	s8 =	sld [smem:$0x3F87]  }
0x2e: {  	s3 =	simm.s32 @!p0 $0x1082;
	s9 =	sld [smem:$0x3F88]  }
0x2f: {  	lr =	sadd.s32 s0, s3;
	s0 =	sld [smem:$0x3F7F]  }
0x30: {  	s3 =	sld [smem:$0x3F82]  }
0x31: {  	[smem:$0x3F8B] =	sst s10  }
0x32: {  	s10 =	sld [smem:$0x3F89];
	_ =	sdelay $0x3  }
0x33: {  	p0 =	seq.s32 s10, $0x1;
	s10 =	sld [smem:$0x3F8B];
	_ =	sdelay $0x3  }
0x34: {  	[smem:$0x3F8B] =	sst s10  }
0x35: {  	s10 =	sld [smem:$0x3F8A];
	_ =	sdelay $0x3  }
0x36: {  	p1 =	seq.s32 s10, $0x1;
	s10 =	sld [smem:$0x3F8B];
	_ =	sdelay $0x3  }
0x37: {  	[smem:$0x3F8B] =	sst s10  }
0x38: {  	s10 =	sld [smem:$0x3F8C]  }
0x39: {  	_ = 	snop;
	(pc) =	sbr.ind lr, $3  }
0x3a: {  	_ = 	snop  }
0x3b: {  	_ = 	snop  }
0x3c: {  	p2 =	seq.s32 s10, $0x1;
	s10 =	sld [smem:$0x3F8B]  }
0x3d: {  	_ =	shalt  }
0x3e: {  	_ =	shalt  }
0x3f: {  	_ =	shalt  }
0x40: {  	_ =	shalt  }
0x41: {  	_ =	shalt  }
0x42: {  	_ =	shalt  }
0x43: {  	_ =	shalt  }
0x44: {  	_ =	shalt  }
0x45: {  	_ =	shalt  }
0x46: {  	_ =	shalt  }
0x47: {  	_ =	shalt  }
0x48: {  	_ =	shalt  }
0x49: {  	_ =	shalt  }
0x4a: {  	_ =	shalt  }
0x4b: {  	_ =	shalt  }
0x4c: {  	_ =	shalt  }
0x4d: {  	_ =	shalt  }
0x4e: {  	_ =	shalt  }
0x4f: {  	_ =	shalt  }
0x50: {  	_ =	shalt  }
0x51: {  	_ =	shalt  }
0x52: {  	_ =	shalt  }
0x53: {  	_ =	shalt  }
0x54: {  	_ =	shalt  }
0x55: {  	_ =	shalt  }
0x56: {  	_ =	shalt  }
0x57: {  	_ =	shalt  }
0x58: {  	_ =	shalt  }
0x59: {  	_ =	shalt  }
0x5a: {  	_ =	shalt  }
0x5b: {  	_ =	shalt  }
0x5c: {  	_ =	shalt  }
0x5d: {  	_ =	shalt  }
0x5e: {  	_ =	shalt  }
0x5f: {  	_ =	shalt  }
0x60: {  	_ =	shalt  }
0x61: {  	_ =	shalt  }
0x62: {  	_ =	shalt  }
0x63: {  	_ =	shalt  }
0x64: {  	_ =	shalt  }
0x65: {  	_ =	shalt  }
0x66: {  	_ =	shalt  }
0x67: {  	_ =	shalt  }
0x68: {  	_ =	shalt  }
0x69: {  	_ =	shalt  }
0x6a: {  	_ =	shalt  }
0x6b: {  	_ =	shalt  }
0x6c: {  	_ =	shalt  }
0x6d: {  	_ =	shalt  }
0x6e: {  	_ =	shalt  }
0x6f: {  	_ =	shalt  }
0x70: {  	_ =	shalt  }
0x71: {  	_ =	shalt  }
0x72: {  	_ =	shalt  }
0x73: {  	_ =	shalt  }
0x74: {  	_ =	shalt  }
0x75: {  	_ =	shalt  }
0x76: {  	_ =	shalt  }
0x77: {  	_ =	shalt  }
0x78: {  	_ =	shalt  }
0x79: {  	_ =	shalt  }
0x7a: {  	_ =	shalt  }
0x7b: {  	_ =	shalt  }
0x7c: {  	_ =	shalt  }
0x7d: {  	_ =	shalt  }
0x7e: {  	_ =	shalt  }
0x7f: {  	_ =	shalt  }
0x80: {  	_ =	shalt  }
0x81: {  	_ =	shalt  }
0x82: {  	_ =	shalt  }
0x83: {  	_ =	shalt  }
0x84: {  	_ =	shalt  }
0x85: {  	_ =	shalt  }
0x86: {  	_ =	shalt  }
0x87: {  	_ =	shalt  }
.Lfunc_end0:
.L_simem_size_0:
called_computation.1_lowered:
.L_overlay_start_0:
0x88: {  	s2 =	sld [smem:$0x3FD9]  }
0x89: {  	s3 =	sld [smem:$0x3FFE];
	_ =	sdelay $0x1  }
0x8a: {  	s1 =	srdreg.scid  }
0x8b: {  	s0 =	sand.u32 $0x1, s1  }
0x8c: {  	s16 =	sshll.u32 s0, $0xA;
	s2 =	sadd.s32 s3, s2  }
0x8d: {  	s2 =	sadd.s32 s2, s16  }
0x8e: {  	[smem:$0x3F97] =	sst s2  }
0x8f: {  	_ = 	snop  }
0x90: {  	(tm) =	ssettm $0x1  }
0x91: {  	s17 =	sld [smem:$0x3FFB];
	_ =	sdelay $0x3  }
0x92: {  	_ =	strace s17  }
0x93: {  	s2 =	sld [smem:$0x3FFC];
	_ =	sdelay $0x3  }
0x94: {  	_ =	strace s2  }
0x95: {  	s2 =	sld [smem:$0x3FFD];
	_ =	sdelay $0x3  }
0x96: {  	_ =	strace s2  }
0x97: {  	_ =	strace $0x8FFFFFFF  }
0x98: {  	s18 =	sld [smem:$0x3FDB];
	_ =	sdelay $0x1  }
0x99: {  	s19 =	simm.s32 $_scs_section_size  }
0x9a: {  	s4 =	simm.s32 $_size__tile_overlayer_lowered;
	s5 =	simm.s32 $_tile_overlayer_lowered  }
0x9b: {  	s22 =	simm.s32 $0x1BFF;
	s21 =	sshll.u32 s5, $0x1;
	s2 =	sadd.s32 s19, s18  }
0x9c: {  	s6 =	simm.s32 $0x0;
	s20 =	sshll.u32 s4, $0x1;
	s4 =	sadd.s32 s21, s2  }
0x9d: {  	[timem:s6], [sflag:s22] =	dma.local [hbm:s4], s20  }
0x9e: {  	_ =	swait.ge [sflag:s22], s20  }
0x9f: {  	s3 =	ssub.s32 $0x0, s20;
	[sflag:s22] =	ssyncset.done $0x0  }
0xa0: {  	[sflag:s22] =	ssyncadd.s32 s3;
	_ =	sdelay $0x1  }
0xa1: {  	s23 =	simm.s32 $0x1B8B  }
0xa2: {  	_ =	swait.ge [sflag:s23], $0x1  }
0xa3: {  	[sflag:s23] =	ssyncset.done $0x0  }
0xa4: {  	s25 =	simm.s32 $0x1B8E;
	s24 =	sld [smem:$0x3FFE];
	[sflag:s23] =	ssyncadd.s32 $0xFFFFFFFF  }
0xa5: {  	s26 =	simm.s32 $execute0_lowered;
	[smem:$0x3FD2] =	sst s25  }
0xa6: {  	s4 =	sshll.u32 s26, $0x1;
	_ =	strace $0x80000049;
	[dreg:$0x1] =	wrdreg $0xFFFFFFFF  }
0xa7: {  	s28 =	simm.s32 $_size_execute0_lowered;
	s2 =	sadd.s32 s2, s4;
	[dreg:$0x0] =	wrdreg $0x0  }
0xa8: {  	s4 =	sshll.u32 s28, $0x1;
	[dreg:$0x2] =	wrdreg s2  }
0xa9: {  	[dreg:$0x3] =	wrdreg s4  }
0xaa: {  	[dreg:$0x4] =	wrdreg $0xC0  }
0xab: {  	_ =	task [dreg:s6], $0x5FFFF  }
0xac: {  	[dreg:$0x1] =	wrdreg $0xFFFFFFFF  }
0xad: {  	[dreg:$0x0] =	wrdreg $0x60  }
0xae: {  	[dreg:$0x2] =	wrdreg s24  }
0xaf: {  	[dreg:$0x3] =	wrdreg $0x14F000  }
0xb0: {  	[dreg:$0x4] =	wrdreg $0x9  }
0xb1: {  	_ =	task.clear_ibuf [dreg:s6], $0x5FFFF;
	_ =	strace $0x90000049  }
0xb2: {  	s29 =	simm.s32 $0x9;
	_ =	strace $0x8000004B  }
0xb3: {  	_ =	swait.ge [sflag:s29], $0x1  }
0xb4: {  	[sflag:s29] =	ssyncadd.s32 $0xFFFFFFFF  }
0xb5: {  	_ =	strace $0x9000004B  }
0xb6: {  	_ =	sfence  }
0xb7: {  	s30 =	sld [smem:$0x0];
	_ =	sdelay $0x2  }
0xb8: {  	s31 =	sshll.u32 s1, $0xD;
	s1 =	sshrl.u32 s1, $0x2  }
0xb9: {  	s3 =	sand.u32 $0x4000, s31;
	s1 =	sadd.s32 s1, s30  }
0xba: {  	s0 =	sor.u32 s3, s0;
	s1 =	sshll.u32 s1, $0x11  }
0xbb: {  	s0 =	sor.u32 s1, s0  }
0xbc: {  	s0 =	sadd.s32 $0x8F2B, s0  }
0xbd: {  	[sflag:s0] =	ssyncadd.remote.s32 $0x1  }
0xbe: {  	_ =	sfence.sel $0xFFFF  }
0xbf: {  	[dreg:$0x0] =	wrdreg $0xFFFFFFFF;
	(pc) =	sbr.abs _section_cstart, $3  }
0xc0: {  	[dreg:$0x1] =	wrdreg $0xFFFFFFFF  }
0xc1: {  	_ =	task.clear_ibuf [dreg:s6], $0x2FFFF;
	_ =	strace $0x9FFFFFFF  }
0xc2: {  	(tm) =	ssettm $0x7FFFFFFF  }
0xc3: {  	_ =	shalt  }
tec
execute0_lowered:
.L_overlay_start_1:
0x0: {  	(tag) =	ssettag $0x1  }
0x1: {  	s0 =	srdreg.scid  }
0x2: {  	s2 =	stileid.u32;
	s5 =	rddreg [dreg:$0x0];
	s6 =	simm.s32 $0x0  }
0x3: {  	s14 =	simm.s32 $0x11;
	s17 =	simm.s32 $0x80;
	s18 =	simm.s32 $0x4F00  }
0x4: {  	s19 =	simm.s32 $0x6F00;
	s21 =	simm.s32 $0x8F00;
	s28 =	simm.s32 $0xEF00  }
0x5: {  	s16 =	simm.s32 $0x1;
	s20 =	simm.s32 $0x2;
	s29 =	simm.s32 $0x6  }
0x6: {  	s0 =	sand.u32 $0x1, s0;
	s1 =	sshll.u32 s2, $0x1;
	[smem:$0x7FF] =	sst s6  }
0x7: {  	s9 =	smul.u32 $0x9C00, s2;
	s10 =	sadd.s32 $0x31C00, s5;
	s23 =	sshll.u32 s2, $0x6  }
0x8: {  	p0 =	sne.s32 s2, $0x0;
	p1 =	sgt.u32 s2, $0x1;
	s3 =	sor.u32 s0, s1  }
0x9: {  	s1 =	rddreg [dreg:$0x1];
	s7 =	ssub.s32 $0x2, s0;
	s0 =	smul.u32 $0x9C400, s0  }
0xa: {  	_ =	strace $0x8000004A;
	s4 =	smul.u32 $0x4E, s3;
	s3 =	smin.u32 s3, $0x4  }
0xb: {  	s8 =	sshrl.u32 s7, $0x1;
	s24 =	sadd.s32 s9, s1;
	s11 =	sadd.s32 $0x9C000, s1  }
0xc: {  	s7 =	ssub.s32 s7, s8;
	s9 =	sadd.s32 s9, s0;
	s0 =	sshrl.u32 s0, $0x3  }
0xd: {  	s13 =	sshrl.u32 s24, $0x3;
	s15 =	sshrl.u32 @!p0 s11, $0x3;
	s24 =	simm.s32 $0x4  }
0xe: {  	s8 =	simm.s32 $0xE;
	s11 =	simm.s32 $0x0;
	s3 =	sadd.s32 s3, s4  }
0xf: {  	s30 =	sshrl.u32 s9, $0x3;
	s0 =	sadd.s32 s10, s0;
	s31 =	smax.u32 s7, $0x1  }
0x10: {  	s9 =	simm.s32 $0xF;
	s4 =	sshll.u32 s3, $0x4;
	s3 =	sadd.s32 $0x1CE00, s5  }
0x11: {  	s0 =	sadd.s32 $0x13800, s0;
	[dreg:$0x9] =	wrdreg s31;
	s22 =	sadd.s32 s4, s5  }
0x12: {  	s4 =	sadd.s32 $0x30800, s5;
	[dreg:$0x8] =	wrdreg s0;
	s12 =	sadd.s32 $0x9400, s22  }
0x13: {  	s5 =	sor.u32 $0x1C11, s23;
	s25 =	sadd.s32 $0x13040, s22;
	[dreg:$0x3] =	wrdreg s12  }
0x14: {  	s23 =	simm.s32 $0xAF00;
	s26 =	sadd.s32 $0x98E0, s22;
	[dreg:$0x4] =	wrdreg s25  }
0x15: {  	s6 =	sadd.s32 $0x13520, s22;
	s22 =	simm.s32 $0x3;
	[dreg:$0x5] =	wrdreg s26  }
0x16: {  	[dreg:$0x6] =	wrdreg s6;
	s6 =	sadd.s32 s10, s30;
	s25 =	simm.s32 $0xCF00  }
0x17: {  	s26 =	simm.s32 $0x5;
	s10 =	simm.s32 $0x10;
	[dreg:$0x7] =	wrdreg s6  }
.LBB2_1:
0x18: {  	[spmem:s13], [sflag:s5] =	dma.local [hbm:s4], $0x1380  }
0x19: {  	_ =	swait.ge [sflag:s14], $0x1380  }
0x1a: {  	[sflag:s14] =	ssyncset.done $0x0  }
0x1b: {  	s2 =	simm.s32 @!p0 $0x11;
	[sflag:s14] =	ssyncadd.s32 $0xFFFFEC80  }
0x1c: {  	[spmem:s15], [sflag:s5] =	dma.local @!p0 [hbm:s4], $0x80  }
0x1d: {  	_ =	swait.ge @!p0 [sflag:s2], $0x80  }
0x1e: {  	[sflag:s2] =	ssyncset.done @!p0 $0x0  }
0x1f: {  	s0 =	simm.s32 $0x0;
	s12 =	rddreg [dreg:$0x3];
	[sflag:s2] =	ssyncadd.s32 @!p0 $0xFFFFFF80  }
0x20: {  	[tilespmem:s0], [sflag:$0x11] =	stream.linear.gather [hbm4b:s12+s0], $0x2700, $0x38;
	[tilespmem:$0x1EB40] =	vst v63  }
0x21: {  	_ =	swait.ge [sflag:s14], $0x2700  }
0x22: {  	[sflag:s14] =	ssyncset.done $0x0  }
0x23: {  	s6 =	simm.s32 $0x2780;
	s31 =	rddreg [dreg:$0x4];
	[sflag:s14] =	ssyncadd.s32 $0xFFFFD900  }
0x24: {  	[tilespmem:s6], [sflag:$0x11] =	stream.linear.gather [hbm4b:s31+s0], $0x2700, $0x38;
	[tilespmem:$0x1EB40] =	vst v63  }
0x25: {  	_ =	swait.ge [sflag:s14], $0x2700  }
0x26: {  	s2 =	simm.s32 @!p1 $0x0;
	[sflag:s14] =	ssyncset.done $0x0  }
0x27: {  	s12 =	simm.s32 @!p1 $0x2700;
	s6 =	rddreg [dreg:$0x5];
	[sflag:s14] =	ssyncadd.s32 $0xFFFFD900  }
0x28: {  	[tilespmem:s12], [sflag:$0x11] =	stream.linear.gather @!p1 [hbm4b:s6+s2], $0x80, $0x38;
	[tilespmem:$0x1EB40] =	vst v63  }
0x29: {  	s12 =	simm.s32 @!p1 $0x11  }
0x2a: {  	_ =	swait.ge @!p1 [sflag:s12], $0x80  }
0x2b: {  	[sflag:s12] =	ssyncset.done @!p1 $0x0  }
0x2c: {  	s30 =	simm.s32 @!p1 $0x4E80;
	s6 =	rddreg [dreg:$0x6];
	[sflag:s12] =	ssyncadd.s32 @!p1 $0xFFFFFF80  }
0x2d: {  	[tilespmem:s30], [sflag:$0x11] =	stream.linear.gather @!p1 [hbm4b:s6+s2], $0x80, $0x38;
	[tilespmem:$0x1EB40] =	vst v63  }
0x2e: {  	_ =	swait.ge @!p1 [sflag:s12], $0x80  }
0x2f: {  	[sflag:s12] =	ssyncset.done @!p1 $0x0  }
0x30: {  	[sflag:s12] =	ssyncadd.s32 @!p1 $0xFFFFFF80  }
0x31: {  	[bflag:$0x0] =	sbarrier.arrive $0xFFFF  }
0x32: {  	[tilespmem:s18], [sflag:$0x1] =	stream.indirect.gather [hbm4b:s3+s17], $0x40, s0, s17, $0xb8;
	[tilespmem:$0x1EB40] =	vst v63  }
0x33: {  	_ = 	snop  }
0x34: {  	[tilespmem:s19], [sflag:$0x2] =	stream.indirect.gather [hbm4b:s3+s17], $0x40, s17, s17, $0xb8;
	[tilespmem:$0x1EB40] =	vst v63  }
0x35: {  	s7 =	simm.s32 $0x100  }
0x36: {  	[tilespmem:s21], [sflag:$0x3] =	stream.indirect.gather [hbm4b:s3+s17], $0x40, s7, s17, $0xb8;
	[tilespmem:$0x1EB40] =	vst v63  }
0x37: {  	s12 =	simm.s32 $0x180  }
0x38: {  	[tilespmem:s23], [sflag:$0x4] =	stream.indirect.gather [hbm4b:s3+s17], $0x40, s12, s17, $0xb8;
	[tilespmem:$0x1EB40] =	vst v63  }
0x39: {  	s31 =	simm.s32 $0x200  }
0x3a: {  	[tilespmem:s25], [sflag:$0x5] =	stream.indirect.gather [hbm4b:s3+s17], $0x40, s31, s17, $0xb8;
	[tilespmem:$0x1EB40] =	vst v63  }
0x3b: {  	s2 =	simm.s32 $0x280  }
0x3c: {  	[tilespmem:s28], [sflag:$0x6] =	stream.indirect.gather [hbm4b:s3+s17], $0x40, s2, s17, $0xb8;
	[tilespmem:$0x1EB40] =	vst v63  }
0x3d: {  	s6 =	simm.s32 $0x300;
	s7 =	simm.s32 $0x10F00  }
0x3e: {  	[tilespmem:s7], [sflag:$0x7] =	stream.indirect.gather [hbm4b:s3+s17], $0x40, s6, s17, $0xb8;
	[tilespmem:$0x1EB40] =	vst v63  }
0x3f: {  	s12 =	simm.s32 $0x380;
	s31 =	simm.s32 $0x12F00  }
0x40: {  	[tilespmem:s31], [sflag:$0x8] =	stream.indirect.gather [hbm4b:s3+s17], $0x40, s12, s17, $0xb8;
	[tilespmem:$0x1EB40] =	vst v63  }
0x41: {  	s30 =	simm.s32 $0x0;
	s2 =	simm.s32 $0x0;
	s12 =	simm.s32 $0x6  }
.LBB2_2:
0x42: {  	_ =	swait.ge [sflag:s16], $0x2000  }
0x43: {  	s31 =	sshra.s32 s2, $0x2;
	[sflag:s16] =	ssyncset.done $0x0  }
0x44: {  	s0 =	sadd.s32 $0x2780, s31;
	[sflag:s16] =	ssyncadd.s32 $0xFFFFE000  }
0x45: {  	[spmem:s1] =	stream.indirect.scatter.add.f32 [tilespmem:s18], [sflag:$0x9], $0x40, s0, s17, $0xb8;
	[tilespmem:$0x1EB40] =	vst v63  }
0x46: {  	_ =	swait.ge [sflag:s20], $0x2000  }
0x47: {  	[sflag:s20] =	ssyncset.done $0x0  }
0x48: {  	s6 =	sadd.s32 $0x2800, s31;
	[sflag:s20] =	ssyncadd.s32 $0xFFFFE000  }
0x49: {  	[spmem:s1] =	stream.indirect.scatter.add.f32 [tilespmem:s19], [sflag:$0xA], $0x40, s6, s17, $0xb8;
	[tilespmem:$0x1EB40] =	vst v63  }
0x4a: {  	_ =	swait.ge [sflag:s22], $0x2000  }
0x4b: {  	[sflag:s22] =	ssyncset.done $0x0  }
0x4c: {  	s7 =	sadd.s32 $0x2880, s31;
	[sflag:s22] =	ssyncadd.s32 $0xFFFFE000  }
0x4d: {  	[spmem:s1] =	stream.indirect.scatter.add.f32 [tilespmem:s21], [sflag:$0xB], $0x40, s7, s17, $0xb8;
	[tilespmem:$0x1EB40] =	vst v63  }
0x4e: {  	_ =	swait.ge [sflag:s24], $0x2000  }
0x4f: {  	[sflag:s24] =	ssyncset.done $0x0  }
0x50: {  	s6 =	sadd.s32 $0x2900, s31;
	[sflag:s24] =	ssyncadd.s32 $0xFFFFE000  }
0x51: {  	[spmem:s1] =	stream.indirect.scatter.add.f32 [tilespmem:s23], [sflag:$0xC], $0x40, s6, s17, $0xb8;
	[tilespmem:$0x1EB40] =	vst v63  }
0x52: {  	_ =	swait.ge [sflag:s26], $0x2000  }
0x53: {  	[sflag:s26] =	ssyncset.done $0x0  }
0x54: {  	s7 =	sadd.s32 $0x2980, s31;
	[sflag:s26] =	ssyncadd.s32 $0xFFFFE000  }
0x55: {  	[spmem:s1] =	stream.indirect.scatter.add.f32 [tilespmem:s25], [sflag:$0xD], $0x40, s7, s17, $0xb8;
	[tilespmem:$0x1EB40] =	vst v63  }
0x56: {  	_ =	swait.ge [sflag:s29], $0x2000  }
0x57: {  	p2 =	sgt.u32 s12, $0x4D;
	[sflag:s29] =	ssyncset.done $0x0  }
0x58: {  	s0 =	simm.s32 @!p2 $0x7;
	s31 =	sadd.s32 $0x2A00, s31;
	[sflag:s29] =	ssyncadd.s32 $0xFFFFE000  }
0x59: {  	[spmem:s1] =	stream.indirect.scatter.add.f32 [tilespmem:s28], [sflag:$0xE], $0x40, s31, s17, $0xb8;
	[tilespmem:$0x1EB40] =	vst v63  }
0x5a: {  	_ =	swait.ge @!p2 [sflag:s0], $0x2000  }
0x5b: {  	[sflag:s0] =	ssyncset.done @!p2 $0x0  }
0x5c: {  	[sflag:s0] =	ssyncadd.s32 @!p2 $0xFFFFE000;
	s0 =	sshra.s32 @!p2 s2, $0x2  }
0x5d: {  	s6 =	simm.s32 @!p2 $0x80;
	s7 =	simm.s32 @!p2 $0x10F00;
	s31 =	sadd.s32 @!p2 $0x2A80, s0  }
0x5e: {  	[spmem:s1] =	stream.indirect.scatter.add.f32 @!p2 [tilespmem:s7], [sflag:$0xF], $0x40, s31, s6, $0xb8;
	[tilespmem:$0x1EB40] =	vst v63  }
0x5f: {  	s7 =	simm.s32 @!p2 $0x8  }
0x60: {  	_ =	swait.ge @!p2 [sflag:s7], $0x2000  }
0x61: {  	[sflag:s7] =	ssyncset.done @!p2 $0x0  }
0x62: {  	s0 =	sadd.s32 @!p2 $0x2B00, s0;
	[sflag:s7] =	ssyncadd.s32 @!p2 $0xFFFFE000;
	s7 =	simm.s32 @!p2 $0x12F00  }
0x63: {  	[spmem:s1] =	stream.indirect.scatter.add.f32 @!p2 [tilespmem:s7], [sflag:$0x10], $0x40, s0, s6, $0xb8;
	[tilespmem:$0x1EB40] =	vst v63  }
0x64: {  	p2 =	seq.s32 s2, $0x9000  }
0x65: {  	s0 =	simm.s32 @!p2 $0x9  }
0x66: {  	_ =	swait.ge @!p2 [sflag:s0], $0x2000  }
0x67: {  	[sflag:s0] =	ssyncset.done @!p2 $0x0  }
0x68: {  	[sflag:s0] =	ssyncadd.s32 @!p2 $0xFFFFE000;
	s0 =	sshra.s32 @!p2 s2, $0x2  }
0x69: {  	s7 =	simm.s32 @!p2 $0x80;
	s31 =	simm.s32 @!p2 $0x4F00;
	s6 =	sadd.s32 @!p2 $0x400, s0  }
0x6a: {  	[tilespmem:s31], [sflag:$0x1] =	stream.indirect.gather @!p2 [hbm4b:s3+s7], $0x40, s6, s7, $0xb8;
	[tilespmem:$0x1EB40] =	vst v63  }
0x6b: {  	s6 =	simm.s32 @!p2 $0xA  }
0x6c: {  	_ =	swait.ge @!p2 [sflag:s6], $0x2000  }
0x6d: {  	[sflag:s6] =	ssyncset.done @!p2 $0x0  }
0x6e: {  	s31 =	simm.s32 @!p2 $0x6F00;
	[sflag:s6] =	ssyncadd.s32 @!p2 $0xFFFFE000;
	s6 =	sadd.s32 @!p2 $0x480, s0  }
0x6f: {  	[tilespmem:s31], [sflag:$0x2] =	stream.indirect.gather @!p2 [hbm4b:s3+s7], $0x40, s6, s7, $0xb8;
	[tilespmem:$0x1EB40] =	vst v63  }
0x70: {  	s6 =	simm.s32 @!p2 $0xB  }
0x71: {  	_ =	swait.ge @!p2 [sflag:s6], $0x2000  }
0x72: {  	[sflag:s6] =	ssyncset.done @!p2 $0x0  }
0x73: {  	s31 =	simm.s32 @!p2 $0x8F00;
	[sflag:s6] =	ssyncadd.s32 @!p2 $0xFFFFE000;
	s6 =	sadd.s32 @!p2 $0x500, s0  }
0x74: {  	[tilespmem:s31], [sflag:$0x3] =	stream.indirect.gather @!p2 [hbm4b:s3+s7], $0x40, s6, s7, $0xb8;
	[tilespmem:$0x1EB40] =	vst v63  }
0x75: {  	s6 =	simm.s32 @!p2 $0xC  }
0x76: {  	_ =	swait.ge @!p2 [sflag:s6], $0x2000  }
0x77: {  	[sflag:s6] =	ssyncset.done @!p2 $0x0  }
0x78: {  	s31 =	simm.s32 @!p2 $0xAF00;
	[sflag:s6] =	ssyncadd.s32 @!p2 $0xFFFFE000;
	s6 =	sadd.s32 @!p2 $0x580, s0  }
0x79: {  	[tilespmem:s31], [sflag:$0x4] =	stream.indirect.gather @!p2 [hbm4b:s3+s7], $0x40, s6, s7, $0xb8;
	[tilespmem:$0x1EB40] =	vst v63  }
0x7a: {  	s6 =	simm.s32 @!p2 $0xD  }
0x7b: {  	_ =	swait.ge @!p2 [sflag:s6], $0x2000  }
0x7c: {  	[sflag:s6] =	ssyncset.done @!p2 $0x0  }
0x7d: {  	s31 =	simm.s32 @!p2 $0xCF00;
	[sflag:s6] =	ssyncadd.s32 @!p2 $0xFFFFE000;
	s6 =	sadd.s32 @!p2 $0x600, s0  }
0x7e: {  	[tilespmem:s31], [sflag:$0x5] =	stream.indirect.gather @!p2 [hbm4b:s3+s7], $0x40, s6, s7, $0xb8;
	[tilespmem:$0x1EB40] =	vst v63  }
0x7f: {  	s6 =	simm.s32 @!p2 $0xE  }
0x80: {  	p3 =	sgt.u32 @!p2 s30, $0x7;
	_ =	swait.ge @!p2 [sflag:s6], $0x2000  }
0x81: {  	p3 =	por p3, p2;
	[sflag:s6] =	ssyncset.done @!p2 $0x0  }
0x82: {  	s0 =	sadd.s32 @!p2 $0x680, s0;
	[sflag:s6] =	ssyncadd.s32 @!p2 $0xFFFFE000;
	s6 =	simm.s32 @!p2 $0xEF00  }
0x83: {  	[tilespmem:s6], [sflag:$0x6] =	stream.indirect.gather @!p2 [hbm4b:s3+s7], $0x40, s0, s7, $0xb8;
	[tilespmem:$0x1EB40] =	vst v63  }
0x84: {  	s0 =	simm.s32 @!p3 $0xF  }
0x85: {  	_ =	swait.ge @!p3 [sflag:s0], $0x2000  }
0x86: {  	[sflag:s0] =	ssyncset.done @!p3 $0x0  }
0x87: {  	[sflag:s0] =	ssyncadd.s32 @!p3 $0xFFFFE000;
	s0 =	sshra.s32 @!p3 s2, $0x2  }
0x88: {  	s31 =	simm.s32 @!p3 $0x10F00;
	s7 =	simm.s32 @!p3 $0x80;
	s6 =	sadd.s32 @!p3 $0x700, s0  }
0x89: {  	[tilespmem:s31], [sflag:$0x7] =	stream.indirect.gather @!p3 [hbm4b:s3+s7], $0x40, s6, s7, $0xb8;
	[tilespmem:$0x1EB40] =	vst v63  }
0x8a: {  	s6 =	simm.s32 @!p3 $0x10  }
0x8b: {  	_ =	swait.ge @!p3 [sflag:s6], $0x2000  }
0x8c: {  	s2 =	sadd.s32 @!p2 $0x1000, s2;
	[sflag:s6] =	ssyncset.done @!p3 $0x0  }
0x8d: {  	s0 =	sadd.s32 @!p3 $0x780, s0;
	[sflag:s6] =	ssyncadd.s32 @!p3 $0xFFFFE000;
	s6 =	simm.s32 @!p3 $0x12F00  }
0x8e: {  	[tilespmem:s6], [sflag:$0x8] =	stream.indirect.gather @!p3 [hbm4b:s3+s7], $0x40, s0, s7, $0xb8;
	[tilespmem:$0x1EB40] =	vst v63  }
0x8f: {  	p3 =	sne.s32 @!p2 s2, $0xA000  }
0x90: {  	p3 =	por p2, !p3  }
.Ltmp0:
0x91: {  	_ = 	snop;
	(pc) =	sbr.rel @!p3 .LBB2_2-.Ltmp0, $2  }
0x92: {  	_ =	sdelay $0x2  }
0x93: {  	s30 =	sadd.s32 @!p2 $0x1, s30;
	s12 =	sadd.s32 @!p2 $0x8, s12  }
0x94: {  	s0 =	simm.s32 $0x9  }
0x95: {  	_ =	swait.ge [sflag:s0], $0x2000  }
0x96: {  	[sflag:s0] =	ssyncset.done $0x0  }
0x97: {  	s2 =	simm.s32 $0xA;
	[sflag:s0] =	ssyncadd.s32 $0xFFFFE000  }
0x98: {  	_ =	swait.ge [sflag:s2], $0x2000  }
0x99: {  	[sflag:s2] =	ssyncset.done $0x0  }
0x9a: {  	s6 =	simm.s32 $0xB;
	[sflag:s2] =	ssyncadd.s32 $0xFFFFE000  }
0x9b: {  	_ =	swait.ge [sflag:s6], $0x2000  }
0x9c: {  	[sflag:s6] =	ssyncset.done $0x0  }
0x9d: {  	s7 =	simm.s32 $0xC;
	[sflag:s6] =	ssyncadd.s32 $0xFFFFE000  }
0x9e: {  	_ =	swait.ge [sflag:s7], $0x2000  }
0x9f: {  	[sflag:s7] =	ssyncset.done $0x0  }
0xa0: {  	s12 =	simm.s32 $0xD;
	[sflag:s7] =	ssyncadd.s32 $0xFFFFE000  }
0xa1: {  	_ =	swait.ge [sflag:s12], $0x2000  }
0xa2: {  	[sflag:s12] =	ssyncset.done $0x0  }
0xa3: {  	[sflag:s12] =	ssyncadd.s32 $0xFFFFE000  }
0xa4: {  	_ =	swait.ge [sflag:s8], $0x2000  }
0xa5: {  	[sflag:s8] =	ssyncset.done $0x0  }
0xa6: {  	[sflag:s8] =	ssyncadd.s32 $0xFFFFE000  }
0xa7: {  	_ =	swait.ge [sflag:s9], $0x2000  }
0xa8: {  	[sflag:s9] =	ssyncset.done $0x0  }
0xa9: {  	[sflag:s9] =	ssyncadd.s32 $0xFFFFE000  }
0xaa: {  	_ =	swait.ge [sflag:s10], $0x2000  }
0xab: {  	s0 =	simm.s32 @!p1 $0x80;
	[sflag:s10] =	ssyncset.done $0x0  }
0xac: {  	s2 =	simm.s32 @!p1 $0x2700;
	s6 =	simm.s32 @!p1 $0x4F00;
	[sflag:s10] =	ssyncadd.s32 $0xFFFFE000  }
0xad: {  	[tilespmem:s6], [sflag:$0x1] =	stream.indirect.gather @!p1 [hbm4b:s3+s0], $0x40, s2, s0, $0xb8;
	[tilespmem:$0x1EB40] =	vst v63  }
0xae: {  	s2 =	simm.s32 @!p1 $0x1  }
0xaf: {  	_ =	swait.ge @!p1 [sflag:s2], $0x2000  }
0xb0: {  	[sflag:s2] =	ssyncset.done @!p1 $0x0  }
0xb1: {  	[sflag:s2] =	ssyncadd.s32 @!p1 $0xFFFFE000;
	s2 =	simm.s32 @!p1 $0x4E80  }
0xb2: {  	[spmem:s1] =	stream.indirect.scatter.add.f32 @!p1 [tilespmem:s6], [sflag:$0x11], $0x40, s2, s0, $0xb8;
	[tilespmem:$0x1EB40] =	vst v63  }
0xb3: {  	s0 =	simm.s32 @!p1 $0x11  }
0xb4: {  	_ =	swait.ge @!p1 [sflag:s0], $0x2000  }
0xb5: {  	[sflag:s0] =	ssyncset.done @!p1 $0x0  }
0xb6: {  	[sflag:s0] =	ssyncadd.s32 @!p1 $0xFFFFE000  }
0xb7: {  	[bflag:$0x0] =	sbarrier.arrive $0xFFFF  }
0xb8: {  	s30 =	rddreg [dreg:$0x7]  }
0xb9: {  	[hbm:s30], [sflag:s5] =	dma.local [spmem:s13], $0x1380  }
0xba: {  	_ =	swait.ge [sflag:s14], $0x1380  }
0xbb: {  	[sflag:s14] =	ssyncset.done $0x0  }
0xbc: {  	s0 =	rddreg [dreg:$0x8];
	[sflag:s14] =	ssyncadd.s32 $0xFFFFEC80  }
0xbd: {  	[hbm:s0], [sflag:s5] =	dma.local @!p0 [spmem:s15], $0x80  }
0xbe: {  	s0 =	simm.s32 @!p0 $0x11  }
0xbf: {  	_ =	swait.ge @!p0 [sflag:s0], $0x80  }
0xc0: {  	s11 =	sadd.s32 $0x1, s11;
	s31 =	rddreg [dreg:$0x9]  }
0xc1: {  	p2 =	sne.s32 s11, s31  }
.Ltmp1:
0xc2: {  	_ = 	snop;
	(pc) =	sbr.rel @p2 .LBB2_1-.Ltmp1, $3  }
0xc3: {  	_ =	sdelay $0x1  }
0xc4: {  	[sflag:s0] =	ssyncset.done @!p0 $0x0  }
0xc5: {  	[sflag:s0] =	ssyncadd.s32 @!p0 $0xFFFFFF80  }
0xc6: {  	_ =	sfence.sel $0x180000  }
0xc7: {  	[bflag:$0x0] =	sbarrier.arrive $0xFFFF  }
0xc8: {  	_ =	strace $0x9000004A  }
0xc9: {  	[bflag:$0x2] =	sbarrier.arrive $0xFFFF  }
0xca: {  	s0 =	rddreg [dreg:$0x2]  }
0xcb: {  	s0 =	sadd.s32 @!p0 $0x100000, s0  }
0xcc: {  	[sflag:s0] =	ssyncadd.tile.s32 @!p0 $0x1;
	_ =	shalt  }
.Lfunc_end2:
_tile_overlayer_lowered:
.L_overlay_start_2:
0xcd: {  	(tag) =	ssettag $0x2  }
0xce: {  	s0 =	rddreg [dreg:$0x0];
	s2 =	stileid.u32  }
0xcf: {  	s1 =	rddreg [dreg:$0x1];
	p0 =	sne.s32 s2, $0x0  }
0xd0: {  	s3 =	rddreg [dreg:$0x2];
	[bflag:$0x3] =	sbarrier.arrive $0xFFFF;
	s2 =	simm.s32 @!p0 $0x1C11  }
0xd1: {  	[timem:s3], [sflag:s2] =	dma.local @!p0 [hbm:s0], s1  }
0xd2: {  	s0 =	simm.s32 @!p0 $0x11  }
0xd3: {  	_ =	swait.ge @!p0 [sflag:s0], s1  }
0xd4: {  	s1 =	ssub.s32 @!p0 $0x0, s1;
	[sflag:s0] =	ssyncset.done @!p0 $0x0  }
0xd5: {  	[sflag:s0] =	ssyncadd.s32 @!p0 s1  }
0xd6: {  	[bflag:$0x3] =	sbarrier.arrive $0xFFFF  }
0xd7: {  	_ =	shalt  }

// kernel: kernel.16.cloned.1.call-start
scs
__scs_entry_jumppad:
0x0: {  	(pc) =	sbr.rel $0x88, $3  }
0x1: {  	(tag) =	ssettag $0x0;
	lr =	simm.s32 $0x1  }
0x2: {  	[smem:$0x3F70] =	sst lr;
	_ =	strace $0xD0000000  }
0x3: {  	_ = 	snop  }
0x4: {  	_ = 	snop  }
0x5: {  	_ = 	snop  }
0x6: {  	_ = 	snop  }
0x7: {  	_ = 	snop  }
__scs_overlays_trampoline_lowered:
0x8: {  	[smem:$0x3F7F] =	sst s0  }
0x9: {  	[smem:$0x3F80] =	sst s1  }
0xa: {  	[smem:$0x3F81] =	sst s2  }
0xb: {  	[smem:$0x3F82] =	sst s3  }
0xc: {  	[smem:$0x3F83] =	sst s4  }
0xd: {  	[smem:$0x3F84] =	sst s5  }
0xe: {  	[smem:$0x3F85] =	sst s6  }
0xf: {  	[smem:$0x3F86] =	sst s7  }
0x10: {  	[smem:$0x3F87] =	sst s8  }
0x11: {  	[smem:$0x3F88] =	sst s9;
	s0 =	simm.s32 @!p0 $0x0  }
0x12: {  	s1 =	sld [smem:$0x3F6E];
	s0 =	simm.s32 @p0 $0x1  }
0x13: {  	[smem:$0x3F89] =	sst s0;
	s0 =	simm.s32 @!p1 $0x0  }
0x14: {  	s2 =	sld [smem:$0x3F6D];
	s0 =	simm.s32 @p1 $0x1  }
0x15: {  	[smem:$0x3F8A] =	sst s0;
	s0 =	simm.s32 @!p2 $0x0  }
0x16: {  	s3 =	sld [smem:$0x3FDB];
	s0 =	simm.s32 @p2 $0x1  }
0x17: {  	s4 =	simm.s32 $0x1BF5;
	[smem:$0x3F8C] =	sst s0  }
0x18: {  	s0 =	sld [smem:$0x3F6F];
	_ =	swait.ge [sflag:s4], $0x0  }
0x19: {  	s7 =	sld [smem:$0x3F70]  }
0x1a: {  	s8 =	sadd.s32 $0xFFFFE003, lr  }
0x1b: {  	s9 =	sadd.s32 $0xFFFFFEF7, lr;
	s5 =	simm.s32 $0xFFFFFFFF;
	p2 =	slt.u32 s8, $0xFFFFF086  }
0x1c: {  	p1 =	slt.u32 s9, $0xF7A;
	s5 =	simm.s32 @!p2 $0x0  }
0x1d: {  	s5 =	simm.s32 @p1 $0x1;
	p0 =	seq.s32 s7, s2  }
0x1e: {  	s7 =	smul.u32 @!p0 $0xF7A, s2;
	p2 =	seq.s32 @!p0 s5, $0x0  }
0x1f: {  	s9 =	smul.u32 $0xF7A, s1;
	s8 =	simm.s32 @!p0 $0x1BF5;
	p2 =	por !p2, p0  }
0x20: {  	[sflag:s8] =	ssyncset.s32 @!p0 $0xFFFFF086;
	s6 =	sadd.s32 @!p0 s3, s7;
	s7 =	simm.s32 @!p0 $0x108  }
0x21: {  	s3 =	sadd.s32 s3, s9;
	s6 =	sadd.s32 @!p0 $0x88, s6;
	s7 =	simm.s32 @p2 $0x1082  }
0x22: {  	[simem:s7], [sflag:s8] =	dma.local @!p0 [hbm:s6], $0xF7A  }
0x23: {  	s9 =	sor.u32 $0xD0000000, s2;
	s6 =	simm.s32 $0x108;
	_ =	swait.ge @!p0 [sflag:s8], $0x0  }
0x24: {  	s3 =	sadd.s32 $0x88, s3;
	s6 =	simm.s32 @!p1 $0x1082;
	[sflag:s4] =	ssyncset.s32 $0xFFFFF086  }
0x25: {  	[simem:s6], [sflag:s4] =	dma.local [hbm:s3], $0xF7A  }
0x26: {  	[smem:$0x3F70] =	sst s1;
	(tag) =	ssettag s2;
	_ =	strace s9  }
0x27: {  	s1 =	sld [smem:$0x3F80]  }
0x28: {  	s2 =	sld [smem:$0x3F81]  }
0x29: {  	s4 =	sld [smem:$0x3F83]  }
0x2a: {  	p0 =	seq.s32 s5, $0x0;
	s5 =	sld [smem:$0x3F84]  }
0x2b: {  	s6 =	sld [smem:$0x3F85]  }
0x2c: {  	s7 =	sld [smem:$0x3F86]  }
0x2d: {  	s3 =	simm.s32 $0x108;
	s8 =	sld [smem:$0x3F87]  }
0x2e: {  	s3 =	simm.s32 @!p0 $0x1082;
	s9 =	sld [smem:$0x3F88]  }
0x2f: {  	lr =	sadd.s32 s0, s3;
	s0 =	sld [smem:$0x3F7F]  }
0x30: {  	s3 =	sld [smem:$0x3F82]  }
0x31: {  	[smem:$0x3F8B] =	sst s10  }
0x32: {  	s10 =	sld [smem:$0x3F89];
	_ =	sdelay $0x3  }
0x33: {  	p0 =	seq.s32 s10, $0x1;
	s10 =	sld [smem:$0x3F8B];
	_ =	sdelay $0x3  }
0x34: {  	[smem:$0x3F8B] =	sst s10  }
0x35: {  	s10 =	sld [smem:$0x3F8A];
	_ =	sdelay $0x3  }
0x36: {  	p1 =	seq.s32 s10, $0x1;
	s10 =	sld [smem:$0x3F8B];
	_ =	sdelay $0x3  }
0x37: {  	[smem:$0x3F8B] =	sst s10  }
0x38: {  	s10 =	sld [smem:$0x3F8C]  }
0x39: {  	_ = 	snop;
	(pc) =	sbr.ind lr, $3  }
0x3a: {  	_ = 	snop  }
0x3b: {  	_ = 	snop  }
0x3c: {  	p2 =	seq.s32 s10, $0x1;
	s10 =	sld [smem:$0x3F8B]  }
0x3d: {  	_ =	shalt  }
0x3e: {  	_ =	shalt  }
0x3f: {  	_ =	shalt  }
0x40: {  	_ =	shalt  }
0x41: {  	_ =	shalt  }
0x42: {  	_ =	shalt  }
0x43: {  	_ =	shalt  }
0x44: {  	_ =	shalt  }
0x45: {  	_ =	shalt  }
0x46: {  	_ =	shalt  }
0x47: {  	_ =	shalt  }
0x48: {  	_ =	shalt  }
0x49: {  	_ =	shalt  }
0x4a: {  	_ =	shalt  }
0x4b: {  	_ =	shalt  }
0x4c: {  	_ =	shalt  }
0x4d: {  	_ =	shalt  }
0x4e: {  	_ =	shalt  }
0x4f: {  	_ =	shalt  }
0x50: {  	_ =	shalt  }
0x51: {  	_ =	shalt  }
0x52: {  	_ =	shalt  }
0x53: {  	_ =	shalt  }
0x54: {  	_ =	shalt  }
0x55: {  	_ =	shalt  }
0x56: {  	_ =	shalt  }
0x57: {  	_ =	shalt  }
0x58: {  	_ =	shalt  }
0x59: {  	_ =	shalt  }
0x5a: {  	_ =	shalt  }
0x5b: {  	_ =	shalt  }
0x5c: {  	_ =	shalt  }
0x5d: {  	_ =	shalt  }
0x5e: {  	_ =	shalt  }
0x5f: {  	_ =	shalt  }
0x60: {  	_ =	shalt  }
0x61: {  	_ =	shalt  }
0x62: {  	_ =	shalt  }
0x63: {  	_ =	shalt  }
0x64: {  	_ =	shalt  }
0x65: {  	_ =	shalt  }
0x66: {  	_ =	shalt  }
0x67: {  	_ =	shalt  }
0x68: {  	_ =	shalt  }
0x69: {  	_ =	shalt  }
0x6a: {  	_ =	shalt  }
0x6b: {  	_ =	shalt  }
0x6c: {  	_ =	shalt  }
0x6d: {  	_ =	shalt  }
0x6e: {  	_ =	shalt  }
0x6f: {  	_ =	shalt  }
0x70: {  	_ =	shalt  }
0x71: {  	_ =	shalt  }
0x72: {  	_ =	shalt  }
0x73: {  	_ =	shalt  }
0x74: {  	_ =	shalt  }
0x75: {  	_ =	shalt  }
0x76: {  	_ =	shalt  }
0x77: {  	_ =	shalt  }
0x78: {  	_ =	shalt  }
0x79: {  	_ =	shalt  }
0x7a: {  	_ =	shalt  }
0x7b: {  	_ =	shalt  }
0x7c: {  	_ =	shalt  }
0x7d: {  	_ =	shalt  }
0x7e: {  	_ =	shalt  }
0x7f: {  	_ =	shalt  }
0x80: {  	_ =	shalt  }
0x81: {  	_ =	shalt  }
0x82: {  	_ =	shalt  }
0x83: {  	_ =	shalt  }
0x84: {  	_ =	shalt  }
0x85: {  	_ =	shalt  }
0x86: {  	_ =	shalt  }
0x87: {  	_ =	shalt  }
.Lfunc_end0:
.L_simem_size_0:
called_computation.2_lowered:
.L_overlay_start_0:
0x88: {  	s2 =	sld [smem:$0x3FD9]  }
0x89: {  	s3 =	sld [smem:$0x3FFE];
	_ =	sdelay $0x1  }
0x8a: {  	s1 =	srdreg.scid  }
0x8b: {  	s0 =	sand.u32 $0x1, s1  }
0x8c: {  	s16 =	sshll.u32 s0, $0xA;
	s2 =	sadd.s32 s3, s2  }
0x8d: {  	s2 =	sadd.s32 s2, s16  }
0x8e: {  	[smem:$0x3F97] =	sst s2  }
0x8f: {  	_ = 	snop  }
0x90: {  	(tm) =	ssettm $0x1  }
0x91: {  	s17 =	sld [smem:$0x3FFB];
	_ =	sdelay $0x3  }
0x92: {  	_ =	strace s17  }
0x93: {  	s2 =	sld [smem:$0x3FFC];
	_ =	sdelay $0x3  }
0x94: {  	_ =	strace s2  }
0x95: {  	s2 =	sld [smem:$0x3FFD];
	_ =	sdelay $0x3  }
0x96: {  	_ =	strace s2  }
0x97: {  	_ =	strace $0x8FFFFFFF  }
0x98: {  	s18 =	sld [smem:$0x3FDB];
	_ =	sdelay $0x1  }
0x99: {  	s19 =	simm.s32 $_scs_section_size  }
0x9a: {  	s4 =	simm.s32 $_size__tile_overlayer_lowered;
	s5 =	simm.s32 $_tile_overlayer_lowered  }
0x9b: {  	s22 =	simm.s32 $0x1BFF;
	s21 =	sshll.u32 s5, $0x1;
	s2 =	sadd.s32 s19, s18  }
0x9c: {  	s6 =	simm.s32 $0x0;
	s20 =	sshll.u32 s4, $0x1;
	s4 =	sadd.s32 s21, s2  }
0x9d: {  	[timem:s6], [sflag:s22] =	dma.local [hbm:s4], s20  }
0x9e: {  	_ =	swait.ge [sflag:s22], s20  }
0x9f: {  	s3 =	ssub.s32 $0x0, s20;
	[sflag:s22] =	ssyncset.done $0x0  }
0xa0: {  	[sflag:s22] =	ssyncadd.s32 s3;
	_ =	sdelay $0x1  }
0xa1: {  	s23 =	simm.s32 $0x1B8B  }
0xa2: {  	_ =	swait.ge [sflag:s23], $0x1  }
0xa3: {  	[sflag:s23] =	ssyncset.done $0x0  }
0xa4: {  	s25 =	simm.s32 $0x1B8E;
	s24 =	sld [smem:$0x3FFE];
	[sflag:s23] =	ssyncadd.s32 $0xFFFFFFFF  }
0xa5: {  	s26 =	simm.s32 $execute0_lowered;
	[smem:$0x3FD2] =	sst s25  }
0xa6: {  	s4 =	sshll.u32 s26, $0x1;
	_ =	strace $0x8000004C;
	[dreg:$0x1] =	wrdreg $0xFFFFFFFF  }
0xa7: {  	s28 =	simm.s32 $_size_execute0_lowered;
	s2 =	sadd.s32 s2, s4;
	[dreg:$0x0] =	wrdreg $0x0  }
0xa8: {  	s4 =	sshll.u32 s28, $0x1;
	[dreg:$0x2] =	wrdreg s2  }
0xa9: {  	[dreg:$0x3] =	wrdreg s4  }
0xaa: {  	[dreg:$0x4] =	wrdreg $0xC0  }
0xab: {  	_ =	task [dreg:s6], $0x5FFFF  }
0xac: {  	[dreg:$0x1] =	wrdreg $0xFFFFFFFF  }
0xad: {  	[dreg:$0x0] =	wrdreg $0x60  }
0xae: {  	[dreg:$0x2] =	wrdreg s24  }
0xaf: {  	[dreg:$0x3] =	wrdreg $0x14F000  }
0xb0: {  	[dreg:$0x4] =	wrdreg $0x9  }
0xb1: {  	_ =	task.clear_ibuf [dreg:s6], $0x5FFFF;
	_ =	strace $0x9000004C  }
0xb2: {  	s29 =	simm.s32 $0x9;
	_ =	strace $0x8000004E  }
0xb3: {  	_ =	swait.ge [sflag:s29], $0x1  }
0xb4: {  	[sflag:s29] =	ssyncadd.s32 $0xFFFFFFFF  }
0xb5: {  	_ =	strace $0x9000004E  }
0xb6: {  	_ =	sfence  }
0xb7: {  	s30 =	sld [smem:$0x0];
	_ =	sdelay $0x2  }
0xb8: {  	s31 =	sshll.u32 s1, $0xD;
	s1 =	sshrl.u32 s1, $0x2  }
0xb9: {  	s3 =	sand.u32 $0x4000, s31;
	s1 =	sadd.s32 s1, s30  }
0xba: {  	s0 =	sor.u32 s3, s0;
	s1 =	sshll.u32 s1, $0x11  }
0xbb: {  	s0 =	sor.u32 s1, s0  }
0xbc: {  	s0 =	sadd.s32 $0x8F2B, s0  }
0xbd: {  	[sflag:s0] =	ssyncadd.remote.s32 $0x1  }
0xbe: {  	_ =	sfence.sel $0xFFFF  }
0xbf: {  	[dreg:$0x0] =	wrdreg $0xFFFFFFFF;
	(pc) =	sbr.abs _section_cstart, $3  }
0xc0: {  	[dreg:$0x1] =	wrdreg $0xFFFFFFFF  }
0xc1: {  	_ =	task.clear_ibuf [dreg:s6], $0x2FFFF;
	_ =	strace $0x9FFFFFFF  }
0xc2: {  	(tm) =	ssettm $0x7FFFFFFF  }
0xc3: {  	_ =	shalt  }
tec
execute0_lowered:
.L_overlay_start_1:
0x0: {  	(tag) =	ssettag $0x1  }
0x1: {  	s0 =	srdreg.scid  }
0x2: {  	s2 =	stileid.u32;
	s5 =	rddreg [dreg:$0x0];
	s6 =	simm.s32 $0x0  }
0x3: {  	s14 =	simm.s32 $0x11;
	s17 =	simm.s32 $0x80;
	s18 =	simm.s32 $0x4F00  }
0x4: {  	s19 =	simm.s32 $0x6F00;
	s21 =	simm.s32 $0x8F00;
	s28 =	simm.s32 $0xEF00  }
0x5: {  	s16 =	simm.s32 $0x1;
	s20 =	simm.s32 $0x2;
	s29 =	simm.s32 $0x6  }
0x6: {  	s0 =	sand.u32 $0x1, s0;
	s1 =	sshll.u32 s2, $0x1;
	[smem:$0x7FF] =	sst s6  }
0x7: {  	s9 =	smul.u32 $0x9C00, s2;
	s10 =	sadd.s32 $0x31C00, s5;
	s23 =	sshll.u32 s2, $0x6  }
0x8: {  	p0 =	sne.s32 s2, $0x0;
	p1 =	sgt.u32 s2, $0x1;
	s3 =	sor.u32 s0, s1  }
0x9: {  	s1 =	rddreg [dreg:$0x1];
	s7 =	ssub.s32 $0x2, s0;
	s0 =	smul.u32 $0x9C400, s0  }
0xa: {  	_ =	strace $0x8000004D;
	s4 =	smul.u32 $0x4E, s3;
	s3 =	smin.u32 s3, $0x4  }
0xb: {  	s8 =	sshrl.u32 s7, $0x1;
	s24 =	sadd.s32 s9, s1;
	s11 =	sadd.s32 $0x9C000, s1  }
0xc: {  	s7 =	ssub.s32 s7, s8;
	s9 =	sadd.s32 s9, s0;
	s0 =	sshrl.u32 s0, $0x3  }
0xd: {  	s13 =	sshrl.u32 s24, $0x3;
	s15 =	sshrl.u32 @!p0 s11, $0x3;
	s24 =	simm.s32 $0x4  }
0xe: {  	s8 =	simm.s32 $0xE;
	s11 =	simm.s32 $0x0;
	s3 =	sadd.s32 s3, s4  }
0xf: {  	s30 =	sshrl.u32 s9, $0x3;
	s0 =	sadd.s32 s10, s0;
	s31 =	smax.u32 s7, $0x1  }
0x10: {  	s9 =	simm.s32 $0xF;
	s4 =	sshll.u32 s3, $0x4;
	s3 =	sadd.s32 $0x1CE00, s5  }
0x11: {  	s0 =	sadd.s32 $0x13800, s0;
	[dreg:$0x9] =	wrdreg s31;
	s22 =	sadd.s32 s4, s5  }
0x12: {  	s4 =	sadd.s32 $0x30800, s5;
	[dreg:$0x8] =	wrdreg s0;
	s12 =	sadd.s32 $0x9400, s22  }
0x13: {  	s5 =	sor.u32 $0x1C11, s23;
	s25 =	sadd.s32 $0x13040, s22;
	[dreg:$0x3] =	wrdreg s12  }
0x14: {  	s23 =	simm.s32 $0xAF00;
	s26 =	sadd.s32 $0x98E0, s22;
	[dreg:$0x4] =	wrdreg s25  }
0x15: {  	s6 =	sadd.s32 $0x13520, s22;
	s22 =	simm.s32 $0x3;
	[dreg:$0x5] =	wrdreg s26  }
0x16: {  	[dreg:$0x6] =	wrdreg s6;
	s6 =	sadd.s32 s10, s30;
	s25 =	simm.s32 $0xCF00  }
0x17: {  	s26 =	simm.s32 $0x5;
	s10 =	simm.s32 $0x10;
	[dreg:$0x7] =	wrdreg s6  }
.LBB2_1:
0x18: {  	[spmem:s13], [sflag:s5] =	dma.local [hbm:s4], $0x1380  }
0x19: {  	_ =	swait.ge [sflag:s14], $0x1380  }
0x1a: {  	[sflag:s14] =	ssyncset.done $0x0  }
0x1b: {  	s2 =	simm.s32 @!p0 $0x11;
	[sflag:s14] =	ssyncadd.s32 $0xFFFFEC80  }
0x1c: {  	[spmem:s15], [sflag:s5] =	dma.local @!p0 [hbm:s4], $0x80  }
0x1d: {  	_ =	swait.ge @!p0 [sflag:s2], $0x80  }
0x1e: {  	[sflag:s2] =	ssyncset.done @!p0 $0x0  }
0x1f: {  	s0 =	simm.s32 $0x0;
	s12 =	rddreg [dreg:$0x3];
	[sflag:s2] =	ssyncadd.s32 @!p0 $0xFFFFFF80  }
0x20: {  	[tilespmem:s0], [sflag:$0x11] =	stream.linear.gather [hbm4b:s12+s0], $0x2700, $0x38;
	[tilespmem:$0x1EB40] =	vst v63  }
0x21: {  	_ =	swait.ge [sflag:s14], $0x2700  }
0x22: {  	[sflag:s14] =	ssyncset.done $0x0  }
0x23: {  	s6 =	simm.s32 $0x2780;
	s31 =	rddreg [dreg:$0x4];
	[sflag:s14] =	ssyncadd.s32 $0xFFFFD900  }
0x24: {  	[tilespmem:s6], [sflag:$0x11] =	stream.linear.gather [hbm4b:s31+s0], $0x2700, $0x38;
	[tilespmem:$0x1EB40] =	vst v63  }
0x25: {  	_ =	swait.ge [sflag:s14], $0x2700  }
0x26: {  	s2 =	simm.s32 @!p1 $0x0;
	[sflag:s14] =	ssyncset.done $0x0  }
0x27: {  	s12 =	simm.s32 @!p1 $0x2700;
	s6 =	rddreg [dreg:$0x5];
	[sflag:s14] =	ssyncadd.s32 $0xFFFFD900  }
0x28: {  	[tilespmem:s12], [sflag:$0x11] =	stream.linear.gather @!p1 [hbm4b:s6+s2], $0x80, $0x38;
	[tilespmem:$0x1EB40] =	vst v63  }
0x29: {  	s12 =	simm.s32 @!p1 $0x11  }
0x2a: {  	_ =	swait.ge @!p1 [sflag:s12], $0x80  }
0x2b: {  	[sflag:s12] =	ssyncset.done @!p1 $0x0  }
0x2c: {  	s30 =	simm.s32 @!p1 $0x4E80;
	s6 =	rddreg [dreg:$0x6];
	[sflag:s12] =	ssyncadd.s32 @!p1 $0xFFFFFF80  }
0x2d: {  	[tilespmem:s30], [sflag:$0x11] =	stream.linear.gather @!p1 [hbm4b:s6+s2], $0x80, $0x38;
	[tilespmem:$0x1EB40] =	vst v63  }
0x2e: {  	_ =	swait.ge @!p1 [sflag:s12], $0x80  }
0x2f: {  	[sflag:s12] =	ssyncset.done @!p1 $0x0  }
0x30: {  	[sflag:s12] =	ssyncadd.s32 @!p1 $0xFFFFFF80  }
0x31: {  	[bflag:$0x0] =	sbarrier.arrive $0xFFFF  }
0x32: {  	[tilespmem:s18], [sflag:$0x1] =	stream.indirect.gather [hbm4b:s3+s17], $0x40, s0, s17, $0xb8;
	[tilespmem:$0x1EB40] =	vst v63  }
0x33: {  	_ = 	snop  }
0x34: {  	[tilespmem:s19], [sflag:$0x2] =	stream.indirect.gather [hbm4b:s3+s17], $0x40, s17, s17, $0xb8;
	[tilespmem:$0x1EB40] =	vst v63  }
0x35: {  	s7 =	simm.s32 $0x100  }
0x36: {  	[tilespmem:s21], [sflag:$0x3] =	stream.indirect.gather [hbm4b:s3+s17], $0x40, s7, s17, $0xb8;
	[tilespmem:$0x1EB40] =	vst v63  }
0x37: {  	s12 =	simm.s32 $0x180  }
0x38: {  	[tilespmem:s23], [sflag:$0x4] =	stream.indirect.gather [hbm4b:s3+s17], $0x40, s12, s17, $0xb8;
	[tilespmem:$0x1EB40] =	vst v63  }
0x39: {  	s31 =	simm.s32 $0x200  }
0x3a: {  	[tilespmem:s25], [sflag:$0x5] =	stream.indirect.gather [hbm4b:s3+s17], $0x40, s31, s17, $0xb8;
	[tilespmem:$0x1EB40] =	vst v63  }
0x3b: {  	s2 =	simm.s32 $0x280  }
0x3c: {  	[tilespmem:s28], [sflag:$0x6] =	stream.indirect.gather [hbm4b:s3+s17], $0x40, s2, s17, $0xb8;
	[tilespmem:$0x1EB40] =	vst v63  }
0x3d: {  	s6 =	simm.s32 $0x300;
	s7 =	simm.s32 $0x10F00  }
0x3e: {  	[tilespmem:s7], [sflag:$0x7] =	stream.indirect.gather [hbm4b:s3+s17], $0x40, s6, s17, $0xb8;
	[tilespmem:$0x1EB40] =	vst v63  }
0x3f: {  	s12 =	simm.s32 $0x380;
	s31 =	simm.s32 $0x12F00  }
0x40: {  	[tilespmem:s31], [sflag:$0x8] =	stream.indirect.gather [hbm4b:s3+s17], $0x40, s12, s17, $0xb8;
	[tilespmem:$0x1EB40] =	vst v63  }
0x41: {  	s30 =	simm.s32 $0x0;
	s2 =	simm.s32 $0x0;
	s12 =	simm.s32 $0x6  }
.LBB2_2:
0x42: {  	_ =	swait.ge [sflag:s16], $0x2000  }
0x43: {  	s31 =	sshra.s32 s2, $0x2;
	[sflag:s16] =	ssyncset.done $0x0  }
0x44: {  	s0 =	sadd.s32 $0x2780, s31;
	[sflag:s16] =	ssyncadd.s32 $0xFFFFE000  }
0x45: {  	[spmem:s1] =	stream.indirect.scatter.add.f32 [tilespmem:s18], [sflag:$0x9], $0x40, s0, s17, $0xb8;
	[tilespmem:$0x1EB40] =	vst v63  }
0x46: {  	_ =	swait.ge [sflag:s20], $0x2000  }
0x47: {  	[sflag:s20] =	ssyncset.done $0x0  }
0x48: {  	s6 =	sadd.s32 $0x2800, s31;
	[sflag:s20] =	ssyncadd.s32 $0xFFFFE000  }
0x49: {  	[spmem:s1] =	stream.indirect.scatter.add.f32 [tilespmem:s19], [sflag:$0xA], $0x40, s6, s17, $0xb8;
	[tilespmem:$0x1EB40] =	vst v63  }
0x4a: {  	_ =	swait.ge [sflag:s22], $0x2000  }
0x4b: {  	[sflag:s22] =	ssyncset.done $0x0  }
0x4c: {  	s7 =	sadd.s32 $0x2880, s31;
	[sflag:s22] =	ssyncadd.s32 $0xFFFFE000  }
0x4d: {  	[spmem:s1] =	stream.indirect.scatter.add.f32 [tilespmem:s21], [sflag:$0xB], $0x40, s7, s17, $0xb8;
	[tilespmem:$0x1EB40] =	vst v63  }
0x4e: {  	_ =	swait.ge [sflag:s24], $0x2000  }
0x4f: {  	[sflag:s24] =	ssyncset.done $0x0  }
0x50: {  	s6 =	sadd.s32 $0x2900, s31;
	[sflag:s24] =	ssyncadd.s32 $0xFFFFE000  }
0x51: {  	[spmem:s1] =	stream.indirect.scatter.add.f32 [tilespmem:s23], [sflag:$0xC], $0x40, s6, s17, $0xb8;
	[tilespmem:$0x1EB40] =	vst v63  }
0x52: {  	_ =	swait.ge [sflag:s26], $0x2000  }
0x53: {  	[sflag:s26] =	ssyncset.done $0x0  }
0x54: {  	s7 =	sadd.s32 $0x2980, s31;
	[sflag:s26] =	ssyncadd.s32 $0xFFFFE000  }
0x55: {  	[spmem:s1] =	stream.indirect.scatter.add.f32 [tilespmem:s25], [sflag:$0xD], $0x40, s7, s17, $0xb8;
	[tilespmem:$0x1EB40] =	vst v63  }
0x56: {  	_ =	swait.ge [sflag:s29], $0x2000  }
0x57: {  	p2 =	sgt.u32 s12, $0x4D;
	[sflag:s29] =	ssyncset.done $0x0  }
0x58: {  	s0 =	simm.s32 @!p2 $0x7;
	s31 =	sadd.s32 $0x2A00, s31;
	[sflag:s29] =	ssyncadd.s32 $0xFFFFE000  }
0x59: {  	[spmem:s1] =	stream.indirect.scatter.add.f32 [tilespmem:s28], [sflag:$0xE], $0x40, s31, s17, $0xb8;
	[tilespmem:$0x1EB40] =	vst v63  }
0x5a: {  	_ =	swait.ge @!p2 [sflag:s0], $0x2000  }
0x5b: {  	[sflag:s0] =	ssyncset.done @!p2 $0x0  }
0x5c: {  	[sflag:s0] =	ssyncadd.s32 @!p2 $0xFFFFE000;
	s0 =	sshra.s32 @!p2 s2, $0x2  }
0x5d: {  	s6 =	simm.s32 @!p2 $0x80;
	s7 =	simm.s32 @!p2 $0x10F00;
	s31 =	sadd.s32 @!p2 $0x2A80, s0  }
0x5e: {  	[spmem:s1] =	stream.indirect.scatter.add.f32 @!p2 [tilespmem:s7], [sflag:$0xF], $0x40, s31, s6, $0xb8;
	[tilespmem:$0x1EB40] =	vst v63  }
0x5f: {  	s7 =	simm.s32 @!p2 $0x8  }
0x60: {  	_ =	swait.ge @!p2 [sflag:s7], $0x2000  }
0x61: {  	[sflag:s7] =	ssyncset.done @!p2 $0x0  }
0x62: {  	s0 =	sadd.s32 @!p2 $0x2B00, s0;
	[sflag:s7] =	ssyncadd.s32 @!p2 $0xFFFFE000;
	s7 =	simm.s32 @!p2 $0x12F00  }
0x63: {  	[spmem:s1] =	stream.indirect.scatter.add.f32 @!p2 [tilespmem:s7], [sflag:$0x10], $0x40, s0, s6, $0xb8;
	[tilespmem:$0x1EB40] =	vst v63  }
0x64: {  	p2 =	seq.s32 s2, $0x9000  }
0x65: {  	s0 =	simm.s32 @!p2 $0x9  }
0x66: {  	_ =	swait.ge @!p2 [sflag:s0], $0x2000  }
0x67: {  	[sflag:s0] =	ssyncset.done @!p2 $0x0  }
0x68: {  	[sflag:s0] =	ssyncadd.s32 @!p2 $0xFFFFE000;
	s0 =	sshra.s32 @!p2 s2, $0x2  }
0x69: {  	s7 =	simm.s32 @!p2 $0x80;
	s31 =	simm.s32 @!p2 $0x4F00;
	s6 =	sadd.s32 @!p2 $0x400, s0  }
0x6a: {  	[tilespmem:s31], [sflag:$0x1] =	stream.indirect.gather @!p2 [hbm4b:s3+s7], $0x40, s6, s7, $0xb8;
	[tilespmem:$0x1EB40] =	vst v63  }
0x6b: {  	s6 =	simm.s32 @!p2 $0xA  }
0x6c: {  	_ =	swait.ge @!p2 [sflag:s6], $0x2000  }
0x6d: {  	[sflag:s6] =	ssyncset.done @!p2 $0x0  }
0x6e: {  	s31 =	simm.s32 @!p2 $0x6F00;
	[sflag:s6] =	ssyncadd.s32 @!p2 $0xFFFFE000;
	s6 =	sadd.s32 @!p2 $0x480, s0  }
0x6f: {  	[tilespmem:s31], [sflag:$0x2] =	stream.indirect.gather @!p2 [hbm4b:s3+s7], $0x40, s6, s7, $0xb8;
	[tilespmem:$0x1EB40] =	vst v63  }
0x70: {  	s6 =	simm.s32 @!p2 $0xB  }
0x71: {  	_ =	swait.ge @!p2 [sflag:s6], $0x2000  }
0x72: {  	[sflag:s6] =	ssyncset.done @!p2 $0x0  }
0x73: {  	s31 =	simm.s32 @!p2 $0x8F00;
	[sflag:s6] =	ssyncadd.s32 @!p2 $0xFFFFE000;
	s6 =	sadd.s32 @!p2 $0x500, s0  }
0x74: {  	[tilespmem:s31], [sflag:$0x3] =	stream.indirect.gather @!p2 [hbm4b:s3+s7], $0x40, s6, s7, $0xb8;
	[tilespmem:$0x1EB40] =	vst v63  }
0x75: {  	s6 =	simm.s32 @!p2 $0xC  }
0x76: {  	_ =	swait.ge @!p2 [sflag:s6], $0x2000  }
0x77: {  	[sflag:s6] =	ssyncset.done @!p2 $0x0  }
0x78: {  	s31 =	simm.s32 @!p2 $0xAF00;
	[sflag:s6] =	ssyncadd.s32 @!p2 $0xFFFFE000;
	s6 =	sadd.s32 @!p2 $0x580, s0  }
0x79: {  	[tilespmem:s31], [sflag:$0x4] =	stream.indirect.gather @!p2 [hbm4b:s3+s7], $0x40, s6, s7, $0xb8;
	[tilespmem:$0x1EB40] =	vst v63  }
0x7a: {  	s6 =	simm.s32 @!p2 $0xD  }
0x7b: {  	_ =	swait.ge @!p2 [sflag:s6], $0x2000  }
0x7c: {  	[sflag:s6] =	ssyncset.done @!p2 $0x0  }
0x7d: {  	s31 =	simm.s32 @!p2 $0xCF00;
	[sflag:s6] =	ssyncadd.s32 @!p2 $0xFFFFE000;
	s6 =	sadd.s32 @!p2 $0x600, s0  }
0x7e: {  	[tilespmem:s31], [sflag:$0x5] =	stream.indirect.gather @!p2 [hbm4b:s3+s7], $0x40, s6, s7, $0xb8;
	[tilespmem:$0x1EB40] =	vst v63  }
0x7f: {  	s6 =	simm.s32 @!p2 $0xE  }
0x80: {  	p3 =	sgt.u32 @!p2 s30, $0x7;
	_ =	swait.ge @!p2 [sflag:s6], $0x2000  }
0x81: {  	p3 =	por p3, p2;
	[sflag:s6] =	ssyncset.done @!p2 $0x0  }
0x82: {  	s0 =	sadd.s32 @!p2 $0x680, s0;
	[sflag:s6] =	ssyncadd.s32 @!p2 $0xFFFFE000;
	s6 =	simm.s32 @!p2 $0xEF00  }
0x83: {  	[tilespmem:s6], [sflag:$0x6] =	stream.indirect.gather @!p2 [hbm4b:s3+s7], $0x40, s0, s7, $0xb8;
	[tilespmem:$0x1EB40] =	vst v63  }
0x84: {  	s0 =	simm.s32 @!p3 $0xF  }
0x85: {  	_ =	swait.ge @!p3 [sflag:s0], $0x2000  }
0x86: {  	[sflag:s0] =	ssyncset.done @!p3 $0x0  }
0x87: {  	[sflag:s0] =	ssyncadd.s32 @!p3 $0xFFFFE000;
	s0 =	sshra.s32 @!p3 s2, $0x2  }
0x88: {  	s31 =	simm.s32 @!p3 $0x10F00;
	s7 =	simm.s32 @!p3 $0x80;
	s6 =	sadd.s32 @!p3 $0x700, s0  }
0x89: {  	[tilespmem:s31], [sflag:$0x7] =	stream.indirect.gather @!p3 [hbm4b:s3+s7], $0x40, s6, s7, $0xb8;
	[tilespmem:$0x1EB40] =	vst v63  }
0x8a: {  	s6 =	simm.s32 @!p3 $0x10  }
0x8b: {  	_ =	swait.ge @!p3 [sflag:s6], $0x2000  }
0x8c: {  	s2 =	sadd.s32 @!p2 $0x1000, s2;
	[sflag:s6] =	ssyncset.done @!p3 $0x0  }
0x8d: {  	s0 =	sadd.s32 @!p3 $0x780, s0;
	[sflag:s6] =	ssyncadd.s32 @!p3 $0xFFFFE000;
	s6 =	simm.s32 @!p3 $0x12F00  }
0x8e: {  	[tilespmem:s6], [sflag:$0x8] =	stream.indirect.gather @!p3 [hbm4b:s3+s7], $0x40, s0, s7, $0xb8;
	[tilespmem:$0x1EB40] =	vst v63  }
0x8f: {  	p3 =	sne.s32 @!p2 s2, $0xA000  }
0x90: {  	p3 =	por p2, !p3  }
.Ltmp0:
0x91: {  	_ = 	snop;
	(pc) =	sbr.rel @!p3 .LBB2_2-.Ltmp0, $2  }
0x92: {  	_ =	sdelay $0x2  }
0x93: {  	s30 =	sadd.s32 @!p2 $0x1, s30;
	s12 =	sadd.s32 @!p2 $0x8, s12  }
0x94: {  	s0 =	simm.s32 $0x9  }
0x95: {  	_ =	swait.ge [sflag:s0], $0x2000  }
0x96: {  	[sflag:s0] =	ssyncset.done $0x0  }
0x97: {  	s2 =	simm.s32 $0xA;
	[sflag:s0] =	ssyncadd.s32 $0xFFFFE000  }
0x98: {  	_ =	swait.ge [sflag:s2], $0x2000  }
0x99: {  	[sflag:s2] =	ssyncset.done $0x0  }
0x9a: {  	s6 =	simm.s32 $0xB;
	[sflag:s2] =	ssyncadd.s32 $0xFFFFE000  }
0x9b: {  	_ =	swait.ge [sflag:s6], $0x2000  }
0x9c: {  	[sflag:s6] =	ssyncset.done $0x0  }
0x9d: {  	s7 =	simm.s32 $0xC;
	[sflag:s6] =	ssyncadd.s32 $0xFFFFE000  }
0x9e: {  	_ =	swait.ge [sflag:s7], $0x2000  }
0x9f: {  	[sflag:s7] =	ssyncset.done $0x0  }
0xa0: {  	s12 =	simm.s32 $0xD;
	[sflag:s7] =	ssyncadd.s32 $0xFFFFE000  }
0xa1: {  	_ =	swait.ge [sflag:s12], $0x2000  }
0xa2: {  	[sflag:s12] =	ssyncset.done $0x0  }
0xa3: {  	[sflag:s12] =	ssyncadd.s32 $0xFFFFE000  }
0xa4: {  	_ =	swait.ge [sflag:s8], $0x2000  }
0xa5: {  	[sflag:s8] =	ssyncset.done $0x0  }
0xa6: {  	[sflag:s8] =	ssyncadd.s32 $0xFFFFE000  }
0xa7: {  	_ =	swait.ge [sflag:s9], $0x2000  }
0xa8: {  	[sflag:s9] =	ssyncset.done $0x0  }
0xa9: {  	[sflag:s9] =	ssyncadd.s32 $0xFFFFE000  }
0xaa: {  	_ =	swait.ge [sflag:s10], $0x2000  }
0xab: {  	s0 =	simm.s32 @!p1 $0x80;
	[sflag:s10] =	ssyncset.done $0x0  }
0xac: {  	s2 =	simm.s32 @!p1 $0x2700;
	s6 =	simm.s32 @!p1 $0x4F00;
	[sflag:s10] =	ssyncadd.s32 $0xFFFFE000  }
0xad: {  	[tilespmem:s6], [sflag:$0x1] =	stream.indirect.gather @!p1 [hbm4b:s3+s0], $0x40, s2, s0, $0xb8;
	[tilespmem:$0x1EB40] =	vst v63  }
0xae: {  	s2 =	simm.s32 @!p1 $0x1  }
0xaf: {  	_ =	swait.ge @!p1 [sflag:s2], $0x2000  }
0xb0: {  	[sflag:s2] =	ssyncset.done @!p1 $0x0  }
0xb1: {  	[sflag:s2] =	ssyncadd.s32 @!p1 $0xFFFFE000;
	s2 =	simm.s32 @!p1 $0x4E80  }
0xb2: {  	[spmem:s1] =	stream.indirect.scatter.add.f32 @!p1 [tilespmem:s6], [sflag:$0x11], $0x40, s2, s0, $0xb8;
	[tilespmem:$0x1EB40] =	vst v63  }
0xb3: {  	s0 =	simm.s32 @!p1 $0x11  }
0xb4: {  	_ =	swait.ge @!p1 [sflag:s0], $0x2000  }
0xb5: {  	[sflag:s0] =	ssyncset.done @!p1 $0x0  }
0xb6: {  	[sflag:s0] =	ssyncadd.s32 @!p1 $0xFFFFE000  }
0xb7: {  	[bflag:$0x0] =	sbarrier.arrive $0xFFFF  }
0xb8: {  	s30 =	rddreg [dreg:$0x7]  }
0xb9: {  	[hbm:s30], [sflag:s5] =	dma.local [spmem:s13], $0x1380  }
0xba: {  	_ =	swait.ge [sflag:s14], $0x1380  }
0xbb: {  	[sflag:s14] =	ssyncset.done $0x0  }
0xbc: {  	s0 =	rddreg [dreg:$0x8];
	[sflag:s14] =	ssyncadd.s32 $0xFFFFEC80  }
0xbd: {  	[hbm:s0], [sflag:s5] =	dma.local @!p0 [spmem:s15], $0x80  }
0xbe: {  	s0 =	simm.s32 @!p0 $0x11  }
0xbf: {  	_ =	swait.ge @!p0 [sflag:s0], $0x80  }
0xc0: {  	s11 =	sadd.s32 $0x1, s11;
	s31 =	rddreg [dreg:$0x9]  }
0xc1: {  	p2 =	sne.s32 s11, s31  }
.Ltmp1:
0xc2: {  	_ = 	snop;
	(pc) =	sbr.rel @p2 .LBB2_1-.Ltmp1, $3  }
0xc3: {  	_ =	sdelay $0x1  }
0xc4: {  	[sflag:s0] =	ssyncset.done @!p0 $0x0  }
0xc5: {  	[sflag:s0] =	ssyncadd.s32 @!p0 $0xFFFFFF80  }
0xc6: {  	_ =	sfence.sel $0x180000  }
0xc7: {  	[bflag:$0x0] =	sbarrier.arrive $0xFFFF  }
0xc8: {  	_ =	strace $0x9000004D  }
0xc9: {  	[bflag:$0x2] =	sbarrier.arrive $0xFFFF  }
0xca: {  	s0 =	rddreg [dreg:$0x2]  }
0xcb: {  	s0 =	sadd.s32 @!p0 $0x100000, s0  }
0xcc: {  	[sflag:s0] =	ssyncadd.tile.s32 @!p0 $0x1;
	_ =	shalt  }
.Lfunc_end2:
_tile_overlayer_lowered:
.L_overlay_start_2:
0xcd: {  	(tag) =	ssettag $0x2  }
0xce: {  	s0 =	rddreg [dreg:$0x0];
	s2 =	stileid.u32  }
0xcf: {  	s1 =	rddreg [dreg:$0x1];
	p0 =	sne.s32 s2, $0x0  }
0xd0: {  	s3 =	rddreg [dreg:$0x2];
	[bflag:$0x3] =	sbarrier.arrive $0xFFFF;
	s2 =	simm.s32 @!p0 $0x1C11  }
0xd1: {  	[timem:s3], [sflag:s2] =	dma.local @!p0 [hbm:s0], s1  }
0xd2: {  	s0 =	simm.s32 @!p0 $0x11  }
0xd3: {  	_ =	swait.ge @!p0 [sflag:s0], s1  }
0xd4: {  	s1 =	ssub.s32 @!p0 $0x0, s1;
	[sflag:s0] =	ssyncset.done @!p0 $0x0  }
0xd5: {  	[sflag:s0] =	ssyncadd.s32 @!p0 s1  }
0xd6: {  	[bflag:$0x3] =	sbarrier.arrive $0xFFFF  }
0xd7: {  	_ =	shalt  }

</sc_bundles>
